<compile_context>
chip_gen: v7x
topology: tpu7x:2x2x1
jax: 0.10.2.dev20260603
libtpu: 0.0.44.dev20260713+nightly
codegen_flags: <defaults>
</compile_context>

<pallas_src>
import functools

import jax
import jax.numpy as jnp
import numpy as np
from jax import lax
from jax.experimental import pallas as pl
from jax.experimental.pallas import tpu as pltpu
from jax.experimental.pallas import tpu_sc as plsc

N = 10000
E = 320000
H = 128
NGAUSS = 10
NGRAPH = 64
CUTOFF = 10.0

NW = 32
EPT = 10240
E_PAD = EPT * NW
CH = 128
NPT = 320
N_PAD = NPT * NW
BE = 1024
BN = 1024

_LOG2 = float(np.log(2.0))
_DELTA = CUTOFF / (NGAUSS - 1)
_COEFF = -0.5 / (_DELTA * _DELTA)
_OFFS = np.full((1, 16), 1e4, np.float32)
_OFFS[0, :NGAUSS] = np.linspace(0.0, CUTOFF, NGAUSS, dtype=np.float32)


def _ssp(x):
    return jnp.maximum(x, 0.0) + jnp.log1p(jnp.exp(-jnp.abs(x))) - _LOG2



PT0 = 13824
PT1 = 6656

def _sc_prep_body(px_hbm, py_hbm, pz_hbm, src_hbm, dst_hbm, z_hbm, emb_hbm,
                  d2_out, h0_out,
                  src_v, dst_v, sx_v, sy_v, sz_v, tx_v, ty_v, tz_v,
                  ux_v, uy_v, uz_v, vx_v, vy_v, vz_v,
                  d2_v, z_v, emb_v, sem, sem2):
    cid = lax.axis_index("c")
    sid = lax.axis_index("s")
    wid = cid * 16 + sid
    ebase = jnp.where(cid == 0, sid * PT0, PT0 * 16 + sid * PT1)
    ept_c = jnp.where(cid == 0, PT0, PT1)

    def fire(c, bufs, sem_c):
        isrc = src_v.at[pl.ds(c * CH, CH)]
        idst = dst_v.at[pl.ds(c * CH, CH)]
        return [pltpu.async_copy(px_hbm.at[isrc], bufs[0], sem_c),
                pltpu.async_copy(py_hbm.at[isrc], bufs[1], sem_c),
                pltpu.async_copy(pz_hbm.at[isrc], bufs[2], sem_c),
                pltpu.async_copy(px_hbm.at[idst], bufs[3], sem_c),
                pltpu.async_copy(py_hbm.at[idst], bufs[4], sem_c),
                pltpu.async_copy(pz_hbm.at[idst], bufs[5], sem_c)]

    bufs_a = (sx_v, sy_v, sz_v, tx_v, ty_v, tz_v)
    bufs_b = (ux_v, uy_v, uz_v, vx_v, vy_v, vz_v)

    def pair(k, carry):
        cps_a = fire(2 * k, bufs_a, sem)
        cps_b = fire(2 * k + 1, bufs_b, sem2)
        for cp in cps_a:
            cp.wait()
        for c, bufs in ((2 * k, bufs_a), (2 * k + 1, bufs_b)):
            if bufs is bufs_b:
                for cp in cps_b:
                    cp.wait()
            for v in range(CH // 16):
                sl = pl.ds(v * 16, 16)
                ddx = bufs[0][sl] - bufs[3][sl]
                ddy = bufs[1][sl] - bufs[4][sl]
                ddz = bufs[2][sl] - bufs[5][sl]
                d2_v[pl.ds(c * CH + v * 16, 16)] = (
                    ddx * ddx + ddy * ddy + ddz * ddz)
        return carry

    @pl.when(cid == 0)
    def _():
        pltpu.sync_copy(src_hbm.at[pl.ds(sid * PT0, PT0)],
                        src_v.at[pl.ds(0, PT0)])
        pltpu.sync_copy(dst_hbm.at[pl.ds(sid * PT0, PT0)],
                        dst_v.at[pl.ds(0, PT0)])
        lax.fori_loop(0, PT0 // CH // 2, pair, 0)
        pltpu.sync_copy(d2_v.at[pl.ds(0, PT0)],
                        d2_out.at[pl.ds(sid * PT0, PT0)])

    @pl.when(cid == 1)
    def _():
        eb = PT0 * 16 + sid * PT1
        pltpu.sync_copy(src_hbm.at[pl.ds(eb, PT1)], src_v.at[pl.ds(0, PT1)])
        pltpu.sync_copy(dst_hbm.at[pl.ds(eb, PT1)], dst_v.at[pl.ds(0, PT1)])
        lax.fori_loop(0, PT1 // CH // 2, pair, 0)
        pltpu.sync_copy(d2_v.at[pl.ds(0, PT1)], d2_out.at[pl.ds(eb, PT1)])

    nbase = wid * NPT
    pltpu.sync_copy(z_hbm.at[pl.ds(nbase, NPT)], z_v)
    for c0 in range(0, NPT, 80):
        pltpu.async_copy(emb_hbm.at[z_v.at[pl.ds(c0, 80)]],
                         emb_v.at[pl.ds(c0, 80)], sem).wait()
    pltpu.sync_copy(emb_v, h0_out.at[pl.ds(nbase, NPT)])


_sc_prep = functools.partial(
    pl.kernel,
    out_type=[jax.ShapeDtypeStruct((E_PAD,), jnp.float32),
              jax.ShapeDtypeStruct((N_PAD, H), jnp.float32)],
    mesh=plsc.VectorSubcoreMesh(core_axis_name="c", subcore_axis_name="s"),
    scratch_types=(
        [pltpu.VMEM((PT0,), jnp.int32),
         pltpu.VMEM((PT0,), jnp.int32)]
        + [pltpu.VMEM((CH,), jnp.float32) for _ in range(12)]
        + [pltpu.VMEM((PT0,), jnp.float32),
           pltpu.VMEM((NPT,), jnp.int32),
           pltpu.VMEM((NPT, H), jnp.float32),
           pltpu.SemaphoreType.DMA,
           pltpu.SemaphoreType.DMA]
    ),
)(_sc_prep_body)



CHM = 64
E_C0 = 253952
E_C1 = E_PAD - E_C0
T0 = E_C0 // 16
T1 = E_C1 // 16


def _sc_msgpass_body(xl_hbm, wf_hbm, src_hbm, dst_hbm, zeros_hbm,
                     agg_out,
                     src_v, dc0, dc1, xr0, xr1, wf0, wf1, acc_sh,
                     sg0, sg1, sw0, sw1, ss0, ss1):
    cid = lax.axis_index("c")
    sid = lax.axis_index("s")
    rpt = N_PAD // 16
    r0 = sid * rpt
    pltpu.sync_copy(zeros_hbm.at[pl.ds(r0, rpt)], acc_sh.at[pl.ds(r0, rpt)])

    def mul(xr, wf):
        def row(r, c2):
            for v in range(8):
                sl = pl.ds(v * 16, 16)
                xr[r, sl] = xr[r, sl] * wf[r, sl]
            return c2

        lax.fori_loop(0, CHM, row, 0)

    def run(ebase, npairs):
        def pair(k, carry):
            ch0 = 2 * k
            ch1 = 2 * k + 1
            g0 = pltpu.async_copy(xl_hbm.at[src_v.at[pl.ds(ch0 * CHM, CHM)]],
                                  xr0, sg0)
            w0 = pltpu.async_copy(wf_hbm.at[pl.ds(ebase + ch0 * CHM, CHM)],
                                  wf0, sw0)
            g1 = pltpu.async_copy(xl_hbm.at[src_v.at[pl.ds(ch1 * CHM, CHM)]],
                                  xr1, sg1)
            w1 = pltpu.async_copy(wf_hbm.at[pl.ds(ch1 * CHM + ebase, CHM)],
                                  wf1, sw1)
            pltpu.sync_copy(dst_hbm.at[pl.ds(ebase + ch0 * CHM, CHM)], dc0)
            pltpu.sync_copy(dst_hbm.at[pl.ds(ebase + ch1 * CHM, CHM)], dc1)
            g0.wait()
            w0.wait()
            mul(xr0, wf0)
            s0 = pltpu.async_copy(xr0, acc_sh.at[dc0], ss0, add=True)
            g1.wait()
            w1.wait()
            mul(xr1, wf1)
            s1 = pltpu.async_copy(xr1, acc_sh.at[dc1], ss1, add=True)
            s0.wait()
            s1.wait()
            return carry

        lax.fori_loop(0, npairs, pair, 0)

    @pl.when(cid == 0)
    def _():
        eb = sid * T0
        pltpu.sync_copy(src_hbm.at[pl.ds(eb, T0)], src_v.at[pl.ds(0, T0)])
        plsc.subcore_barrier()
        run(eb, T0 // (2 * CHM))

    @pl.when(cid == 1)
    def _():
        eb = E_C0 + sid * T1
        pltpu.sync_copy(src_hbm.at[pl.ds(eb, T1)], src_v.at[pl.ds(0, T1)])
        plsc.subcore_barrier()
        run(eb, T1 // (2 * CHM))

    plsc.subcore_barrier()
    pltpu.sync_copy(acc_sh.at[pl.ds(r0, rpt)],
                    agg_out.at[cid].at[pl.ds(r0, rpt)])


_sc_msgpass = functools.partial(
    pl.kernel,
    out_type=jax.ShapeDtypeStruct((2, N_PAD, H), jnp.float32),
    mesh=plsc.VectorSubcoreMesh(core_axis_name="c", subcore_axis_name="s"),
    scratch_types=[
        pltpu.VMEM((T0,), jnp.int32),
        pltpu.VMEM((CHM,), jnp.int32),
        pltpu.VMEM((CHM,), jnp.int32),
        pltpu.VMEM((CHM, H), jnp.float32),
        pltpu.VMEM((CHM, H), jnp.float32),
        pltpu.VMEM((CHM, H), jnp.float32),
        pltpu.VMEM((CHM, H), jnp.float32),
        pltpu.VMEM_SHARED((N_PAD, H), jnp.float32),
        pltpu.SemaphoreType.DMA,
        pltpu.SemaphoreType.DMA,
        pltpu.SemaphoreType.DMA,
        pltpu.SemaphoreType.DMA,
        pltpu.SemaphoreType.DMA,
        pltpu.SemaphoreType.DMA,
    ],
)(_sc_msgpass_body)



EROWS = E_PAD // H
BP = 256


def _tc_cdist_body(d2_ref, dist_ref, c_ref):
    d2 = d2_ref[...]
    dist = jnp.sqrt(d2 + 1e-12)
    c = 0.5 * (jnp.cos(dist * (np.pi / CUTOFF)) + 1.0)
    rows = (pl.program_id(0) * BP
            + lax.broadcasted_iota(jnp.int32, (BP, 1), 0))
    c = jnp.where(rows < E // H, c, 0.0)
    dist_ref[...] = dist
    c_ref[...] = c


def _tc_cdist(d2pk):
    spec = pl.BlockSpec((BP, H), lambda i: (i, 0))
    return pl.pallas_call(
        _tc_cdist_body,
        grid=(EROWS // BP,),
        in_specs=[spec],
        out_specs=[spec, spec],
        out_shape=[jax.ShapeDtypeStruct((EROWS, H), jnp.float32),
                   jax.ShapeDtypeStruct((EROWS, H), jnp.float32)],
    )(d2pk)


def _tc_wf_body(dist_ref, c_ref, w1, b1, w2, b2, wf_ref):
    idr = lax.broadcasted_iota(jnp.int32, (H, H), 0)
    idc = lax.broadcasted_iota(jnp.int32, (H, H), 1)
    ident = (idr == idc).astype(jnp.float32)
    kio = lax.broadcasted_iota(jnp.int32, (16, 1), 0)
    offs = jnp.where(kio < NGAUSS, kio.astype(jnp.float32) * _DELTA, 1e4)
    for s in range(BE // H):
        drow = dist_ref[s:s + 1, :]
        diff = jnp.broadcast_to(drow, (16, H)) - offs
        rbf = jnp.exp(_COEFF * (diff * diff))
        t = lax.dot_general(rbf, w1[...], (((0,), (0,)), ((), ())),
                            preferred_element_type=jnp.float32)
        t = _ssp(t + b1[...])
        y = jnp.dot(t, w2[...], preferred_element_type=jnp.float32) + b2[...]
        crow = c_ref[s:s + 1, :]
        ccol = lax.dot_general(ident, crow, (((1,), (1,)), ((), ())),
                               preferred_element_type=jnp.float32)
        wf_ref[pl.ds(s * H, H), :] = y * ccol


def _tc_wf(dist_pk, c_pk, w1, b1, w2, b2):
    g = E_PAD // BE
    wspec = lambda shp: pl.BlockSpec(shp, lambda i: (0, 0))
    pspec = pl.BlockSpec((BE // H, H), lambda i: (i, 0))
    return pl.pallas_call(
        _tc_wf_body,
        grid=(g,),
        in_specs=[
            pspec, pspec,
            wspec((16, H)), wspec((1, H)), wspec((H, H)), wspec((1, H)),
        ],
        out_specs=pl.BlockSpec((BE, H), lambda i: (i, 0)),
        out_shape=jax.ShapeDtypeStruct((E_PAD, H), jnp.float32),
    )(dist_pk, c_pk, w1, b1, w2, b2)


def _tc_xl_body(h_ref, w_ref, o_ref):
    o_ref[...] = jnp.dot(h_ref[...], w_ref[...],
                         preferred_element_type=jnp.float32)


def _tc_xl(h, w):
    return pl.pallas_call(
        _tc_xl_body,
        grid=(N_PAD // BN,),
        in_specs=[pl.BlockSpec((BN, H), lambda i: (i, 0)),
                  pl.BlockSpec((H, H), lambda i: (0, 0))],
        out_specs=pl.BlockSpec((BN, H), lambda i: (i, 0)),
        out_shape=jax.ShapeDtypeStruct((N_PAD, H), jnp.float32),
    )(h, w)


def _tc_update_body(p0_ref, p1_ref, h_ref, l2w, l2b, lw, lb, l1wn,
                    hn_ref, xln_ref):
    agg = p0_ref[...] + p1_ref[...]
    t = _ssp(jnp.dot(agg, l2w[...], preferred_element_type=jnp.float32)
             + l2b[...])
    y = jnp.dot(t, lw[...], preferred_element_type=jnp.float32) + lb[...]
    hn = h_ref[...] + y
    hn_ref[...] = hn
    xln_ref[...] = jnp.dot(hn, l1wn[...], preferred_element_type=jnp.float32)


def _tc_update(p0, p1, h, l2w, l2b, lw, lb, l1wn):
    wspec = lambda shp: pl.BlockSpec(shp, lambda i: (0, 0))
    return pl.pallas_call(
        _tc_update_body,
        grid=(N_PAD // BN,),
        in_specs=[pl.BlockSpec((BN, H), lambda i: (i, 0)),
                  pl.BlockSpec((BN, H), lambda i: (i, 0)),
                  pl.BlockSpec((BN, H), lambda i: (i, 0)),
                  wspec((H, H)), wspec((1, H)), wspec((H, H)), wspec((1, H)),
                  wspec((H, H))],
        out_specs=[pl.BlockSpec((BN, H), lambda i: (i, 0)),
                   pl.BlockSpec((BN, H), lambda i: (i, 0))],
        out_shape=[jax.ShapeDtypeStruct((N_PAD, H), jnp.float32),
                   jax.ShapeDtypeStruct((N_PAD, H), jnp.float32)],
    )(p0, p1, h, l2w, l2b, lw, lb, l1wn)


def _tc_readout_body(h2p_ref, fl1b, fl2w, fl2b, batch_ref, pw, pb,
                     out_ref, g_ref):
    t = _ssp(h2p_ref[...] + fl1b[...])
    h2 = jnp.dot(t, fl2w[...], preferred_element_type=jnp.float32) + fl2b[...]
    bt = batch_ref[...]
    oh = (bt == lax.broadcasted_iota(jnp.int32, (1, NGRAPH), 1))
    oh = oh.astype(jnp.float32)
    g_part = lax.dot_general(oh, h2, (((0,), (0,)), ((), ())),
                             preferred_element_type=jnp.float32)
    pid = pl.program_id(0)

    @pl.when(pid == 0)
    def _():
        g_ref[...] = g_part

    @pl.when(pid > 0)
    def _():
        g_ref[...] = g_ref[...] + g_part

    @pl.when(pid == pl.num_programs(0) - 1)
    def _():
        out_ref[...] = (jnp.dot(g_ref[...], pw[...],
                                preferred_element_type=jnp.float32) + pb[...])


def _tc_readout(h2p, fl1b, fl2w, fl2b, batch2d, pw, pb):
    wspec = lambda shp: pl.BlockSpec(shp, lambda i: (0, 0))
    return pl.pallas_call(
        _tc_readout_body,
        grid=(N_PAD // BN,),
        in_specs=[pl.BlockSpec((BN, H), lambda i: (i, 0)),
                  wspec((1, H)), wspec((H, H)), wspec((1, H)),
                  pl.BlockSpec((BN, 1), lambda i: (i, 0)),
                  wspec((H, 1)), wspec((1, 1))],
        out_specs=pl.BlockSpec((NGRAPH, 1), lambda i: (0, 0)),
        out_shape=jax.ShapeDtypeStruct((NGRAPH, 1), jnp.float32),
        scratch_shapes=[pltpu.VMEM((NGRAPH, H), jnp.float32)],
    )(h2p, fl1b, fl2w, fl2b, batch2d, pw, pb)



def kernel(z, pos, batch, edge_index, emb, mw1_0, mb1_0, mw2_0, mb2_0, l1w_0,
           l2w_0, l2b_0, lw_0, lb_0, mw1_1, mb1_1, mw2_1, mb2_1, l1w_1,
           l2w_1, l2b_1, lw_1, lb_1, fl1w, fl1b, fl2w, fl2b, pw, pb):
    src = edge_index[0].astype(jnp.int32)
    dst = edge_index[1].astype(jnp.int32)
    epad = E_PAD - E
    src_p = jnp.concatenate([src, jnp.zeros((epad,), jnp.int32)])
    dst_p = jnp.concatenate([dst, jnp.zeros((epad,), jnp.int32)])
    z_p = jnp.concatenate([z.astype(jnp.int32),
                           jnp.zeros((N_PAD - N,), jnp.int32)])
    batch_p = jnp.concatenate([batch.astype(jnp.int32),
                               jnp.full((N_PAD - N,), NGRAPH, jnp.int32)])
    zeros_tbl = jnp.zeros((N_PAD, H), jnp.float32)

    mw1p0 = jnp.zeros((16, H), jnp.float32).at[:NGAUSS].set(mw1_0)
    mw1p1 = jnp.zeros((16, H), jnp.float32).at[:NGAUSS].set(mw1_1)
    fl1wp = jnp.zeros((H, H), jnp.float32).at[:, :H // 2].set(fl1w)
    fl1bp = jnp.zeros((1, H), jnp.float32).at[0, :H // 2].set(fl1b)
    fl2wp = jnp.zeros((H, H), jnp.float32).at[:H // 2].set(fl2w)
    r2 = lambda v: v.reshape(1, -1)

    dist2, h0 = _sc_prep(pos[:, 0], pos[:, 1], pos[:, 2], src_p, dst_p,
                         z_p, emb)
    dist_pk, c_pk = _tc_cdist(dist2.reshape(EROWS, H))
    wf0 = _tc_wf(dist_pk, c_pk, mw1p0, r2(mb1_0), mw2_0, r2(mb2_0))

    xl0 = _tc_xl(h0, l1w_0)
    agg0 = _sc_msgpass(xl0, wf0, src_p, dst_p, zeros_tbl)
    wf1 = _tc_wf(dist_pk, c_pk, mw1p1, r2(mb1_1), mw2_1, r2(mb2_1))
    h1, xl1 = _tc_update(agg0[0], agg0[1], h0, l2w_0, r2(l2b_0), lw_0,
                         r2(lb_0), l1w_1)

    agg1 = _sc_msgpass(xl1, wf1, src_p, dst_p, zeros_tbl)
    h2, h2p = _tc_update(agg1[0], agg1[1], h1, l2w_1, r2(l2b_1), lw_1,
                         r2(lb_1), fl1wp)
    del h2

    out = _tc_readout(h2p, fl1bp, fl2wp, r2(fl2b), batch_p.reshape(N_PAD, 1),
                      pw, r2(pb))
    return out

# --- scband reference (transcript-rebuilt; emitter-appended) ---
"""Pipeline reference for scband-sch-net-only-model-34866544509062 (READ-ONLY COPY).

The authoritative reference and input builder live on the scoring server;
editing this copy changes nothing except your own understanding.
"""

import jax, jax.numpy as jnp
import numpy as np

N = 10000
E = 320000
H = 128
NGAUSS = 10
NGRAPH = 64
CUTOFF = 10.0


def ssp(x):
    return jax.nn.softplus(x) - jnp.log(2.0)


def setup_inputs(seed: int = 0):
    key = jax.random.key(seed)
    k = lambda i: jax.random.fold_in(key, i)
    w = lambda i, s: jax.random.normal(k(i), s, dtype=jnp.float32) * 0.05
    inp = {}
    inp["z"] = jax.random.randint(k(0), (N,), 0, 100)
    inp["pos"] = jax.random.normal(k(1), (N, 3), dtype=jnp.float32) * 3.0
    inp["batch"] = jnp.sort(jax.random.randint(k(2), (N,), 0, NGRAPH))
    inp["edge_index"] = jax.random.randint(k(3), (2, E), 0, N)
    inp["emb"] = w(4, (100, H))
    i = 5
    for b in range(2):
        inp[f"mw1_{b}"] = w(i, (NGAUSS, H)); i += 1
        inp[f"mb1_{b}"] = jnp.zeros((H,), jnp.float32)
        inp[f"mw2_{b}"] = w(i, (H, H)); i += 1
        inp[f"mb2_{b}"] = jnp.zeros((H,), jnp.float32)
        inp[f"l1w_{b}"] = w(i, (H, H)); i += 1
        inp[f"l2w_{b}"] = w(i, (H, H)); i += 1
        inp[f"l2b_{b}"] = jnp.zeros((H,), jnp.float32)
        inp[f"lw_{b}"] = w(i, (H, H)); i += 1
        inp[f"lb_{b}"] = jnp.zeros((H,), jnp.float32)
    inp["fl1w"] = w(i, (H, H // 2)); i += 1
    inp["fl1b"] = jnp.zeros((H // 2,), jnp.float32)
    inp["fl2w"] = w(i, (H // 2, H)); i += 1
    inp["fl2b"] = jnp.zeros((H,), jnp.float32)
    inp["pw"] = w(i, (H, 1)); i += 1
    inp["pb"] = jnp.zeros((1,), jnp.float32)
    return inp


def _forward(z, batch, edge_index, pos, emb, blocks, fl1w, fl1b, fl2w, fl2b, pw, pb):
    src = edge_index[0]
    dst = edge_index[1]
    d = pos[src] - pos[dst]
    dist = jnp.sqrt(jnp.sum(d * d, axis=1) + 1e-12)
    offset = jnp.linspace(0.0, CUTOFF, NGAUSS)
    coeff = -0.5 / (offset[1] - offset[0]) ** 2
    rbf = jnp.exp(coeff * (dist[:, None] - offset[None, :]) ** 2)
    C = 0.5 * (jnp.cos(dist * jnp.pi / CUTOFF) + 1.0)
    h = emb[z]
    for (mw1, mb1, mw2, mb2, l1w, l2w, l2b, lw, lb) in blocks:
        Wf = ssp(rbf @ mw1 + mb1) @ mw2 + mb2
        Wf = Wf * C[:, None]
        xl = h @ l1w
        msg = xl[src] * Wf
        agg = jax.ops.segment_sum(msg, dst, num_segments=h.shape[0])
        x = agg @ l2w + l2b
        x = ssp(x)
        x = x @ lw + lb
        h = h + x
    h = ssp(h @ fl1w + fl1b)
    h = h @ fl2w + fl2b
    g = jax.ops.segment_sum(h, batch, num_segments=NGRAPH)
    return g @ pw + pb


def reference(z, pos, batch, edge_index, emb, mw1_0, mb1_0, mw2_0, mb2_0, l1w_0, l2w_0, l2b_0, lw_0, lb_0, mw1_1, mb1_1, mw2_1, mb2_1, l1w_1, l2w_1, l2b_1, lw_1, lb_1, fl1w, fl1b, fl2w, fl2b, pw, pb):
    blocks = [
        (mw1_0, mb1_0, mw2_0, mb2_0, l1w_0, l2w_0, l2b_0, lw_0, lb_0),
        (mw1_1, mb1_1, mw2_1, mb2_1, l1w_1, l2w_1, l2b_1, lw_1, lb_1),
    ]
    return _forward(z, batch, edge_index, pos, emb, blocks, fl1w, fl1b, fl2w, fl2b, pw, pb)

if __name__ == "__main__":
    import jax
    _d = setup_inputs()
    print(jax.jit(kernel)(*tuple(_d.values())))

</pallas_src>

<mosaic_0001>
#map = affine_map<(d0, d1) -> (0)>
#map1 = affine_map<(d0, d1) -> (0, 0)>
module attributes {stable_mosaic.version = 14 : i64} {
  func.func @_sc_prep_body(%arg0: i32, %arg1: i32, %arg2: memref<10000xf32, #tpu.memory_space<hbm>>, %arg3: memref<10000xf32, #tpu.memory_space<hbm>>, %arg4: memref<10000xf32, #tpu.memory_space<hbm>>, %arg5: memref<327680xi32, #tpu.memory_space<hbm>>, %arg6: memref<327680xi32, #tpu.memory_space<hbm>>, %arg7: memref<10240xi32, #tpu.memory_space<hbm>>, %arg8: memref<100x128xf32, #tpu.memory_space<hbm>>, %arg9: memref<327680xf32, #tpu.memory_space<hbm>>, %arg10: memref<10240x128xf32, #tpu.memory_space<hbm>>, %arg11: memref<13824xi32, #tpu.memory_space<vmem>>, %arg12: memref<13824xi32, #tpu.memory_space<vmem>>, %arg13: memref<128xf32, #tpu.memory_space<vmem>>, %arg14: memref<128xf32, #tpu.memory_space<vmem>>, %arg15: memref<128xf32, #tpu.memory_space<vmem>>, %arg16: memref<128xf32, #tpu.memory_space<vmem>>, %arg17: memref<128xf32, #tpu.memory_space<vmem>>, %arg18: memref<128xf32, #tpu.memory_space<vmem>>, %arg19: memref<128xf32, #tpu.memory_space<vmem>>, %arg20: memref<128xf32, #tpu.memory_space<vmem>>, %arg21: memref<128xf32, #tpu.memory_space<vmem>>, %arg22: memref<128xf32, #tpu.memory_space<vmem>>, %arg23: memref<128xf32, #tpu.memory_space<vmem>>, %arg24: memref<128xf32, #tpu.memory_space<vmem>>, %arg25: memref<13824xf32, #tpu.memory_space<vmem>>, %arg26: memref<320xi32, #tpu.memory_space<vmem>>, %arg27: memref<320x128xf32, #tpu.memory_space<vmem>>, %arg28: memref<!tpu.dma_semaphore, #tpu.memory_space<semaphore_mem>>, %arg29: memref<!tpu.dma_semaphore, #tpu.memory_space<semaphore_mem>>) attributes {dimension_semantics = [#tpu.dimension_semantics<core_parallel>, #tpu.dimension_semantics<subcore_parallel>], iteration_bounds = array<i64: 2, 16>, scalar_prefetch = 0 : i64, scratch_operands = 19 : i64, tpu.core_type = #tpu.core_type<sc_vector_subcore>, window_params = [{transform_indices = #map}, {transform_indices = #map}, {transform_indices = #map}, {transform_indices = #map}, {transform_indices = #map}, {transform_indices = #map}, {transform_indices = #map1}, {transform_indices = #map}, {transform_indices = #map1}]} {
    %mul3A = arith.constant 16 : i32
    %mul3A_0 = arith.muli %arg0, %mul3A : i32
    %add3A = arith.addi %mul3A_0, %arg1 : i32
    %eq3A = arith.constant 0 : i32
    %eq3A_1 = arith.cmpi eq, %arg0, %eq3A : i32
    %mul3A_2 = arith.constant 13824 : i32
    %mul3A_3 = arith.muli %arg1, %mul3A_2 : i32
    %mul3A_4 = arith.constant 6656 : i32
    %mul3A_5 = arith.muli %arg1, %mul3A_4 : i32
    %add3A_6 = arith.constant 221184 : i32
    %add3A_7 = arith.addi %add3A_6, %mul3A_5 : i32
    %select_n3A = arith.select %eq3A_1, %mul3A_3, %add3A_7 : i32
    %eq3A_8 = arith.constant 0 : i32
    %eq3A_9 = arith.cmpi eq, %arg0, %eq3A_8 : i32
    %jit3A = arith.constant 13824 : i32
    %jit3A_10 = arith.constant 6656 : i32
    %select_n3A_11 = arith.select %eq3A_9, %jit3A, %jit3A_10 : i32
    %eq3A_12 = arith.constant 0 : i32
    %eq3A_13 = arith.cmpi eq, %arg0, %eq3A_12 : i32
    %convert_element_type3A = arith.extui %eq3A_13 : i1 to i32
    %cond3A = arith.constant 0 : i32
    %cond3A_14 = arith.cmpi ne, %convert_element_type3A, %cond3A : i32
    scf.if %cond3A_14 {
      %mul3A_84 = arith.constant 13824 : i32
      %mul3A_85 = arith.muli %arg1, %mul3A_84 : i32
      "tpu.region"() ({
        %run_scoped3A = tpu.sem_alloc : memref<!tpu.dma_semaphore, #tpu.memory_space<semaphore_mem>>
        %dma_start3A_95 = arith.constant 0 : i32
        %dma_start3A_96 = tpu.memref_slice %arg11[%dma_start3A_95] : memref<13824xi32, #tpu.memory_space<vmem>> -> memref<13824xi32, #tpu.memory_space<vmem>>
        %dma_start3A_97 = tpu.memref_slice %arg5[%mul3A_85] : memref<327680xi32, #tpu.memory_space<hbm>> -> memref<13824xi32, #tpu.memory_space<hbm>>
        %dma_start3A_98 = arith.constant 0 : i32
        %dma_start3A_99 = tpu.memref_slice %arg11[%dma_start3A_98] : memref<13824xi32, #tpu.memory_space<vmem>> -> memref<13824xi32, #tpu.memory_space<vmem>>
        %dma_start3A_100 = tpu.memref_slice %arg5[%mul3A_85] : memref<327680xi32, #tpu.memory_space<hbm>> -> memref<13824xi32, #tpu.memory_space<hbm>>
        tpu.enqueue_dma source(%dma_start3A_100 : memref<13824xi32, #tpu.memory_space<hbm>>) target(%dma_start3A_99 : memref<13824xi32, #tpu.memory_space<vmem>>) target_semaphore(%run_scoped3A : memref<!tpu.dma_semaphore, #tpu.memory_space<semaphore_mem>>)
        %dma_wait3A_101 = arith.constant 0 : i32
        %dma_wait3A_102 = tpu.memref_slice %arg11[%dma_wait3A_101] : memref<13824xi32, #tpu.memory_space<vmem>> -> memref<13824xi32, #tpu.memory_space<vmem>>
        %dma_wait3A_103 = tpu.memref_slice %arg5[%mul3A_85] : memref<327680xi32, #tpu.memory_space<hbm>> -> memref<13824xi32, #tpu.memory_space<hbm>>
        %dma_wait3A_104 = arith.constant 0 : i32
        %dma_wait3A_105 = tpu.memref_slice %arg11[%dma_wait3A_104] : memref<13824xi32, #tpu.memory_space<vmem>> -> memref<13824xi32, #tpu.memory_space<vmem>>
        %dma_wait3A_106 = tpu.memref_slice %arg5[%mul3A_85] : memref<327680xi32, #tpu.memory_space<hbm>> -> memref<13824xi32, #tpu.memory_space<hbm>>
        tpu.wait_dma2 semaphore(%run_scoped3A : memref<!tpu.dma_semaphore, #tpu.memory_space<semaphore_mem>>) src(%dma_wait3A_106 : memref<13824xi32, #tpu.memory_space<hbm>>) dst(%dma_wait3A_105 : memref<13824xi32, #tpu.memory_space<vmem>>)
        tpu.yield
      }) : () -> ()
      %mul3A_86 = arith.constant 13824 : i32
      %mul3A_87 = arith.muli %arg1, %mul3A_86 : i32
      "tpu.region"() ({
        %run_scoped3A = tpu.sem_alloc : memref<!tpu.dma_semaphore, #tpu.memory_space<semaphore_mem>>
        %dma_start3A_95 = arith.constant 0 : i32
        %dma_start3A_96 = tpu.memref_slice %arg12[%dma_start3A_95] : memref<13824xi32, #tpu.memory_space<vmem>> -> memref<13824xi32, #tpu.memory_space<vmem>>
        %dma_start3A_97 = tpu.memref_slice %arg6[%mul3A_87] : memref<327680xi32, #tpu.memory_space<hbm>> -> memref<13824xi32, #tpu.memory_space<hbm>>
        %dma_start3A_98 = arith.constant 0 : i32
        %dma_start3A_99 = tpu.memref_slice %arg12[%dma_start3A_98] : memref<13824xi32, #tpu.memory_space<vmem>> -> memref<13824xi32, #tpu.memory_space<vmem>>
        %dma_start3A_100 = tpu.memref_slice %arg6[%mul3A_87] : memref<327680xi32, #tpu.memory_space<hbm>> -> memref<13824xi32, #tpu.memory_space<hbm>>
        tpu.enqueue_dma source(%dma_start3A_100 : memref<13824xi32, #tpu.memory_space<hbm>>) target(%dma_start3A_99 : memref<13824xi32, #tpu.memory_space<vmem>>) target_semaphore(%run_scoped3A : memref<!tpu.dma_semaphore, #tpu.memory_space<semaphore_mem>>)
        %dma_wait3A_101 = arith.constant 0 : i32
        %dma_wait3A_102 = tpu.memref_slice %arg12[%dma_wait3A_101] : memref<13824xi32, #tpu.memory_space<vmem>> -> memref<13824xi32, #tpu.memory_space<vmem>>
        %dma_wait3A_103 = tpu.memref_slice %arg6[%mul3A_87] : memref<327680xi32, #tpu.memory_space<hbm>> -> memref<13824xi32, #tpu.memory_space<hbm>>
        %dma_wait3A_104 = arith.constant 0 : i32
        %dma_wait3A_105 = tpu.memref_slice %arg12[%dma_wait3A_104] : memref<13824xi32, #tpu.memory_space<vmem>> -> memref<13824xi32, #tpu.memory_space<vmem>>
        %dma_wait3A_106 = tpu.memref_slice %arg6[%mul3A_87] : memref<327680xi32, #tpu.memory_space<hbm>> -> memref<13824xi32, #tpu.memory_space<hbm>>
        tpu.wait_dma2 semaphore(%run_scoped3A : memref<!tpu.dma_semaphore, #tpu.memory_space<semaphore_mem>>) src(%dma_wait3A_106 : memref<13824xi32, #tpu.memory_space<hbm>>) dst(%dma_wait3A_105 : memref<13824xi32, #tpu.memory_space<vmem>>)
        tpu.yield
      }) : () -> ()
      %scan3A = arith.constant 0 : i32
      %scan3A_88 = arith.constant 0 : i32
      %scan3A_89 = arith.constant 54 : i32
      %scan3A_90 = arith.addi %scan3A_88, %scan3A_89 : i32
      %scan3A_91 = arith.constant 1 : i32
      scf.for %scan3A_95 = %scan3A_88 to %scan3A_90 step %scan3A_91  : i32 {
        %mul3A_96 = arith.constant 2 : i32
        %mul3A_97 = arith.muli %mul3A_96, %scan3A_95 : i32
        %mul3A_98 = arith.constant 128 : i32
        %mul3A_99 = arith.muli %mul3A_97, %mul3A_98 : i32
        %mul3A_100 = arith.constant 128 : i32
        %mul3A_101 = arith.muli %mul3A_97, %mul3A_100 : i32
        %dma_start3A_102 = tpu.memref_slice %arg11[%mul3A_99] : memref<13824xi32, #tpu.memory_space<vmem>> -> memref<128xi32, #tpu.memory_space<vmem>>
        %dma_start3A_103 = arith.constant 0 : i32
        %dma_start3A_104 = tpu.memref_slice %arg2[%dma_start3A_103] : memref<10000xf32, #tpu.memory_space<hbm>> -> memref<10000xf32, #tpu.memory_space<hbm>>
        tpu.enqueue_indirect_dma source(%dma_start3A_104 : memref<10000xf32, #tpu.memory_space<hbm>>) target(%arg13 : memref<128xf32, #tpu.memory_space<vmem>>) offsets(%dma_start3A_102 : memref<128xi32, #tpu.memory_space<vmem>>) semaphore(%arg28 : memref<!tpu.dma_semaphore, #tpu.memory_space<semaphore_mem>>)
        %dma_start3A_105 = tpu.memref_slice %arg11[%mul3A_99] : memref<13824xi32, #tpu.memory_space<vmem>> -> memref<128xi32, #tpu.memory_space<vmem>>
        %dma_start3A_106 = arith.constant 0 : i32
        %dma_start3A_107 = tpu.memref_slice %arg3[%dma_start3A_106] : memref<10000xf32, #tpu.memory_space<hbm>> -> memref<10000xf32, #tpu.memory_space<hbm>>
        tpu.enqueue_indirect_dma source(%dma_start3A_107 : memref<10000xf32, #tpu.memory_space<hbm>>) target(%arg14 : memref<128xf32, #tpu.memory_space<vmem>>) offsets(%dma_start3A_105 : memref<128xi32, #tpu.memory_space<vmem>>) semaphore(%arg28 : memref<!tpu.dma_semaphore, #tpu.memory_space<semaphore_mem>>)
        %dma_start3A_108 = tpu.memref_slice %arg11[%mul3A_99] : memref<13824xi32, #tpu.memory_space<vmem>> -> memref<128xi32, #tpu.memory_space<vmem>>
        %dma_start3A_109 = arith.constant 0 : i32
        %dma_start3A_110 = tpu.memref_slice %arg4[%dma_start3A_109] : memref<10000xf32, #tpu.memory_space<hbm>> -> memref<10000xf32, #tpu.memory_space<hbm>>
        tpu.enqueue_indirect_dma source(%dma_start3A_110 : memref<10000xf32, #tpu.memory_space<hbm>>) target(%arg15 : memref<128xf32, #tpu.memory_space<vmem>>) offsets(%dma_start3A_108 : memref<128xi32, #tpu.memory_space<vmem>>) semaphore(%arg28 : memref<!tpu.dma_semaphore, #tpu.memory_space<semaphore_mem>>)
        %dma_start3A_111 = tpu.memref_slice %arg12[%mul3A_101] : memref<13824xi32, #tpu.memory_space<vmem>> -> memref<128xi32, #tpu.memory_space<vmem>>
        %dma_start3A_112 = arith.constant 0 : i32
        %dma_start3A_113 = tpu.memref_slice %arg2[%dma_start3A_112] : memref<10000xf32, #tpu.memory_space<hbm>> -> memref<10000xf32, #tpu.memory_space<hbm>>
        tpu.enqueue_indirect_dma source(%dma_start3A_113 : memref<10000xf32, #tpu.memory_space<hbm>>) target(%arg16 : memref<128xf32, #tpu.memory_space<vmem>>) offsets(%dma_start3A_111 : memref<128xi32, #tpu.memory_space<vmem>>) semaphore(%arg28 : memref<!tpu.dma_semaphore, #tpu.memory_space<semaphore_mem>>)
        %dma_start3A_114 = tpu.memref_slice %arg12[%mul3A_101] : memref<13824xi32, #tpu.memory_space<vmem>> -> memref<128xi32, #tpu.memory_space<vmem>>
        %dma_start3A_115 = arith.constant 0 : i32
        %dma_start3A_116 = tpu.memref_slice %arg3[%dma_start3A_115] : memref<10000xf32, #tpu.memory_space<hbm>> -> memref<10000xf32, #tpu.memory_space<hbm>>
        tpu.enqueue_indirect_dma source(%dma_start3A_116 : memref<10000xf32, #tpu.memory_space<hbm>>) target(%arg17 : memref<128xf32, #tpu.memory_space<vmem>>) offsets(%dma_start3A_114 : memref<128xi32, #tpu.memory_space<vmem>>) semaphore(%arg28 : memref<!tpu.dma_semaphore, #tpu.memory_space<semaphore_mem>>)
        %dma_start3A_117 = tpu.memref_slice %arg12[%mul3A_101] : memref<13824xi32, #tpu.memory_space<vmem>> -> memref<128xi32, #tpu.memory_space<vmem>>
        %dma_start3A_118 = arith.constant 0 : i32
        %dma_start3A_119 = tpu.memref_slice %arg4[%dma_start3A_118] : memref<10000xf32, #tpu.memory_space<hbm>> -> memref<10000xf32, #tpu.memory_space<hbm>>
        tpu.enqueue_indirect_dma source(%dma_start3A_119 : memref<10000xf32, #tpu.memory_space<hbm>>) target(%arg18 : memref<128xf32, #tpu.memory_space<vmem>>) offsets(%dma_start3A_117 : memref<128xi32, #tpu.memory_space<vmem>>) semaphore(%arg28 : memref<!tpu.dma_semaphore, #tpu.memory_space<semaphore_mem>>)
        %mul3A_120 = arith.constant 2 : i32
        %mul3A_121 = arith.muli %mul3A_120, %scan3A_95 : i32
        %add3A_122 = arith.constant 1 : i32
        %add3A_123 = arith.addi %mul3A_121, %add3A_122 : i32
        %mul3A_124 = arith.constant 128 : i32
        %mul3A_125 = arith.muli %add3A_123, %mul3A_124 : i32
        %mul3A_126 = arith.constant 128 : i32
        %mul3A_127 = arith.muli %add3A_123, %mul3A_126 : i32
        %dma_start3A_128 = tpu.memref_slice %arg11[%mul3A_125] : memref<13824xi32, #tpu.memory_space<vmem>> -> memref<128xi32, #tpu.memory_space<vmem>>
        %dma_start3A_129 = arith.constant 0 : i32
        %dma_start3A_130 = tpu.memref_slice %arg2[%dma_start3A_129] : memref<10000xf32, #tpu.memory_space<hbm>> -> memref<10000xf32, #tpu.memory_space<hbm>>
        tpu.enqueue_indirect_dma source(%dma_start3A_130 : memref<10000xf32, #tpu.memory_space<hbm>>) target(%arg19 : memref<128xf32, #tpu.memory_space<vmem>>) offsets(%dma_start3A_128 : memref<128xi32, #tpu.memory_space<vmem>>) semaphore(%arg29 : memref<!tpu.dma_semaphore, #tpu.memory_space<semaphore_mem>>)
        %dma_start3A_131 = tpu.memref_slice %arg11[%mul3A_125] : memref<13824xi32, #tpu.memory_space<vmem>> -> memref<128xi32, #tpu.memory_space<vmem>>
        %dma_start3A_132 = arith.constant 0 : i32
        %dma_start3A_133 = tpu.memref_slice %arg3[%dma_start3A_132] : memref<10000xf32, #tpu.memory_space<hbm>> -> memref<10000xf32, #tpu.memory_space<hbm>>
        tpu.enqueue_indirect_dma source(%dma_start3A_133 : memref<10000xf32, #tpu.memory_space<hbm>>) target(%arg20 : memref<128xf32, #tpu.memory_space<vmem>>) offsets(%dma_start3A_131 : memref<128xi32, #tpu.memory_space<vmem>>) semaphore(%arg29 : memref<!tpu.dma_semaphore, #tpu.memory_space<semaphore_mem>>)
        %dma_start3A_134 = tpu.memref_slice %arg11[%mul3A_125] : memref<13824xi32, #tpu.memory_space<vmem>> -> memref<128xi32, #tpu.memory_space<vmem>>
        %dma_start3A_135 = arith.constant 0 : i32
        %dma_start3A_136 = tpu.memref_slice %arg4[%dma_start3A_135] : memref<10000xf32, #tpu.memory_space<hbm>> -> memref<10000xf32, #tpu.memory_space<hbm>>
        tpu.enqueue_indirect_dma source(%dma_start3A_136 : memref<10000xf32, #tpu.memory_space<hbm>>) target(%arg21 : memref<128xf32, #tpu.memory_space<vmem>>) offsets(%dma_start3A_134 : memref<128xi32, #tpu.memory_space<vmem>>) semaphore(%arg29 : memref<!tpu.dma_semaphore, #tpu.memory_space<semaphore_mem>>)
        %dma_start3A_137 = tpu.memref_slice %arg12[%mul3A_127] : memref<13824xi32, #tpu.memory_space<vmem>> -> memref<128xi32, #tpu.memory_space<vmem>>
        %dma_start3A_138 = arith.constant 0 : i32
        %dma_start3A_139 = tpu.memref_slice %arg2[%dma_start3A_138] : memref<10000xf32, #tpu.memory_space<hbm>> -> memref<10000xf32, #tpu.memory_space<hbm>>
        tpu.enqueue_indirect_dma source(%dma_start3A_139 : memref<10000xf32, #tpu.memory_space<hbm>>) target(%arg22 : memref<128xf32, #tpu.memory_space<vmem>>) offsets(%dma_start3A_137 : memref<128xi32, #tpu.memory_space<vmem>>) semaphore(%arg29 : memref<!tpu.dma_semaphore, #tpu.memory_space<semaphore_mem>>)
        %dma_start3A_140 = tpu.memref_slice %arg12[%mul3A_127] : memref<13824xi32, #tpu.memory_space<vmem>> -> memref<128xi32, #tpu.memory_space<vmem>>
        %dma_start3A_141 = arith.constant 0 : i32
        %dma_start3A_142 = tpu.memref_slice %arg3[%dma_start3A_141] : memref<10000xf32, #tpu.memory_space<hbm>> -> memref<10000xf32, #tpu.memory_space<hbm>>
        tpu.enqueue_indirect_dma source(%dma_start3A_142 : memref<10000xf32, #tpu.memory_space<hbm>>) target(%arg23 : memref<128xf32, #tpu.memory_space<vmem>>) offsets(%dma_start3A_140 : memref<128xi32, #tpu.memory_space<vmem>>) semaphore(%arg29 : memref<!tpu.dma_semaphore, #tpu.memory_space<semaphore_mem>>)
        %dma_start3A_143 = tpu.memref_slice %arg12[%mul3A_127] : memref<13824xi32, #tpu.memory_space<vmem>> -> memref<128xi32, #tpu.memory_space<vmem>>
        %dma_start3A_144 = arith.constant 0 : i32
        %dma_start3A_145 = tpu.memref_slice %arg4[%dma_start3A_144] : memref<10000xf32, #tpu.memory_space<hbm>> -> memref<10000xf32, #tpu.memory_space<hbm>>
        tpu.enqueue_indirect_dma source(%dma_start3A_145 : memref<10000xf32, #tpu.memory_space<hbm>>) target(%arg24 : memref<128xf32, #tpu.memory_space<vmem>>) offsets(%dma_start3A_143 : memref<128xi32, #tpu.memory_space<vmem>>) semaphore(%arg29 : memref<!tpu.dma_semaphore, #tpu.memory_space<semaphore_mem>>)
        %dma_wait3A_146 = tpu.memref_slice %arg11[%mul3A_99] : memref<13824xi32, #tpu.memory_space<vmem>> -> memref<128xi32, #tpu.memory_space<vmem>>
        %dma_wait3A_147 = arith.constant 0 : i32
        %dma_wait3A_148 = tpu.memref_slice %arg2[%dma_wait3A_147] : memref<10000xf32, #tpu.memory_space<hbm>> -> memref<10000xf32, #tpu.memory_space<hbm>>
        tpu.wait_indirect_dma semaphore(%arg28 : memref<!tpu.dma_semaphore, #tpu.memory_space<semaphore_mem>>) src(%dma_wait3A_148 : memref<10000xf32, #tpu.memory_space<hbm>>) dst(%arg13 : memref<128xf32, #tpu.memory_space<vmem>>)
        %dma_wait3A_149 = tpu.memref_slice %arg11[%mul3A_99] : memref<13824xi32, #tpu.memory_space<vmem>> -> memref<128xi32, #tpu.memory_space<vmem>>
        %dma_wait3A_150 = arith.constant 0 : i32
        %dma_wait3A_151 = tpu.memref_slice %arg3[%dma_wait3A_150] : memref<10000xf32, #tpu.memory_space<hbm>> -> memref<10000xf32, #tpu.memory_space<hbm>>
        tpu.wait_indirect_dma semaphore(%arg28 : memref<!tpu.dma_semaphore, #tpu.memory_space<semaphore_mem>>) src(%dma_wait3A_151 : memref<10000xf32, #tpu.memory_space<hbm>>) dst(%arg14 : memref<128xf32, #tpu.memory_space<vmem>>)
        %dma_wait3A_152 = tpu.memref_slice %arg11[%mul3A_99] : memref<13824xi32, #tpu.memory_space<vmem>> -> memref<128xi32, #tpu.memory_space<vmem>>
        %dma_wait3A_153 = arith.constant 0 : i32
        %dma_wait3A_154 = tpu.memref_slice %arg4[%dma_wait3A_153] : memref<10000xf32, #tpu.memory_space<hbm>> -> memref<10000xf32, #tpu.memory_space<hbm>>
        tpu.wait_indirect_dma semaphore(%arg28 : memref<!tpu.dma_semaphore, #tpu.memory_space<semaphore_mem>>) src(%dma_wait3A_154 : memref<10000xf32, #tpu.memory_space<hbm>>) dst(%arg15 : memref<128xf32, #tpu.memory_space<vmem>>)
        %dma_wait3A_155 = tpu.memref_slice %arg12[%mul3A_101] : memref<13824xi32, #tpu.memory_space<vmem>> -> memref<128xi32, #tpu.memory_space<vmem>>
        %dma_wait3A_156 = arith.constant 0 : i32
        %dma_wait3A_157 = tpu.memref_slice %arg2[%dma_wait3A_156] : memref<10000xf32, #tpu.memory_space<hbm>> -> memref<10000xf32, #tpu.memory_space<hbm>>
        tpu.wait_indirect_dma semaphore(%arg28 : memref<!tpu.dma_semaphore, #tpu.memory_space<semaphore_mem>>) src(%dma_wait3A_157 : memref<10000xf32, #tpu.memory_space<hbm>>) dst(%arg16 : memref<128xf32, #tpu.memory_space<vmem>>)
        %dma_wait3A_158 = tpu.memref_slice %arg12[%mul3A_101] : memref<13824xi32, #tpu.memory_space<vmem>> -> memref<128xi32, #tpu.memory_space<vmem>>
        %dma_wait3A_159 = arith.constant 0 : i32
        %dma_wait3A_160 = tpu.memref_slice %arg3[%dma_wait3A_159] : memref<10000xf32, #tpu.memory_space<hbm>> -> memref<10000xf32, #tpu.memory_space<hbm>>
        tpu.wait_indirect_dma semaphore(%arg28 : memref<!tpu.dma_semaphore, #tpu.memory_space<semaphore_mem>>) src(%dma_wait3A_160 : memref<10000xf32, #tpu.memory_space<hbm>>) dst(%arg17 : memref<128xf32, #tpu.memory_space<vmem>>)
        %dma_wait3A_161 = tpu.memref_slice %arg12[%mul3A_101] : memref<13824xi32, #tpu.memory_space<vmem>> -> memref<128xi32, #tpu.memory_space<vmem>>
        %dma_wait3A_162 = arith.constant 0 : i32
        %dma_wait3A_163 = tpu.memref_slice %arg4[%dma_wait3A_162] : memref<10000xf32, #tpu.memory_space<hbm>> -> memref<10000xf32, #tpu.memory_space<hbm>>
        tpu.wait_indirect_dma semaphore(%arg28 : memref<!tpu.dma_semaphore, #tpu.memory_space<semaphore_mem>>) src(%dma_wait3A_163 : memref<10000xf32, #tpu.memory_space<hbm>>) dst(%arg18 : memref<128xf32, #tpu.memory_space<vmem>>)
        %mul3A_164 = arith.constant 2 : i32
        %mul3A_165 = arith.muli %mul3A_164, %scan3A_95 : i32
        %mul3A_166 = arith.constant 2 : i32
        %mul3A_167 = arith.muli %mul3A_166, %scan3A_95 : i32
        %add3A_168 = arith.constant 1 : i32
        %add3A_169 = arith.addi %mul3A_167, %add3A_168 : i32
        %get3A = arith.constant 0 : index
        %get3A_170 = tpu.vector_load %arg13[%get3A] {strides = array<i32>} : memref<128xf32, #tpu.memory_space<vmem>>, vector<16xf32>,
        %get3A_171 = vector.shape_cast %get3A_170 : vector<16xf32> to vector<16xf32>
        %get3A_172 = arith.constant 0 : index
        %get3A_173 = tpu.vector_load %arg16[%get3A_172] {strides = array<i32>} : memref<128xf32, #tpu.memory_space<vmem>>, vector<16xf32>,
        %get3A_174 = vector.shape_cast %get3A_173 : vector<16xf32> to vector<16xf32>
        %sub3A = arith.subf %get3A_171, %get3A_174 : vector<16xf32>
        %get3A_175 = arith.constant 0 : index
        %get3A_176 = tpu.vector_load %arg14[%get3A_175] {strides = array<i32>} : memref<128xf32, #tpu.memory_space<vmem>>, vector<16xf32>,
        %get3A_177 = vector.shape_cast %get3A_176 : vector<16xf32> to vector<16xf32>
        %get3A_178 = arith.constant 0 : index
        %get3A_179 = tpu.vector_load %arg17[%get3A_178] {strides = array<i32>} : memref<128xf32, #tpu.memory_space<vmem>>, vector<16xf32>,
        %get3A_180 = vector.shape_cast %get3A_179 : vector<16xf32> to vector<16xf32>
        %sub3A_181 = arith.subf %get3A_177, %get3A_180 : vector<16xf32>
        %get3A_182 = arith.constant 0 : index
        %get3A_183 = tpu.vector_load %arg15[%get3A_182] {strides = array<i32>} : memref<128xf32, #tpu.memory_space<vmem>>, vector<16xf32>,
        %get3A_184 = vector.shape_cast %get3A_183 : vector<16xf32> to vector<16xf32>
        %get3A_185 = arith.constant 0 : index
        %get3A_186 = tpu.vector_load %arg18[%get3A_185] {strides = array<i32>} : memref<128xf32, #tpu.memory_space<vmem>>, vector<16xf32>,
        %get3A_187 = vector.shape_cast %get3A_186 : vector<16xf32> to vector<16xf32>
        %sub3A_188 = arith.subf %get3A_184, %get3A_187 : vector<16xf32>
        %mul3A_189 = arith.mulf %sub3A, %sub3A : vector<16xf32>
        %mul3A_190 = arith.mulf %sub3A_181, %sub3A_181 : vector<16xf32>
        %add3A_191 = arith.addf %mul3A_189, %mul3A_190 : vector<16xf32>
        %mul3A_192 = arith.mulf %sub3A_188, %sub3A_188 : vector<16xf32>
        %add3A_193 = arith.addf %add3A_191, %mul3A_192 : vector<16xf32>
        %mul3A_194 = arith.constant 128 : i32
        %mul3A_195 = arith.muli %mul3A_165, %mul3A_194 : i32
        %add3A_196 = arith.constant 0 : i32
        %add3A_197 = arith.addi %mul3A_195, %add3A_196 : i32
        %swap3A = arith.index_cast %add3A_197 : i32 to index
        %swap3A_198 = tpu.vector_load %arg25[%swap3A] {strides = array<i32>} : memref<13824xf32, #tpu.memory_space<vmem>>, vector<16xf32>,
        %swap3A_199 = vector.shape_cast %swap3A_198 : vector<16xf32> to vector<16xf32>
        %swap3A_200 = vector.shape_cast %add3A_193 : vector<16xf32> to vector<16xf32>
        tpu.vector_store %arg25[%swap3A], %swap3A_200 {strides = array<i32>} : memref<13824xf32, #tpu.memory_space<vmem>>, vector<16xf32>,
        %get3A_201 = arith.constant 16 : index
        %get3A_202 = tpu.vector_load %arg13[%get3A_201] {strides = array<i32>} : memref<128xf32, #tpu.memory_space<vmem>>, vector<16xf32>,
        %get3A_203 = vector.shape_cast %get3A_202 : vector<16xf32> to vector<16xf32>
        %get3A_204 = arith.constant 16 : index
        %get3A_205 = tpu.vector_load %arg16[%get3A_204] {strides = array<i32>} : memref<128xf32, #tpu.memory_space<vmem>>, vector<16xf32>,
        %get3A_206 = vector.shape_cast %get3A_205 : vector<16xf32> to vector<16xf32>
        %sub3A_207 = arith.subf %get3A_203, %get3A_206 : vector<16xf32>
        %get3A_208 = arith.constant 16 : index
        %get3A_209 = tpu.vector_load %arg14[%get3A_208] {strides = array<i32>} : memref<128xf32, #tpu.memory_space<vmem>>, vector<16xf32>,
        %get3A_210 = vector.shape_cast %get3A_209 : vector<16xf32> to vector<16xf32>
        %get3A_211 = arith.constant 16 : index
        %get3A_212 = tpu.vector_load %arg17[%get3A_211] {strides = array<i32>} : memref<128xf32, #tpu.memory_space<vmem>>, vector<16xf32>,
        %get3A_213 = vector.shape_cast %get3A_212 : vector<16xf32> to vector<16xf32>
        %sub3A_214 = arith.subf %get3A_210, %get3A_213 : vector<16xf32>
        %get3A_215 = arith.constant 16 : index
        %get3A_216 = tpu.vector_load %arg15[%get3A_215] {strides = array<i32>} : memref<128xf32, #tpu.memory_space<vmem>>, vector<16xf32>,
        %get3A_217 = vector.shape_cast %get3A_216 : vector<16xf32> to vector<16xf32>
        %get3A_218 = arith.constant 16 : index
        %get3A_219 = tpu.vector_load %arg18[%get3A_218] {strides = array<i32>} : memref<128xf32, #tpu.memory_space<vmem>>, vector<16xf32>,
        %get3A_220 = vector.shape_cast %get3A_219 : vector<16xf32> to vector<16xf32>
        %sub3A_221 = arith.subf %get3A_217, %get3A_220 : vector<16xf32>
        %mul3A_222 = arith.mulf %sub3A_207, %sub3A_207 : vector<16xf32>
        %mul3A_223 = arith.mulf %sub3A_214, %sub3A_214 : vector<16xf32>
        %add3A_224 = arith.addf %mul3A_222, %mul3A_223 : vector<16xf32>
        %mul3A_225 = arith.mulf %sub3A_221, %sub3A_221 : vector<16xf32>
        %add3A_226 = arith.addf %add3A_224, %mul3A_225 : vector<16xf32>
        %mul3A_227 = arith.constant 128 : i32
        %mul3A_228 = arith.muli %mul3A_165, %mul3A_227 : i32
        %add3A_229 = arith.constant 16 : i32
        %add3A_230 = arith.addi %mul3A_228, %add3A_229 : i32
        %swap3A_231 = arith.index_cast %add3A_230 : i32 to index
        %swap3A_232 = tpu.vector_load %arg25[%swap3A_231] {strides = array<i32>} : memref<13824xf32, #tpu.memory_space<vmem>>, vector<16xf32>,
        %swap3A_233 = vector.shape_cast %swap3A_232 : vector<16xf32> to vector<16xf32>
        %swap3A_234 = vector.shape_cast %add3A_226 : vector<16xf32> to vector<16xf32>
        tpu.vector_store %arg25[%swap3A_231], %swap3A_234 {strides = array<i32>} : memref<13824xf32, #tpu.memory_space<vmem>>, vector<16xf32>,
        %get3A_235 = arith.constant 32 : index
        %get3A_236 = tpu.vector_load %arg13[%get3A_235] {strides = array<i32>} : memref<128xf32, #tpu.memory_space<vmem>>, vector<16xf32>,
        %get3A_237 = vector.shape_cast %get3A_236 : vector<16xf32> to vector<16xf32>
        %get3A_238 = arith.constant 32 : index
        %get3A_239 = tpu.vector_load %arg16[%get3A_238] {strides = array<i32>} : memref<128xf32, #tpu.memory_space<vmem>>, vector<16xf32>,
        %get3A_240 = vector.shape_cast %get3A_239 : vector<16xf32> to vector<16xf32>
        %sub3A_241 = arith.subf %get3A_237, %get3A_240 : vector<16xf32>
        %get3A_242 = arith.constant 32 : index
        %get3A_243 = tpu.vector_load %arg14[%get3A_242] {strides = array<i32>} : memref<128xf32, #tpu.memory_space<vmem>>, vector<16xf32>,
        %get3A_244 = vector.shape_cast %get3A_243 : vector<16xf32> to vector<16xf32>
        %get3A_245 = arith.constant 32 : index
        %get3A_246 = tpu.vector_load %arg17[%get3A_245] {strides = array<i32>} : memref<128xf32, #tpu.memory_space<vmem>>, vector<16xf32>,
        %get3A_247 = vector.shape_cast %get3A_246 : vector<16xf32> to vector<16xf32>
        %sub3A_248 = arith.subf %get3A_244, %get3A_247 : vector<16xf32>
        %get3A_249 = arith.constant 32 : index
        %get3A_250 = tpu.vector_load %arg15[%get3A_249] {strides = array<i32>} : memref<128xf32, #tpu.memory_space<vmem>>, vector<16xf32>,
        %get3A_251 = vector.shape_cast %get3A_250 : vector<16xf32> to vector<16xf32>
        %get3A_252 = arith.constant 32 : index
        %get3A_253 = tpu.vector_load %arg18[%get3A_252] {strides = array<i32>} : memref<128xf32, #tpu.memory_space<vmem>>, vector<16xf32>,
        %get3A_254 = vector.shape_cast %get3A_253 : vector<16xf32> to vector<16xf32>
        %sub3A_255 = arith.subf %get3A_251, %get3A_254 : vector<16xf32>
        %mul3A_256 = arith.mulf %sub3A_241, %sub3A_241 : vector<16xf32>
        %mul3A_257 = arith.mulf %sub3A_248, %sub3A_248 : vector<16xf32>
        %add3A_258 = arith.addf %mul3A_256, %mul3A_257 : vector<16xf32>
        %mul3A_259 = arith.mulf %sub3A_255, %sub3A_255 : vector<16xf32>
        %add3A_260 = arith.addf %add3A_258, %mul3A_259 : vector<16xf32>
        %mul3A_261 = arith.constant 128 : i32
        %mul3A_262 = arith.muli %mul3A_165, %mul3A_261 : i32
        %add3A_263 = arith.constant 32 : i32
        %add3A_264 = arith.addi %mul3A_262, %add3A_263 : i32
        %swap3A_265 = arith.index_cast %add3A_264 : i32 to index
        %swap3A_266 = tpu.vector_load %arg25[%swap3A_265] {strides = array<i32>} : memref<13824xf32, #tpu.memory_space<vmem>>, vector<16xf32>,
        %swap3A_267 = vector.shape_cast %swap3A_266 : vector<16xf32> to vector<16xf32>
        %swap3A_268 = vector.shape_cast %add3A_260 : vector<16xf32> to vector<16xf32>
        tpu.vector_store %arg25[%swap3A_265], %swap3A_268 {strides = array<i32>} : memref<13824xf32, #tpu.memory_space<vmem>>, vector<16xf32>,
        %get3A_269 = arith.constant 48 : index
        %get3A_270 = tpu.vector_load %arg13[%get3A_269] {strides = array<i32>} : memref<128xf32, #tpu.memory_space<vmem>>, vector<16xf32>,
        %get3A_271 = vector.shape_cast %get3A_270 : vector<16xf32> to vector<16xf32>
        %get3A_272 = arith.constant 48 : index
        %get3A_273 = tpu.vector_load %arg16[%get3A_272] {strides = array<i32>} : memref<128xf32, #tpu.memory_space<vmem>>, vector<16xf32>,
        %get3A_274 = vector.shape_cast %get3A_273 : vector<16xf32> to vector<16xf32>
        %sub3A_275 = arith.subf %get3A_271, %get3A_274 : vector<16xf32>
        %get3A_276 = arith.constant 48 : index
        %get3A_277 = tpu.vector_load %arg14[%get3A_276] {strides = array<i32>} : memref<128xf32, #tpu.memory_space<vmem>>, vector<16xf32>,
        %get3A_278 = vector.shape_cast %get3A_277 : vector<16xf32> to vector<16xf32>
        %get3A_279 = arith.constant 48 : index
        %get3A_280 = tpu.vector_load %arg17[%get3A_279] {strides = array<i32>} : memref<128xf32, #tpu.memory_space<vmem>>, vector<16xf32>,
        %get3A_281 = vector.shape_cast %get3A_280 : vector<16xf32> to vector<16xf32>
        %sub3A_282 = arith.subf %get3A_278, %get3A_281 : vector<16xf32>
        %get3A_283 = arith.constant 48 : index
        %get3A_284 = tpu.vector_load %arg15[%get3A_283] {strides = array<i32>} : memref<128xf32, #tpu.memory_space<vmem>>, vector<16xf32>,
        %get3A_285 = vector.shape_cast %get3A_284 : vector<16xf32> to vector<16xf32>
        %get3A_286 = arith.constant 48 : index
        %get3A_287 = tpu.vector_load %arg18[%get3A_286] {strides = array<i32>} : memref<128xf32, #tpu.memory_space<vmem>>, vector<16xf32>,
        %get3A_288 = vector.shape_cast %get3A_287 : vector<16xf32> to vector<16xf32>
        %sub3A_289 = arith.subf %get3A_285, %get3A_288 : vector<16xf32>
        %mul3A_290 = arith.mulf %sub3A_275, %sub3A_275 : vector<16xf32>
        %mul3A_291 = arith.mulf %sub3A_282, %sub3A_282 : vector<16xf32>
        %add3A_292 = arith.addf %mul3A_290, %mul3A_291 : vector<16xf32>
        %mul3A_293 = arith.mulf %sub3A_289, %sub3A_289 : vector<16xf32>
        %add3A_294 = arith.addf %add3A_292, %mul3A_293 : vector<16xf32>
        %mul3A_295 = arith.constant 128 : i32
        %mul3A_296 = arith.muli %mul3A_165, %mul3A_295 : i32
        %add3A_297 = arith.constant 48 : i32
        %add3A_298 = arith.addi %mul3A_296, %add3A_297 : i32
        %swap3A_299 = arith.index_cast %add3A_298 : i32 to index
        %swap3A_300 = tpu.vector_load %arg25[%swap3A_299] {strides = array<i32>} : memref<13824xf32, #tpu.memory_space<vmem>>, vector<16xf32>,
        %swap3A_301 = vector.shape_cast %swap3A_300 : vector<16xf32> to vector<16xf32>
        %swap3A_302 = vector.shape_cast %add3A_294 : vector<16xf32> to vector<16xf32>
        tpu.vector_store %arg25[%swap3A_299], %swap3A_302 {strides = array<i32>} : memref<13824xf32, #tpu.memory_space<vmem>>, vector<16xf32>,
        %get3A_303 = arith.constant 64 : index
        %get3A_304 = tpu.vector_load %arg13[%get3A_303] {strides = array<i32>} : memref<128xf32, #tpu.memory_space<vmem>>, vector<16xf32>,
        %get3A_305 = vector.shape_cast %get3A_304 : vector<16xf32> to vector<16xf32>
        %get3A_306 = arith.constant 64 : index
        %get3A_307 = tpu.vector_load %arg16[%get3A_306] {strides = array<i32>} : memref<128xf32, #tpu.memory_space<vmem>>, vector<16xf32>,
        %get3A_308 = vector.shape_cast %get3A_307 : vector<16xf32> to vector<16xf32>
        %sub3A_309 = arith.subf %get3A_305, %get3A_308 : vector<16xf32>
        %get3A_310 = arith.constant 64 : index
        %get3A_311 = tpu.vector_load %arg14[%get3A_310] {strides = array<i32>} : memref<128xf32, #tpu.memory_space<vmem>>, vector<16xf32>,
        %get3A_312 = vector.shape_cast %get3A_311 : vector<16xf32> to vector<16xf32>
        %get3A_313 = arith.constant 64 : index
        %get3A_314 = tpu.vector_load %arg17[%get3A_313] {strides = array<i32>} : memref<128xf32, #tpu.memory_space<vmem>>, vector<16xf32>,
        %get3A_315 = vector.shape_cast %get3A_314 : vector<16xf32> to vector<16xf32>
        %sub3A_316 = arith.subf %get3A_312, %get3A_315 : vector<16xf32>
        %get3A_317 = arith.constant 64 : index
        %get3A_318 = tpu.vector_load %arg15[%get3A_317] {strides = array<i32>} : memref<128xf32, #tpu.memory_space<vmem>>, vector<16xf32>,
        %get3A_319 = vector.shape_cast %get3A_318 : vector<16xf32> to vector<16xf32>
        %get3A_320 = arith.constant 64 : index
        %get3A_321 = tpu.vector_load %arg18[%get3A_320] {strides = array<i32>} : memref<128xf32, #tpu.memory_space<vmem>>, vector<16xf32>,
        %get3A_322 = vector.shape_cast %get3A_321 : vector<16xf32> to vector<16xf32>
        %sub3A_323 = arith.subf %get3A_319, %get3A_322 : vector<16xf32>
        %mul3A_324 = arith.mulf %sub3A_309, %sub3A_309 : vector<16xf32>
        %mul3A_325 = arith.mulf %sub3A_316, %sub3A_316 : vector<16xf32>
        %add3A_326 = arith.addf %mul3A_324, %mul3A_325 : vector<16xf32>
        %mul3A_327 = arith.mulf %sub3A_323, %sub3A_323 : vector<16xf32>
        %add3A_328 = arith.addf %add3A_326, %mul3A_327 : vector<16xf32>
        %mul3A_329 = arith.constant 128 : i32
        %mul3A_330 = arith.muli %mul3A_165, %mul3A_329 : i32
        %add3A_331 = arith.constant 64 : i32
        %add3A_332 = arith.addi %mul3A_330, %add3A_331 : i32
        %swap3A_333 = arith.index_cast %add3A_332 : i32 to index
        %swap3A_334 = tpu.vector_load %arg25[%swap3A_333] {strides = array<i32>} : memref<13824xf32, #tpu.memory_space<vmem>>, vector<16xf32>,
        %swap3A_335 = vector.shape_cast %swap3A_334 : vector<16xf32> to vector<16xf32>
        %swap3A_336 = vector.shape_cast %add3A_328 : vector<16xf32> to vector<16xf32>
        tpu.vector_store %arg25[%swap3A_333], %swap3A_336 {strides = array<i32>} : memref<13824xf32, #tpu.memory_space<vmem>>, vector<16xf32>,
        %get3A_337 = arith.constant 80 : index
        %get3A_338 = tpu.vector_load %arg13[%get3A_337] {strides = array<i32>} : memref<128xf32, #tpu.memory_space<vmem>>, vector<16xf32>,
        %get3A_339 = vector.shape_cast %get3A_338 : vector<16xf32> to vector<16xf32>
        %get3A_340 = arith.constant 80 : index
        %get3A_341 = tpu.vector_load %arg16[%get3A_340] {strides = array<i32>} : memref<128xf32, #tpu.memory_space<vmem>>, vector<16xf32>,
        %get3A_342 = vector.shape_cast %get3A_341 : vector<16xf32> to vector<16xf32>
        %sub3A_343 = arith.subf %get3A_339, %get3A_342 : vector<16xf32>
        %get3A_344 = arith.constant 80 : index
        %get3A_345 = tpu.vector_load %arg14[%get3A_344] {strides = array<i32>} : memref<128xf32, #tpu.memory_space<vmem>>, vector<16xf32>,
        %get3A_346 = vector.shape_cast %get3A_345 : vector<16xf32> to vector<16xf32>
        %get3A_347 = arith.constant 80 : index
        %get3A_348 = tpu.vector_load %arg17[%get3A_347] {strides = array<i32>} : memref<128xf32, #tpu.memory_space<vmem>>, vector<16xf32>,
        %get3A_349 = vector.shape_cast %get3A_348 : vector<16xf32> to vector<16xf32>
        %sub3A_350 = arith.subf %get3A_346, %get3A_349 : vector<16xf32>
        %get3A_351 = arith.constant 80 : index
        %get3A_352 = tpu.vector_load %arg15[%get3A_351] {strides = array<i32>} : memref<128xf32, #tpu.memory_space<vmem>>, vector<16xf32>,
        %get3A_353 = vector.shape_cast %get3A_352 : vector<16xf32> to vector<16xf32>
        %get3A_354 = arith.constant 80 : index
        %get3A_355 = tpu.vector_load %arg18[%get3A_354] {strides = array<i32>} : memref<128xf32, #tpu.memory_space<vmem>>, vector<16xf32>,
        %get3A_356 = vector.shape_cast %get3A_355 : vector<16xf32> to vector<16xf32>
        %sub3A_357 = arith.subf %get3A_353, %get3A_356 : vector<16xf32>
        %mul3A_358 = arith.mulf %sub3A_343, %sub3A_343 : vector<16xf32>
        %mul3A_359 = arith.mulf %sub3A_350, %sub3A_350 : vector<16xf32>
        %add3A_360 = arith.addf %mul3A_358, %mul3A_359 : vector<16xf32>
        %mul3A_361 = arith.mulf %sub3A_357, %sub3A_357 : vector<16xf32>
        %add3A_362 = arith.addf %add3A_360, %mul3A_361 : vector<16xf32>
        %mul3A_363 = arith.constant 128 : i32
        %mul3A_364 = arith.muli %mul3A_165, %mul3A_363 : i32
        %add3A_365 = arith.constant 80 : i32
        %add3A_366 = arith.addi %mul3A_364, %add3A_365 : i32
        %swap3A_367 = arith.index_cast %add3A_366 : i32 to index
        %swap3A_368 = tpu.vector_load %arg25[%swap3A_367] {strides = array<i32>} : memref<13824xf32, #tpu.memory_space<vmem>>, vector<16xf32>,
        %swap3A_369 = vector.shape_cast %swap3A_368 : vector<16xf32> to vector<16xf32>
        %swap3A_370 = vector.shape_cast %add3A_362 : vector<16xf32> to vector<16xf32>
        tpu.vector_store %arg25[%swap3A_367], %swap3A_370 {strides = array<i32>} : memref<13824xf32, #tpu.memory_space<vmem>>, vector<16xf32>,
        %get3A_371 = arith.constant 96 : index
        %get3A_372 = tpu.vector_load %arg13[%get3A_371] {strides = array<i32>} : memref<128xf32, #tpu.memory_space<vmem>>, vector<16xf32>,
        %get3A_373 = vector.shape_cast %get3A_372 : vector<16xf32> to vector<16xf32>
        %get3A_374 = arith.constant 96 : index
        %get3A_375 = tpu.vector_load %arg16[%get3A_374] {strides = array<i32>} : memref<128xf32, #tpu.memory_space<vmem>>, vector<16xf32>,
        %get3A_376 = vector.shape_cast %get3A_375 : vector<16xf32> to vector<16xf32>
        %sub3A_377 = arith.subf %get3A_373, %get3A_376 : vector<16xf32>
        %get3A_378 = arith.constant 96 : index
        %get3A_379 = tpu.vector_load %arg14[%get3A_378] {strides = array<i32>} : memref<128xf32, #tpu.memory_space<vmem>>, vector<16xf32>,
        %get3A_380 = vector.shape_cast %get3A_379 : vector<16xf32> to vector<16xf32>
        %get3A_381 = arith.constant 96 : index
        %get3A_382 = tpu.vector_load %arg17[%get3A_381] {strides = array<i32>} : memref<128xf32, #tpu.memory_space<vmem>>, vector<16xf32>,
        %get3A_383 = vector.shape_cast %get3A_382 : vector<16xf32> to vector<16xf32>
        %sub3A_384 = arith.subf %get3A_380, %get3A_383 : vector<16xf32>
        %get3A_385 = arith.constant 96 : index
        %get3A_386 = tpu.vector_load %arg15[%get3A_385] {strides = array<i32>} : memref<128xf32, #tpu.memory_space<vmem>>, vector<16xf32>,
        %get3A_387 = vector.shape_cast %get3A_386 : vector<16xf32> to vector<16xf32>
        %get3A_388 = arith.constant 96 : index
        %get3A_389 = tpu.vector_load %arg18[%get3A_388] {strides = array<i32>} : memref<128xf32, #tpu.memory_space<vmem>>, vector<16xf32>,
        %get3A_390 = vector.shape_cast %get3A_389 : vector<16xf32> to vector<16xf32>
        %sub3A_391 = arith.subf %get3A_387, %get3A_390 : vector<16xf32>
        %mul3A_392 = arith.mulf %sub3A_377, %sub3A_377 : vector<16xf32>
        %mul3A_393 = arith.mulf %sub3A_384, %sub3A_384 : vector<16xf32>
        %add3A_394 = arith.addf %mul3A_392, %mul3A_393 : vector<16xf32>
        %mul3A_395 = arith.mulf %sub3A_391, %sub3A_391 : vector<16xf32>
        %add3A_396 = arith.addf %add3A_394, %mul3A_395 : vector<16xf32>
        %mul3A_397 = arith.constant 128 : i32
        %mul3A_398 = arith.muli %mul3A_165, %mul3A_397 : i32
        %add3A_399 = arith.constant 96 : i32
        %add3A_400 = arith.addi %mul3A_398, %add3A_399 : i32
        %swap3A_401 = arith.index_cast %add3A_400 : i32 to index
        %swap3A_402 = tpu.vector_load %arg25[%swap3A_401] {strides = array<i32>} : memref<13824xf32, #tpu.memory_space<vmem>>, vector<16xf32>,
        %swap3A_403 = vector.shape_cast %swap3A_402 : vector<16xf32> to vector<16xf32>
        %swap3A_404 = vector.shape_cast %add3A_396 : vector<16xf32> to vector<16xf32>
        tpu.vector_store %arg25[%swap3A_401], %swap3A_404 {strides = array<i32>} : memref<13824xf32, #tpu.memory_space<vmem>>, vector<16xf32>,
        %get3A_405 = arith.constant 112 : index
        %get3A_406 = tpu.vector_load %arg13[%get3A_405] {strides = array<i32>} : memref<128xf32, #tpu.memory_space<vmem>>, vector<16xf32>,
        %get3A_407 = vector.shape_cast %get3A_406 : vector<16xf32> to vector<16xf32>
        %get3A_408 = arith.constant 112 : index
        %get3A_409 = tpu.vector_load %arg16[%get3A_408] {strides = array<i32>} : memref<128xf32, #tpu.memory_space<vmem>>, vector<16xf32>,
        %get3A_410 = vector.shape_cast %get3A_409 : vector<16xf32> to vector<16xf32>
        %sub3A_411 = arith.subf %get3A_407, %get3A_410 : vector<16xf32>
        %get3A_412 = arith.constant 112 : index
        %get3A_413 = tpu.vector_load %arg14[%get3A_412] {strides = array<i32>} : memref<128xf32, #tpu.memory_space<vmem>>, vector<16xf32>,
        %get3A_414 = vector.shape_cast %get3A_413 : vector<16xf32> to vector<16xf32>
        %get3A_415 = arith.constant 112 : index
        %get3A_416 = tpu.vector_load %arg17[%get3A_415] {strides = array<i32>} : memref<128xf32, #tpu.memory_space<vmem>>, vector<16xf32>,
        %get3A_417 = vector.shape_cast %get3A_416 : vector<16xf32> to vector<16xf32>
        %sub3A_418 = arith.subf %get3A_414, %get3A_417 : vector<16xf32>
        %get3A_419 = arith.constant 112 : index
        %get3A_420 = tpu.vector_load %arg15[%get3A_419] {strides = array<i32>} : memref<128xf32, #tpu.memory_space<vmem>>, vector<16xf32>,
        %get3A_421 = vector.shape_cast %get3A_420 : vector<16xf32> to vector<16xf32>
        %get3A_422 = arith.constant 112 : index
        %get3A_423 = tpu.vector_load %arg18[%get3A_422] {strides = array<i32>} : memref<128xf32, #tpu.memory_space<vmem>>, vector<16xf32>,
        %get3A_424 = vector.shape_cast %get3A_423 : vector<16xf32> to vector<16xf32>
        %sub3A_425 = arith.subf %get3A_421, %get3A_424 : vector<16xf32>
        %mul3A_426 = arith.mulf %sub3A_411, %sub3A_411 : vector<16xf32>
        %mul3A_427 = arith.mulf %sub3A_418, %sub3A_418 : vector<16xf32>
        %add3A_428 = arith.addf %mul3A_426, %mul3A_427 : vector<16xf32>
        %mul3A_429 = arith.mulf %sub3A_425, %sub3A_425 : vector<16xf32>
        %add3A_430 = arith.addf %add3A_428, %mul3A_429 : vector<16xf32>
        %mul3A_431 = arith.constant 128 : i32
        %mul3A_432 = arith.muli %mul3A_165, %mul3A_431 : i32
        %add3A_433 = arith.constant 112 : i32
        %add3A_434 = arith.addi %mul3A_432, %add3A_433 : i32
        %swap3A_435 = arith.index_cast %add3A_434 : i32 to index
        %swap3A_436 = tpu.vector_load %arg25[%swap3A_435] {strides = array<i32>} : memref<13824xf32, #tpu.memory_space<vmem>>, vector<16xf32>,
        %swap3A_437 = vector.shape_cast %swap3A_436 : vector<16xf32> to vector<16xf32>
        %swap3A_438 = vector.shape_cast %add3A_430 : vector<16xf32> to vector<16xf32>
        tpu.vector_store %arg25[%swap3A_435], %swap3A_438 {strides = array<i32>} : memref<13824xf32, #tpu.memory_space<vmem>>, vector<16xf32>,
        %dma_wait3A_439 = tpu.memref_slice %arg11[%mul3A_125] : memref<13824xi32, #tpu.memory_space<vmem>> -> memref<128xi32, #tpu.memory_space<vmem>>
        %dma_wait3A_440 = arith.constant 0 : i32
        %dma_wait3A_441 = tpu.memref_slice %arg2[%dma_wait3A_440] : memref<10000xf32, #tpu.memory_space<hbm>> -> memref<10000xf32, #tpu.memory_space<hbm>>
        tpu.wait_indirect_dma semaphore(%arg29 : memref<!tpu.dma_semaphore, #tpu.memory_space<semaphore_mem>>) src(%dma_wait3A_441 : memref<10000xf32, #tpu.memory_space<hbm>>) dst(%arg19 : memref<128xf32, #tpu.memory_space<vmem>>)
        %dma_wait3A_442 = tpu.memref_slice %arg11[%mul3A_125] : memref<13824xi32, #tpu.memory_space<vmem>> -> memref<128xi32, #tpu.memory_space<vmem>>
        %dma_wait3A_443 = arith.constant 0 : i32
        %dma_wait3A_444 = tpu.memref_slice %arg3[%dma_wait3A_443] : memref<10000xf32, #tpu.memory_space<hbm>> -> memref<10000xf32, #tpu.memory_space<hbm>>
        tpu.wait_indirect_dma semaphore(%arg29 : memref<!tpu.dma_semaphore, #tpu.memory_space<semaphore_mem>>) src(%dma_wait3A_444 : memref<10000xf32, #tpu.memory_space<hbm>>) dst(%arg20 : memref<128xf32, #tpu.memory_space<vmem>>)
        %dma_wait3A_445 = tpu.memref_slice %arg11[%mul3A_125] : memref<13824xi32, #tpu.memory_space<vmem>> -> memref<128xi32, #tpu.memory_space<vmem>>
        %dma_wait3A_446 = arith.constant 0 : i32
        %dma_wait3A_447 = tpu.memref_slice %arg4[%dma_wait3A_446] : memref<10000xf32, #tpu.memory_space<hbm>> -> memref<10000xf32, #tpu.memory_space<hbm>>
        tpu.wait_indirect_dma semaphore(%arg29 : memref<!tpu.dma_semaphore, #tpu.memory_space<semaphore_mem>>) src(%dma_wait3A_447 : memref<10000xf32, #tpu.memory_space<hbm>>) dst(%arg21 : memref<128xf32, #tpu.memory_space<vmem>>)
        %dma_wait3A_448 = tpu.memref_slice %arg12[%mul3A_127] : memref<13824xi32, #tpu.memory_space<vmem>> -> memref<128xi32, #tpu.memory_space<vmem>>
        %dma_wait3A_449 = arith.constant 0 : i32
        %dma_wait3A_450 = tpu.memref_slice %arg2[%dma_wait3A_449] : memref<10000xf32, #tpu.memory_space<hbm>> -> memref<10000xf32, #tpu.memory_space<hbm>>
        tpu.wait_indirect_dma semaphore(%arg29 : memref<!tpu.dma_semaphore, #tpu.memory_space<semaphore_mem>>) src(%dma_wait3A_450 : memref<10000xf32, #tpu.memory_space<hbm>>) dst(%arg22 : memref<128xf32, #tpu.memory_space<vmem>>)
        %dma_wait3A_451 = tpu.memref_slice %arg12[%mul3A_127] : memref<13824xi32, #tpu.memory_space<vmem>> -> memref<128xi32, #tpu.memory_space<vmem>>
        %dma_wait3A_452 = arith.constant 0 : i32
        %dma_wait3A_453 = tpu.memref_slice %arg3[%dma_wait3A_452] : memref<10000xf32, #tpu.memory_space<hbm>> -> memref<10000xf32, #tpu.memory_space<hbm>>
        tpu.wait_indirect_dma semaphore(%arg29 : memref<!tpu.dma_semaphore, #tpu.memory_space<semaphore_mem>>) src(%dma_wait3A_453 : memref<10000xf32, #tpu.memory_space<hbm>>) dst(%arg23 : memref<128xf32, #tpu.memory_space<vmem>>)
        %dma_wait3A_454 = tpu.memref_slice %arg12[%mul3A_127] : memref<13824xi32, #tpu.memory_space<vmem>> -> memref<128xi32, #tpu.memory_space<vmem>>
        %dma_wait3A_455 = arith.constant 0 : i32
        %dma_wait3A_456 = tpu.memref_slice %arg4[%dma_wait3A_455] : memref<10000xf32, #tpu.memory_space<hbm>> -> memref<10000xf32, #tpu.memory_space<hbm>>
        tpu.wait_indirect_dma semaphore(%arg29 : memref<!tpu.dma_semaphore, #tpu.memory_space<semaphore_mem>>) src(%dma_wait3A_456 : memref<10000xf32, #tpu.memory_space<hbm>>) dst(%arg24 : memref<128xf32, #tpu.memory_space<vmem>>)
        %get3A_457 = arith.constant 0 : index
        %get3A_458 = tpu.vector_load %arg19[%get3A_457] {strides = array<i32>} : memref<128xf32, #tpu.memory_space<vmem>>, vector<16xf32>,
        %get3A_459 = vector.shape_cast %get3A_458 : vector<16xf32> to vector<16xf32>
        %get3A_460 = arith.constant 0 : index
        %get3A_461 = tpu.vector_load %arg22[%get3A_460] {strides = array<i32>} : memref<128xf32, #tpu.memory_space<vmem>>, vector<16xf32>,
        %get3A_462 = vector.shape_cast %get3A_461 : vector<16xf32> to vector<16xf32>
        %sub3A_463 = arith.subf %get3A_459, %get3A_462 : vector<16xf32>
        %get3A_464 = arith.constant 0 : index
        %get3A_465 = tpu.vector_load %arg20[%get3A_464] {strides = array<i32>} : memref<128xf32, #tpu.memory_space<vmem>>, vector<16xf32>,
        %get3A_466 = vector.shape_cast %get3A_465 : vector<16xf32> to vector<16xf32>
        %get3A_467 = arith.constant 0 : index
        %get3A_468 = tpu.vector_load %arg23[%get3A_467] {strides = array<i32>} : memref<128xf32, #tpu.memory_space<vmem>>, vector<16xf32>,
        %get3A_469 = vector.shape_cast %get3A_468 : vector<16xf32> to vector<16xf32>
        %sub3A_470 = arith.subf %get3A_466, %get3A_469 : vector<16xf32>
        %get3A_471 = arith.constant 0 : index
        %get3A_472 = tpu.vector_load %arg21[%get3A_471] {strides = array<i32>} : memref<128xf32, #tpu.memory_space<vmem>>, vector<16xf32>,
        %get3A_473 = vector.shape_cast %get3A_472 : vector<16xf32> to vector<16xf32>
        %get3A_474 = arith.constant 0 : index
        %get3A_475 = tpu.vector_load %arg24[%get3A_474] {strides = array<i32>} : memref<128xf32, #tpu.memory_space<vmem>>, vector<16xf32>,
        %get3A_476 = vector.shape_cast %get3A_475 : vector<16xf32> to vector<16xf32>
        %sub3A_477 = arith.subf %get3A_473, %get3A_476 : vector<16xf32>
        %mul3A_478 = arith.mulf %sub3A_463, %sub3A_463 : vector<16xf32>
        %mul3A_479 = arith.mulf %sub3A_470, %sub3A_470 : vector<16xf32>
        %add3A_480 = arith.addf %mul3A_478, %mul3A_479 : vector<16xf32>
        %mul3A_481 = arith.mulf %sub3A_477, %sub3A_477 : vector<16xf32>
        %add3A_482 = arith.addf %add3A_480, %mul3A_481 : vector<16xf32>
        %mul3A_483 = arith.constant 128 : i32
        %mul3A_484 = arith.muli %add3A_169, %mul3A_483 : i32
        %add3A_485 = arith.constant 0 : i32
        %add3A_486 = arith.addi %mul3A_484, %add3A_485 : i32
        %swap3A_487 = arith.index_cast %add3A_486 : i32 to index
        %swap3A_488 = tpu.vector_load %arg25[%swap3A_487] {strides = array<i32>} : memref<13824xf32, #tpu.memory_space<vmem>>, vector<16xf32>,
        %swap3A_489 = vector.shape_cast %swap3A_488 : vector<16xf32> to vector<16xf32>
        %swap3A_490 = vector.shape_cast %add3A_482 : vector<16xf32> to vector<16xf32>
        tpu.vector_store %arg25[%swap3A_487], %swap3A_490 {strides = array<i32>} : memref<13824xf32, #tpu.memory_space<vmem>>, vector<16xf32>,
        %get3A_491 = arith.constant 16 : index
        %get3A_492 = tpu.vector_load %arg19[%get3A_491] {strides = array<i32>} : memref<128xf32, #tpu.memory_space<vmem>>, vector<16xf32>,
        %get3A_493 = vector.shape_cast %get3A_492 : vector<16xf32> to vector<16xf32>
        %get3A_494 = arith.constant 16 : index
        %get3A_495 = tpu.vector_load %arg22[%get3A_494] {strides = array<i32>} : memref<128xf32, #tpu.memory_space<vmem>>, vector<16xf32>,
        %get3A_496 = vector.shape_cast %get3A_495 : vector<16xf32> to vector<16xf32>
        %sub3A_497 = arith.subf %get3A_493, %get3A_496 : vector<16xf32>
        %get3A_498 = arith.constant 16 : index
        %get3A_499 = tpu.vector_load %arg20[%get3A_498] {strides = array<i32>} : memref<128xf32, #tpu.memory_space<vmem>>, vector<16xf32>,
        %get3A_500 = vector.shape_cast %get3A_499 : vector<16xf32> to vector<16xf32>
        %get3A_501 = arith.constant 16 : index
        %get3A_502 = tpu.vector_load %arg23[%get3A_501] {strides = array<i32>} : memref<128xf32, #tpu.memory_space<vmem>>, vector<16xf32>,
        %get3A_503 = vector.shape_cast %get3A_502 : vector<16xf32> to vector<16xf32>
        %sub3A_504 = arith.subf %get3A_500, %get3A_503 : vector<16xf32>
        %get3A_505 = arith.constant 16 : index
        %get3A_506 = tpu.vector_load %arg21[%get3A_505] {strides = array<i32>} : memref<128xf32, #tpu.memory_space<vmem>>, vector<16xf32>,
        %get3A_507 = vector.shape_cast %get3A_506 : vector<16xf32> to vector<16xf32>
        %get3A_508 = arith.constant 16 : index
        %get3A_509 = tpu.vector_load %arg24[%get3A_508] {strides = array<i32>} : memref<128xf32, #tpu.memory_space<vmem>>, vector<16xf32>,
        %get3A_510 = vector.shape_cast %get3A_509 : vector<16xf32> to vector<16xf32>
        %sub3A_511 = arith.subf %get3A_507, %get3A_510 : vector<16xf32>
        %mul3A_512 = arith.mulf %sub3A_497, %sub3A_497 : vector<16xf32>
        %mul3A_513 = arith.mulf %sub3A_504, %sub3A_504 : vector<16xf32>
        %add3A_514 = arith.addf %mul3A_512, %mul3A_513 : vector<16xf32>
        %mul3A_515 = arith.mulf %sub3A_511, %sub3A_511 : vector<16xf32>
        %add3A_516 = arith.addf %add3A_514, %mul3A_515 : vector<16xf32>
        %mul3A_517 = arith.constant 128 : i32
        %mul3A_518 = arith.muli %add3A_169, %mul3A_517 : i32
        %add3A_519 = arith.constant 16 : i32
        %add3A_520 = arith.addi %mul3A_518, %add3A_519 : i32
        %swap3A_521 = arith.index_cast %add3A_520 : i32 to index
        %swap3A_522 = tpu.vector_load %arg25[%swap3A_521] {strides = array<i32>} : memref<13824xf32, #tpu.memory_space<vmem>>, vector<16xf32>,
        %swap3A_523 = vector.shape_cast %swap3A_522 : vector<16xf32> to vector<16xf32>
        %swap3A_524 = vector.shape_cast %add3A_516 : vector<16xf32> to vector<16xf32>
        tpu.vector_store %arg25[%swap3A_521], %swap3A_524 {strides = array<i32>} : memref<13824xf32, #tpu.memory_space<vmem>>, vector<16xf32>,
        %get3A_525 = arith.constant 32 : index
        %get3A_526 = tpu.vector_load %arg19[%get3A_525] {strides = array<i32>} : memref<128xf32, #tpu.memory_space<vmem>>, vector<16xf32>,
        %get3A_527 = vector.shape_cast %get3A_526 : vector<16xf32> to vector<16xf32>
        %get3A_528 = arith.constant 32 : index
        %get3A_529 = tpu.vector_load %arg22[%get3A_528] {strides = array<i32>} : memref<128xf32, #tpu.memory_space<vmem>>, vector<16xf32>,
        %get3A_530 = vector.shape_cast %get3A_529 : vector<16xf32> to vector<16xf32>
        %sub3A_531 = arith.subf %get3A_527, %get3A_530 : vector<16xf32>
        %get3A_532 = arith.constant 32 : index
        %get3A_533 = tpu.vector_load %arg20[%get3A_532] {strides = array<i32>} : memref<128xf32, #tpu.memory_space<vmem>>, vector<16xf32>,
        %get3A_534 = vector.shape_cast %get3A_533 : vector<16xf32> to vector<16xf32>
        %get3A_535 = arith.constant 32 : index
        %get3A_536 = tpu.vector_load %arg23[%get3A_535] {strides = array<i32>} : memref<128xf32, #tpu.memory_space<vmem>>, vector<16xf32>,
        %get3A_537 = vector.shape_cast %get3A_536 : vector<16xf32> to vector<16xf32>
        %sub3A_538 = arith.subf %get3A_534, %get3A_537 : vector<16xf32>
        %get3A_539 = arith.constant 32 : index
        %get3A_540 = tpu.vector_load %arg21[%get3A_539] {strides = array<i32>} : memref<128xf32, #tpu.memory_space<vmem>>, vector<16xf32>,
        %get3A_541 = vector.shape_cast %get3A_540 : vector<16xf32> to vector<16xf32>
        %get3A_542 = arith.constant 32 : index
        %get3A_543 = tpu.vector_load %arg24[%get3A_542] {strides = array<i32>} : memref<128xf32, #tpu.memory_space<vmem>>, vector<16xf32>,
        %get3A_544 = vector.shape_cast %get3A_543 : vector<16xf32> to vector<16xf32>
        %sub3A_545 = arith.subf %get3A_541, %get3A_544 : vector<16xf32>
        %mul3A_546 = arith.mulf %sub3A_531, %sub3A_531 : vector<16xf32>
        %mul3A_547 = arith.mulf %sub3A_538, %sub3A_538 : vector<16xf32>
        %add3A_548 = arith.addf %mul3A_546, %mul3A_547 : vector<16xf32>
        %mul3A_549 = arith.mulf %sub3A_545, %sub3A_545 : vector<16xf32>
        %add3A_550 = arith.addf %add3A_548, %mul3A_549 : vector<16xf32>
        %mul3A_551 = arith.constant 128 : i32
        %mul3A_552 = arith.muli %add3A_169, %mul3A_551 : i32
        %add3A_553 = arith.constant 32 : i32
        %add3A_554 = arith.addi %mul3A_552, %add3A_553 : i32
        %swap3A_555 = arith.index_cast %add3A_554 : i32 to index
        %swap3A_556 = tpu.vector_load %arg25[%swap3A_555] {strides = array<i32>} : memref<13824xf32, #tpu.memory_space<vmem>>, vector<16xf32>,
        %swap3A_557 = vector.shape_cast %swap3A_556 : vector<16xf32> to vector<16xf32>
        %swap3A_558 = vector.shape_cast %add3A_550 : vector<16xf32> to vector<16xf32>
        tpu.vector_store %arg25[%swap3A_555], %swap3A_558 {strides = array<i32>} : memref<13824xf32, #tpu.memory_space<vmem>>, vector<16xf32>,
        %get3A_559 = arith.constant 48 : index
        %get3A_560 = tpu.vector_load %arg19[%get3A_559] {strides = array<i32>} : memref<128xf32, #tpu.memory_space<vmem>>, vector<16xf32>,
        %get3A_561 = vector.shape_cast %get3A_560 : vector<16xf32> to vector<16xf32>
        %get3A_562 = arith.constant 48 : index
        %get3A_563 = tpu.vector_load %arg22[%get3A_562] {strides = array<i32>} : memref<128xf32, #tpu.memory_space<vmem>>, vector<16xf32>,
        %get3A_564 = vector.shape_cast %get3A_563 : vector<16xf32> to vector<16xf32>
        %sub3A_565 = arith.subf %get3A_561, %get3A_564 : vector<16xf32>
        %get3A_566 = arith.constant 48 : index
        %get3A_567 = tpu.vector_load %arg20[%get3A_566] {strides = array<i32>} : memref<128xf32, #tpu.memory_space<vmem>>, vector<16xf32>,
        %get3A_568 = vector.shape_cast %get3A_567 : vector<16xf32> to vector<16xf32>
        %get3A_569 = arith.constant 48 : index
        %get3A_570 = tpu.vector_load %arg23[%get3A_569] {strides = array<i32>} : memref<128xf32, #tpu.memory_space<vmem>>, vector<16xf32>,
        %get3A_571 = vector.shape_cast %get3A_570 : vector<16xf32> to vector<16xf32>
        %sub3A_572 = arith.subf %get3A_568, %get3A_571 : vector<16xf32>
        %get3A_573 = arith.constant 48 : index
        %get3A_574 = tpu.vector_load %arg21[%get3A_573] {strides = array<i32>} : memref<128xf32, #tpu.memory_space<vmem>>, vector<16xf32>,
        %get3A_575 = vector.shape_cast %get3A_574 : vector<16xf32> to vector<16xf32>
        %get3A_576 = arith.constant 48 : index
        %get3A_577 = tpu.vector_load %arg24[%get3A_576] {strides = array<i32>} : memref<128xf32, #tpu.memory_space<vmem>>, vector<16xf32>,
        %get3A_578 = vector.shape_cast %get3A_577 : vector<16xf32> to vector<16xf32>
        %sub3A_579 = arith.subf %get3A_575, %get3A_578 : vector<16xf32>
        %mul3A_580 = arith.mulf %sub3A_565, %sub3A_565 : vector<16xf32>
        %mul3A_581 = arith.mulf %sub3A_572, %sub3A_572 : vector<16xf32>
        %add3A_582 = arith.addf %mul3A_580, %mul3A_581 : vector<16xf32>
        %mul3A_583 = arith.mulf %sub3A_579, %sub3A_579 : vector<16xf32>
        %add3A_584 = arith.addf %add3A_582, %mul3A_583 : vector<16xf32>
        %mul3A_585 = arith.constant 128 : i32
        %mul3A_586 = arith.muli %add3A_169, %mul3A_585 : i32
        %add3A_587 = arith.constant 48 : i32
        %add3A_588 = arith.addi %mul3A_586, %add3A_587 : i32
        %swap3A_589 = arith.index_cast %add3A_588 : i32 to index
        %swap3A_590 = tpu.vector_load %arg25[%swap3A_589] {strides = array<i32>} : memref<13824xf32, #tpu.memory_space<vmem>>, vector<16xf32>,
        %swap3A_591 = vector.shape_cast %swap3A_590 : vector<16xf32> to vector<16xf32>
        %swap3A_592 = vector.shape_cast %add3A_584 : vector<16xf32> to vector<16xf32>
        tpu.vector_store %arg25[%swap3A_589], %swap3A_592 {strides = array<i32>} : memref<13824xf32, #tpu.memory_space<vmem>>, vector<16xf32>,
        %get3A_593 = arith.constant 64 : index
        %get3A_594 = tpu.vector_load %arg19[%get3A_593] {strides = array<i32>} : memref<128xf32, #tpu.memory_space<vmem>>, vector<16xf32>,
        %get3A_595 = vector.shape_cast %get3A_594 : vector<16xf32> to vector<16xf32>
        %get3A_596 = arith.constant 64 : index
        %get3A_597 = tpu.vector_load %arg22[%get3A_596] {strides = array<i32>} : memref<128xf32, #tpu.memory_space<vmem>>, vector<16xf32>,
        %get3A_598 = vector.shape_cast %get3A_597 : vector<16xf32> to vector<16xf32>
        %sub3A_599 = arith.subf %get3A_595, %get3A_598 : vector<16xf32>
        %get3A_600 = arith.constant 64 : index
        %get3A_601 = tpu.vector_load %arg20[%get3A_600] {strides = array<i32>} : memref<128xf32, #tpu.memory_space<vmem>>, vector<16xf32>,
        %get3A_602 = vector.shape_cast %get3A_601 : vector<16xf32> to vector<16xf32>
        %get3A_603 = arith.constant 64 : index
        %get3A_604 = tpu.vector_load %arg23[%get3A_603] {strides = array<i32>} : memref<128xf32, #tpu.memory_space<vmem>>, vector<16xf32>,
        %get3A_605 = vector.shape_cast %get3A_604 : vector<16xf32> to vector<16xf32>
        %sub3A_606 = arith.subf %get3A_602, %get3A_605 : vector<16xf32>
        %get3A_607 = arith.constant 64 : index
        %get3A_608 = tpu.vector_load %arg21[%get3A_607] {strides = array<i32>} : memref<128xf32, #tpu.memory_space<vmem>>, vector<16xf32>,
        %get3A_609 = vector.shape_cast %get3A_608 : vector<16xf32> to vector<16xf32>
        %get3A_610 = arith.constant 64 : index
        %get3A_611 = tpu.vector_load %arg24[%get3A_610] {strides = array<i32>} : memref<128xf32, #tpu.memory_space<vmem>>, vector<16xf32>,
        %get3A_612 = vector.shape_cast %get3A_611 : vector<16xf32> to vector<16xf32>
        %sub3A_613 = arith.subf %get3A_609, %get3A_612 : vector<16xf32>
        %mul3A_614 = arith.mulf %sub3A_599, %sub3A_599 : vector<16xf32>
        %mul3A_615 = arith.mulf %sub3A_606, %sub3A_606 : vector<16xf32>
        %add3A_616 = arith.addf %mul3A_614, %mul3A_615 : vector<16xf32>
        %mul3A_617 = arith.mulf %sub3A_613, %sub3A_613 : vector<16xf32>
        %add3A_618 = arith.addf %add3A_616, %mul3A_617 : vector<16xf32>
        %mul3A_619 = arith.constant 128 : i32
        %mul3A_620 = arith.muli %add3A_169, %mul3A_619 : i32
        %add3A_621 = arith.constant 64 : i32
        %add3A_622 = arith.addi %mul3A_620, %add3A_621 : i32
        %swap3A_623 = arith.index_cast %add3A_622 : i32 to index
        %swap3A_624 = tpu.vector_load %arg25[%swap3A_623] {strides = array<i32>} : memref<13824xf32, #tpu.memory_space<vmem>>, vector<16xf32>,
        %swap3A_625 = vector.shape_cast %swap3A_624 : vector<16xf32> to vector<16xf32>
        %swap3A_626 = vector.shape_cast %add3A_618 : vector<16xf32> to vector<16xf32>
        tpu.vector_store %arg25[%swap3A_623], %swap3A_626 {strides = array<i32>} : memref<13824xf32, #tpu.memory_space<vmem>>, vector<16xf32>,
        %get3A_627 = arith.constant 80 : index
        %get3A_628 = tpu.vector_load %arg19[%get3A_627] {strides = array<i32>} : memref<128xf32, #tpu.memory_space<vmem>>, vector<16xf32>,
        %get3A_629 = vector.shape_cast %get3A_628 : vector<16xf32> to vector<16xf32>
        %get3A_630 = arith.constant 80 : index
        %get3A_631 = tpu.vector_load %arg22[%get3A_630] {strides = array<i32>} : memref<128xf32, #tpu.memory_space<vmem>>, vector<16xf32>,
        %get3A_632 = vector.shape_cast %get3A_631 : vector<16xf32> to vector<16xf32>
        %sub3A_633 = arith.subf %get3A_629, %get3A_632 : vector<16xf32>
        %get3A_634 = arith.constant 80 : index
        %get3A_635 = tpu.vector_load %arg20[%get3A_634] {strides = array<i32>} : memref<128xf32, #tpu.memory_space<vmem>>, vector<16xf32>,
        %get3A_636 = vector.shape_cast %get3A_635 : vector<16xf32> to vector<16xf32>
        %get3A_637 = arith.constant 80 : index
        %get3A_638 = tpu.vector_load %arg23[%get3A_637] {strides = array<i32>} : memref<128xf32, #tpu.memory_space<vmem>>, vector<16xf32>,
        %get3A_639 = vector.shape_cast %get3A_638 : vector<16xf32> to vector<16xf32>
        %sub3A_640 = arith.subf %get3A_636, %get3A_639 : vector<16xf32>
        %get3A_641 = arith.constant 80 : index
        %get3A_642 = tpu.vector_load %arg21[%get3A_641] {strides = array<i32>} : memref<128xf32, #tpu.memory_space<vmem>>, vector<16xf32>,
        %get3A_643 = vector.shape_cast %get3A_642 : vector<16xf32> to vector<16xf32>
        %get3A_644 = arith.constant 80 : index
        %get3A_645 = tpu.vector_load %arg24[%get3A_644] {strides = array<i32>} : memref<128xf32, #tpu.memory_space<vmem>>, vector<16xf32>,
        %get3A_646 = vector.shape_cast %get3A_645 : vector<16xf32> to vector<16xf32>
        %sub3A_647 = arith.subf %get3A_643, %get3A_646 : vector<16xf32>
        %mul3A_648 = arith.mulf %sub3A_633, %sub3A_633 : vector<16xf32>
        %mul3A_649 = arith.mulf %sub3A_640, %sub3A_640 : vector<16xf32>
        %add3A_650 = arith.addf %mul3A_648, %mul3A_649 : vector<16xf32>
        %mul3A_651 = arith.mulf %sub3A_647, %sub3A_647 : vector<16xf32>
        %add3A_652 = arith.addf %add3A_650, %mul3A_651 : vector<16xf32>
        %mul3A_653 = arith.constant 128 : i32
        %mul3A_654 = arith.muli %add3A_169, %mul3A_653 : i32
        %add3A_655 = arith.constant 80 : i32
        %add3A_656 = arith.addi %mul3A_654, %add3A_655 : i32
        %swap3A_657 = arith.index_cast %add3A_656 : i32 to index
        %swap3A_658 = tpu.vector_load %arg25[%swap3A_657] {strides = array<i32>} : memref<13824xf32, #tpu.memory_space<vmem>>, vector<16xf32>,
        %swap3A_659 = vector.shape_cast %swap3A_658 : vector<16xf32> to vector<16xf32>
        %swap3A_660 = vector.shape_cast %add3A_652 : vector<16xf32> to vector<16xf32>
        tpu.vector_store %arg25[%swap3A_657], %swap3A_660 {strides = array<i32>} : memref<13824xf32, #tpu.memory_space<vmem>>, vector<16xf32>,
        %get3A_661 = arith.constant 96 : index
        %get3A_662 = tpu.vector_load %arg19[%get3A_661] {strides = array<i32>} : memref<128xf32, #tpu.memory_space<vmem>>, vector<16xf32>,
        %get3A_663 = vector.shape_cast %get3A_662 : vector<16xf32> to vector<16xf32>
        %get3A_664 = arith.constant 96 : index
        %get3A_665 = tpu.vector_load %arg22[%get3A_664] {strides = array<i32>} : memref<128xf32, #tpu.memory_space<vmem>>, vector<16xf32>,
        %get3A_666 = vector.shape_cast %get3A_665 : vector<16xf32> to vector<16xf32>
        %sub3A_667 = arith.subf %get3A_663, %get3A_666 : vector<16xf32>
        %get3A_668 = arith.constant 96 : index
        %get3A_669 = tpu.vector_load %arg20[%get3A_668] {strides = array<i32>} : memref<128xf32, #tpu.memory_space<vmem>>, vector<16xf32>,
        %get3A_670 = vector.shape_cast %get3A_669 : vector<16xf32> to vector<16xf32>
        %get3A_671 = arith.constant 96 : index
        %get3A_672 = tpu.vector_load %arg23[%get3A_671] {strides = array<i32>} : memref<128xf32, #tpu.memory_space<vmem>>, vector<16xf32>,
        %get3A_673 = vector.shape_cast %get3A_672 : vector<16xf32> to vector<16xf32>
        %sub3A_674 = arith.subf %get3A_670, %get3A_673 : vector<16xf32>
        %get3A_675 = arith.constant 96 : index
        %get3A_676 = tpu.vector_load %arg21[%get3A_675] {strides = array<i32>} : memref<128xf32, #tpu.memory_space<vmem>>, vector<16xf32>,
        %get3A_677 = vector.shape_cast %get3A_676 : vector<16xf32> to vector<16xf32>
        %get3A_678 = arith.constant 96 : index
        %get3A_679 = tpu.vector_load %arg24[%get3A_678] {strides = array<i32>} : memref<128xf32, #tpu.memory_space<vmem>>, vector<16xf32>,
        %get3A_680 = vector.shape_cast %get3A_679 : vector<16xf32> to vector<16xf32>
        %sub3A_681 = arith.subf %get3A_677, %get3A_680 : vector<16xf32>
        %mul3A_682 = arith.mulf %sub3A_667, %sub3A_667 : vector<16xf32>
        %mul3A_683 = arith.mulf %sub3A_674, %sub3A_674 : vector<16xf32>
        %add3A_684 = arith.addf %mul3A_682, %mul3A_683 : vector<16xf32>
        %mul3A_685 = arith.mulf %sub3A_681, %sub3A_681 : vector<16xf32>
        %add3A_686 = arith.addf %add3A_684, %mul3A_685 : vector<16xf32>
        %mul3A_687 = arith.constant 128 : i32
        %mul3A_688 = arith.muli %add3A_169, %mul3A_687 : i32
        %add3A_689 = arith.constant 96 : i32
        %add3A_690 = arith.addi %mul3A_688, %add3A_689 : i32
        %swap3A_691 = arith.index_cast %add3A_690 : i32 to index
        %swap3A_692 = tpu.vector_load %arg25[%swap3A_691] {strides = array<i32>} : memref<13824xf32, #tpu.memory_space<vmem>>, vector<16xf32>,
        %swap3A_693 = vector.shape_cast %swap3A_692 : vector<16xf32> to vector<16xf32>
        %swap3A_694 = vector.shape_cast %add3A_686 : vector<16xf32> to vector<16xf32>
        tpu.vector_store %arg25[%swap3A_691], %swap3A_694 {strides = array<i32>} : memref<13824xf32, #tpu.memory_space<vmem>>, vector<16xf32>,
        %get3A_695 = arith.constant 112 : index
        %get3A_696 = tpu.vector_load %arg19[%get3A_695] {strides = array<i32>} : memref<128xf32, #tpu.memory_space<vmem>>, vector<16xf32>,
        %get3A_697 = vector.shape_cast %get3A_696 : vector<16xf32> to vector<16xf32>
        %get3A_698 = arith.constant 112 : index
        %get3A_699 = tpu.vector_load %arg22[%get3A_698] {strides = array<i32>} : memref<128xf32, #tpu.memory_space<vmem>>, vector<16xf32>,
        %get3A_700 = vector.shape_cast %get3A_699 : vector<16xf32> to vector<16xf32>
        %sub3A_701 = arith.subf %get3A_697, %get3A_700 : vector<16xf32>
        %get3A_702 = arith.constant 112 : index
        %get3A_703 = tpu.vector_load %arg20[%get3A_702] {strides = array<i32>} : memref<128xf32, #tpu.memory_space<vmem>>, vector<16xf32>,
        %get3A_704 = vector.shape_cast %get3A_703 : vector<16xf32> to vector<16xf32>
        %get3A_705 = arith.constant 112 : index
        %get3A_706 = tpu.vector_load %arg23[%get3A_705] {strides = array<i32>} : memref<128xf32, #tpu.memory_space<vmem>>, vector<16xf32>,
        %get3A_707 = vector.shape_cast %get3A_706 : vector<16xf32> to vector<16xf32>
        %sub3A_708 = arith.subf %get3A_704, %get3A_707 : vector<16xf32>
        %get3A_709 = arith.constant 112 : index
        %get3A_710 = tpu.vector_load %arg21[%get3A_709] {strides = array<i32>} : memref<128xf32, #tpu.memory_space<vmem>>, vector<16xf32>,
        %get3A_711 = vector.shape_cast %get3A_710 : vector<16xf32> to vector<16xf32>
        %get3A_712 = arith.constant 112 : index
        %get3A_713 = tpu.vector_load %arg24[%get3A_712] {strides = array<i32>} : memref<128xf32, #tpu.memory_space<vmem>>, vector<16xf32>,
        %get3A_714 = vector.shape_cast %get3A_713 : vector<16xf32> to vector<16xf32>
        %sub3A_715 = arith.subf %get3A_711, %get3A_714 : vector<16xf32>
        %mul3A_716 = arith.mulf %sub3A_701, %sub3A_701 : vector<16xf32>
        %mul3A_717 = arith.mulf %sub3A_708, %sub3A_708 : vector<16xf32>
        %add3A_718 = arith.addf %mul3A_716, %mul3A_717 : vector<16xf32>
        %mul3A_719 = arith.mulf %sub3A_715, %sub3A_715 : vector<16xf32>
        %add3A_720 = arith.addf %add3A_718, %mul3A_719 : vector<16xf32>
        %mul3A_721 = arith.constant 128 : i32
        %mul3A_722 = arith.muli %add3A_169, %mul3A_721 : i32
        %add3A_723 = arith.constant 112 : i32
        %add3A_724 = arith.addi %mul3A_722, %add3A_723 : i32
        %swap3A_725 = arith.index_cast %add3A_724 : i32 to index
        %swap3A_726 = tpu.vector_load %arg25[%swap3A_725] {strides = array<i32>} : memref<13824xf32, #tpu.memory_space<vmem>>, vector<16xf32>,
        %swap3A_727 = vector.shape_cast %swap3A_726 : vector<16xf32> to vector<16xf32>
        %swap3A_728 = vector.shape_cast %add3A_720 : vector<16xf32> to vector<16xf32>
        tpu.vector_store %arg25[%swap3A_725], %swap3A_728 {strides = array<i32>} : memref<13824xf32, #tpu.memory_space<vmem>>, vector<16xf32>,
      }
      %scan3A_92 = arith.constant 54 : i32
      %mul3A_93 = arith.constant 13824 : i32
      %mul3A_94 = arith.muli %arg1, %mul3A_93 : i32
      "tpu.region"() ({
        %run_scoped3A = tpu.sem_alloc : memref<!tpu.dma_semaphore, #tpu.memory_space<semaphore_mem>>
        %dma_start3A_95 = arith.constant 0 : i32
        %dma_start3A_96 = tpu.memref_slice %arg25[%dma_start3A_95] : memref<13824xf32, #tpu.memory_space<vmem>> -> memref<13824xf32, #tpu.memory_space<vmem>>
        %dma_start3A_97 = tpu.memref_slice %arg9[%mul3A_94] : memref<327680xf32, #tpu.memory_space<hbm>> -> memref<13824xf32, #tpu.memory_space<hbm>>
        %dma_start3A_98 = tpu.memref_slice %arg9[%mul3A_94] : memref<327680xf32, #tpu.memory_space<hbm>> -> memref<13824xf32, #tpu.memory_space<hbm>>
        %dma_start3A_99 = arith.constant 0 : i32
        %dma_start3A_100 = tpu.memref_slice %arg25[%dma_start3A_99] : memref<13824xf32, #tpu.memory_space<vmem>> -> memref<13824xf32, #tpu.memory_space<vmem>>
        tpu.enqueue_dma source(%dma_start3A_100 : memref<13824xf32, #tpu.memory_space<vmem>>) target(%dma_start3A_98 : memref<13824xf32, #tpu.memory_space<hbm>>) target_semaphore(%run_scoped3A : memref<!tpu.dma_semaphore, #tpu.memory_space<semaphore_mem>>)
        %dma_wait3A_101 = arith.constant 0 : i32
        %dma_wait3A_102 = tpu.memref_slice %arg25[%dma_wait3A_101] : memref<13824xf32, #tpu.memory_space<vmem>> -> memref<13824xf32, #tpu.memory_space<vmem>>
        %dma_wait3A_103 = tpu.memref_slice %arg9[%mul3A_94] : memref<327680xf32, #tpu.memory_space<hbm>> -> memref<13824xf32, #tpu.memory_space<hbm>>
        %dma_wait3A_104 = tpu.memref_slice %arg9[%mul3A_94] : memref<327680xf32, #tpu.memory_space<hbm>> -> memref<13824xf32, #tpu.memory_space<hbm>>
        %dma_wait3A_105 = arith.constant 0 : i32
        %dma_wait3A_106 = tpu.memref_slice %arg25[%dma_wait3A_105] : memref<13824xf32, #tpu.memory_space<vmem>> -> memref<13824xf32, #tpu.memory_space<vmem>>
        tpu.wait_dma2 semaphore(%run_scoped3A : memref<!tpu.dma_semaphore, #tpu.memory_space<semaphore_mem>>) src(%dma_wait3A_106 : memref<13824xf32, #tpu.memory_space<vmem>>) dst(%dma_wait3A_104 : memref<13824xf32, #tpu.memory_space<hbm>>)
        tpu.yield
      }) : () -> ()
    } else {
    }
    %eq3A_15 = arith.constant 1 : i32
    %eq3A_16 = arith.cmpi eq, %arg0, %eq3A_15 : i32
    %convert_element_type3A_17 = arith.extui %eq3A_16 : i1 to i32
    %cond3A_18 = arith.constant 0 : i32
    %cond3A_19 = arith.cmpi ne, %convert_element_type3A_17, %cond3A_18 : i32
    scf.if %cond3A_19 {
      %mul3A_84 = arith.constant 6656 : i32
      %mul3A_85 = arith.muli %arg1, %mul3A_84 : i32
      %add3A_86 = arith.constant 221184 : i32
      %add3A_87 = arith.addi %add3A_86, %mul3A_85 : i32
      "tpu.region"() ({
        %run_scoped3A = tpu.sem_alloc : memref<!tpu.dma_semaphore, #tpu.memory_space<semaphore_mem>>
        %dma_start3A_93 = arith.constant 0 : i32
        %dma_start3A_94 = tpu.memref_slice %arg11[%dma_start3A_93] : memref<13824xi32, #tpu.memory_space<vmem>> -> memref<6656xi32, #tpu.memory_space<vmem>>
        %dma_start3A_95 = tpu.memref_slice %arg5[%add3A_87] : memref<327680xi32, #tpu.memory_space<hbm>> -> memref<6656xi32, #tpu.memory_space<hbm>>
        %dma_start3A_96 = arith.constant 0 : i32
        %dma_start3A_97 = tpu.memref_slice %arg11[%dma_start3A_96] : memref<13824xi32, #tpu.memory_space<vmem>> -> memref<6656xi32, #tpu.memory_space<vmem>>
        %dma_start3A_98 = tpu.memref_slice %arg5[%add3A_87] : memref<327680xi32, #tpu.memory_space<hbm>> -> memref<6656xi32, #tpu.memory_space<hbm>>
        tpu.enqueue_dma source(%dma_start3A_98 : memref<6656xi32, #tpu.memory_space<hbm>>) target(%dma_start3A_97 : memref<6656xi32, #tpu.memory_space<vmem>>) target_semaphore(%run_scoped3A : memref<!tpu.dma_semaphore, #tpu.memory_space<semaphore_mem>>)
        %dma_wait3A_99 = arith.constant 0 : i32
        %dma_wait3A_100 = tpu.memref_slice %arg11[%dma_wait3A_99] : memref<13824xi32, #tpu.memory_space<vmem>> -> memref<6656xi32, #tpu.memory_space<vmem>>
        %dma_wait3A_101 = tpu.memref_slice %arg5[%add3A_87] : memref<327680xi32, #tpu.memory_space<hbm>> -> memref<6656xi32, #tpu.memory_space<hbm>>
        %dma_wait3A_102 = arith.constant 0 : i32
        %dma_wait3A_103 = tpu.memref_slice %arg11[%dma_wait3A_102] : memref<13824xi32, #tpu.memory_space<vmem>> -> memref<6656xi32, #tpu.memory_space<vmem>>
        %dma_wait3A_104 = tpu.memref_slice %arg5[%add3A_87] : memref<327680xi32, #tpu.memory_space<hbm>> -> memref<6656xi32, #tpu.memory_space<hbm>>
        tpu.wait_dma2 semaphore(%run_scoped3A : memref<!tpu.dma_semaphore, #tpu.memory_space<semaphore_mem>>) src(%dma_wait3A_104 : memref<6656xi32, #tpu.memory_space<hbm>>) dst(%dma_wait3A_103 : memref<6656xi32, #tpu.memory_space<vmem>>)
        tpu.yield
      }) : () -> ()
      "tpu.region"() ({
        %run_scoped3A = tpu.sem_alloc : memref<!tpu.dma_semaphore, #tpu.memory_space<semaphore_mem>>
        %dma_start3A_93 = arith.constant 0 : i32
        %dma_start3A_94 = tpu.memref_slice %arg12[%dma_start3A_93] : memref<13824xi32, #tpu.memory_space<vmem>> -> memref<6656xi32, #tpu.memory_space<vmem>>
        %dma_start3A_95 = tpu.memref_slice %arg6[%add3A_87] : memref<327680xi32, #tpu.memory_space<hbm>> -> memref<6656xi32, #tpu.memory_space<hbm>>
        %dma_start3A_96 = arith.constant 0 : i32
        %dma_start3A_97 = tpu.memref_slice %arg12[%dma_start3A_96] : memref<13824xi32, #tpu.memory_space<vmem>> -> memref<6656xi32, #tpu.memory_space<vmem>>
        %dma_start3A_98 = tpu.memref_slice %arg6[%add3A_87] : memref<327680xi32, #tpu.memory_space<hbm>> -> memref<6656xi32, #tpu.memory_space<hbm>>
        tpu.enqueue_dma source(%dma_start3A_98 : memref<6656xi32, #tpu.memory_space<hbm>>) target(%dma_start3A_97 : memref<6656xi32, #tpu.memory_space<vmem>>) target_semaphore(%run_scoped3A : memref<!tpu.dma_semaphore, #tpu.memory_space<semaphore_mem>>)
        %dma_wait3A_99 = arith.constant 0 : i32
        %dma_wait3A_100 = tpu.memref_slice %arg12[%dma_wait3A_99] : memref<13824xi32, #tpu.memory_space<vmem>> -> memref<6656xi32, #tpu.memory_space<vmem>>
        %dma_wait3A_101 = tpu.memref_slice %arg6[%add3A_87] : memref<327680xi32, #tpu.memory_space<hbm>> -> memref<6656xi32, #tpu.memory_space<hbm>>
        %dma_wait3A_102 = arith.constant 0 : i32
        %dma_wait3A_103 = tpu.memref_slice %arg12[%dma_wait3A_102] : memref<13824xi32, #tpu.memory_space<vmem>> -> memref<6656xi32, #tpu.memory_space<vmem>>
        %dma_wait3A_104 = tpu.memref_slice %arg6[%add3A_87] : memref<327680xi32, #tpu.memory_space<hbm>> -> memref<6656xi32, #tpu.memory_space<hbm>>
        tpu.wait_dma2 semaphore(%run_scoped3A : memref<!tpu.dma_semaphore, #tpu.memory_space<semaphore_mem>>) src(%dma_wait3A_104 : memref<6656xi32, #tpu.memory_space<hbm>>) dst(%dma_wait3A_103 : memref<6656xi32, #tpu.memory_space<vmem>>)
        tpu.yield
      }) : () -> ()
      %scan3A = arith.constant 0 : i32
      %scan3A_88 = arith.constant 0 : i32
      %scan3A_89 = arith.constant 26 : i32
      %scan3A_90 = arith.addi %scan3A_88, %scan3A_89 : i32
      %scan3A_91 = arith.constant 1 : i32
      scf.for %scan3A_93 = %scan3A_88 to %scan3A_90 step %scan3A_91  : i32 {
        %mul3A_94 = arith.constant 2 : i32
        %mul3A_95 = arith.muli %mul3A_94, %scan3A_93 : i32
        %mul3A_96 = arith.constant 128 : i32
        %mul3A_97 = arith.muli %mul3A_95, %mul3A_96 : i32
        %mul3A_98 = arith.constant 128 : i32
        %mul3A_99 = arith.muli %mul3A_95, %mul3A_98 : i32
        %dma_start3A_100 = tpu.memref_slice %arg11[%mul3A_97] : memref<13824xi32, #tpu.memory_space<vmem>> -> memref<128xi32, #tpu.memory_space<vmem>>
        %dma_start3A_101 = arith.constant 0 : i32
        %dma_start3A_102 = tpu.memref_slice %arg2[%dma_start3A_101] : memref<10000xf32, #tpu.memory_space<hbm>> -> memref<10000xf32, #tpu.memory_space<hbm>>
        tpu.enqueue_indirect_dma source(%dma_start3A_102 : memref<10000xf32, #tpu.memory_space<hbm>>) target(%arg13 : memref<128xf32, #tpu.memory_space<vmem>>) offsets(%dma_start3A_100 : memref<128xi32, #tpu.memory_space<vmem>>) semaphore(%arg28 : memref<!tpu.dma_semaphore, #tpu.memory_space<semaphore_mem>>)
        %dma_start3A_103 = tpu.memref_slice %arg11[%mul3A_97] : memref<13824xi32, #tpu.memory_space<vmem>> -> memref<128xi32, #tpu.memory_space<vmem>>
        %dma_start3A_104 = arith.constant 0 : i32
        %dma_start3A_105 = tpu.memref_slice %arg3[%dma_start3A_104] : memref<10000xf32, #tpu.memory_space<hbm>> -> memref<10000xf32, #tpu.memory_space<hbm>>
        tpu.enqueue_indirect_dma source(%dma_start3A_105 : memref<10000xf32, #tpu.memory_space<hbm>>) target(%arg14 : memref<128xf32, #tpu.memory_space<vmem>>) offsets(%dma_start3A_103 : memref<128xi32, #tpu.memory_space<vmem>>) semaphore(%arg28 : memref<!tpu.dma_semaphore, #tpu.memory_space<semaphore_mem>>)
        %dma_start3A_106 = tpu.memref_slice %arg11[%mul3A_97] : memref<13824xi32, #tpu.memory_space<vmem>> -> memref<128xi32, #tpu.memory_space<vmem>>
        %dma_start3A_107 = arith.constant 0 : i32
        %dma_start3A_108 = tpu.memref_slice %arg4[%dma_start3A_107] : memref<10000xf32, #tpu.memory_space<hbm>> -> memref<10000xf32, #tpu.memory_space<hbm>>
        tpu.enqueue_indirect_dma source(%dma_start3A_108 : memref<10000xf32, #tpu.memory_space<hbm>>) target(%arg15 : memref<128xf32, #tpu.memory_space<vmem>>) offsets(%dma_start3A_106 : memref<128xi32, #tpu.memory_space<vmem>>) semaphore(%arg28 : memref<!tpu.dma_semaphore, #tpu.memory_space<semaphore_mem>>)
        %dma_start3A_109 = tpu.memref_slice %arg12[%mul3A_99] : memref<13824xi32, #tpu.memory_space<vmem>> -> memref<128xi32, #tpu.memory_space<vmem>>
        %dma_start3A_110 = arith.constant 0 : i32
        %dma_start3A_111 = tpu.memref_slice %arg2[%dma_start3A_110] : memref<10000xf32, #tpu.memory_space<hbm>> -> memref<10000xf32, #tpu.memory_space<hbm>>
        tpu.enqueue_indirect_dma source(%dma_start3A_111 : memref<10000xf32, #tpu.memory_space<hbm>>) target(%arg16 : memref<128xf32, #tpu.memory_space<vmem>>) offsets(%dma_start3A_109 : memref<128xi32, #tpu.memory_space<vmem>>) semaphore(%arg28 : memref<!tpu.dma_semaphore, #tpu.memory_space<semaphore_mem>>)
        %dma_start3A_112 = tpu.memref_slice %arg12[%mul3A_99] : memref<13824xi32, #tpu.memory_space<vmem>> -> memref<128xi32, #tpu.memory_space<vmem>>
        %dma_start3A_113 = arith.constant 0 : i32
        %dma_start3A_114 = tpu.memref_slice %arg3[%dma_start3A_113] : memref<10000xf32, #tpu.memory_space<hbm>> -> memref<10000xf32, #tpu.memory_space<hbm>>
        tpu.enqueue_indirect_dma source(%dma_start3A_114 : memref<10000xf32, #tpu.memory_space<hbm>>) target(%arg17 : memref<128xf32, #tpu.memory_space<vmem>>) offsets(%dma_start3A_112 : memref<128xi32, #tpu.memory_space<vmem>>) semaphore(%arg28 : memref<!tpu.dma_semaphore, #tpu.memory_space<semaphore_mem>>)
        %dma_start3A_115 = tpu.memref_slice %arg12[%mul3A_99] : memref<13824xi32, #tpu.memory_space<vmem>> -> memref<128xi32, #tpu.memory_space<vmem>>
        %dma_start3A_116 = arith.constant 0 : i32
        %dma_start3A_117 = tpu.memref_slice %arg4[%dma_start3A_116] : memref<10000xf32, #tpu.memory_space<hbm>> -> memref<10000xf32, #tpu.memory_space<hbm>>
        tpu.enqueue_indirect_dma source(%dma_start3A_117 : memref<10000xf32, #tpu.memory_space<hbm>>) target(%arg18 : memref<128xf32, #tpu.memory_space<vmem>>) offsets(%dma_start3A_115 : memref<128xi32, #tpu.memory_space<vmem>>) semaphore(%arg28 : memref<!tpu.dma_semaphore, #tpu.memory_space<semaphore_mem>>)
        %mul3A_118 = arith.constant 2 : i32
        %mul3A_119 = arith.muli %mul3A_118, %scan3A_93 : i32
        %add3A_120 = arith.constant 1 : i32
        %add3A_121 = arith.addi %mul3A_119, %add3A_120 : i32
        %mul3A_122 = arith.constant 128 : i32
        %mul3A_123 = arith.muli %add3A_121, %mul3A_122 : i32
        %mul3A_124 = arith.constant 128 : i32
        %mul3A_125 = arith.muli %add3A_121, %mul3A_124 : i32
        %dma_start3A_126 = tpu.memref_slice %arg11[%mul3A_123] : memref<13824xi32, #tpu.memory_space<vmem>> -> memref<128xi32, #tpu.memory_space<vmem>>
        %dma_start3A_127 = arith.constant 0 : i32
        %dma_start3A_128 = tpu.memref_slice %arg2[%dma_start3A_127] : memref<10000xf32, #tpu.memory_space<hbm>> -> memref<10000xf32, #tpu.memory_space<hbm>>
        tpu.enqueue_indirect_dma source(%dma_start3A_128 : memref<10000xf32, #tpu.memory_space<hbm>>) target(%arg19 : memref<128xf32, #tpu.memory_space<vmem>>) offsets(%dma_start3A_126 : memref<128xi32, #tpu.memory_space<vmem>>) semaphore(%arg29 : memref<!tpu.dma_semaphore, #tpu.memory_space<semaphore_mem>>)
        %dma_start3A_129 = tpu.memref_slice %arg11[%mul3A_123] : memref<13824xi32, #tpu.memory_space<vmem>> -> memref<128xi32, #tpu.memory_space<vmem>>
        %dma_start3A_130 = arith.constant 0 : i32
        %dma_start3A_131 = tpu.memref_slice %arg3[%dma_start3A_130] : memref<10000xf32, #tpu.memory_space<hbm>> -> memref<10000xf32, #tpu.memory_space<hbm>>
        tpu.enqueue_indirect_dma source(%dma_start3A_131 : memref<10000xf32, #tpu.memory_space<hbm>>) target(%arg20 : memref<128xf32, #tpu.memory_space<vmem>>) offsets(%dma_start3A_129 : memref<128xi32, #tpu.memory_space<vmem>>) semaphore(%arg29 : memref<!tpu.dma_semaphore, #tpu.memory_space<semaphore_mem>>)
        %dma_start3A_132 = tpu.memref_slice %arg11[%mul3A_123] : memref<13824xi32, #tpu.memory_space<vmem>> -> memref<128xi32, #tpu.memory_space<vmem>>
        %dma_start3A_133 = arith.constant 0 : i32
        %dma_start3A_134 = tpu.memref_slice %arg4[%dma_start3A_133] : memref<10000xf32, #tpu.memory_space<hbm>> -> memref<10000xf32, #tpu.memory_space<hbm>>
        tpu.enqueue_indirect_dma source(%dma_start3A_134 : memref<10000xf32, #tpu.memory_space<hbm>>) target(%arg21 : memref<128xf32, #tpu.memory_space<vmem>>) offsets(%dma_start3A_132 : memref<128xi32, #tpu.memory_space<vmem>>) semaphore(%arg29 : memref<!tpu.dma_semaphore, #tpu.memory_space<semaphore_mem>>)
        %dma_start3A_135 = tpu.memref_slice %arg12[%mul3A_125] : memref<13824xi32, #tpu.memory_space<vmem>> -> memref<128xi32, #tpu.memory_space<vmem>>
        %dma_start3A_136 = arith.constant 0 : i32
        %dma_start3A_137 = tpu.memref_slice %arg2[%dma_start3A_136] : memref<10000xf32, #tpu.memory_space<hbm>> -> memref<10000xf32, #tpu.memory_space<hbm>>
        tpu.enqueue_indirect_dma source(%dma_start3A_137 : memref<10000xf32, #tpu.memory_space<hbm>>) target(%arg22 : memref<128xf32, #tpu.memory_space<vmem>>) offsets(%dma_start3A_135 : memref<128xi32, #tpu.memory_space<vmem>>) semaphore(%arg29 : memref<!tpu.dma_semaphore, #tpu.memory_space<semaphore_mem>>)
        %dma_start3A_138 = tpu.memref_slice %arg12[%mul3A_125] : memref<13824xi32, #tpu.memory_space<vmem>> -> memref<128xi32, #tpu.memory_space<vmem>>
        %dma_start3A_139 = arith.constant 0 : i32
        %dma_start3A_140 = tpu.memref_slice %arg3[%dma_start3A_139] : memref<10000xf32, #tpu.memory_space<hbm>> -> memref<10000xf32, #tpu.memory_space<hbm>>
        tpu.enqueue_indirect_dma source(%dma_start3A_140 : memref<10000xf32, #tpu.memory_space<hbm>>) target(%arg23 : memref<128xf32, #tpu.memory_space<vmem>>) offsets(%dma_start3A_138 : memref<128xi32, #tpu.memory_space<vmem>>) semaphore(%arg29 : memref<!tpu.dma_semaphore, #tpu.memory_space<semaphore_mem>>)
        %dma_start3A_141 = tpu.memref_slice %arg12[%mul3A_125] : memref<13824xi32, #tpu.memory_space<vmem>> -> memref<128xi32, #tpu.memory_space<vmem>>
        %dma_start3A_142 = arith.constant 0 : i32
        %dma_start3A_143 = tpu.memref_slice %arg4[%dma_start3A_142] : memref<10000xf32, #tpu.memory_space<hbm>> -> memref<10000xf32, #tpu.memory_space<hbm>>
        tpu.enqueue_indirect_dma source(%dma_start3A_143 : memref<10000xf32, #tpu.memory_space<hbm>>) target(%arg24 : memref<128xf32, #tpu.memory_space<vmem>>) offsets(%dma_start3A_141 : memref<128xi32, #tpu.memory_space<vmem>>) semaphore(%arg29 : memref<!tpu.dma_semaphore, #tpu.memory_space<semaphore_mem>>)
        %dma_wait3A_144 = tpu.memref_slice %arg11[%mul3A_97] : memref<13824xi32, #tpu.memory_space<vmem>> -> memref<128xi32, #tpu.memory_space<vmem>>
        %dma_wait3A_145 = arith.constant 0 : i32
        %dma_wait3A_146 = tpu.memref_slice %arg2[%dma_wait3A_145] : memref<10000xf32, #tpu.memory_space<hbm>> -> memref<10000xf32, #tpu.memory_space<hbm>>
        tpu.wait_indirect_dma semaphore(%arg28 : memref<!tpu.dma_semaphore, #tpu.memory_space<semaphore_mem>>) src(%dma_wait3A_146 : memref<10000xf32, #tpu.memory_space<hbm>>) dst(%arg13 : memref<128xf32, #tpu.memory_space<vmem>>)
        %dma_wait3A_147 = tpu.memref_slice %arg11[%mul3A_97] : memref<13824xi32, #tpu.memory_space<vmem>> -> memref<128xi32, #tpu.memory_space<vmem>>
        %dma_wait3A_148 = arith.constant 0 : i32
        %dma_wait3A_149 = tpu.memref_slice %arg3[%dma_wait3A_148] : memref<10000xf32, #tpu.memory_space<hbm>> -> memref<10000xf32, #tpu.memory_space<hbm>>
        tpu.wait_indirect_dma semaphore(%arg28 : memref<!tpu.dma_semaphore, #tpu.memory_space<semaphore_mem>>) src(%dma_wait3A_149 : memref<10000xf32, #tpu.memory_space<hbm>>) dst(%arg14 : memref<128xf32, #tpu.memory_space<vmem>>)
        %dma_wait3A_150 = tpu.memref_slice %arg11[%mul3A_97] : memref<13824xi32, #tpu.memory_space<vmem>> -> memref<128xi32, #tpu.memory_space<vmem>>
        %dma_wait3A_151 = arith.constant 0 : i32
        %dma_wait3A_152 = tpu.memref_slice %arg4[%dma_wait3A_151] : memref<10000xf32, #tpu.memory_space<hbm>> -> memref<10000xf32, #tpu.memory_space<hbm>>
        tpu.wait_indirect_dma semaphore(%arg28 : memref<!tpu.dma_semaphore, #tpu.memory_space<semaphore_mem>>) src(%dma_wait3A_152 : memref<10000xf32, #tpu.memory_space<hbm>>) dst(%arg15 : memref<128xf32, #tpu.memory_space<vmem>>)
        %dma_wait3A_153 = tpu.memref_slice %arg12[%mul3A_99] : memref<13824xi32, #tpu.memory_space<vmem>> -> memref<128xi32, #tpu.memory_space<vmem>>
        %dma_wait3A_154 = arith.constant 0 : i32
        %dma_wait3A_155 = tpu.memref_slice %arg2[%dma_wait3A_154] : memref<10000xf32, #tpu.memory_space<hbm>> -> memref<10000xf32, #tpu.memory_space<hbm>>
        tpu.wait_indirect_dma semaphore(%arg28 : memref<!tpu.dma_semaphore, #tpu.memory_space<semaphore_mem>>) src(%dma_wait3A_155 : memref<10000xf32, #tpu.memory_space<hbm>>) dst(%arg16 : memref<128xf32, #tpu.memory_space<vmem>>)
        %dma_wait3A_156 = tpu.memref_slice %arg12[%mul3A_99] : memref<13824xi32, #tpu.memory_space<vmem>> -> memref<128xi32, #tpu.memory_space<vmem>>
        %dma_wait3A_157 = arith.constant 0 : i32
        %dma_wait3A_158 = tpu.memref_slice %arg3[%dma_wait3A_157] : memref<10000xf32, #tpu.memory_space<hbm>> -> memref<10000xf32, #tpu.memory_space<hbm>>
        tpu.wait_indirect_dma semaphore(%arg28 : memref<!tpu.dma_semaphore, #tpu.memory_space<semaphore_mem>>) src(%dma_wait3A_158 : memref<10000xf32, #tpu.memory_space<hbm>>) dst(%arg17 : memref<128xf32, #tpu.memory_space<vmem>>)
        %dma_wait3A_159 = tpu.memref_slice %arg12[%mul3A_99] : memref<13824xi32, #tpu.memory_space<vmem>> -> memref<128xi32, #tpu.memory_space<vmem>>
        %dma_wait3A_160 = arith.constant 0 : i32
        %dma_wait3A_161 = tpu.memref_slice %arg4[%dma_wait3A_160] : memref<10000xf32, #tpu.memory_space<hbm>> -> memref<10000xf32, #tpu.memory_space<hbm>>
        tpu.wait_indirect_dma semaphore(%arg28 : memref<!tpu.dma_semaphore, #tpu.memory_space<semaphore_mem>>) src(%dma_wait3A_161 : memref<10000xf32, #tpu.memory_space<hbm>>) dst(%arg18 : memref<128xf32, #tpu.memory_space<vmem>>)
        %mul3A_162 = arith.constant 2 : i32
        %mul3A_163 = arith.muli %mul3A_162, %scan3A_93 : i32
        %mul3A_164 = arith.constant 2 : i32
        %mul3A_165 = arith.muli %mul3A_164, %scan3A_93 : i32
        %add3A_166 = arith.constant 1 : i32
        %add3A_167 = arith.addi %mul3A_165, %add3A_166 : i32
        %get3A = arith.constant 0 : index
        %get3A_168 = tpu.vector_load %arg13[%get3A] {strides = array<i32>} : memref<128xf32, #tpu.memory_space<vmem>>, vector<16xf32>,
        %get3A_169 = vector.shape_cast %get3A_168 : vector<16xf32> to vector<16xf32>
        %get3A_170 = arith.constant 0 : index
        %get3A_171 = tpu.vector_load %arg16[%get3A_170] {strides = array<i32>} : memref<128xf32, #tpu.memory_space<vmem>>, vector<16xf32>,
        %get3A_172 = vector.shape_cast %get3A_171 : vector<16xf32> to vector<16xf32>
        %sub3A = arith.subf %get3A_169, %get3A_172 : vector<16xf32>
        %get3A_173 = arith.constant 0 : index
        %get3A_174 = tpu.vector_load %arg14[%get3A_173] {strides = array<i32>} : memref<128xf32, #tpu.memory_space<vmem>>, vector<16xf32>,
        %get3A_175 = vector.shape_cast %get3A_174 : vector<16xf32> to vector<16xf32>
        %get3A_176 = arith.constant 0 : index
        %get3A_177 = tpu.vector_load %arg17[%get3A_176] {strides = array<i32>} : memref<128xf32, #tpu.memory_space<vmem>>, vector<16xf32>,
        %get3A_178 = vector.shape_cast %get3A_177 : vector<16xf32> to vector<16xf32>
        %sub3A_179 = arith.subf %get3A_175, %get3A_178 : vector<16xf32>
        %get3A_180 = arith.constant 0 : index
        %get3A_181 = tpu.vector_load %arg15[%get3A_180] {strides = array<i32>} : memref<128xf32, #tpu.memory_space<vmem>>, vector<16xf32>,
        %get3A_182 = vector.shape_cast %get3A_181 : vector<16xf32> to vector<16xf32>
        %get3A_183 = arith.constant 0 : index
        %get3A_184 = tpu.vector_load %arg18[%get3A_183] {strides = array<i32>} : memref<128xf32, #tpu.memory_space<vmem>>, vector<16xf32>,
        %get3A_185 = vector.shape_cast %get3A_184 : vector<16xf32> to vector<16xf32>
        %sub3A_186 = arith.subf %get3A_182, %get3A_185 : vector<16xf32>
        %mul3A_187 = arith.mulf %sub3A, %sub3A : vector<16xf32>
        %mul3A_188 = arith.mulf %sub3A_179, %sub3A_179 : vector<16xf32>
        %add3A_189 = arith.addf %mul3A_187, %mul3A_188 : vector<16xf32>
        %mul3A_190 = arith.mulf %sub3A_186, %sub3A_186 : vector<16xf32>
        %add3A_191 = arith.addf %add3A_189, %mul3A_190 : vector<16xf32>
        %mul3A_192 = arith.constant 128 : i32
        %mul3A_193 = arith.muli %mul3A_163, %mul3A_192 : i32
        %add3A_194 = arith.constant 0 : i32
        %add3A_195 = arith.addi %mul3A_193, %add3A_194 : i32
        %swap3A = arith.index_cast %add3A_195 : i32 to index
        %swap3A_196 = tpu.vector_load %arg25[%swap3A] {strides = array<i32>} : memref<13824xf32, #tpu.memory_space<vmem>>, vector<16xf32>,
        %swap3A_197 = vector.shape_cast %swap3A_196 : vector<16xf32> to vector<16xf32>
        %swap3A_198 = vector.shape_cast %add3A_191 : vector<16xf32> to vector<16xf32>
        tpu.vector_store %arg25[%swap3A], %swap3A_198 {strides = array<i32>} : memref<13824xf32, #tpu.memory_space<vmem>>, vector<16xf32>,
        %get3A_199 = arith.constant 16 : index
        %get3A_200 = tpu.vector_load %arg13[%get3A_199] {strides = array<i32>} : memref<128xf32, #tpu.memory_space<vmem>>, vector<16xf32>,
        %get3A_201 = vector.shape_cast %get3A_200 : vector<16xf32> to vector<16xf32>
        %get3A_202 = arith.constant 16 : index
        %get3A_203 = tpu.vector_load %arg16[%get3A_202] {strides = array<i32>} : memref<128xf32, #tpu.memory_space<vmem>>, vector<16xf32>,
        %get3A_204 = vector.shape_cast %get3A_203 : vector<16xf32> to vector<16xf32>
        %sub3A_205 = arith.subf %get3A_201, %get3A_204 : vector<16xf32>
        %get3A_206 = arith.constant 16 : index
        %get3A_207 = tpu.vector_load %arg14[%get3A_206] {strides = array<i32>} : memref<128xf32, #tpu.memory_space<vmem>>, vector<16xf32>,
        %get3A_208 = vector.shape_cast %get3A_207 : vector<16xf32> to vector<16xf32>
        %get3A_209 = arith.constant 16 : index
        %get3A_210 = tpu.vector_load %arg17[%get3A_209] {strides = array<i32>} : memref<128xf32, #tpu.memory_space<vmem>>, vector<16xf32>,
        %get3A_211 = vector.shape_cast %get3A_210 : vector<16xf32> to vector<16xf32>
        %sub3A_212 = arith.subf %get3A_208, %get3A_211 : vector<16xf32>
        %get3A_213 = arith.constant 16 : index
        %get3A_214 = tpu.vector_load %arg15[%get3A_213] {strides = array<i32>} : memref<128xf32, #tpu.memory_space<vmem>>, vector<16xf32>,
        %get3A_215 = vector.shape_cast %get3A_214 : vector<16xf32> to vector<16xf32>
        %get3A_216 = arith.constant 16 : index
        %get3A_217 = tpu.vector_load %arg18[%get3A_216] {strides = array<i32>} : memref<128xf32, #tpu.memory_space<vmem>>, vector<16xf32>,
        %get3A_218 = vector.shape_cast %get3A_217 : vector<16xf32> to vector<16xf32>
        %sub3A_219 = arith.subf %get3A_215, %get3A_218 : vector<16xf32>
        %mul3A_220 = arith.mulf %sub3A_205, %sub3A_205 : vector<16xf32>
        %mul3A_221 = arith.mulf %sub3A_212, %sub3A_212 : vector<16xf32>
        %add3A_222 = arith.addf %mul3A_220, %mul3A_221 : vector<16xf32>
        %mul3A_223 = arith.mulf %sub3A_219, %sub3A_219 : vector<16xf32>
        %add3A_224 = arith.addf %add3A_222, %mul3A_223 : vector<16xf32>
        %mul3A_225 = arith.constant 128 : i32
        %mul3A_226 = arith.muli %mul3A_163, %mul3A_225 : i32
        %add3A_227 = arith.constant 16 : i32
        %add3A_228 = arith.addi %mul3A_226, %add3A_227 : i32
        %swap3A_229 = arith.index_cast %add3A_228 : i32 to index
        %swap3A_230 = tpu.vector_load %arg25[%swap3A_229] {strides = array<i32>} : memref<13824xf32, #tpu.memory_space<vmem>>, vector<16xf32>,
        %swap3A_231 = vector.shape_cast %swap3A_230 : vector<16xf32> to vector<16xf32>
        %swap3A_232 = vector.shape_cast %add3A_224 : vector<16xf32> to vector<16xf32>
        tpu.vector_store %arg25[%swap3A_229], %swap3A_232 {strides = array<i32>} : memref<13824xf32, #tpu.memory_space<vmem>>, vector<16xf32>,
        %get3A_233 = arith.constant 32 : index
        %get3A_234 = tpu.vector_load %arg13[%get3A_233] {strides = array<i32>} : memref<128xf32, #tpu.memory_space<vmem>>, vector<16xf32>,
        %get3A_235 = vector.shape_cast %get3A_234 : vector<16xf32> to vector<16xf32>
        %get3A_236 = arith.constant 32 : index
        %get3A_237 = tpu.vector_load %arg16[%get3A_236] {strides = array<i32>} : memref<128xf32, #tpu.memory_space<vmem>>, vector<16xf32>,
        %get3A_238 = vector.shape_cast %get3A_237 : vector<16xf32> to vector<16xf32>
        %sub3A_239 = arith.subf %get3A_235, %get3A_238 : vector<16xf32>
        %get3A_240 = arith.constant 32 : index
        %get3A_241 = tpu.vector_load %arg14[%get3A_240] {strides = array<i32>} : memref<128xf32, #tpu.memory_space<vmem>>, vector<16xf32>,
        %get3A_242 = vector.shape_cast %get3A_241 : vector<16xf32> to vector<16xf32>
        %get3A_243 = arith.constant 32 : index
        %get3A_244 = tpu.vector_load %arg17[%get3A_243] {strides = array<i32>} : memref<128xf32, #tpu.memory_space<vmem>>, vector<16xf32>,
        %get3A_245 = vector.shape_cast %get3A_244 : vector<16xf32> to vector<16xf32>
        %sub3A_246 = arith.subf %get3A_242, %get3A_245 : vector<16xf32>
        %get3A_247 = arith.constant 32 : index
        %get3A_248 = tpu.vector_load %arg15[%get3A_247] {strides = array<i32>} : memref<128xf32, #tpu.memory_space<vmem>>, vector<16xf32>,
        %get3A_249 = vector.shape_cast %get3A_248 : vector<16xf32> to vector<16xf32>
        %get3A_250 = arith.constant 32 : index
        %get3A_251 = tpu.vector_load %arg18[%get3A_250] {strides = array<i32>} : memref<128xf32, #tpu.memory_space<vmem>>, vector<16xf32>,
        %get3A_252 = vector.shape_cast %get3A_251 : vector<16xf32> to vector<16xf32>
        %sub3A_253 = arith.subf %get3A_249, %get3A_252 : vector<16xf32>
        %mul3A_254 = arith.mulf %sub3A_239, %sub3A_239 : vector<16xf32>
        %mul3A_255 = arith.mulf %sub3A_246, %sub3A_246 : vector<16xf32>
        %add3A_256 = arith.addf %mul3A_254, %mul3A_255 : vector<16xf32>
        %mul3A_257 = arith.mulf %sub3A_253, %sub3A_253 : vector<16xf32>
        %add3A_258 = arith.addf %add3A_256, %mul3A_257 : vector<16xf32>
        %mul3A_259 = arith.constant 128 : i32
        %mul3A_260 = arith.muli %mul3A_163, %mul3A_259 : i32
        %add3A_261 = arith.constant 32 : i32
        %add3A_262 = arith.addi %mul3A_260, %add3A_261 : i32
        %swap3A_263 = arith.index_cast %add3A_262 : i32 to index
        %swap3A_264 = tpu.vector_load %arg25[%swap3A_263] {strides = array<i32>} : memref<13824xf32, #tpu.memory_space<vmem>>, vector<16xf32>,
        %swap3A_265 = vector.shape_cast %swap3A_264 : vector<16xf32> to vector<16xf32>
        %swap3A_266 = vector.shape_cast %add3A_258 : vector<16xf32> to vector<16xf32>
        tpu.vector_store %arg25[%swap3A_263], %swap3A_266 {strides = array<i32>} : memref<13824xf32, #tpu.memory_space<vmem>>, vector<16xf32>,
        %get3A_267 = arith.constant 48 : index
        %get3A_268 = tpu.vector_load %arg13[%get3A_267] {strides = array<i32>} : memref<128xf32, #tpu.memory_space<vmem>>, vector<16xf32>,
        %get3A_269 = vector.shape_cast %get3A_268 : vector<16xf32> to vector<16xf32>
        %get3A_270 = arith.constant 48 : index
        %get3A_271 = tpu.vector_load %arg16[%get3A_270] {strides = array<i32>} : memref<128xf32, #tpu.memory_space<vmem>>, vector<16xf32>,
        %get3A_272 = vector.shape_cast %get3A_271 : vector<16xf32> to vector<16xf32>
        %sub3A_273 = arith.subf %get3A_269, %get3A_272 : vector<16xf32>
        %get3A_274 = arith.constant 48 : index
        %get3A_275 = tpu.vector_load %arg14[%get3A_274] {strides = array<i32>} : memref<128xf32, #tpu.memory_space<vmem>>, vector<16xf32>,
        %get3A_276 = vector.shape_cast %get3A_275 : vector<16xf32> to vector<16xf32>
        %get3A_277 = arith.constant 48 : index
        %get3A_278 = tpu.vector_load %arg17[%get3A_277] {strides = array<i32>} : memref<128xf32, #tpu.memory_space<vmem>>, vector<16xf32>,
        %get3A_279 = vector.shape_cast %get3A_278 : vector<16xf32> to vector<16xf32>
        %sub3A_280 = arith.subf %get3A_276, %get3A_279 : vector<16xf32>
        %get3A_281 = arith.constant 48 : index
        %get3A_282 = tpu.vector_load %arg15[%get3A_281] {strides = array<i32>} : memref<128xf32, #tpu.memory_space<vmem>>, vector<16xf32>,
        %get3A_283 = vector.shape_cast %get3A_282 : vector<16xf32> to vector<16xf32>
        %get3A_284 = arith.constant 48 : index
        %get3A_285 = tpu.vector_load %arg18[%get3A_284] {strides = array<i32>} : memref<128xf32, #tpu.memory_space<vmem>>, vector<16xf32>,
        %get3A_286 = vector.shape_cast %get3A_285 : vector<16xf32> to vector<16xf32>
        %sub3A_287 = arith.subf %get3A_283, %get3A_286 : vector<16xf32>
        %mul3A_288 = arith.mulf %sub3A_273, %sub3A_273 : vector<16xf32>
        %mul3A_289 = arith.mulf %sub3A_280, %sub3A_280 : vector<16xf32>
        %add3A_290 = arith.addf %mul3A_288, %mul3A_289 : vector<16xf32>
        %mul3A_291 = arith.mulf %sub3A_287, %sub3A_287 : vector<16xf32>
        %add3A_292 = arith.addf %add3A_290, %mul3A_291 : vector<16xf32>
        %mul3A_293 = arith.constant 128 : i32
        %mul3A_294 = arith.muli %mul3A_163, %mul3A_293 : i32
        %add3A_295 = arith.constant 48 : i32
        %add3A_296 = arith.addi %mul3A_294, %add3A_295 : i32
        %swap3A_297 = arith.index_cast %add3A_296 : i32 to index
        %swap3A_298 = tpu.vector_load %arg25[%swap3A_297] {strides = array<i32>} : memref<13824xf32, #tpu.memory_space<vmem>>, vector<16xf32>,
        %swap3A_299 = vector.shape_cast %swap3A_298 : vector<16xf32> to vector<16xf32>
        %swap3A_300 = vector.shape_cast %add3A_292 : vector<16xf32> to vector<16xf32>
        tpu.vector_store %arg25[%swap3A_297], %swap3A_300 {strides = array<i32>} : memref<13824xf32, #tpu.memory_space<vmem>>, vector<16xf32>,
        %get3A_301 = arith.constant 64 : index
        %get3A_302 = tpu.vector_load %arg13[%get3A_301] {strides = array<i32>} : memref<128xf32, #tpu.memory_space<vmem>>, vector<16xf32>,
        %get3A_303 = vector.shape_cast %get3A_302 : vector<16xf32> to vector<16xf32>
        %get3A_304 = arith.constant 64 : index
        %get3A_305 = tpu.vector_load %arg16[%get3A_304] {strides = array<i32>} : memref<128xf32, #tpu.memory_space<vmem>>, vector<16xf32>,
        %get3A_306 = vector.shape_cast %get3A_305 : vector<16xf32> to vector<16xf32>
        %sub3A_307 = arith.subf %get3A_303, %get3A_306 : vector<16xf32>
        %get3A_308 = arith.constant 64 : index
        %get3A_309 = tpu.vector_load %arg14[%get3A_308] {strides = array<i32>} : memref<128xf32, #tpu.memory_space<vmem>>, vector<16xf32>,
        %get3A_310 = vector.shape_cast %get3A_309 : vector<16xf32> to vector<16xf32>
        %get3A_311 = arith.constant 64 : index
        %get3A_312 = tpu.vector_load %arg17[%get3A_311] {strides = array<i32>} : memref<128xf32, #tpu.memory_space<vmem>>, vector<16xf32>,
        %get3A_313 = vector.shape_cast %get3A_312 : vector<16xf32> to vector<16xf32>
        %sub3A_314 = arith.subf %get3A_310, %get3A_313 : vector<16xf32>
        %get3A_315 = arith.constant 64 : index
        %get3A_316 = tpu.vector_load %arg15[%get3A_315] {strides = array<i32>} : memref<128xf32, #tpu.memory_space<vmem>>, vector<16xf32>,
        %get3A_317 = vector.shape_cast %get3A_316 : vector<16xf32> to vector<16xf32>
        %get3A_318 = arith.constant 64 : index
        %get3A_319 = tpu.vector_load %arg18[%get3A_318] {strides = array<i32>} : memref<128xf32, #tpu.memory_space<vmem>>, vector<16xf32>,
        %get3A_320 = vector.shape_cast %get3A_319 : vector<16xf32> to vector<16xf32>
        %sub3A_321 = arith.subf %get3A_317, %get3A_320 : vector<16xf32>
        %mul3A_322 = arith.mulf %sub3A_307, %sub3A_307 : vector<16xf32>
        %mul3A_323 = arith.mulf %sub3A_314, %sub3A_314 : vector<16xf32>
        %add3A_324 = arith.addf %mul3A_322, %mul3A_323 : vector<16xf32>
        %mul3A_325 = arith.mulf %sub3A_321, %sub3A_321 : vector<16xf32>
        %add3A_326 = arith.addf %add3A_324, %mul3A_325 : vector<16xf32>
        %mul3A_327 = arith.constant 128 : i32
        %mul3A_328 = arith.muli %mul3A_163, %mul3A_327 : i32
        %add3A_329 = arith.constant 64 : i32
        %add3A_330 = arith.addi %mul3A_328, %add3A_329 : i32
        %swap3A_331 = arith.index_cast %add3A_330 : i32 to index
        %swap3A_332 = tpu.vector_load %arg25[%swap3A_331] {strides = array<i32>} : memref<13824xf32, #tpu.memory_space<vmem>>, vector<16xf32>,
        %swap3A_333 = vector.shape_cast %swap3A_332 : vector<16xf32> to vector<16xf32>
        %swap3A_334 = vector.shape_cast %add3A_326 : vector<16xf32> to vector<16xf32>
        tpu.vector_store %arg25[%swap3A_331], %swap3A_334 {strides = array<i32>} : memref<13824xf32, #tpu.memory_space<vmem>>, vector<16xf32>,
        %get3A_335 = arith.constant 80 : index
        %get3A_336 = tpu.vector_load %arg13[%get3A_335] {strides = array<i32>} : memref<128xf32, #tpu.memory_space<vmem>>, vector<16xf32>,
        %get3A_337 = vector.shape_cast %get3A_336 : vector<16xf32> to vector<16xf32>
        %get3A_338 = arith.constant 80 : index
        %get3A_339 = tpu.vector_load %arg16[%get3A_338] {strides = array<i32>} : memref<128xf32, #tpu.memory_space<vmem>>, vector<16xf32>,
        %get3A_340 = vector.shape_cast %get3A_339 : vector<16xf32> to vector<16xf32>
        %sub3A_341 = arith.subf %get3A_337, %get3A_340 : vector<16xf32>
        %get3A_342 = arith.constant 80 : index
        %get3A_343 = tpu.vector_load %arg14[%get3A_342] {strides = array<i32>} : memref<128xf32, #tpu.memory_space<vmem>>, vector<16xf32>,
        %get3A_344 = vector.shape_cast %get3A_343 : vector<16xf32> to vector<16xf32>
        %get3A_345 = arith.constant 80 : index
        %get3A_346 = tpu.vector_load %arg17[%get3A_345] {strides = array<i32>} : memref<128xf32, #tpu.memory_space<vmem>>, vector<16xf32>,
        %get3A_347 = vector.shape_cast %get3A_346 : vector<16xf32> to vector<16xf32>
        %sub3A_348 = arith.subf %get3A_344, %get3A_347 : vector<16xf32>
        %get3A_349 = arith.constant 80 : index
        %get3A_350 = tpu.vector_load %arg15[%get3A_349] {strides = array<i32>} : memref<128xf32, #tpu.memory_space<vmem>>, vector<16xf32>,
        %get3A_351 = vector.shape_cast %get3A_350 : vector<16xf32> to vector<16xf32>
        %get3A_352 = arith.constant 80 : index
        %get3A_353 = tpu.vector_load %arg18[%get3A_352] {strides = array<i32>} : memref<128xf32, #tpu.memory_space<vmem>>, vector<16xf32>,
        %get3A_354 = vector.shape_cast %get3A_353 : vector<16xf32> to vector<16xf32>
        %sub3A_355 = arith.subf %get3A_351, %get3A_354 : vector<16xf32>
        %mul3A_356 = arith.mulf %sub3A_341, %sub3A_341 : vector<16xf32>
        %mul3A_357 = arith.mulf %sub3A_348, %sub3A_348 : vector<16xf32>
        %add3A_358 = arith.addf %mul3A_356, %mul3A_357 : vector<16xf32>
        %mul3A_359 = arith.mulf %sub3A_355, %sub3A_355 : vector<16xf32>
        %add3A_360 = arith.addf %add3A_358, %mul3A_359 : vector<16xf32>
        %mul3A_361 = arith.constant 128 : i32
        %mul3A_362 = arith.muli %mul3A_163, %mul3A_361 : i32
        %add3A_363 = arith.constant 80 : i32
        %add3A_364 = arith.addi %mul3A_362, %add3A_363 : i32
        %swap3A_365 = arith.index_cast %add3A_364 : i32 to index
        %swap3A_366 = tpu.vector_load %arg25[%swap3A_365] {strides = array<i32>} : memref<13824xf32, #tpu.memory_space<vmem>>, vector<16xf32>,
        %swap3A_367 = vector.shape_cast %swap3A_366 : vector<16xf32> to vector<16xf32>
        %swap3A_368 = vector.shape_cast %add3A_360 : vector<16xf32> to vector<16xf32>
        tpu.vector_store %arg25[%swap3A_365], %swap3A_368 {strides = array<i32>} : memref<13824xf32, #tpu.memory_space<vmem>>, vector<16xf32>,
        %get3A_369 = arith.constant 96 : index
        %get3A_370 = tpu.vector_load %arg13[%get3A_369] {strides = array<i32>} : memref<128xf32, #tpu.memory_space<vmem>>, vector<16xf32>,
        %get3A_371 = vector.shape_cast %get3A_370 : vector<16xf32> to vector<16xf32>
        %get3A_372 = arith.constant 96 : index
        %get3A_373 = tpu.vector_load %arg16[%get3A_372] {strides = array<i32>} : memref<128xf32, #tpu.memory_space<vmem>>, vector<16xf32>,
        %get3A_374 = vector.shape_cast %get3A_373 : vector<16xf32> to vector<16xf32>
        %sub3A_375 = arith.subf %get3A_371, %get3A_374 : vector<16xf32>
        %get3A_376 = arith.constant 96 : index
        %get3A_377 = tpu.vector_load %arg14[%get3A_376] {strides = array<i32>} : memref<128xf32, #tpu.memory_space<vmem>>, vector<16xf32>,
        %get3A_378 = vector.shape_cast %get3A_377 : vector<16xf32> to vector<16xf32>
        %get3A_379 = arith.constant 96 : index
        %get3A_380 = tpu.vector_load %arg17[%get3A_379] {strides = array<i32>} : memref<128xf32, #tpu.memory_space<vmem>>, vector<16xf32>,
        %get3A_381 = vector.shape_cast %get3A_380 : vector<16xf32> to vector<16xf32>
        %sub3A_382 = arith.subf %get3A_378, %get3A_381 : vector<16xf32>
        %get3A_383 = arith.constant 96 : index
        %get3A_384 = tpu.vector_load %arg15[%get3A_383] {strides = array<i32>} : memref<128xf32, #tpu.memory_space<vmem>>, vector<16xf32>,
        %get3A_385 = vector.shape_cast %get3A_384 : vector<16xf32> to vector<16xf32>
        %get3A_386 = arith.constant 96 : index
        %get3A_387 = tpu.vector_load %arg18[%get3A_386] {strides = array<i32>} : memref<128xf32, #tpu.memory_space<vmem>>, vector<16xf32>,
        %get3A_388 = vector.shape_cast %get3A_387 : vector<16xf32> to vector<16xf32>
        %sub3A_389 = arith.subf %get3A_385, %get3A_388 : vector<16xf32>
        %mul3A_390 = arith.mulf %sub3A_375, %sub3A_375 : vector<16xf32>
        %mul3A_391 = arith.mulf %sub3A_382, %sub3A_382 : vector<16xf32>
        %add3A_392 = arith.addf %mul3A_390, %mul3A_391 : vector<16xf32>
        %mul3A_393 = arith.mulf %sub3A_389, %sub3A_389 : vector<16xf32>
        %add3A_394 = arith.addf %add3A_392, %mul3A_393 : vector<16xf32>
        %mul3A_395 = arith.constant 128 : i32
        %mul3A_396 = arith.muli %mul3A_163, %mul3A_395 : i32
        %add3A_397 = arith.constant 96 : i32
        %add3A_398 = arith.addi %mul3A_396, %add3A_397 : i32
        %swap3A_399 = arith.index_cast %add3A_398 : i32 to index
        %swap3A_400 = tpu.vector_load %arg25[%swap3A_399] {strides = array<i32>} : memref<13824xf32, #tpu.memory_space<vmem>>, vector<16xf32>,
        %swap3A_401 = vector.shape_cast %swap3A_400 : vector<16xf32> to vector<16xf32>
        %swap3A_402 = vector.shape_cast %add3A_394 : vector<16xf32> to vector<16xf32>
        tpu.vector_store %arg25[%swap3A_399], %swap3A_402 {strides = array<i32>} : memref<13824xf32, #tpu.memory_space<vmem>>, vector<16xf32>,
        %get3A_403 = arith.constant 112 : index
        %get3A_404 = tpu.vector_load %arg13[%get3A_403] {strides = array<i32>} : memref<128xf32, #tpu.memory_space<vmem>>, vector<16xf32>,
        %get3A_405 = vector.shape_cast %get3A_404 : vector<16xf32> to vector<16xf32>
        %get3A_406 = arith.constant 112 : index
        %get3A_407 = tpu.vector_load %arg16[%get3A_406] {strides = array<i32>} : memref<128xf32, #tpu.memory_space<vmem>>, vector<16xf32>,
        %get3A_408 = vector.shape_cast %get3A_407 : vector<16xf32> to vector<16xf32>
        %sub3A_409 = arith.subf %get3A_405, %get3A_408 : vector<16xf32>
        %get3A_410 = arith.constant 112 : index
        %get3A_411 = tpu.vector_load %arg14[%get3A_410] {strides = array<i32>} : memref<128xf32, #tpu.memory_space<vmem>>, vector<16xf32>,
        %get3A_412 = vector.shape_cast %get3A_411 : vector<16xf32> to vector<16xf32>
        %get3A_413 = arith.constant 112 : index
        %get3A_414 = tpu.vector_load %arg17[%get3A_413] {strides = array<i32>} : memref<128xf32, #tpu.memory_space<vmem>>, vector<16xf32>,
        %get3A_415 = vector.shape_cast %get3A_414 : vector<16xf32> to vector<16xf32>
        %sub3A_416 = arith.subf %get3A_412, %get3A_415 : vector<16xf32>
        %get3A_417 = arith.constant 112 : index
        %get3A_418 = tpu.vector_load %arg15[%get3A_417] {strides = array<i32>} : memref<128xf32, #tpu.memory_space<vmem>>, vector<16xf32>,
        %get3A_419 = vector.shape_cast %get3A_418 : vector<16xf32> to vector<16xf32>
        %get3A_420 = arith.constant 112 : index
        %get3A_421 = tpu.vector_load %arg18[%get3A_420] {strides = array<i32>} : memref<128xf32, #tpu.memory_space<vmem>>, vector<16xf32>,
        %get3A_422 = vector.shape_cast %get3A_421 : vector<16xf32> to vector<16xf32>
        %sub3A_423 = arith.subf %get3A_419, %get3A_422 : vector<16xf32>
        %mul3A_424 = arith.mulf %sub3A_409, %sub3A_409 : vector<16xf32>
        %mul3A_425 = arith.mulf %sub3A_416, %sub3A_416 : vector<16xf32>
        %add3A_426 = arith.addf %mul3A_424, %mul3A_425 : vector<16xf32>
        %mul3A_427 = arith.mulf %sub3A_423, %sub3A_423 : vector<16xf32>
        %add3A_428 = arith.addf %add3A_426, %mul3A_427 : vector<16xf32>
        %mul3A_429 = arith.constant 128 : i32
        %mul3A_430 = arith.muli %mul3A_163, %mul3A_429 : i32
        %add3A_431 = arith.constant 112 : i32
        %add3A_432 = arith.addi %mul3A_430, %add3A_431 : i32
        %swap3A_433 = arith.index_cast %add3A_432 : i32 to index
        %swap3A_434 = tpu.vector_load %arg25[%swap3A_433] {strides = array<i32>} : memref<13824xf32, #tpu.memory_space<vmem>>, vector<16xf32>,
        %swap3A_435 = vector.shape_cast %swap3A_434 : vector<16xf32> to vector<16xf32>
        %swap3A_436 = vector.shape_cast %add3A_428 : vector<16xf32> to vector<16xf32>
        tpu.vector_store %arg25[%swap3A_433], %swap3A_436 {strides = array<i32>} : memref<13824xf32, #tpu.memory_space<vmem>>, vector<16xf32>,
        %dma_wait3A_437 = tpu.memref_slice %arg11[%mul3A_123] : memref<13824xi32, #tpu.memory_space<vmem>> -> memref<128xi32, #tpu.memory_space<vmem>>
        %dma_wait3A_438 = arith.constant 0 : i32
        %dma_wait3A_439 = tpu.memref_slice %arg2[%dma_wait3A_438] : memref<10000xf32, #tpu.memory_space<hbm>> -> memref<10000xf32, #tpu.memory_space<hbm>>
        tpu.wait_indirect_dma semaphore(%arg29 : memref<!tpu.dma_semaphore, #tpu.memory_space<semaphore_mem>>) src(%dma_wait3A_439 : memref<10000xf32, #tpu.memory_space<hbm>>) dst(%arg19 : memref<128xf32, #tpu.memory_space<vmem>>)
        %dma_wait3A_440 = tpu.memref_slice %arg11[%mul3A_123] : memref<13824xi32, #tpu.memory_space<vmem>> -> memref<128xi32, #tpu.memory_space<vmem>>
        %dma_wait3A_441 = arith.constant 0 : i32
        %dma_wait3A_442 = tpu.memref_slice %arg3[%dma_wait3A_441] : memref<10000xf32, #tpu.memory_space<hbm>> -> memref<10000xf32, #tpu.memory_space<hbm>>
        tpu.wait_indirect_dma semaphore(%arg29 : memref<!tpu.dma_semaphore, #tpu.memory_space<semaphore_mem>>) src(%dma_wait3A_442 : memref<10000xf32, #tpu.memory_space<hbm>>) dst(%arg20 : memref<128xf32, #tpu.memory_space<vmem>>)
        %dma_wait3A_443 = tpu.memref_slice %arg11[%mul3A_123] : memref<13824xi32, #tpu.memory_space<vmem>> -> memref<128xi32, #tpu.memory_space<vmem>>
        %dma_wait3A_444 = arith.constant 0 : i32
        %dma_wait3A_445 = tpu.memref_slice %arg4[%dma_wait3A_444] : memref<10000xf32, #tpu.memory_space<hbm>> -> memref<10000xf32, #tpu.memory_space<hbm>>
        tpu.wait_indirect_dma semaphore(%arg29 : memref<!tpu.dma_semaphore, #tpu.memory_space<semaphore_mem>>) src(%dma_wait3A_445 : memref<10000xf32, #tpu.memory_space<hbm>>) dst(%arg21 : memref<128xf32, #tpu.memory_space<vmem>>)
        %dma_wait3A_446 = tpu.memref_slice %arg12[%mul3A_125] : memref<13824xi32, #tpu.memory_space<vmem>> -> memref<128xi32, #tpu.memory_space<vmem>>
        %dma_wait3A_447 = arith.constant 0 : i32
        %dma_wait3A_448 = tpu.memref_slice %arg2[%dma_wait3A_447] : memref<10000xf32, #tpu.memory_space<hbm>> -> memref<10000xf32, #tpu.memory_space<hbm>>
        tpu.wait_indirect_dma semaphore(%arg29 : memref<!tpu.dma_semaphore, #tpu.memory_space<semaphore_mem>>) src(%dma_wait3A_448 : memref<10000xf32, #tpu.memory_space<hbm>>) dst(%arg22 : memref<128xf32, #tpu.memory_space<vmem>>)
        %dma_wait3A_449 = tpu.memref_slice %arg12[%mul3A_125] : memref<13824xi32, #tpu.memory_space<vmem>> -> memref<128xi32, #tpu.memory_space<vmem>>
        %dma_wait3A_450 = arith.constant 0 : i32
        %dma_wait3A_451 = tpu.memref_slice %arg3[%dma_wait3A_450] : memref<10000xf32, #tpu.memory_space<hbm>> -> memref<10000xf32, #tpu.memory_space<hbm>>
        tpu.wait_indirect_dma semaphore(%arg29 : memref<!tpu.dma_semaphore, #tpu.memory_space<semaphore_mem>>) src(%dma_wait3A_451 : memref<10000xf32, #tpu.memory_space<hbm>>) dst(%arg23 : memref<128xf32, #tpu.memory_space<vmem>>)
        %dma_wait3A_452 = tpu.memref_slice %arg12[%mul3A_125] : memref<13824xi32, #tpu.memory_space<vmem>> -> memref<128xi32, #tpu.memory_space<vmem>>
        %dma_wait3A_453 = arith.constant 0 : i32
        %dma_wait3A_454 = tpu.memref_slice %arg4[%dma_wait3A_453] : memref<10000xf32, #tpu.memory_space<hbm>> -> memref<10000xf32, #tpu.memory_space<hbm>>
        tpu.wait_indirect_dma semaphore(%arg29 : memref<!tpu.dma_semaphore, #tpu.memory_space<semaphore_mem>>) src(%dma_wait3A_454 : memref<10000xf32, #tpu.memory_space<hbm>>) dst(%arg24 : memref<128xf32, #tpu.memory_space<vmem>>)
        %get3A_455 = arith.constant 0 : index
        %get3A_456 = tpu.vector_load %arg19[%get3A_455] {strides = array<i32>} : memref<128xf32, #tpu.memory_space<vmem>>, vector<16xf32>,
        %get3A_457 = vector.shape_cast %get3A_456 : vector<16xf32> to vector<16xf32>
        %get3A_458 = arith.constant 0 : index
        %get3A_459 = tpu.vector_load %arg22[%get3A_458] {strides = array<i32>} : memref<128xf32, #tpu.memory_space<vmem>>, vector<16xf32>,
        %get3A_460 = vector.shape_cast %get3A_459 : vector<16xf32> to vector<16xf32>
        %sub3A_461 = arith.subf %get3A_457, %get3A_460 : vector<16xf32>
        %get3A_462 = arith.constant 0 : index
        %get3A_463 = tpu.vector_load %arg20[%get3A_462] {strides = array<i32>} : memref<128xf32, #tpu.memory_space<vmem>>, vector<16xf32>,
        %get3A_464 = vector.shape_cast %get3A_463 : vector<16xf32> to vector<16xf32>
        %get3A_465 = arith.constant 0 : index
        %get3A_466 = tpu.vector_load %arg23[%get3A_465] {strides = array<i32>} : memref<128xf32, #tpu.memory_space<vmem>>, vector<16xf32>,
        %get3A_467 = vector.shape_cast %get3A_466 : vector<16xf32> to vector<16xf32>
        %sub3A_468 = arith.subf %get3A_464, %get3A_467 : vector<16xf32>
        %get3A_469 = arith.constant 0 : index
        %get3A_470 = tpu.vector_load %arg21[%get3A_469] {strides = array<i32>} : memref<128xf32, #tpu.memory_space<vmem>>, vector<16xf32>,
        %get3A_471 = vector.shape_cast %get3A_470 : vector<16xf32> to vector<16xf32>
        %get3A_472 = arith.constant 0 : index
        %get3A_473 = tpu.vector_load %arg24[%get3A_472] {strides = array<i32>} : memref<128xf32, #tpu.memory_space<vmem>>, vector<16xf32>,
        %get3A_474 = vector.shape_cast %get3A_473 : vector<16xf32> to vector<16xf32>
        %sub3A_475 = arith.subf %get3A_471, %get3A_474 : vector<16xf32>
        %mul3A_476 = arith.mulf %sub3A_461, %sub3A_461 : vector<16xf32>
        %mul3A_477 = arith.mulf %sub3A_468, %sub3A_468 : vector<16xf32>
        %add3A_478 = arith.addf %mul3A_476, %mul3A_477 : vector<16xf32>
        %mul3A_479 = arith.mulf %sub3A_475, %sub3A_475 : vector<16xf32>
        %add3A_480 = arith.addf %add3A_478, %mul3A_479 : vector<16xf32>
        %mul3A_481 = arith.constant 128 : i32
        %mul3A_482 = arith.muli %add3A_167, %mul3A_481 : i32
        %add3A_483 = arith.constant 0 : i32
        %add3A_484 = arith.addi %mul3A_482, %add3A_483 : i32
        %swap3A_485 = arith.index_cast %add3A_484 : i32 to index
        %swap3A_486 = tpu.vector_load %arg25[%swap3A_485] {strides = array<i32>} : memref<13824xf32, #tpu.memory_space<vmem>>, vector<16xf32>,
        %swap3A_487 = vector.shape_cast %swap3A_486 : vector<16xf32> to vector<16xf32>
        %swap3A_488 = vector.shape_cast %add3A_480 : vector<16xf32> to vector<16xf32>
        tpu.vector_store %arg25[%swap3A_485], %swap3A_488 {strides = array<i32>} : memref<13824xf32, #tpu.memory_space<vmem>>, vector<16xf32>,
        %get3A_489 = arith.constant 16 : index
        %get3A_490 = tpu.vector_load %arg19[%get3A_489] {strides = array<i32>} : memref<128xf32, #tpu.memory_space<vmem>>, vector<16xf32>,
        %get3A_491 = vector.shape_cast %get3A_490 : vector<16xf32> to vector<16xf32>
        %get3A_492 = arith.constant 16 : index
        %get3A_493 = tpu.vector_load %arg22[%get3A_492] {strides = array<i32>} : memref<128xf32, #tpu.memory_space<vmem>>, vector<16xf32>,
        %get3A_494 = vector.shape_cast %get3A_493 : vector<16xf32> to vector<16xf32>
        %sub3A_495 = arith.subf %get3A_491, %get3A_494 : vector<16xf32>
        %get3A_496 = arith.constant 16 : index
        %get3A_497 = tpu.vector_load %arg20[%get3A_496] {strides = array<i32>} : memref<128xf32, #tpu.memory_space<vmem>>, vector<16xf32>,
        %get3A_498 = vector.shape_cast %get3A_497 : vector<16xf32> to vector<16xf32>
        %get3A_499 = arith.constant 16 : index
        %get3A_500 = tpu.vector_load %arg23[%get3A_499] {strides = array<i32>} : memref<128xf32, #tpu.memory_space<vmem>>, vector<16xf32>,
        %get3A_501 = vector.shape_cast %get3A_500 : vector<16xf32> to vector<16xf32>
        %sub3A_502 = arith.subf %get3A_498, %get3A_501 : vector<16xf32>
        %get3A_503 = arith.constant 16 : index
        %get3A_504 = tpu.vector_load %arg21[%get3A_503] {strides = array<i32>} : memref<128xf32, #tpu.memory_space<vmem>>, vector<16xf32>,
        %get3A_505 = vector.shape_cast %get3A_504 : vector<16xf32> to vector<16xf32>
        %get3A_506 = arith.constant 16 : index
        %get3A_507 = tpu.vector_load %arg24[%get3A_506] {strides = array<i32>} : memref<128xf32, #tpu.memory_space<vmem>>, vector<16xf32>,
        %get3A_508 = vector.shape_cast %get3A_507 : vector<16xf32> to vector<16xf32>
        %sub3A_509 = arith.subf %get3A_505, %get3A_508 : vector<16xf32>
        %mul3A_510 = arith.mulf %sub3A_495, %sub3A_495 : vector<16xf32>
        %mul3A_511 = arith.mulf %sub3A_502, %sub3A_502 : vector<16xf32>
        %add3A_512 = arith.addf %mul3A_510, %mul3A_511 : vector<16xf32>
        %mul3A_513 = arith.mulf %sub3A_509, %sub3A_509 : vector<16xf32>
        %add3A_514 = arith.addf %add3A_512, %mul3A_513 : vector<16xf32>
        %mul3A_515 = arith.constant 128 : i32
        %mul3A_516 = arith.muli %add3A_167, %mul3A_515 : i32
        %add3A_517 = arith.constant 16 : i32
        %add3A_518 = arith.addi %mul3A_516, %add3A_517 : i32
        %swap3A_519 = arith.index_cast %add3A_518 : i32 to index
        %swap3A_520 = tpu.vector_load %arg25[%swap3A_519] {strides = array<i32>} : memref<13824xf32, #tpu.memory_space<vmem>>, vector<16xf32>,
        %swap3A_521 = vector.shape_cast %swap3A_520 : vector<16xf32> to vector<16xf32>
        %swap3A_522 = vector.shape_cast %add3A_514 : vector<16xf32> to vector<16xf32>
        tpu.vector_store %arg25[%swap3A_519], %swap3A_522 {strides = array<i32>} : memref<13824xf32, #tpu.memory_space<vmem>>, vector<16xf32>,
        %get3A_523 = arith.constant 32 : index
        %get3A_524 = tpu.vector_load %arg19[%get3A_523] {strides = array<i32>} : memref<128xf32, #tpu.memory_space<vmem>>, vector<16xf32>,
        %get3A_525 = vector.shape_cast %get3A_524 : vector<16xf32> to vector<16xf32>
        %get3A_526 = arith.constant 32 : index
        %get3A_527 = tpu.vector_load %arg22[%get3A_526] {strides = array<i32>} : memref<128xf32, #tpu.memory_space<vmem>>, vector<16xf32>,
        %get3A_528 = vector.shape_cast %get3A_527 : vector<16xf32> to vector<16xf32>
        %sub3A_529 = arith.subf %get3A_525, %get3A_528 : vector<16xf32>
        %get3A_530 = arith.constant 32 : index
        %get3A_531 = tpu.vector_load %arg20[%get3A_530] {strides = array<i32>} : memref<128xf32, #tpu.memory_space<vmem>>, vector<16xf32>,
        %get3A_532 = vector.shape_cast %get3A_531 : vector<16xf32> to vector<16xf32>
        %get3A_533 = arith.constant 32 : index
        %get3A_534 = tpu.vector_load %arg23[%get3A_533] {strides = array<i32>} : memref<128xf32, #tpu.memory_space<vmem>>, vector<16xf32>,
        %get3A_535 = vector.shape_cast %get3A_534 : vector<16xf32> to vector<16xf32>
        %sub3A_536 = arith.subf %get3A_532, %get3A_535 : vector<16xf32>
        %get3A_537 = arith.constant 32 : index
        %get3A_538 = tpu.vector_load %arg21[%get3A_537] {strides = array<i32>} : memref<128xf32, #tpu.memory_space<vmem>>, vector<16xf32>,
        %get3A_539 = vector.shape_cast %get3A_538 : vector<16xf32> to vector<16xf32>
        %get3A_540 = arith.constant 32 : index
        %get3A_541 = tpu.vector_load %arg24[%get3A_540] {strides = array<i32>} : memref<128xf32, #tpu.memory_space<vmem>>, vector<16xf32>,
        %get3A_542 = vector.shape_cast %get3A_541 : vector<16xf32> to vector<16xf32>
        %sub3A_543 = arith.subf %get3A_539, %get3A_542 : vector<16xf32>
        %mul3A_544 = arith.mulf %sub3A_529, %sub3A_529 : vector<16xf32>
        %mul3A_545 = arith.mulf %sub3A_536, %sub3A_536 : vector<16xf32>
        %add3A_546 = arith.addf %mul3A_544, %mul3A_545 : vector<16xf32>
        %mul3A_547 = arith.mulf %sub3A_543, %sub3A_543 : vector<16xf32>
        %add3A_548 = arith.addf %add3A_546, %mul3A_547 : vector<16xf32>
        %mul3A_549 = arith.constant 128 : i32
        %mul3A_550 = arith.muli %add3A_167, %mul3A_549 : i32
        %add3A_551 = arith.constant 32 : i32
        %add3A_552 = arith.addi %mul3A_550, %add3A_551 : i32
        %swap3A_553 = arith.index_cast %add3A_552 : i32 to index
        %swap3A_554 = tpu.vector_load %arg25[%swap3A_553] {strides = array<i32>} : memref<13824xf32, #tpu.memory_space<vmem>>, vector<16xf32>,
        %swap3A_555 = vector.shape_cast %swap3A_554 : vector<16xf32> to vector<16xf32>
        %swap3A_556 = vector.shape_cast %add3A_548 : vector<16xf32> to vector<16xf32>
        tpu.vector_store %arg25[%swap3A_553], %swap3A_556 {strides = array<i32>} : memref<13824xf32, #tpu.memory_space<vmem>>, vector<16xf32>,
        %get3A_557 = arith.constant 48 : index
        %get3A_558 = tpu.vector_load %arg19[%get3A_557] {strides = array<i32>} : memref<128xf32, #tpu.memory_space<vmem>>, vector<16xf32>,
        %get3A_559 = vector.shape_cast %get3A_558 : vector<16xf32> to vector<16xf32>
        %get3A_560 = arith.constant 48 : index
        %get3A_561 = tpu.vector_load %arg22[%get3A_560] {strides = array<i32>} : memref<128xf32, #tpu.memory_space<vmem>>, vector<16xf32>,
        %get3A_562 = vector.shape_cast %get3A_561 : vector<16xf32> to vector<16xf32>
        %sub3A_563 = arith.subf %get3A_559, %get3A_562 : vector<16xf32>
        %get3A_564 = arith.constant 48 : index
        %get3A_565 = tpu.vector_load %arg20[%get3A_564] {strides = array<i32>} : memref<128xf32, #tpu.memory_space<vmem>>, vector<16xf32>,
        %get3A_566 = vector.shape_cast %get3A_565 : vector<16xf32> to vector<16xf32>
        %get3A_567 = arith.constant 48 : index
        %get3A_568 = tpu.vector_load %arg23[%get3A_567] {strides = array<i32>} : memref<128xf32, #tpu.memory_space<vmem>>, vector<16xf32>,
        %get3A_569 = vector.shape_cast %get3A_568 : vector<16xf32> to vector<16xf32>
        %sub3A_570 = arith.subf %get3A_566, %get3A_569 : vector<16xf32>
        %get3A_571 = arith.constant 48 : index
        %get3A_572 = tpu.vector_load %arg21[%get3A_571] {strides = array<i32>} : memref<128xf32, #tpu.memory_space<vmem>>, vector<16xf32>,
        %get3A_573 = vector.shape_cast %get3A_572 : vector<16xf32> to vector<16xf32>
        %get3A_574 = arith.constant 48 : index
        %get3A_575 = tpu.vector_load %arg24[%get3A_574] {strides = array<i32>} : memref<128xf32, #tpu.memory_space<vmem>>, vector<16xf32>,
        %get3A_576 = vector.shape_cast %get3A_575 : vector<16xf32> to vector<16xf32>
        %sub3A_577 = arith.subf %get3A_573, %get3A_576 : vector<16xf32>
        %mul3A_578 = arith.mulf %sub3A_563, %sub3A_563 : vector<16xf32>
        %mul3A_579 = arith.mulf %sub3A_570, %sub3A_570 : vector<16xf32>
        %add3A_580 = arith.addf %mul3A_578, %mul3A_579 : vector<16xf32>
        %mul3A_581 = arith.mulf %sub3A_577, %sub3A_577 : vector<16xf32>
        %add3A_582 = arith.addf %add3A_580, %mul3A_581 : vector<16xf32>
        %mul3A_583 = arith.constant 128 : i32
        %mul3A_584 = arith.muli %add3A_167, %mul3A_583 : i32
        %add3A_585 = arith.constant 48 : i32
        %add3A_586 = arith.addi %mul3A_584, %add3A_585 : i32
        %swap3A_587 = arith.index_cast %add3A_586 : i32 to index
        %swap3A_588 = tpu.vector_load %arg25[%swap3A_587] {strides = array<i32>} : memref<13824xf32, #tpu.memory_space<vmem>>, vector<16xf32>,
        %swap3A_589 = vector.shape_cast %swap3A_588 : vector<16xf32> to vector<16xf32>
        %swap3A_590 = vector.shape_cast %add3A_582 : vector<16xf32> to vector<16xf32>
        tpu.vector_store %arg25[%swap3A_587], %swap3A_590 {strides = array<i32>} : memref<13824xf32, #tpu.memory_space<vmem>>, vector<16xf32>,
        %get3A_591 = arith.constant 64 : index
        %get3A_592 = tpu.vector_load %arg19[%get3A_591] {strides = array<i32>} : memref<128xf32, #tpu.memory_space<vmem>>, vector<16xf32>,
        %get3A_593 = vector.shape_cast %get3A_592 : vector<16xf32> to vector<16xf32>
        %get3A_594 = arith.constant 64 : index
        %get3A_595 = tpu.vector_load %arg22[%get3A_594] {strides = array<i32>} : memref<128xf32, #tpu.memory_space<vmem>>, vector<16xf32>,
        %get3A_596 = vector.shape_cast %get3A_595 : vector<16xf32> to vector<16xf32>
        %sub3A_597 = arith.subf %get3A_593, %get3A_596 : vector<16xf32>
        %get3A_598 = arith.constant 64 : index
        %get3A_599 = tpu.vector_load %arg20[%get3A_598] {strides = array<i32>} : memref<128xf32, #tpu.memory_space<vmem>>, vector<16xf32>,
        %get3A_600 = vector.shape_cast %get3A_599 : vector<16xf32> to vector<16xf32>
        %get3A_601 = arith.constant 64 : index
        %get3A_602 = tpu.vector_load %arg23[%get3A_601] {strides = array<i32>} : memref<128xf32, #tpu.memory_space<vmem>>, vector<16xf32>,
        %get3A_603 = vector.shape_cast %get3A_602 : vector<16xf32> to vector<16xf32>
        %sub3A_604 = arith.subf %get3A_600, %get3A_603 : vector<16xf32>
        %get3A_605 = arith.constant 64 : index
        %get3A_606 = tpu.vector_load %arg21[%get3A_605] {strides = array<i32>} : memref<128xf32, #tpu.memory_space<vmem>>, vector<16xf32>,
        %get3A_607 = vector.shape_cast %get3A_606 : vector<16xf32> to vector<16xf32>
        %get3A_608 = arith.constant 64 : index
        %get3A_609 = tpu.vector_load %arg24[%get3A_608] {strides = array<i32>} : memref<128xf32, #tpu.memory_space<vmem>>, vector<16xf32>,
        %get3A_610 = vector.shape_cast %get3A_609 : vector<16xf32> to vector<16xf32>
        %sub3A_611 = arith.subf %get3A_607, %get3A_610 : vector<16xf32>
        %mul3A_612 = arith.mulf %sub3A_597, %sub3A_597 : vector<16xf32>
        %mul3A_613 = arith.mulf %sub3A_604, %sub3A_604 : vector<16xf32>
        %add3A_614 = arith.addf %mul3A_612, %mul3A_613 : vector<16xf32>
        %mul3A_615 = arith.mulf %sub3A_611, %sub3A_611 : vector<16xf32>
        %add3A_616 = arith.addf %add3A_614, %mul3A_615 : vector<16xf32>
        %mul3A_617 = arith.constant 128 : i32
        %mul3A_618 = arith.muli %add3A_167, %mul3A_617 : i32
        %add3A_619 = arith.constant 64 : i32
        %add3A_620 = arith.addi %mul3A_618, %add3A_619 : i32
        %swap3A_621 = arith.index_cast %add3A_620 : i32 to index
        %swap3A_622 = tpu.vector_load %arg25[%swap3A_621] {strides = array<i32>} : memref<13824xf32, #tpu.memory_space<vmem>>, vector<16xf32>,
        %swap3A_623 = vector.shape_cast %swap3A_622 : vector<16xf32> to vector<16xf32>
        %swap3A_624 = vector.shape_cast %add3A_616 : vector<16xf32> to vector<16xf32>
        tpu.vector_store %arg25[%swap3A_621], %swap3A_624 {strides = array<i32>} : memref<13824xf32, #tpu.memory_space<vmem>>, vector<16xf32>,
        %get3A_625 = arith.constant 80 : index
        %get3A_626 = tpu.vector_load %arg19[%get3A_625] {strides = array<i32>} : memref<128xf32, #tpu.memory_space<vmem>>, vector<16xf32>,
        %get3A_627 = vector.shape_cast %get3A_626 : vector<16xf32> to vector<16xf32>
        %get3A_628 = arith.constant 80 : index
        %get3A_629 = tpu.vector_load %arg22[%get3A_628] {strides = array<i32>} : memref<128xf32, #tpu.memory_space<vmem>>, vector<16xf32>,
        %get3A_630 = vector.shape_cast %get3A_629 : vector<16xf32> to vector<16xf32>
        %sub3A_631 = arith.subf %get3A_627, %get3A_630 : vector<16xf32>
        %get3A_632 = arith.constant 80 : index
        %get3A_633 = tpu.vector_load %arg20[%get3A_632] {strides = array<i32>} : memref<128xf32, #tpu.memory_space<vmem>>, vector<16xf32>,
        %get3A_634 = vector.shape_cast %get3A_633 : vector<16xf32> to vector<16xf32>
        %get3A_635 = arith.constant 80 : index
        %get3A_636 = tpu.vector_load %arg23[%get3A_635] {strides = array<i32>} : memref<128xf32, #tpu.memory_space<vmem>>, vector<16xf32>,
        %get3A_637 = vector.shape_cast %get3A_636 : vector<16xf32> to vector<16xf32>
        %sub3A_638 = arith.subf %get3A_634, %get3A_637 : vector<16xf32>
        %get3A_639 = arith.constant 80 : index
        %get3A_640 = tpu.vector_load %arg21[%get3A_639] {strides = array<i32>} : memref<128xf32, #tpu.memory_space<vmem>>, vector<16xf32>,
        %get3A_641 = vector.shape_cast %get3A_640 : vector<16xf32> to vector<16xf32>
        %get3A_642 = arith.constant 80 : index
        %get3A_643 = tpu.vector_load %arg24[%get3A_642] {strides = array<i32>} : memref<128xf32, #tpu.memory_space<vmem>>, vector<16xf32>,
        %get3A_644 = vector.shape_cast %get3A_643 : vector<16xf32> to vector<16xf32>
        %sub3A_645 = arith.subf %get3A_641, %get3A_644 : vector<16xf32>
        %mul3A_646 = arith.mulf %sub3A_631, %sub3A_631 : vector<16xf32>
        %mul3A_647 = arith.mulf %sub3A_638, %sub3A_638 : vector<16xf32>
        %add3A_648 = arith.addf %mul3A_646, %mul3A_647 : vector<16xf32>
        %mul3A_649 = arith.mulf %sub3A_645, %sub3A_645 : vector<16xf32>
        %add3A_650 = arith.addf %add3A_648, %mul3A_649 : vector<16xf32>
        %mul3A_651 = arith.constant 128 : i32
        %mul3A_652 = arith.muli %add3A_167, %mul3A_651 : i32
        %add3A_653 = arith.constant 80 : i32
        %add3A_654 = arith.addi %mul3A_652, %add3A_653 : i32
        %swap3A_655 = arith.index_cast %add3A_654 : i32 to index
        %swap3A_656 = tpu.vector_load %arg25[%swap3A_655] {strides = array<i32>} : memref<13824xf32, #tpu.memory_space<vmem>>, vector<16xf32>,
        %swap3A_657 = vector.shape_cast %swap3A_656 : vector<16xf32> to vector<16xf32>
        %swap3A_658 = vector.shape_cast %add3A_650 : vector<16xf32> to vector<16xf32>
        tpu.vector_store %arg25[%swap3A_655], %swap3A_658 {strides = array<i32>} : memref<13824xf32, #tpu.memory_space<vmem>>, vector<16xf32>,
        %get3A_659 = arith.constant 96 : index
        %get3A_660 = tpu.vector_load %arg19[%get3A_659] {strides = array<i32>} : memref<128xf32, #tpu.memory_space<vmem>>, vector<16xf32>,
        %get3A_661 = vector.shape_cast %get3A_660 : vector<16xf32> to vector<16xf32>
        %get3A_662 = arith.constant 96 : index
        %get3A_663 = tpu.vector_load %arg22[%get3A_662] {strides = array<i32>} : memref<128xf32, #tpu.memory_space<vmem>>, vector<16xf32>,
        %get3A_664 = vector.shape_cast %get3A_663 : vector<16xf32> to vector<16xf32>
        %sub3A_665 = arith.subf %get3A_661, %get3A_664 : vector<16xf32>
        %get3A_666 = arith.constant 96 : index
        %get3A_667 = tpu.vector_load %arg20[%get3A_666] {strides = array<i32>} : memref<128xf32, #tpu.memory_space<vmem>>, vector<16xf32>,
        %get3A_668 = vector.shape_cast %get3A_667 : vector<16xf32> to vector<16xf32>
        %get3A_669 = arith.constant 96 : index
        %get3A_670 = tpu.vector_load %arg23[%get3A_669] {strides = array<i32>} : memref<128xf32, #tpu.memory_space<vmem>>, vector<16xf32>,
        %get3A_671 = vector.shape_cast %get3A_670 : vector<16xf32> to vector<16xf32>
        %sub3A_672 = arith.subf %get3A_668, %get3A_671 : vector<16xf32>
        %get3A_673 = arith.constant 96 : index
        %get3A_674 = tpu.vector_load %arg21[%get3A_673] {strides = array<i32>} : memref<128xf32, #tpu.memory_space<vmem>>, vector<16xf32>,
        %get3A_675 = vector.shape_cast %get3A_674 : vector<16xf32> to vector<16xf32>
        %get3A_676 = arith.constant 96 : index
        %get3A_677 = tpu.vector_load %arg24[%get3A_676] {strides = array<i32>} : memref<128xf32, #tpu.memory_space<vmem>>, vector<16xf32>,
        %get3A_678 = vector.shape_cast %get3A_677 : vector<16xf32> to vector<16xf32>
        %sub3A_679 = arith.subf %get3A_675, %get3A_678 : vector<16xf32>
        %mul3A_680 = arith.mulf %sub3A_665, %sub3A_665 : vector<16xf32>
        %mul3A_681 = arith.mulf %sub3A_672, %sub3A_672 : vector<16xf32>
        %add3A_682 = arith.addf %mul3A_680, %mul3A_681 : vector<16xf32>
        %mul3A_683 = arith.mulf %sub3A_679, %sub3A_679 : vector<16xf32>
        %add3A_684 = arith.addf %add3A_682, %mul3A_683 : vector<16xf32>
        %mul3A_685 = arith.constant 128 : i32
        %mul3A_686 = arith.muli %add3A_167, %mul3A_685 : i32
        %add3A_687 = arith.constant 96 : i32
        %add3A_688 = arith.addi %mul3A_686, %add3A_687 : i32
        %swap3A_689 = arith.index_cast %add3A_688 : i32 to index
        %swap3A_690 = tpu.vector_load %arg25[%swap3A_689] {strides = array<i32>} : memref<13824xf32, #tpu.memory_space<vmem>>, vector<16xf32>,
        %swap3A_691 = vector.shape_cast %swap3A_690 : vector<16xf32> to vector<16xf32>
        %swap3A_692 = vector.shape_cast %add3A_684 : vector<16xf32> to vector<16xf32>
        tpu.vector_store %arg25[%swap3A_689], %swap3A_692 {strides = array<i32>} : memref<13824xf32, #tpu.memory_space<vmem>>, vector<16xf32>,
        %get3A_693 = arith.constant 112 : index
        %get3A_694 = tpu.vector_load %arg19[%get3A_693] {strides = array<i32>} : memref<128xf32, #tpu.memory_space<vmem>>, vector<16xf32>,
        %get3A_695 = vector.shape_cast %get3A_694 : vector<16xf32> to vector<16xf32>
        %get3A_696 = arith.constant 112 : index
        %get3A_697 = tpu.vector_load %arg22[%get3A_696] {strides = array<i32>} : memref<128xf32, #tpu.memory_space<vmem>>, vector<16xf32>,
        %get3A_698 = vector.shape_cast %get3A_697 : vector<16xf32> to vector<16xf32>
        %sub3A_699 = arith.subf %get3A_695, %get3A_698 : vector<16xf32>
        %get3A_700 = arith.constant 112 : index
        %get3A_701 = tpu.vector_load %arg20[%get3A_700] {strides = array<i32>} : memref<128xf32, #tpu.memory_space<vmem>>, vector<16xf32>,
        %get3A_702 = vector.shape_cast %get3A_701 : vector<16xf32> to vector<16xf32>
        %get3A_703 = arith.constant 112 : index
        %get3A_704 = tpu.vector_load %arg23[%get3A_703] {strides = array<i32>} : memref<128xf32, #tpu.memory_space<vmem>>, vector<16xf32>,
        %get3A_705 = vector.shape_cast %get3A_704 : vector<16xf32> to vector<16xf32>
        %sub3A_706 = arith.subf %get3A_702, %get3A_705 : vector<16xf32>
        %get3A_707 = arith.constant 112 : index
        %get3A_708 = tpu.vector_load %arg21[%get3A_707] {strides = array<i32>} : memref<128xf32, #tpu.memory_space<vmem>>, vector<16xf32>,
        %get3A_709 = vector.shape_cast %get3A_708 : vector<16xf32> to vector<16xf32>
        %get3A_710 = arith.constant 112 : index
        %get3A_711 = tpu.vector_load %arg24[%get3A_710] {strides = array<i32>} : memref<128xf32, #tpu.memory_space<vmem>>, vector<16xf32>,
        %get3A_712 = vector.shape_cast %get3A_711 : vector<16xf32> to vector<16xf32>
        %sub3A_713 = arith.subf %get3A_709, %get3A_712 : vector<16xf32>
        %mul3A_714 = arith.mulf %sub3A_699, %sub3A_699 : vector<16xf32>
        %mul3A_715 = arith.mulf %sub3A_706, %sub3A_706 : vector<16xf32>
        %add3A_716 = arith.addf %mul3A_714, %mul3A_715 : vector<16xf32>
        %mul3A_717 = arith.mulf %sub3A_713, %sub3A_713 : vector<16xf32>
        %add3A_718 = arith.addf %add3A_716, %mul3A_717 : vector<16xf32>
        %mul3A_719 = arith.constant 128 : i32
        %mul3A_720 = arith.muli %add3A_167, %mul3A_719 : i32
        %add3A_721 = arith.constant 112 : i32
        %add3A_722 = arith.addi %mul3A_720, %add3A_721 : i32
        %swap3A_723 = arith.index_cast %add3A_722 : i32 to index
        %swap3A_724 = tpu.vector_load %arg25[%swap3A_723] {strides = array<i32>} : memref<13824xf32, #tpu.memory_space<vmem>>, vector<16xf32>,
        %swap3A_725 = vector.shape_cast %swap3A_724 : vector<16xf32> to vector<16xf32>
        %swap3A_726 = vector.shape_cast %add3A_718 : vector<16xf32> to vector<16xf32>
        tpu.vector_store %arg25[%swap3A_723], %swap3A_726 {strides = array<i32>} : memref<13824xf32, #tpu.memory_space<vmem>>, vector<16xf32>,
      }
      %scan3A_92 = arith.constant 26 : i32
      "tpu.region"() ({
        %run_scoped3A = tpu.sem_alloc : memref<!tpu.dma_semaphore, #tpu.memory_space<semaphore_mem>>
        %dma_start3A_93 = arith.constant 0 : i32
        %dma_start3A_94 = tpu.memref_slice %arg25[%dma_start3A_93] : memref<13824xf32, #tpu.memory_space<vmem>> -> memref<6656xf32, #tpu.memory_space<vmem>>
        %dma_start3A_95 = tpu.memref_slice %arg9[%add3A_87] : memref<327680xf32, #tpu.memory_space<hbm>> -> memref<6656xf32, #tpu.memory_space<hbm>>
        %dma_start3A_96 = tpu.memref_slice %arg9[%add3A_87] : memref<327680xf32, #tpu.memory_space<hbm>> -> memref<6656xf32, #tpu.memory_space<hbm>>
        %dma_start3A_97 = arith.constant 0 : i32
        %dma_start3A_98 = tpu.memref_slice %arg25[%dma_start3A_97] : memref<13824xf32, #tpu.memory_space<vmem>> -> memref<6656xf32, #tpu.memory_space<vmem>>
        tpu.enqueue_dma source(%dma_start3A_98 : memref<6656xf32, #tpu.memory_space<vmem>>) target(%dma_start3A_96 : memref<6656xf32, #tpu.memory_space<hbm>>) target_semaphore(%run_scoped3A : memref<!tpu.dma_semaphore, #tpu.memory_space<semaphore_mem>>)
        %dma_wait3A_99 = arith.constant 0 : i32
        %dma_wait3A_100 = tpu.memref_slice %arg25[%dma_wait3A_99] : memref<13824xf32, #tpu.memory_space<vmem>> -> memref<6656xf32, #tpu.memory_space<vmem>>
        %dma_wait3A_101 = tpu.memref_slice %arg9[%add3A_87] : memref<327680xf32, #tpu.memory_space<hbm>> -> memref<6656xf32, #tpu.memory_space<hbm>>
        %dma_wait3A_102 = tpu.memref_slice %arg9[%add3A_87] : memref<327680xf32, #tpu.memory_space<hbm>> -> memref<6656xf32, #tpu.memory_space<hbm>>
        %dma_wait3A_103 = arith.constant 0 : i32
        %dma_wait3A_104 = tpu.memref_slice %arg25[%dma_wait3A_103] : memref<13824xf32, #tpu.memory_space<vmem>> -> memref<6656xf32, #tpu.memory_space<vmem>>
        tpu.wait_dma2 semaphore(%run_scoped3A : memref<!tpu.dma_semaphore, #tpu.memory_space<semaphore_mem>>) src(%dma_wait3A_104 : memref<6656xf32, #tpu.memory_space<vmem>>) dst(%dma_wait3A_102 : memref<6656xf32, #tpu.memory_space<hbm>>)
        tpu.yield
      }) : () -> ()
    } else {
    }
    %mul3A_20 = arith.constant 320 : i32
    %mul3A_21 = arith.muli %add3A, %mul3A_20 : i32
    "tpu.region"() ({
      %run_scoped3A = tpu.sem_alloc : memref<!tpu.dma_semaphore, #tpu.memory_space<semaphore_mem>>
      %dma_start3A_84 = tpu.memref_slice %arg7[%mul3A_21] : memref<10240xi32, #tpu.memory_space<hbm>> -> memref<320xi32, #tpu.memory_space<hbm>>
      %dma_start3A_85 = tpu.memref_slice %arg7[%mul3A_21] : memref<10240xi32, #tpu.memory_space<hbm>> -> memref<320xi32, #tpu.memory_space<hbm>>
      tpu.enqueue_dma source(%dma_start3A_85 : memref<320xi32, #tpu.memory_space<hbm>>) target(%arg26 : memref<320xi32, #tpu.memory_space<vmem>>) target_semaphore(%run_scoped3A : memref<!tpu.dma_semaphore, #tpu.memory_space<semaphore_mem>>)
      %dma_wait3A_86 = tpu.memref_slice %arg7[%mul3A_21] : memref<10240xi32, #tpu.memory_space<hbm>> -> memref<320xi32, #tpu.memory_space<hbm>>
      %dma_wait3A_87 = tpu.memref_slice %arg7[%mul3A_21] : memref<10240xi32, #tpu.memory_space<hbm>> -> memref<320xi32, #tpu.memory_space<hbm>>
      tpu.wait_dma2 semaphore(%run_scoped3A : memref<!tpu.dma_semaphore, #tpu.memory_space<semaphore_mem>>) src(%dma_wait3A_87 : memref<320xi32, #tpu.memory_space<hbm>>) dst(%arg26 : memref<320xi32, #tpu.memory_space<vmem>>)
      tpu.yield
    }) : () -> ()
    %dma_start3A = arith.constant 0 : i32
    %dma_start3A_22 = arith.constant 0 : i32
    %dma_start3A_23 = tpu.memref_slice %arg27[%dma_start3A, %dma_start3A_22] : memref<320x128xf32, #tpu.memory_space<vmem>> -> memref<80x128xf32, #tpu.memory_space<vmem>>
    %dma_start3A_24 = arith.constant 0 : i32
    %dma_start3A_25 = tpu.memref_slice %arg26[%dma_start3A_24] : memref<320xi32, #tpu.memory_space<vmem>> -> memref<80xi32, #tpu.memory_space<vmem>>
    %dma_start3A_26 = arith.constant 0 : i32
    %dma_start3A_27 = arith.constant 0 : i32
    %dma_start3A_28 = tpu.memref_slice %arg8[%dma_start3A_26, %dma_start3A_27] : memref<100x128xf32, #tpu.memory_space<hbm>> -> memref<100x128xf32, #tpu.memory_space<hbm>>
    tpu.enqueue_indirect_dma source(%dma_start3A_28 : memref<100x128xf32, #tpu.memory_space<hbm>>) target(%dma_start3A_23 : memref<80x128xf32, #tpu.memory_space<vmem>>) offsets(%dma_start3A_25 : memref<80xi32, #tpu.memory_space<vmem>>) semaphore(%arg28 : memref<!tpu.dma_semaphore, #tpu.memory_space<semaphore_mem>>)
    %dma_wait3A = arith.constant 0 : i32
    %dma_wait3A_29 = arith.constant 0 : i32
    %dma_wait3A_30 = tpu.memref_slice %arg27[%dma_wait3A, %dma_wait3A_29] : memref<320x128xf32, #tpu.memory_space<vmem>> -> memref<80x128xf32, #tpu.memory_space<vmem>>
    %dma_wait3A_31 = arith.constant 0 : i32
    %dma_wait3A_32 = tpu.memref_slice %arg26[%dma_wait3A_31] : memref<320xi32, #tpu.memory_space<vmem>> -> memref<80xi32, #tpu.memory_space<vmem>>
    %dma_wait3A_33 = arith.constant 0 : i32
    %dma_wait3A_34 = arith.constant 0 : i32
    %dma_wait3A_35 = tpu.memref_slice %arg8[%dma_wait3A_33, %dma_wait3A_34] : memref<100x128xf32, #tpu.memory_space<hbm>> -> memref<100x128xf32, #tpu.memory_space<hbm>>
    tpu.wait_indirect_dma semaphore(%arg28 : memref<!tpu.dma_semaphore, #tpu.memory_space<semaphore_mem>>) src(%dma_wait3A_35 : memref<100x128xf32, #tpu.memory_space<hbm>>) dst(%dma_wait3A_30 : memref<80x128xf32, #tpu.memory_space<vmem>>)
    %dma_start3A_36 = arith.constant 80 : i32
    %dma_start3A_37 = arith.constant 0 : i32
    %dma_start3A_38 = tpu.memref_slice %arg27[%dma_start3A_36, %dma_start3A_37] : memref<320x128xf32, #tpu.memory_space<vmem>> -> memref<80x128xf32, #tpu.memory_space<vmem>>
    %dma_start3A_39 = arith.constant 80 : i32
    %dma_start3A_40 = tpu.memref_slice %arg26[%dma_start3A_39] : memref<320xi32, #tpu.memory_space<vmem>> -> memref<80xi32, #tpu.memory_space<vmem>>
    %dma_start3A_41 = arith.constant 0 : i32
    %dma_start3A_42 = arith.constant 0 : i32
    %dma_start3A_43 = tpu.memref_slice %arg8[%dma_start3A_41, %dma_start3A_42] : memref<100x128xf32, #tpu.memory_space<hbm>> -> memref<100x128xf32, #tpu.memory_space<hbm>>
    tpu.enqueue_indirect_dma source(%dma_start3A_43 : memref<100x128xf32, #tpu.memory_space<hbm>>) target(%dma_start3A_38 : memref<80x128xf32, #tpu.memory_space<vmem>>) offsets(%dma_start3A_40 : memref<80xi32, #tpu.memory_space<vmem>>) semaphore(%arg28 : memref<!tpu.dma_semaphore, #tpu.memory_space<semaphore_mem>>)
    %dma_wait3A_44 = arith.constant 80 : i32
    %dma_wait3A_45 = arith.constant 0 : i32
    %dma_wait3A_46 = tpu.memref_slice %arg27[%dma_wait3A_44, %dma_wait3A_45] : memref<320x128xf32, #tpu.memory_space<vmem>> -> memref<80x128xf32, #tpu.memory_space<vmem>>
    %dma_wait3A_47 = arith.constant 80 : i32
    %dma_wait3A_48 = tpu.memref_slice %arg26[%dma_wait3A_47] : memref<320xi32, #tpu.memory_space<vmem>> -> memref<80xi32, #tpu.memory_space<vmem>>
    %dma_wait3A_49 = arith.constant 0 : i32
    %dma_wait3A_50 = arith.constant 0 : i32
    %dma_wait3A_51 = tpu.memref_slice %arg8[%dma_wait3A_49, %dma_wait3A_50] : memref<100x128xf32, #tpu.memory_space<hbm>> -> memref<100x128xf32, #tpu.memory_space<hbm>>
    tpu.wait_indirect_dma semaphore(%arg28 : memref<!tpu.dma_semaphore, #tpu.memory_space<semaphore_mem>>) src(%dma_wait3A_51 : memref<100x128xf32, #tpu.memory_space<hbm>>) dst(%dma_wait3A_46 : memref<80x128xf32, #tpu.memory_space<vmem>>)
    %dma_start3A_52 = arith.constant 160 : i32
    %dma_start3A_53 = arith.constant 0 : i32
    %dma_start3A_54 = tpu.memref_slice %arg27[%dma_start3A_52, %dma_start3A_53] : memref<320x128xf32, #tpu.memory_space<vmem>> -> memref<80x128xf32, #tpu.memory_space<vmem>>
    %dma_start3A_55 = arith.constant 160 : i32
    %dma_start3A_56 = tpu.memref_slice %arg26[%dma_start3A_55] : memref<320xi32, #tpu.memory_space<vmem>> -> memref<80xi32, #tpu.memory_space<vmem>>
    %dma_start3A_57 = arith.constant 0 : i32
    %dma_start3A_58 = arith.constant 0 : i32
    %dma_start3A_59 = tpu.memref_slice %arg8[%dma_start3A_57, %dma_start3A_58] : memref<100x128xf32, #tpu.memory_space<hbm>> -> memref<100x128xf32, #tpu.memory_space<hbm>>
    tpu.enqueue_indirect_dma source(%dma_start3A_59 : memref<100x128xf32, #tpu.memory_space<hbm>>) target(%dma_start3A_54 : memref<80x128xf32, #tpu.memory_space<vmem>>) offsets(%dma_start3A_56 : memref<80xi32, #tpu.memory_space<vmem>>) semaphore(%arg28 : memref<!tpu.dma_semaphore, #tpu.memory_space<semaphore_mem>>)
    %dma_wait3A_60 = arith.constant 160 : i32
    %dma_wait3A_61 = arith.constant 0 : i32
    %dma_wait3A_62 = tpu.memref_slice %arg27[%dma_wait3A_60, %dma_wait3A_61] : memref<320x128xf32, #tpu.memory_space<vmem>> -> memref<80x128xf32, #tpu.memory_space<vmem>>
    %dma_wait3A_63 = arith.constant 160 : i32
    %dma_wait3A_64 = tpu.memref_slice %arg26[%dma_wait3A_63] : memref<320xi32, #tpu.memory_space<vmem>> -> memref<80xi32, #tpu.memory_space<vmem>>
    %dma_wait3A_65 = arith.constant 0 : i32
    %dma_wait3A_66 = arith.constant 0 : i32
    %dma_wait3A_67 = tpu.memref_slice %arg8[%dma_wait3A_65, %dma_wait3A_66] : memref<100x128xf32, #tpu.memory_space<hbm>> -> memref<100x128xf32, #tpu.memory_space<hbm>>
    tpu.wait_indirect_dma semaphore(%arg28 : memref<!tpu.dma_semaphore, #tpu.memory_space<semaphore_mem>>) src(%dma_wait3A_67 : memref<100x128xf32, #tpu.memory_space<hbm>>) dst(%dma_wait3A_62 : memref<80x128xf32, #tpu.memory_space<vmem>>)
    %dma_start3A_68 = arith.constant 240 : i32
    %dma_start3A_69 = arith.constant 0 : i32
    %dma_start3A_70 = tpu.memref_slice %arg27[%dma_start3A_68, %dma_start3A_69] : memref<320x128xf32, #tpu.memory_space<vmem>> -> memref<80x128xf32, #tpu.memory_space<vmem>>
    %dma_start3A_71 = arith.constant 240 : i32
    %dma_start3A_72 = tpu.memref_slice %arg26[%dma_start3A_71] : memref<320xi32, #tpu.memory_space<vmem>> -> memref<80xi32, #tpu.memory_space<vmem>>
    %dma_start3A_73 = arith.constant 0 : i32
    %dma_start3A_74 = arith.constant 0 : i32
    %dma_start3A_75 = tpu.memref_slice %arg8[%dma_start3A_73, %dma_start3A_74] : memref<100x128xf32, #tpu.memory_space<hbm>> -> memref<100x128xf32, #tpu.memory_space<hbm>>
    tpu.enqueue_indirect_dma source(%dma_start3A_75 : memref<100x128xf32, #tpu.memory_space<hbm>>) target(%dma_start3A_70 : memref<80x128xf32, #tpu.memory_space<vmem>>) offsets(%dma_start3A_72 : memref<80xi32, #tpu.memory_space<vmem>>) semaphore(%arg28 : memref<!tpu.dma_semaphore, #tpu.memory_space<semaphore_mem>>)
    %dma_wait3A_76 = arith.constant 240 : i32
    %dma_wait3A_77 = arith.constant 0 : i32
    %dma_wait3A_78 = tpu.memref_slice %arg27[%dma_wait3A_76, %dma_wait3A_77] : memref<320x128xf32, #tpu.memory_space<vmem>> -> memref<80x128xf32, #tpu.memory_space<vmem>>
    %dma_wait3A_79 = arith.constant 240 : i32
    %dma_wait3A_80 = tpu.memref_slice %arg26[%dma_wait3A_79] : memref<320xi32, #tpu.memory_space<vmem>> -> memref<80xi32, #tpu.memory_space<vmem>>
    %dma_wait3A_81 = arith.constant 0 : i32
    %dma_wait3A_82 = arith.constant 0 : i32
    %dma_wait3A_83 = tpu.memref_slice %arg8[%dma_wait3A_81, %dma_wait3A_82] : memref<100x128xf32, #tpu.memory_space<hbm>> -> memref<100x128xf32, #tpu.memory_space<hbm>>
    tpu.wait_indirect_dma semaphore(%arg28 : memref<!tpu.dma_semaphore, #tpu.memory_space<semaphore_mem>>) src(%dma_wait3A_83 : memref<100x128xf32, #tpu.memory_space<hbm>>) dst(%dma_wait3A_78 : memref<80x128xf32, #tpu.memory_space<vmem>>)
    "tpu.region"() ({
      %run_scoped3A = tpu.sem_alloc : memref<!tpu.dma_semaphore, #tpu.memory_space<semaphore_mem>>
      %dma_start3A_84 = arith.constant 0 : i32
      %dma_start3A_85 = tpu.memref_slice %arg10[%mul3A_21, %dma_start3A_84] : memref<10240x128xf32, #tpu.memory_space<hbm>> -> memref<320x128xf32, #tpu.memory_space<hbm>>
      %dma_start3A_86 = arith.constant 0 : i32
      %dma_start3A_87 = tpu.memref_slice %arg10[%mul3A_21, %dma_start3A_86] : memref<10240x128xf32, #tpu.memory_space<hbm>> -> memref<320x128xf32, #tpu.memory_space<hbm>>
      tpu.enqueue_dma source(%arg27 : memref<320x128xf32, #tpu.memory_space<vmem>>) target(%dma_start3A_87 : memref<320x128xf32, #tpu.memory_space<hbm>>) target_semaphore(%run_scoped3A : memref<!tpu.dma_semaphore, #tpu.memory_space<semaphore_mem>>)
      %dma_wait3A_88 = arith.constant 0 : i32
      %dma_wait3A_89 = tpu.memref_slice %arg10[%mul3A_21, %dma_wait3A_88] : memref<10240x128xf32, #tpu.memory_space<hbm>> -> memref<320x128xf32, #tpu.memory_space<hbm>>
      %dma_wait3A_90 = arith.constant 0 : i32
      %dma_wait3A_91 = tpu.memref_slice %arg10[%mul3A_21, %dma_wait3A_90] : memref<10240x128xf32, #tpu.memory_space<hbm>> -> memref<320x128xf32, #tpu.memory_space<hbm>>
      tpu.wait_dma2 semaphore(%run_scoped3A : memref<!tpu.dma_semaphore, #tpu.memory_space<semaphore_mem>>) src(%arg27 : memref<320x128xf32, #tpu.memory_space<vmem>>) dst(%dma_wait3A_91 : memref<320x128xf32, #tpu.memory_space<hbm>>)
      tpu.yield
    }) : () -> ()
    return
  }
}

#map = affine_map<(d0, d1) -> (0, 0)>
#map1 = affine_map<(d0, d1) -> (0)>
#map2 = affine_map<(d0, d1) -> (0, 0, 0)>
module attributes {stable_mosaic.version = 14 : i64} {
  func.func @_sc_msgpass_body(%arg0: i32, %arg1: i32, %arg2: memref<10240x128xf32, #tpu.memory_space<hbm>>, %arg3: memref<327680x128xf32, #tpu.memory_space<hbm>>, %arg4: memref<327680xi32, #tpu.memory_space<hbm>>, %arg5: memref<327680xi32, #tpu.memory_space<hbm>>, %arg6: memref<10240x128xf32, #tpu.memory_space<hbm>>, %arg7: memref<2x10240x128xf32, #tpu.memory_space<hbm>>, %arg8: memref<15872xi32, #tpu.memory_space<vmem>>, %arg9: memref<64xi32, #tpu.memory_space<vmem>>, %arg10: memref<64xi32, #tpu.memory_space<vmem>>, %arg11: memref<64x128xf32, #tpu.memory_space<vmem>>, %arg12: memref<64x128xf32, #tpu.memory_space<vmem>>, %arg13: memref<64x128xf32, #tpu.memory_space<vmem>>, %arg14: memref<64x128xf32, #tpu.memory_space<vmem>>, %arg15: memref<10240x128xf32, #tpu.memory_space<vmem_shared>>, %arg16: memref<!tpu.dma_semaphore, #tpu.memory_space<semaphore_mem>>, %arg17: memref<!tpu.dma_semaphore, #tpu.memory_space<semaphore_mem>>, %arg18: memref<!tpu.dma_semaphore, #tpu.memory_space<semaphore_mem>>, %arg19: memref<!tpu.dma_semaphore, #tpu.memory_space<semaphore_mem>>, %arg20: memref<!tpu.dma_semaphore, #tpu.memory_space<semaphore_mem>>, %arg21: memref<!tpu.dma_semaphore, #tpu.memory_space<semaphore_mem>>) attributes {dimension_semantics = [#tpu.dimension_semantics<core_parallel>, #tpu.dimension_semantics<subcore_parallel>], iteration_bounds = array<i64: 2, 16>, scalar_prefetch = 0 : i64, scratch_operands = 14 : i64, tpu.core_type = #tpu.core_type<sc_vector_subcore>, window_params = [{transform_indices = #map}, {transform_indices = #map}, {transform_indices = #map1}, {transform_indices = #map1}, {transform_indices = #map}, {transform_indices = #map2}]} {
    %mul3A = arith.constant 640 : i32
    %mul3A_0 = arith.muli %arg1, %mul3A : i32
    "tpu.region"() ({
      %run_scoped3A = tpu.sem_alloc : memref<!tpu.dma_semaphore, #tpu.memory_space<semaphore_mem>>
      %dma_start3A = arith.constant 0 : i32
      %dma_start3A_8 = tpu.memref_slice %arg15[%mul3A_0, %dma_start3A] : memref<10240x128xf32, #tpu.memory_space<vmem_shared>> -> memref<640x128xf32, #tpu.memory_space<vmem_shared>>
      %dma_start3A_9 = arith.constant 0 : i32
      %dma_start3A_10 = tpu.memref_slice %arg6[%mul3A_0, %dma_start3A_9] : memref<10240x128xf32, #tpu.memory_space<hbm>> -> memref<640x128xf32, #tpu.memory_space<hbm>>
      tpu.enqueue_dma source(%dma_start3A_10 : memref<640x128xf32, #tpu.memory_space<hbm>>) target(%dma_start3A_8 : memref<640x128xf32, #tpu.memory_space<vmem_shared>>) target_semaphore(%run_scoped3A : memref<!tpu.dma_semaphore, #tpu.memory_space<semaphore_mem>>)
      %dma_wait3A = arith.constant 0 : i32
      %dma_wait3A_11 = tpu.memref_slice %arg15[%mul3A_0, %dma_wait3A] : memref<10240x128xf32, #tpu.memory_space<vmem_shared>> -> memref<640x128xf32, #tpu.memory_space<vmem_shared>>
      %dma_wait3A_12 = arith.constant 0 : i32
      %dma_wait3A_13 = tpu.memref_slice %arg6[%mul3A_0, %dma_wait3A_12] : memref<10240x128xf32, #tpu.memory_space<hbm>> -> memref<640x128xf32, #tpu.memory_space<hbm>>
      tpu.wait_dma2 semaphore(%run_scoped3A : memref<!tpu.dma_semaphore, #tpu.memory_space<semaphore_mem>>) src(%dma_wait3A_13 : memref<640x128xf32, #tpu.memory_space<hbm>>) dst(%dma_wait3A_11 : memref<640x128xf32, #tpu.memory_space<vmem_shared>>)
      tpu.yield
    }) : () -> ()
    %eq3A = arith.constant 0 : i32
    %eq3A_1 = arith.cmpi eq, %arg0, %eq3A : i32
    %convert_element_type3A = arith.extui %eq3A_1 : i1 to i32
    %cond3A = arith.constant 0 : i32
    %cond3A_2 = arith.cmpi ne, %convert_element_type3A, %cond3A : i32
    scf.if %cond3A_2 {
      %mul3A_8 = arith.constant 15872 : i32
      %mul3A_9 = arith.muli %arg1, %mul3A_8 : i32
      "tpu.region"() ({
        %run_scoped3A = tpu.sem_alloc : memref<!tpu.dma_semaphore, #tpu.memory_space<semaphore_mem>>
        %dma_start3A = arith.constant 0 : i32
        %dma_start3A_16 = tpu.memref_slice %arg8[%dma_start3A] : memref<15872xi32, #tpu.memory_space<vmem>> -> memref<15872xi32, #tpu.memory_space<vmem>>
        %dma_start3A_17 = tpu.memref_slice %arg4[%mul3A_9] : memref<327680xi32, #tpu.memory_space<hbm>> -> memref<15872xi32, #tpu.memory_space<hbm>>
        %dma_start3A_18 = arith.constant 0 : i32
        %dma_start3A_19 = tpu.memref_slice %arg8[%dma_start3A_18] : memref<15872xi32, #tpu.memory_space<vmem>> -> memref<15872xi32, #tpu.memory_space<vmem>>
        %dma_start3A_20 = tpu.memref_slice %arg4[%mul3A_9] : memref<327680xi32, #tpu.memory_space<hbm>> -> memref<15872xi32, #tpu.memory_space<hbm>>
        tpu.enqueue_dma source(%dma_start3A_20 : memref<15872xi32, #tpu.memory_space<hbm>>) target(%dma_start3A_19 : memref<15872xi32, #tpu.memory_space<vmem>>) target_semaphore(%run_scoped3A : memref<!tpu.dma_semaphore, #tpu.memory_space<semaphore_mem>>)
        %dma_wait3A = arith.constant 0 : i32
        %dma_wait3A_21 = tpu.memref_slice %arg8[%dma_wait3A] : memref<15872xi32, #tpu.memory_space<vmem>> -> memref<15872xi32, #tpu.memory_space<vmem>>
        %dma_wait3A_22 = tpu.memref_slice %arg4[%mul3A_9] : memref<327680xi32, #tpu.memory_space<hbm>> -> memref<15872xi32, #tpu.memory_space<hbm>>
        %dma_wait3A_23 = arith.constant 0 : i32
        %dma_wait3A_24 = tpu.memref_slice %arg8[%dma_wait3A_23] : memref<15872xi32, #tpu.memory_space<vmem>> -> memref<15872xi32, #tpu.memory_space<vmem>>
        %dma_wait3A_25 = tpu.memref_slice %arg4[%mul3A_9] : memref<327680xi32, #tpu.memory_space<hbm>> -> memref<15872xi32, #tpu.memory_space<hbm>>
        tpu.wait_dma2 semaphore(%run_scoped3A : memref<!tpu.dma_semaphore, #tpu.memory_space<semaphore_mem>>) src(%dma_wait3A_25 : memref<15872xi32, #tpu.memory_space<hbm>>) dst(%dma_wait3A_24 : memref<15872xi32, #tpu.memory_space<vmem>>)
        tpu.yield
      }) : () -> ()
      %barrier3A_10 = arith.constant 0 : index
      tpu.barrier barrier_id(%barrier3A_10)
      %scan3A = arith.constant 0 : i32
      %scan3A_11 = arith.constant 0 : i32
      %scan3A_12 = arith.constant 124 : i32
      %scan3A_13 = arith.addi %scan3A_11, %scan3A_12 : i32
      %scan3A_14 = arith.constant 1 : i32
      scf.for %scan3A_16 = %scan3A_11 to %scan3A_13 step %scan3A_14  : i32 {
        %mul3A_17 = arith.constant 2 : i32
        %mul3A_18 = arith.muli %mul3A_17, %scan3A_16 : i32
        %mul3A_19 = arith.constant 2 : i32
        %mul3A_20 = arith.muli %mul3A_19, %scan3A_16 : i32
        %add3A = arith.constant 1 : i32
        %add3A_21 = arith.addi %mul3A_20, %add3A : i32
        %mul3A_22 = arith.constant 64 : i32
        %mul3A_23 = arith.muli %mul3A_18, %mul3A_22 : i32
        %dma_start3A = tpu.memref_slice %arg8[%mul3A_23] : memref<15872xi32, #tpu.memory_space<vmem>> -> memref<64xi32, #tpu.memory_space<vmem>>
        %dma_start3A_24 = arith.constant 0 : i32
        %dma_start3A_25 = arith.constant 0 : i32
        %dma_start3A_26 = tpu.memref_slice %arg2[%dma_start3A_24, %dma_start3A_25] : memref<10240x128xf32, #tpu.memory_space<hbm>> -> memref<10240x128xf32, #tpu.memory_space<hbm>>
        tpu.enqueue_indirect_dma source(%dma_start3A_26 : memref<10240x128xf32, #tpu.memory_space<hbm>>) target(%arg11 : memref<64x128xf32, #tpu.memory_space<vmem>>) offsets(%dma_start3A : memref<64xi32, #tpu.memory_space<vmem>>) semaphore(%arg16 : memref<!tpu.dma_semaphore, #tpu.memory_space<semaphore_mem>>)
        %mul3A_27 = arith.constant 64 : i32
        %mul3A_28 = arith.muli %mul3A_18, %mul3A_27 : i32
        %add3A_29 = arith.addi %mul3A_9, %mul3A_28 : i32
        %dma_start3A_30 = arith.constant 0 : i32
        %dma_start3A_31 = tpu.memref_slice %arg3[%add3A_29, %dma_start3A_30] : memref<327680x128xf32, #tpu.memory_space<hbm>> -> memref<64x128xf32, #tpu.memory_space<hbm>>
        %dma_start3A_32 = arith.constant 0 : i32
        %dma_start3A_33 = tpu.memref_slice %arg3[%add3A_29, %dma_start3A_32] : memref<327680x128xf32, #tpu.memory_space<hbm>> -> memref<64x128xf32, #tpu.memory_space<hbm>>
        tpu.enqueue_dma source(%dma_start3A_33 : memref<64x128xf32, #tpu.memory_space<hbm>>) target(%arg13 : memref<64x128xf32, #tpu.memory_space<vmem>>) target_semaphore(%arg18 : memref<!tpu.dma_semaphore, #tpu.memory_space<semaphore_mem>>)
        %mul3A_34 = arith.constant 64 : i32
        %mul3A_35 = arith.muli %add3A_21, %mul3A_34 : i32
        %dma_start3A_36 = tpu.memref_slice %arg8[%mul3A_35] : memref<15872xi32, #tpu.memory_space<vmem>> -> memref<64xi32, #tpu.memory_space<vmem>>
        %dma_start3A_37 = arith.constant 0 : i32
        %dma_start3A_38 = arith.constant 0 : i32
        %dma_start3A_39 = tpu.memref_slice %arg2[%dma_start3A_37, %dma_start3A_38] : memref<10240x128xf32, #tpu.memory_space<hbm>> -> memref<10240x128xf32, #tpu.memory_space<hbm>>
        tpu.enqueue_indirect_dma source(%dma_start3A_39 : memref<10240x128xf32, #tpu.memory_space<hbm>>) target(%arg12 : memref<64x128xf32, #tpu.memory_space<vmem>>) offsets(%dma_start3A_36 : memref<64xi32, #tpu.memory_space<vmem>>) semaphore(%arg17 : memref<!tpu.dma_semaphore, #tpu.memory_space<semaphore_mem>>)
        %mul3A_40 = arith.constant 64 : i32
        %mul3A_41 = arith.muli %add3A_21, %mul3A_40 : i32
        %add3A_42 = arith.addi %mul3A_41, %mul3A_9 : i32
        %dma_start3A_43 = arith.constant 0 : i32
        %dma_start3A_44 = tpu.memref_slice %arg3[%add3A_42, %dma_start3A_43] : memref<327680x128xf32, #tpu.memory_space<hbm>> -> memref<64x128xf32, #tpu.memory_space<hbm>>
        %dma_start3A_45 = arith.constant 0 : i32
        %dma_start3A_46 = tpu.memref_slice %arg3[%add3A_42, %dma_start3A_45] : memref<327680x128xf32, #tpu.memory_space<hbm>> -> memref<64x128xf32, #tpu.memory_space<hbm>>
        tpu.enqueue_dma source(%dma_start3A_46 : memref<64x128xf32, #tpu.memory_space<hbm>>) target(%arg14 : memref<64x128xf32, #tpu.memory_space<vmem>>) target_semaphore(%arg19 : memref<!tpu.dma_semaphore, #tpu.memory_space<semaphore_mem>>)
        %mul3A_47 = arith.constant 64 : i32
        %mul3A_48 = arith.muli %mul3A_18, %mul3A_47 : i32
        %add3A_49 = arith.addi %mul3A_9, %mul3A_48 : i32
        "tpu.region"() ({
          %run_scoped3A = tpu.sem_alloc : memref<!tpu.dma_semaphore, #tpu.memory_space<semaphore_mem>>
          %dma_start3A_92 = tpu.memref_slice %arg5[%add3A_49] : memref<327680xi32, #tpu.memory_space<hbm>> -> memref<64xi32, #tpu.memory_space<hbm>>
          %dma_start3A_93 = tpu.memref_slice %arg5[%add3A_49] : memref<327680xi32, #tpu.memory_space<hbm>> -> memref<64xi32, #tpu.memory_space<hbm>>
          tpu.enqueue_dma source(%dma_start3A_93 : memref<64xi32, #tpu.memory_space<hbm>>) target(%arg9 : memref<64xi32, #tpu.memory_space<vmem>>) target_semaphore(%run_scoped3A : memref<!tpu.dma_semaphore, #tpu.memory_space<semaphore_mem>>)
          %dma_wait3A_94 = tpu.memref_slice %arg5[%add3A_49] : memref<327680xi32, #tpu.memory_space<hbm>> -> memref<64xi32, #tpu.memory_space<hbm>>
          %dma_wait3A_95 = tpu.memref_slice %arg5[%add3A_49] : memref<327680xi32, #tpu.memory_space<hbm>> -> memref<64xi32, #tpu.memory_space<hbm>>
          tpu.wait_dma2 semaphore(%run_scoped3A : memref<!tpu.dma_semaphore, #tpu.memory_space<semaphore_mem>>) src(%dma_wait3A_95 : memref<64xi32, #tpu.memory_space<hbm>>) dst(%arg9 : memref<64xi32, #tpu.memory_space<vmem>>)
          tpu.yield
        }) : () -> ()
        %mul3A_50 = arith.constant 64 : i32
        %mul3A_51 = arith.muli %add3A_21, %mul3A_50 : i32
        %add3A_52 = arith.addi %mul3A_9, %mul3A_51 : i32
        "tpu.region"() ({
          %run_scoped3A = tpu.sem_alloc : memref<!tpu.dma_semaphore, #tpu.memory_space<semaphore_mem>>
          %dma_start3A_92 = tpu.memref_slice %arg5[%add3A_52] : memref<327680xi32, #tpu.memory_space<hbm>> -> memref<64xi32, #tpu.memory_space<hbm>>
          %dma_start3A_93 = tpu.memref_slice %arg5[%add3A_52] : memref<327680xi32, #tpu.memory_space<hbm>> -> memref<64xi32, #tpu.memory_space<hbm>>
          tpu.enqueue_dma source(%dma_start3A_93 : memref<64xi32, #tpu.memory_space<hbm>>) target(%arg10 : memref<64xi32, #tpu.memory_space<vmem>>) target_semaphore(%run_scoped3A : memref<!tpu.dma_semaphore, #tpu.memory_space<semaphore_mem>>)
          %dma_wait3A_94 = tpu.memref_slice %arg5[%add3A_52] : memref<327680xi32, #tpu.memory_space<hbm>> -> memref<64xi32, #tpu.memory_space<hbm>>
          %dma_wait3A_95 = tpu.memref_slice %arg5[%add3A_52] : memref<327680xi32, #tpu.memory_space<hbm>> -> memref<64xi32, #tpu.memory_space<hbm>>
          tpu.wait_dma2 semaphore(%run_scoped3A : memref<!tpu.dma_semaphore, #tpu.memory_space<semaphore_mem>>) src(%dma_wait3A_95 : memref<64xi32, #tpu.memory_space<hbm>>) dst(%arg10 : memref<64xi32, #tpu.memory_space<vmem>>)
          tpu.yield
        }) : () -> ()
        %dma_wait3A = tpu.memref_slice %arg8[%mul3A_23] : memref<15872xi32, #tpu.memory_space<vmem>> -> memref<64xi32, #tpu.memory_space<vmem>>
        %dma_wait3A_53 = arith.constant 0 : i32
        %dma_wait3A_54 = arith.constant 0 : i32
        %dma_wait3A_55 = tpu.memref_slice %arg2[%dma_wait3A_53, %dma_wait3A_54] : memref<10240x128xf32, #tpu.memory_space<hbm>> -> memref<10240x128xf32, #tpu.memory_space<hbm>>
        tpu.wait_indirect_dma semaphore(%arg16 : memref<!tpu.dma_semaphore, #tpu.memory_space<semaphore_mem>>) src(%dma_wait3A_55 : memref<10240x128xf32, #tpu.memory_space<hbm>>) dst(%arg11 : memref<64x128xf32, #tpu.memory_space<vmem>>)
        %dma_wait3A_56 = arith.constant 0 : i32
        %dma_wait3A_57 = tpu.memref_slice %arg3[%add3A_29, %dma_wait3A_56] : memref<327680x128xf32, #tpu.memory_space<hbm>> -> memref<64x128xf32, #tpu.memory_space<hbm>>
        %dma_wait3A_58 = arith.constant 0 : i32
        %dma_wait3A_59 = tpu.memref_slice %arg3[%add3A_29, %dma_wait3A_58] : memref<327680x128xf32, #tpu.memory_space<hbm>> -> memref<64x128xf32, #tpu.memory_space<hbm>>
        tpu.wait_dma2 semaphore(%arg18 : memref<!tpu.dma_semaphore, #tpu.memory_space<semaphore_mem>>) src(%dma_wait3A_59 : memref<64x128xf32, #tpu.memory_space<hbm>>) dst(%arg13 : memref<64x128xf32, #tpu.memory_space<vmem>>)
        %scan3A_60 = arith.constant 0 : i32
        %scan3A_61 = arith.constant 0 : i32
        %scan3A_62 = arith.constant 64 : i32
        %scan3A_63 = arith.addi %scan3A_61, %scan3A_62 : i32
        %scan3A_64 = arith.constant 1 : i32
        scf.for %scan3A_92 = %scan3A_61 to %scan3A_63 step %scan3A_64  : i32 {
          %get3A = arith.index_cast %scan3A_92 : i32 to index
          %get3A_93 = arith.constant 0 : index
          %get3A_94 = tpu.vector_load %arg11[%get3A, %get3A_93] {strides = array<i32>} : memref<64x128xf32, #tpu.memory_space<vmem>>, vector<1x16xf32>,
          %get3A_95 = vector.shape_cast %get3A_94 : vector<1x16xf32> to vector<16xf32>
          %get3A_96 = arith.index_cast %scan3A_92 : i32 to index
          %get3A_97 = arith.constant 0 : index
          %get3A_98 = tpu.vector_load %arg13[%get3A_96, %get3A_97] {strides = array<i32>} : memref<64x128xf32, #tpu.memory_space<vmem>>, vector<1x16xf32>,
          %get3A_99 = vector.shape_cast %get3A_98 : vector<1x16xf32> to vector<16xf32>
          %mul3A_100 = arith.mulf %get3A_95, %get3A_99 : vector<16xf32>
          %swap3A = arith.index_cast %scan3A_92 : i32 to index
          %swap3A_101 = arith.constant 0 : index
          %swap3A_102 = tpu.vector_load %arg11[%swap3A, %swap3A_101] {strides = array<i32>} : memref<64x128xf32, #tpu.memory_space<vmem>>, vector<1x16xf32>,
          %swap3A_103 = vector.shape_cast %swap3A_102 : vector<1x16xf32> to vector<16xf32>
          %swap3A_104 = vector.shape_cast %mul3A_100 : vector<16xf32> to vector<1x16xf32>
          tpu.vector_store %arg11[%swap3A, %swap3A_101], %swap3A_104 {strides = array<i32>} : memref<64x128xf32, #tpu.memory_space<vmem>>, vector<1x16xf32>,
          %get3A_105 = arith.index_cast %scan3A_92 : i32 to index
          %get3A_106 = arith.constant 16 : index
          %get3A_107 = tpu.vector_load %arg11[%get3A_105, %get3A_106] {strides = array<i32>} : memref<64x128xf32, #tpu.memory_space<vmem>>, vector<1x16xf32>,
          %get3A_108 = vector.shape_cast %get3A_107 : vector<1x16xf32> to vector<16xf32>
          %get3A_109 = arith.index_cast %scan3A_92 : i32 to index
          %get3A_110 = arith.constant 16 : index
          %get3A_111 = tpu.vector_load %arg13[%get3A_109, %get3A_110] {strides = array<i32>} : memref<64x128xf32, #tpu.memory_space<vmem>>, vector<1x16xf32>,
          %get3A_112 = vector.shape_cast %get3A_111 : vector<1x16xf32> to vector<16xf32>
          %mul3A_113 = arith.mulf %get3A_108, %get3A_112 : vector<16xf32>
          %swap3A_114 = arith.index_cast %scan3A_92 : i32 to index
          %swap3A_115 = arith.constant 16 : index
          %swap3A_116 = tpu.vector_load %arg11[%swap3A_114, %swap3A_115] {strides = array<i32>} : memref<64x128xf32, #tpu.memory_space<vmem>>, vector<1x16xf32>,
          %swap3A_117 = vector.shape_cast %swap3A_116 : vector<1x16xf32> to vector<16xf32>
          %swap3A_118 = vector.shape_cast %mul3A_113 : vector<16xf32> to vector<1x16xf32>
          tpu.vector_store %arg11[%swap3A_114, %swap3A_115], %swap3A_118 {strides = array<i32>} : memref<64x128xf32, #tpu.memory_space<vmem>>, vector<1x16xf32>,
          %get3A_119 = arith.index_cast %scan3A_92 : i32 to index
          %get3A_120 = arith.constant 32 : index
          %get3A_121 = tpu.vector_load %arg11[%get3A_119, %get3A_120] {strides = array<i32>} : memref<64x128xf32, #tpu.memory_space<vmem>>, vector<1x16xf32>,
          %get3A_122 = vector.shape_cast %get3A_121 : vector<1x16xf32> to vector<16xf32>
          %get3A_123 = arith.index_cast %scan3A_92 : i32 to index
          %get3A_124 = arith.constant 32 : index
          %get3A_125 = tpu.vector_load %arg13[%get3A_123, %get3A_124] {strides = array<i32>} : memref<64x128xf32, #tpu.memory_space<vmem>>, vector<1x16xf32>,
          %get3A_126 = vector.shape_cast %get3A_125 : vector<1x16xf32> to vector<16xf32>
          %mul3A_127 = arith.mulf %get3A_122, %get3A_126 : vector<16xf32>
          %swap3A_128 = arith.index_cast %scan3A_92 : i32 to index
          %swap3A_129 = arith.constant 32 : index
          %swap3A_130 = tpu.vector_load %arg11[%swap3A_128, %swap3A_129] {strides = array<i32>} : memref<64x128xf32, #tpu.memory_space<vmem>>, vector<1x16xf32>,
          %swap3A_131 = vector.shape_cast %swap3A_130 : vector<1x16xf32> to vector<16xf32>
          %swap3A_132 = vector.shape_cast %mul3A_127 : vector<16xf32> to vector<1x16xf32>
          tpu.vector_store %arg11[%swap3A_128, %swap3A_129], %swap3A_132 {strides = array<i32>} : memref<64x128xf32, #tpu.memory_space<vmem>>, vector<1x16xf32>,
          %get3A_133 = arith.index_cast %scan3A_92 : i32 to index
          %get3A_134 = arith.constant 48 : index
          %get3A_135 = tpu.vector_load %arg11[%get3A_133, %get3A_134] {strides = array<i32>} : memref<64x128xf32, #tpu.memory_space<vmem>>, vector<1x16xf32>,
          %get3A_136 = vector.shape_cast %get3A_135 : vector<1x16xf32> to vector<16xf32>
          %get3A_137 = arith.index_cast %scan3A_92 : i32 to index
          %get3A_138 = arith.constant 48 : index
          %get3A_139 = tpu.vector_load %arg13[%get3A_137, %get3A_138] {strides = array<i32>} : memref<64x128xf32, #tpu.memory_space<vmem>>, vector<1x16xf32>,
          %get3A_140 = vector.shape_cast %get3A_139 : vector<1x16xf32> to vector<16xf32>
          %mul3A_141 = arith.mulf %get3A_136, %get3A_140 : vector<16xf32>
          %swap3A_142 = arith.index_cast %scan3A_92 : i32 to index
          %swap3A_143 = arith.constant 48 : index
          %swap3A_144 = tpu.vector_load %arg11[%swap3A_142, %swap3A_143] {strides = array<i32>} : memref<64x128xf32, #tpu.memory_space<vmem>>, vector<1x16xf32>,
          %swap3A_145 = vector.shape_cast %swap3A_144 : vector<1x16xf32> to vector<16xf32>
          %swap3A_146 = vector.shape_cast %mul3A_141 : vector<16xf32> to vector<1x16xf32>
          tpu.vector_store %arg11[%swap3A_142, %swap3A_143], %swap3A_146 {strides = array<i32>} : memref<64x128xf32, #tpu.memory_space<vmem>>, vector<1x16xf32>,
          %get3A_147 = arith.index_cast %scan3A_92 : i32 to index
          %get3A_148 = arith.constant 64 : index
          %get3A_149 = tpu.vector_load %arg11[%get3A_147, %get3A_148] {strides = array<i32>} : memref<64x128xf32, #tpu.memory_space<vmem>>, vector<1x16xf32>,
          %get3A_150 = vector.shape_cast %get3A_149 : vector<1x16xf32> to vector<16xf32>
          %get3A_151 = arith.index_cast %scan3A_92 : i32 to index
          %get3A_152 = arith.constant 64 : index
          %get3A_153 = tpu.vector_load %arg13[%get3A_151, %get3A_152] {strides = array<i32>} : memref<64x128xf32, #tpu.memory_space<vmem>>, vector<1x16xf32>,
          %get3A_154 = vector.shape_cast %get3A_153 : vector<1x16xf32> to vector<16xf32>
          %mul3A_155 = arith.mulf %get3A_150, %get3A_154 : vector<16xf32>
          %swap3A_156 = arith.index_cast %scan3A_92 : i32 to index
          %swap3A_157 = arith.constant 64 : index
          %swap3A_158 = tpu.vector_load %arg11[%swap3A_156, %swap3A_157] {strides = array<i32>} : memref<64x128xf32, #tpu.memory_space<vmem>>, vector<1x16xf32>,
          %swap3A_159 = vector.shape_cast %swap3A_158 : vector<1x16xf32> to vector<16xf32>
          %swap3A_160 = vector.shape_cast %mul3A_155 : vector<16xf32> to vector<1x16xf32>
          tpu.vector_store %arg11[%swap3A_156, %swap3A_157], %swap3A_160 {strides = array<i32>} : memref<64x128xf32, #tpu.memory_space<vmem>>, vector<1x16xf32>,
          %get3A_161 = arith.index_cast %scan3A_92 : i32 to index
          %get3A_162 = arith.constant 80 : index
          %get3A_163 = tpu.vector_load %arg11[%get3A_161, %get3A_162] {strides = array<i32>} : memref<64x128xf32, #tpu.memory_space<vmem>>, vector<1x16xf32>,
          %get3A_164 = vector.shape_cast %get3A_163 : vector<1x16xf32> to vector<16xf32>
          %get3A_165 = arith.index_cast %scan3A_92 : i32 to index
          %get3A_166 = arith.constant 80 : index
          %get3A_167 = tpu.vector_load %arg13[%get3A_165, %get3A_166] {strides = array<i32>} : memref<64x128xf32, #tpu.memory_space<vmem>>, vector<1x16xf32>,
          %get3A_168 = vector.shape_cast %get3A_167 : vector<1x16xf32> to vector<16xf32>
          %mul3A_169 = arith.mulf %get3A_164, %get3A_168 : vector<16xf32>
          %swap3A_170 = arith.index_cast %scan3A_92 : i32 to index
          %swap3A_171 = arith.constant 80 : index
          %swap3A_172 = tpu.vector_load %arg11[%swap3A_170, %swap3A_171] {strides = array<i32>} : memref<64x128xf32, #tpu.memory_space<vmem>>, vector<1x16xf32>,
          %swap3A_173 = vector.shape_cast %swap3A_172 : vector<1x16xf32> to vector<16xf32>
          %swap3A_174 = vector.shape_cast %mul3A_169 : vector<16xf32> to vector<1x16xf32>
          tpu.vector_store %arg11[%swap3A_170, %swap3A_171], %swap3A_174 {strides = array<i32>} : memref<64x128xf32, #tpu.memory_space<vmem>>, vector<1x16xf32>,
          %get3A_175 = arith.index_cast %scan3A_92 : i32 to index
          %get3A_176 = arith.constant 96 : index
          %get3A_177 = tpu.vector_load %arg11[%get3A_175, %get3A_176] {strides = array<i32>} : memref<64x128xf32, #tpu.memory_space<vmem>>, vector<1x16xf32>,
          %get3A_178 = vector.shape_cast %get3A_177 : vector<1x16xf32> to vector<16xf32>
          %get3A_179 = arith.index_cast %scan3A_92 : i32 to index
          %get3A_180 = arith.constant 96 : index
          %get3A_181 = tpu.vector_load %arg13[%get3A_179, %get3A_180] {strides = array<i32>} : memref<64x128xf32, #tpu.memory_space<vmem>>, vector<1x16xf32>,
          %get3A_182 = vector.shape_cast %get3A_181 : vector<1x16xf32> to vector<16xf32>
          %mul3A_183 = arith.mulf %get3A_178, %get3A_182 : vector<16xf32>
          %swap3A_184 = arith.index_cast %scan3A_92 : i32 to index
          %swap3A_185 = arith.constant 96 : index
          %swap3A_186 = tpu.vector_load %arg11[%swap3A_184, %swap3A_185] {strides = array<i32>} : memref<64x128xf32, #tpu.memory_space<vmem>>, vector<1x16xf32>,
          %swap3A_187 = vector.shape_cast %swap3A_186 : vector<1x16xf32> to vector<16xf32>
          %swap3A_188 = vector.shape_cast %mul3A_183 : vector<16xf32> to vector<1x16xf32>
          tpu.vector_store %arg11[%swap3A_184, %swap3A_185], %swap3A_188 {strides = array<i32>} : memref<64x128xf32, #tpu.memory_space<vmem>>, vector<1x16xf32>,
          %get3A_189 = arith.index_cast %scan3A_92 : i32 to index
          %get3A_190 = arith.constant 112 : index
          %get3A_191 = tpu.vector_load %arg11[%get3A_189, %get3A_190] {strides = array<i32>} : memref<64x128xf32, #tpu.memory_space<vmem>>, vector<1x16xf32>,
          %get3A_192 = vector.shape_cast %get3A_191 : vector<1x16xf32> to vector<16xf32>
          %get3A_193 = arith.index_cast %scan3A_92 : i32 to index
          %get3A_194 = arith.constant 112 : index
          %get3A_195 = tpu.vector_load %arg13[%get3A_193, %get3A_194] {strides = array<i32>} : memref<64x128xf32, #tpu.memory_space<vmem>>, vector<1x16xf32>,
          %get3A_196 = vector.shape_cast %get3A_195 : vector<1x16xf32> to vector<16xf32>
          %mul3A_197 = arith.mulf %get3A_192, %get3A_196 : vector<16xf32>
          %swap3A_198 = arith.index_cast %scan3A_92 : i32 to index
          %swap3A_199 = arith.constant 112 : index
          %swap3A_200 = tpu.vector_load %arg11[%swap3A_198, %swap3A_199] {strides = array<i32>} : memref<64x128xf32, #tpu.memory_space<vmem>>, vector<1x16xf32>,
          %swap3A_201 = vector.shape_cast %swap3A_200 : vector<1x16xf32> to vector<16xf32>
          %swap3A_202 = vector.shape_cast %mul3A_197 : vector<16xf32> to vector<1x16xf32>
          tpu.vector_store %arg11[%swap3A_198, %swap3A_199], %swap3A_202 {strides = array<i32>} : memref<64x128xf32, #tpu.memory_space<vmem>>, vector<1x16xf32>,
        }
        %scan3A_65 = arith.constant 64 : i32
        %dma_start3A_66 = arith.constant 0 : i32
        %dma_start3A_67 = arith.constant 0 : i32
        %dma_start3A_68 = tpu.memref_slice %arg15[%dma_start3A_66, %dma_start3A_67] : memref<10240x128xf32, #tpu.memory_space<vmem_shared>> -> memref<10240x128xf32, #tpu.memory_space<vmem_shared>>
        tpu.enqueue_indirect_dma source(%arg11 : memref<64x128xf32, #tpu.memory_space<vmem>>) target(%dma_start3A_68 : memref<10240x128xf32, #tpu.memory_space<vmem_shared>>) offsets(%arg9 : memref<64xi32, #tpu.memory_space<vmem>>) semaphore(%arg20 : memref<!tpu.dma_semaphore, #tpu.memory_space<semaphore_mem>>) {add = true}
        %dma_wait3A_69 = tpu.memref_slice %arg8[%mul3A_35] : memref<15872xi32, #tpu.memory_space<vmem>> -> memref<64xi32, #tpu.memory_space<vmem>>
        %dma_wait3A_70 = arith.constant 0 : i32
        %dma_wait3A_71 = arith.constant 0 : i32
        %dma_wait3A_72 = tpu.memref_slice %arg2[%dma_wait3A_70, %dma_wait3A_71] : memref<10240x128xf32, #tpu.memory_space<hbm>> -> memref<10240x128xf32, #tpu.memory_space<hbm>>
        tpu.wait_indirect_dma semaphore(%arg17 : memref<!tpu.dma_semaphore, #tpu.memory_space<semaphore_mem>>) src(%dma_wait3A_72 : memref<10240x128xf32, #tpu.memory_space<hbm>>) dst(%arg12 : memref<64x128xf32, #tpu.memory_space<vmem>>)
        %dma_wait3A_73 = arith.constant 0 : i32
        %dma_wait3A_74 = tpu.memref_slice %arg3[%add3A_42, %dma_wait3A_73] : memref<327680x128xf32, #tpu.memory_space<hbm>> -> memref<64x128xf32, #tpu.memory_space<hbm>>
        %dma_wait3A_75 = arith.constant 0 : i32
        %dma_wait3A_76 = tpu.memref_slice %arg3[%add3A_42, %dma_wait3A_75] : memref<327680x128xf32, #tpu.memory_space<hbm>> -> memref<64x128xf32, #tpu.memory_space<hbm>>
        tpu.wait_dma2 semaphore(%arg19 : memref<!tpu.dma_semaphore, #tpu.memory_space<semaphore_mem>>) src(%dma_wait3A_76 : memref<64x128xf32, #tpu.memory_space<hbm>>) dst(%arg14 : memref<64x128xf32, #tpu.memory_space<vmem>>)
        %scan3A_77 = arith.constant 0 : i32
        %scan3A_78 = arith.constant 0 : i32
        %scan3A_79 = arith.constant 64 : i32
        %scan3A_80 = arith.addi %scan3A_78, %scan3A_79 : i32
        %scan3A_81 = arith.constant 1 : i32
        scf.for %scan3A_92 = %scan3A_78 to %scan3A_80 step %scan3A_81  : i32 {
          %get3A = arith.index_cast %scan3A_92 : i32 to index
          %get3A_93 = arith.constant 0 : index
          %get3A_94 = tpu.vector_load %arg12[%get3A, %get3A_93] {strides = array<i32>} : memref<64x128xf32, #tpu.memory_space<vmem>>, vector<1x16xf32>,
          %get3A_95 = vector.shape_cast %get3A_94 : vector<1x16xf32> to vector<16xf32>
          %get3A_96 = arith.index_cast %scan3A_92 : i32 to index
          %get3A_97 = arith.constant 0 : index
          %get3A_98 = tpu.vector_load %arg14[%get3A_96, %get3A_97] {strides = array<i32>} : memref<64x128xf32, #tpu.memory_space<vmem>>, vector<1x16xf32>,
          %get3A_99 = vector.shape_cast %get3A_98 : vector<1x16xf32> to vector<16xf32>
          %mul3A_100 = arith.mulf %get3A_95, %get3A_99 : vector<16xf32>
          %swap3A = arith.index_cast %scan3A_92 : i32 to index
          %swap3A_101 = arith.constant 0 : index
          %swap3A_102 = tpu.vector_load %arg12[%swap3A, %swap3A_101] {strides = array<i32>} : memref<64x128xf32, #tpu.memory_space<vmem>>, vector<1x16xf32>,
          %swap3A_103 = vector.shape_cast %swap3A_102 : vector<1x16xf32> to vector<16xf32>
          %swap3A_104 = vector.shape_cast %mul3A_100 : vector<16xf32> to vector<1x16xf32>
          tpu.vector_store %arg12[%swap3A, %swap3A_101], %swap3A_104 {strides = array<i32>} : memref<64x128xf32, #tpu.memory_space<vmem>>, vector<1x16xf32>,
          %get3A_105 = arith.index_cast %scan3A_92 : i32 to index
          %get3A_106 = arith.constant 16 : index
          %get3A_107 = tpu.vector_load %arg12[%get3A_105, %get3A_106] {strides = array<i32>} : memref<64x128xf32, #tpu.memory_space<vmem>>, vector<1x16xf32>,
          %get3A_108 = vector.shape_cast %get3A_107 : vector<1x16xf32> to vector<16xf32>
          %get3A_109 = arith.index_cast %scan3A_92 : i32 to index
          %get3A_110 = arith.constant 16 : index
          %get3A_111 = tpu.vector_load %arg14[%get3A_109, %get3A_110] {strides = array<i32>} : memref<64x128xf32, #tpu.memory_space<vmem>>, vector<1x16xf32>,
          %get3A_112 = vector.shape_cast %get3A_111 : vector<1x16xf32> to vector<16xf32>
          %mul3A_113 = arith.mulf %get3A_108, %get3A_112 : vector<16xf32>
          %swap3A_114 = arith.index_cast %scan3A_92 : i32 to index
          %swap3A_115 = arith.constant 16 : index
          %swap3A_116 = tpu.vector_load %arg12[%swap3A_114, %swap3A_115] {strides = array<i32>} : memref<64x128xf32, #tpu.memory_space<vmem>>, vector<1x16xf32>,
          %swap3A_117 = vector.shape_cast %swap3A_116 : vector<1x16xf32> to vector<16xf32>
          %swap3A_118 = vector.shape_cast %mul3A_113 : vector<16xf32> to vector<1x16xf32>
          tpu.vector_store %arg12[%swap3A_114, %swap3A_115], %swap3A_118 {strides = array<i32>} : memref<64x128xf32, #tpu.memory_space<vmem>>, vector<1x16xf32>,
          %get3A_119 = arith.index_cast %scan3A_92 : i32 to index
          %get3A_120 = arith.constant 32 : index
          %get3A_121 = tpu.vector_load %arg12[%get3A_119, %get3A_120] {strides = array<i32>} : memref<64x128xf32, #tpu.memory_space<vmem>>, vector<1x16xf32>,
          %get3A_122 = vector.shape_cast %get3A_121 : vector<1x16xf32> to vector<16xf32>
          %get3A_123 = arith.index_cast %scan3A_92 : i32 to index
          %get3A_124 = arith.constant 32 : index
          %get3A_125 = tpu.vector_load %arg14[%get3A_123, %get3A_124] {strides = array<i32>} : memref<64x128xf32, #tpu.memory_space<vmem>>, vector<1x16xf32>,
          %get3A_126 = vector.shape_cast %get3A_125 : vector<1x16xf32> to vector<16xf32>
          %mul3A_127 = arith.mulf %get3A_122, %get3A_126 : vector<16xf32>
          %swap3A_128 = arith.index_cast %scan3A_92 : i32 to index
          %swap3A_129 = arith.constant 32 : index
          %swap3A_130 = tpu.vector_load %arg12[%swap3A_128, %swap3A_129] {strides = array<i32>} : memref<64x128xf32, #tpu.memory_space<vmem>>, vector<1x16xf32>,
          %swap3A_131 = vector.shape_cast %swap3A_130 : vector<1x16xf32> to vector<16xf32>
          %swap3A_132 = vector.shape_cast %mul3A_127 : vector<16xf32> to vector<1x16xf32>
          tpu.vector_store %arg12[%swap3A_128, %swap3A_129], %swap3A_132 {strides = array<i32>} : memref<64x128xf32, #tpu.memory_space<vmem>>, vector<1x16xf32>,
          %get3A_133 = arith.index_cast %scan3A_92 : i32 to index
          %get3A_134 = arith.constant 48 : index
          %get3A_135 = tpu.vector_load %arg12[%get3A_133, %get3A_134] {strides = array<i32>} : memref<64x128xf32, #tpu.memory_space<vmem>>, vector<1x16xf32>,
          %get3A_136 = vector.shape_cast %get3A_135 : vector<1x16xf32> to vector<16xf32>
          %get3A_137 = arith.index_cast %scan3A_92 : i32 to index
          %get3A_138 = arith.constant 48 : index
          %get3A_139 = tpu.vector_load %arg14[%get3A_137, %get3A_138] {strides = array<i32>} : memref<64x128xf32, #tpu.memory_space<vmem>>, vector<1x16xf32>,
          %get3A_140 = vector.shape_cast %get3A_139 : vector<1x16xf32> to vector<16xf32>
          %mul3A_141 = arith.mulf %get3A_136, %get3A_140 : vector<16xf32>
          %swap3A_142 = arith.index_cast %scan3A_92 : i32 to index
          %swap3A_143 = arith.constant 48 : index
          %swap3A_144 = tpu.vector_load %arg12[%swap3A_142, %swap3A_143] {strides = array<i32>} : memref<64x128xf32, #tpu.memory_space<vmem>>, vector<1x16xf32>,
          %swap3A_145 = vector.shape_cast %swap3A_144 : vector<1x16xf32> to vector<16xf32>
          %swap3A_146 = vector.shape_cast %mul3A_141 : vector<16xf32> to vector<1x16xf32>
          tpu.vector_store %arg12[%swap3A_142, %swap3A_143], %swap3A_146 {strides = array<i32>} : memref<64x128xf32, #tpu.memory_space<vmem>>, vector<1x16xf32>,
          %get3A_147 = arith.index_cast %scan3A_92 : i32 to index
          %get3A_148 = arith.constant 64 : index
          %get3A_149 = tpu.vector_load %arg12[%get3A_147, %get3A_148] {strides = array<i32>} : memref<64x128xf32, #tpu.memory_space<vmem>>, vector<1x16xf32>,
          %get3A_150 = vector.shape_cast %get3A_149 : vector<1x16xf32> to vector<16xf32>
          %get3A_151 = arith.index_cast %scan3A_92 : i32 to index
          %get3A_152 = arith.constant 64 : index
          %get3A_153 = tpu.vector_load %arg14[%get3A_151, %get3A_152] {strides = array<i32>} : memref<64x128xf32, #tpu.memory_space<vmem>>, vector<1x16xf32>,
          %get3A_154 = vector.shape_cast %get3A_153 : vector<1x16xf32> to vector<16xf32>
          %mul3A_155 = arith.mulf %get3A_150, %get3A_154 : vector<16xf32>
          %swap3A_156 = arith.index_cast %scan3A_92 : i32 to index
          %swap3A_157 = arith.constant 64 : index
          %swap3A_158 = tpu.vector_load %arg12[%swap3A_156, %swap3A_157] {strides = array<i32>} : memref<64x128xf32, #tpu.memory_space<vmem>>, vector<1x16xf32>,
          %swap3A_159 = vector.shape_cast %swap3A_158 : vector<1x16xf32> to vector<16xf32>
          %swap3A_160 = vector.shape_cast %mul3A_155 : vector<16xf32> to vector<1x16xf32>
          tpu.vector_store %arg12[%swap3A_156, %swap3A_157], %swap3A_160 {strides = array<i32>} : memref<64x128xf32, #tpu.memory_space<vmem>>, vector<1x16xf32>,
          %get3A_161 = arith.index_cast %scan3A_92 : i32 to index
          %get3A_162 = arith.constant 80 : index
          %get3A_163 = tpu.vector_load %arg12[%get3A_161, %get3A_162] {strides = array<i32>} : memref<64x128xf32, #tpu.memory_space<vmem>>, vector<1x16xf32>,
          %get3A_164 = vector.shape_cast %get3A_163 : vector<1x16xf32> to vector<16xf32>
          %get3A_165 = arith.index_cast %scan3A_92 : i32 to index
          %get3A_166 = arith.constant 80 : index
          %get3A_167 = tpu.vector_load %arg14[%get3A_165, %get3A_166] {strides = array<i32>} : memref<64x128xf32, #tpu.memory_space<vmem>>, vector<1x16xf32>,
          %get3A_168 = vector.shape_cast %get3A_167 : vector<1x16xf32> to vector<16xf32>
          %mul3A_169 = arith.mulf %get3A_164, %get3A_168 : vector<16xf32>
          %swap3A_170 = arith.index_cast %scan3A_92 : i32 to index
          %swap3A_171 = arith.constant 80 : index
          %swap3A_172 = tpu.vector_load %arg12[%swap3A_170, %swap3A_171] {strides = array<i32>} : memref<64x128xf32, #tpu.memory_space<vmem>>, vector<1x16xf32>,
          %swap3A_173 = vector.shape_cast %swap3A_172 : vector<1x16xf32> to vector<16xf32>
          %swap3A_174 = vector.shape_cast %mul3A_169 : vector<16xf32> to vector<1x16xf32>
          tpu.vector_store %arg12[%swap3A_170, %swap3A_171], %swap3A_174 {strides = array<i32>} : memref<64x128xf32, #tpu.memory_space<vmem>>, vector<1x16xf32>,
          %get3A_175 = arith.index_cast %scan3A_92 : i32 to index
          %get3A_176 = arith.constant 96 : index
          %get3A_177 = tpu.vector_load %arg12[%get3A_175, %get3A_176] {strides = array<i32>} : memref<64x128xf32, #tpu.memory_space<vmem>>, vector<1x16xf32>,
          %get3A_178 = vector.shape_cast %get3A_177 : vector<1x16xf32> to vector<16xf32>
          %get3A_179 = arith.index_cast %scan3A_92 : i32 to index
          %get3A_180 = arith.constant 96 : index
          %get3A_181 = tpu.vector_load %arg14[%get3A_179, %get3A_180] {strides = array<i32>} : memref<64x128xf32, #tpu.memory_space<vmem>>, vector<1x16xf32>,
          %get3A_182 = vector.shape_cast %get3A_181 : vector<1x16xf32> to vector<16xf32>
          %mul3A_183 = arith.mulf %get3A_178, %get3A_182 : vector<16xf32>
          %swap3A_184 = arith.index_cast %scan3A_92 : i32 to index
          %swap3A_185 = arith.constant 96 : index
          %swap3A_186 = tpu.vector_load %arg12[%swap3A_184, %swap3A_185] {strides = array<i32>} : memref<64x128xf32, #tpu.memory_space<vmem>>, vector<1x16xf32>,
          %swap3A_187 = vector.shape_cast %swap3A_186 : vector<1x16xf32> to vector<16xf32>
          %swap3A_188 = vector.shape_cast %mul3A_183 : vector<16xf32> to vector<1x16xf32>
          tpu.vector_store %arg12[%swap3A_184, %swap3A_185], %swap3A_188 {strides = array<i32>} : memref<64x128xf32, #tpu.memory_space<vmem>>, vector<1x16xf32>,
          %get3A_189 = arith.index_cast %scan3A_92 : i32 to index
          %get3A_190 = arith.constant 112 : index
          %get3A_191 = tpu.vector_load %arg12[%get3A_189, %get3A_190] {strides = array<i32>} : memref<64x128xf32, #tpu.memory_space<vmem>>, vector<1x16xf32>,
          %get3A_192 = vector.shape_cast %get3A_191 : vector<1x16xf32> to vector<16xf32>
          %get3A_193 = arith.index_cast %scan3A_92 : i32 to index
          %get3A_194 = arith.constant 112 : index
          %get3A_195 = tpu.vector_load %arg14[%get3A_193, %get3A_194] {strides = array<i32>} : memref<64x128xf32, #tpu.memory_space<vmem>>, vector<1x16xf32>,
          %get3A_196 = vector.shape_cast %get3A_195 : vector<1x16xf32> to vector<16xf32>
          %mul3A_197 = arith.mulf %get3A_192, %get3A_196 : vector<16xf32>
          %swap3A_198 = arith.index_cast %scan3A_92 : i32 to index
          %swap3A_199 = arith.constant 112 : index
          %swap3A_200 = tpu.vector_load %arg12[%swap3A_198, %swap3A_199] {strides = array<i32>} : memref<64x128xf32, #tpu.memory_space<vmem>>, vector<1x16xf32>,
          %swap3A_201 = vector.shape_cast %swap3A_200 : vector<1x16xf32> to vector<16xf32>
          %swap3A_202 = vector.shape_cast %mul3A_197 : vector<16xf32> to vector<1x16xf32>
          tpu.vector_store %arg12[%swap3A_198, %swap3A_199], %swap3A_202 {strides = array<i32>} : memref<64x128xf32, #tpu.memory_space<vmem>>, vector<1x16xf32>,
        }
        %scan3A_82 = arith.constant 64 : i32
        %dma_start3A_83 = arith.constant 0 : i32
        %dma_start3A_84 = arith.constant 0 : i32
        %dma_start3A_85 = tpu.memref_slice %arg15[%dma_start3A_83, %dma_start3A_84] : memref<10240x128xf32, #tpu.memory_space<vmem_shared>> -> memref<10240x128xf32, #tpu.memory_space<vmem_shared>>
        tpu.enqueue_indirect_dma source(%arg12 : memref<64x128xf32, #tpu.memory_space<vmem>>) target(%dma_start3A_85 : memref<10240x128xf32, #tpu.memory_space<vmem_shared>>) offsets(%arg10 : memref<64xi32, #tpu.memory_space<vmem>>) semaphore(%arg21 : memref<!tpu.dma_semaphore, #tpu.memory_space<semaphore_mem>>) {add = true}
        %dma_wait3A_86 = arith.constant 0 : i32
        %dma_wait3A_87 = arith.constant 0 : i32
        %dma_wait3A_88 = tpu.memref_slice %arg15[%dma_wait3A_86, %dma_wait3A_87] : memref<10240x128xf32, #tpu.memory_space<vmem_shared>> -> memref<10240x128xf32, #tpu.memory_space<vmem_shared>>
        tpu.wait_indirect_dma semaphore(%arg20 : memref<!tpu.dma_semaphore, #tpu.memory_space<semaphore_mem>>) src(%arg11 : memref<64x128xf32, #tpu.memory_space<vmem>>) dst(%dma_wait3A_88 : memref<10240x128xf32, #tpu.memory_space<vmem_shared>>)
        %dma_wait3A_89 = arith.constant 0 : i32
        %dma_wait3A_90 = arith.constant 0 : i32
        %dma_wait3A_91 = tpu.memref_slice %arg15[%dma_wait3A_89, %dma_wait3A_90] : memref<10240x128xf32, #tpu.memory_space<vmem_shared>> -> memref<10240x128xf32, #tpu.memory_space<vmem_shared>>
        tpu.wait_indirect_dma semaphore(%arg21 : memref<!tpu.dma_semaphore, #tpu.memory_space<semaphore_mem>>) src(%arg12 : memref<64x128xf32, #tpu.memory_space<vmem>>) dst(%dma_wait3A_91 : memref<10240x128xf32, #tpu.memory_space<vmem_shared>>)
      }
      %scan3A_15 = arith.constant 124 : i32
    } else {
    }
    %eq3A_3 = arith.constant 1 : i32
    %eq3A_4 = arith.cmpi eq, %arg0, %eq3A_3 : i32
    %convert_element_type3A_5 = arith.extui %eq3A_4 : i1 to i32
    %cond3A_6 = arith.constant 0 : i32
    %cond3A_7 = arith.cmpi ne, %convert_element_type3A_5, %cond3A_6 : i32
    scf.if %cond3A_7 {
      %mul3A_8 = arith.constant 4608 : i32
      %mul3A_9 = arith.muli %arg1, %mul3A_8 : i32
      %add3A = arith.constant 253952 : i32
      %add3A_10 = arith.addi %add3A, %mul3A_9 : i32
      "tpu.region"() ({
        %run_scoped3A = tpu.sem_alloc : memref<!tpu.dma_semaphore, #tpu.memory_space<semaphore_mem>>
        %dma_start3A = arith.constant 0 : i32
        %dma_start3A_17 = tpu.memref_slice %arg8[%dma_start3A] : memref<15872xi32, #tpu.memory_space<vmem>> -> memref<4608xi32, #tpu.memory_space<vmem>>
        %dma_start3A_18 = tpu.memref_slice %arg4[%add3A_10] : memref<327680xi32, #tpu.memory_space<hbm>> -> memref<4608xi32, #tpu.memory_space<hbm>>
        %dma_start3A_19 = arith.constant 0 : i32
        %dma_start3A_20 = tpu.memref_slice %arg8[%dma_start3A_19] : memref<15872xi32, #tpu.memory_space<vmem>> -> memref<4608xi32, #tpu.memory_space<vmem>>
        %dma_start3A_21 = tpu.memref_slice %arg4[%add3A_10] : memref<327680xi32, #tpu.memory_space<hbm>> -> memref<4608xi32, #tpu.memory_space<hbm>>
        tpu.enqueue_dma source(%dma_start3A_21 : memref<4608xi32, #tpu.memory_space<hbm>>) target(%dma_start3A_20 : memref<4608xi32, #tpu.memory_space<vmem>>) target_semaphore(%run_scoped3A : memref<!tpu.dma_semaphore, #tpu.memory_space<semaphore_mem>>)
        %dma_wait3A = arith.constant 0 : i32
        %dma_wait3A_22 = tpu.memref_slice %arg8[%dma_wait3A] : memref<15872xi32, #tpu.memory_space<vmem>> -> memref<4608xi32, #tpu.memory_space<vmem>>
        %dma_wait3A_23 = tpu.memref_slice %arg4[%add3A_10] : memref<327680xi32, #tpu.memory_space<hbm>> -> memref<4608xi32, #tpu.memory_space<hbm>>
        %dma_wait3A_24 = arith.constant 0 : i32
        %dma_wait3A_25 = tpu.memref_slice %arg8[%dma_wait3A_24] : memref<15872xi32, #tpu.memory_space<vmem>> -> memref<4608xi32, #tpu.memory_space<vmem>>
        %dma_wait3A_26 = tpu.memref_slice %arg4[%add3A_10] : memref<327680xi32, #tpu.memory_space<hbm>> -> memref<4608xi32, #tpu.memory_space<hbm>>
        tpu.wait_dma2 semaphore(%run_scoped3A : memref<!tpu.dma_semaphore, #tpu.memory_space<semaphore_mem>>) src(%dma_wait3A_26 : memref<4608xi32, #tpu.memory_space<hbm>>) dst(%dma_wait3A_25 : memref<4608xi32, #tpu.memory_space<vmem>>)
        tpu.yield
      }) : () -> ()
      %barrier3A_11 = arith.constant 0 : index
      tpu.barrier barrier_id(%barrier3A_11)
      %scan3A = arith.constant 0 : i32
      %scan3A_12 = arith.constant 0 : i32
      %scan3A_13 = arith.constant 36 : i32
      %scan3A_14 = arith.addi %scan3A_12, %scan3A_13 : i32
      %scan3A_15 = arith.constant 1 : i32
      scf.for %scan3A_17 = %scan3A_12 to %scan3A_14 step %scan3A_15  : i32 {
        %mul3A_18 = arith.constant 2 : i32
        %mul3A_19 = arith.muli %mul3A_18, %scan3A_17 : i32
        %mul3A_20 = arith.constant 2 : i32
        %mul3A_21 = arith.muli %mul3A_20, %scan3A_17 : i32
        %add3A_22 = arith.constant 1 : i32
        %add3A_23 = arith.addi %mul3A_21, %add3A_22 : i32
        %mul3A_24 = arith.constant 64 : i32
        %mul3A_25 = arith.muli %mul3A_19, %mul3A_24 : i32
        %dma_start3A = tpu.memref_slice %arg8[%mul3A_25] : memref<15872xi32, #tpu.memory_space<vmem>> -> memref<64xi32, #tpu.memory_space<vmem>>
        %dma_start3A_26 = arith.constant 0 : i32
        %dma_start3A_27 = arith.constant 0 : i32
        %dma_start3A_28 = tpu.memref_slice %arg2[%dma_start3A_26, %dma_start3A_27] : memref<10240x128xf32, #tpu.memory_space<hbm>> -> memref<10240x128xf32, #tpu.memory_space<hbm>>
        tpu.enqueue_indirect_dma source(%dma_start3A_28 : memref<10240x128xf32, #tpu.memory_space<hbm>>) target(%arg11 : memref<64x128xf32, #tpu.memory_space<vmem>>) offsets(%dma_start3A : memref<64xi32, #tpu.memory_space<vmem>>) semaphore(%arg16 : memref<!tpu.dma_semaphore, #tpu.memory_space<semaphore_mem>>)
        %mul3A_29 = arith.constant 64 : i32
        %mul3A_30 = arith.muli %mul3A_19, %mul3A_29 : i32
        %add3A_31 = arith.addi %add3A_10, %mul3A_30 : i32
        %dma_start3A_32 = arith.constant 0 : i32
        %dma_start3A_33 = tpu.memref_slice %arg3[%add3A_31, %dma_start3A_32] : memref<327680x128xf32, #tpu.memory_space<hbm>> -> memref<64x128xf32, #tpu.memory_space<hbm>>
        %dma_start3A_34 = arith.constant 0 : i32
        %dma_start3A_35 = tpu.memref_slice %arg3[%add3A_31, %dma_start3A_34] : memref<327680x128xf32, #tpu.memory_space<hbm>> -> memref<64x128xf32, #tpu.memory_space<hbm>>
        tpu.enqueue_dma source(%dma_start3A_35 : memref<64x128xf32, #tpu.memory_space<hbm>>) target(%arg13 : memref<64x128xf32, #tpu.memory_space<vmem>>) target_semaphore(%arg18 : memref<!tpu.dma_semaphore, #tpu.memory_space<semaphore_mem>>)
        %mul3A_36 = arith.constant 64 : i32
        %mul3A_37 = arith.muli %add3A_23, %mul3A_36 : i32
        %dma_start3A_38 = tpu.memref_slice %arg8[%mul3A_37] : memref<15872xi32, #tpu.memory_space<vmem>> -> memref<64xi32, #tpu.memory_space<vmem>>
        %dma_start3A_39 = arith.constant 0 : i32
        %dma_start3A_40 = arith.constant 0 : i32
        %dma_start3A_41 = tpu.memref_slice %arg2[%dma_start3A_39, %dma_start3A_40] : memref<10240x128xf32, #tpu.memory_space<hbm>> -> memref<10240x128xf32, #tpu.memory_space<hbm>>
        tpu.enqueue_indirect_dma source(%dma_start3A_41 : memref<10240x128xf32, #tpu.memory_space<hbm>>) target(%arg12 : memref<64x128xf32, #tpu.memory_space<vmem>>) offsets(%dma_start3A_38 : memref<64xi32, #tpu.memory_space<vmem>>) semaphore(%arg17 : memref<!tpu.dma_semaphore, #tpu.memory_space<semaphore_mem>>)
        %mul3A_42 = arith.constant 64 : i32
        %mul3A_43 = arith.muli %add3A_23, %mul3A_42 : i32
        %add3A_44 = arith.addi %mul3A_43, %add3A_10 : i32
        %dma_start3A_45 = arith.constant 0 : i32
        %dma_start3A_46 = tpu.memref_slice %arg3[%add3A_44, %dma_start3A_45] : memref<327680x128xf32, #tpu.memory_space<hbm>> -> memref<64x128xf32, #tpu.memory_space<hbm>>
        %dma_start3A_47 = arith.constant 0 : i32
        %dma_start3A_48 = tpu.memref_slice %arg3[%add3A_44, %dma_start3A_47] : memref<327680x128xf32, #tpu.memory_space<hbm>> -> memref<64x128xf32, #tpu.memory_space<hbm>>
        tpu.enqueue_dma source(%dma_start3A_48 : memref<64x128xf32, #tpu.memory_space<hbm>>) target(%arg14 : memref<64x128xf32, #tpu.memory_space<vmem>>) target_semaphore(%arg19 : memref<!tpu.dma_semaphore, #tpu.memory_space<semaphore_mem>>)
        %mul3A_49 = arith.constant 64 : i32
        %mul3A_50 = arith.muli %mul3A_19, %mul3A_49 : i32
        %add3A_51 = arith.addi %add3A_10, %mul3A_50 : i32
        "tpu.region"() ({
          %run_scoped3A = tpu.sem_alloc : memref<!tpu.dma_semaphore, #tpu.memory_space<semaphore_mem>>
          %dma_start3A_94 = tpu.memref_slice %arg5[%add3A_51] : memref<327680xi32, #tpu.memory_space<hbm>> -> memref<64xi32, #tpu.memory_space<hbm>>
          %dma_start3A_95 = tpu.memref_slice %arg5[%add3A_51] : memref<327680xi32, #tpu.memory_space<hbm>> -> memref<64xi32, #tpu.memory_space<hbm>>
          tpu.enqueue_dma source(%dma_start3A_95 : memref<64xi32, #tpu.memory_space<hbm>>) target(%arg9 : memref<64xi32, #tpu.memory_space<vmem>>) target_semaphore(%run_scoped3A : memref<!tpu.dma_semaphore, #tpu.memory_space<semaphore_mem>>)
          %dma_wait3A_96 = tpu.memref_slice %arg5[%add3A_51] : memref<327680xi32, #tpu.memory_space<hbm>> -> memref<64xi32, #tpu.memory_space<hbm>>
          %dma_wait3A_97 = tpu.memref_slice %arg5[%add3A_51] : memref<327680xi32, #tpu.memory_space<hbm>> -> memref<64xi32, #tpu.memory_space<hbm>>
          tpu.wait_dma2 semaphore(%run_scoped3A : memref<!tpu.dma_semaphore, #tpu.memory_space<semaphore_mem>>) src(%dma_wait3A_97 : memref<64xi32, #tpu.memory_space<hbm>>) dst(%arg9 : memref<64xi32, #tpu.memory_space<vmem>>)
          tpu.yield
        }) : () -> ()
        %mul3A_52 = arith.constant 64 : i32
        %mul3A_53 = arith.muli %add3A_23, %mul3A_52 : i32
        %add3A_54 = arith.addi %add3A_10, %mul3A_53 : i32
        "tpu.region"() ({
          %run_scoped3A = tpu.sem_alloc : memref<!tpu.dma_semaphore, #tpu.memory_space<semaphore_mem>>
          %dma_start3A_94 = tpu.memref_slice %arg5[%add3A_54] : memref<327680xi32, #tpu.memory_space<hbm>> -> memref<64xi32, #tpu.memory_space<hbm>>
          %dma_start3A_95 = tpu.memref_slice %arg5[%add3A_54] : memref<327680xi32, #tpu.memory_space<hbm>> -> memref<64xi32, #tpu.memory_space<hbm>>
          tpu.enqueue_dma source(%dma_start3A_95 : memref<64xi32, #tpu.memory_space<hbm>>) target(%arg10 : memref<64xi32, #tpu.memory_space<vmem>>) target_semaphore(%run_scoped3A : memref<!tpu.dma_semaphore, #tpu.memory_space<semaphore_mem>>)
          %dma_wait3A_96 = tpu.memref_slice %arg5[%add3A_54] : memref<327680xi32, #tpu.memory_space<hbm>> -> memref<64xi32, #tpu.memory_space<hbm>>
          %dma_wait3A_97 = tpu.memref_slice %arg5[%add3A_54] : memref<327680xi32, #tpu.memory_space<hbm>> -> memref<64xi32, #tpu.memory_space<hbm>>
          tpu.wait_dma2 semaphore(%run_scoped3A : memref<!tpu.dma_semaphore, #tpu.memory_space<semaphore_mem>>) src(%dma_wait3A_97 : memref<64xi32, #tpu.memory_space<hbm>>) dst(%arg10 : memref<64xi32, #tpu.memory_space<vmem>>)
          tpu.yield
        }) : () -> ()
        %dma_wait3A = tpu.memref_slice %arg8[%mul3A_25] : memref<15872xi32, #tpu.memory_space<vmem>> -> memref<64xi32, #tpu.memory_space<vmem>>
        %dma_wait3A_55 = arith.constant 0 : i32
        %dma_wait3A_56 = arith.constant 0 : i32
        %dma_wait3A_57 = tpu.memref_slice %arg2[%dma_wait3A_55, %dma_wait3A_56] : memref<10240x128xf32, #tpu.memory_space<hbm>> -> memref<10240x128xf32, #tpu.memory_space<hbm>>
        tpu.wait_indirect_dma semaphore(%arg16 : memref<!tpu.dma_semaphore, #tpu.memory_space<semaphore_mem>>) src(%dma_wait3A_57 : memref<10240x128xf32, #tpu.memory_space<hbm>>) dst(%arg11 : memref<64x128xf32, #tpu.memory_space<vmem>>)
        %dma_wait3A_58 = arith.constant 0 : i32
        %dma_wait3A_59 = tpu.memref_slice %arg3[%add3A_31, %dma_wait3A_58] : memref<327680x128xf32, #tpu.memory_space<hbm>> -> memref<64x128xf32, #tpu.memory_space<hbm>>
        %dma_wait3A_60 = arith.constant 0 : i32
        %dma_wait3A_61 = tpu.memref_slice %arg3[%add3A_31, %dma_wait3A_60] : memref<327680x128xf32, #tpu.memory_space<hbm>> -> memref<64x128xf32, #tpu.memory_space<hbm>>
        tpu.wait_dma2 semaphore(%arg18 : memref<!tpu.dma_semaphore, #tpu.memory_space<semaphore_mem>>) src(%dma_wait3A_61 : memref<64x128xf32, #tpu.memory_space<hbm>>) dst(%arg13 : memref<64x128xf32, #tpu.memory_space<vmem>>)
        %scan3A_62 = arith.constant 0 : i32
        %scan3A_63 = arith.constant 0 : i32
        %scan3A_64 = arith.constant 64 : i32
        %scan3A_65 = arith.addi %scan3A_63, %scan3A_64 : i32
        %scan3A_66 = arith.constant 1 : i32
        scf.for %scan3A_94 = %scan3A_63 to %scan3A_65 step %scan3A_66  : i32 {
          %get3A = arith.index_cast %scan3A_94 : i32 to index
          %get3A_95 = arith.constant 0 : index
          %get3A_96 = tpu.vector_load %arg11[%get3A, %get3A_95] {strides = array<i32>} : memref<64x128xf32, #tpu.memory_space<vmem>>, vector<1x16xf32>,
          %get3A_97 = vector.shape_cast %get3A_96 : vector<1x16xf32> to vector<16xf32>
          %get3A_98 = arith.index_cast %scan3A_94 : i32 to index
          %get3A_99 = arith.constant 0 : index
          %get3A_100 = tpu.vector_load %arg13[%get3A_98, %get3A_99] {strides = array<i32>} : memref<64x128xf32, #tpu.memory_space<vmem>>, vector<1x16xf32>,
          %get3A_101 = vector.shape_cast %get3A_100 : vector<1x16xf32> to vector<16xf32>
          %mul3A_102 = arith.mulf %get3A_97, %get3A_101 : vector<16xf32>
          %swap3A = arith.index_cast %scan3A_94 : i32 to index
          %swap3A_103 = arith.constant 0 : index
          %swap3A_104 = tpu.vector_load %arg11[%swap3A, %swap3A_103] {strides = array<i32>} : memref<64x128xf32, #tpu.memory_space<vmem>>, vector<1x16xf32>,
          %swap3A_105 = vector.shape_cast %swap3A_104 : vector<1x16xf32> to vector<16xf32>
          %swap3A_106 = vector.shape_cast %mul3A_102 : vector<16xf32> to vector<1x16xf32>
          tpu.vector_store %arg11[%swap3A, %swap3A_103], %swap3A_106 {strides = array<i32>} : memref<64x128xf32, #tpu.memory_space<vmem>>, vector<1x16xf32>,
          %get3A_107 = arith.index_cast %scan3A_94 : i32 to index
          %get3A_108 = arith.constant 16 : index
          %get3A_109 = tpu.vector_load %arg11[%get3A_107, %get3A_108] {strides = array<i32>} : memref<64x128xf32, #tpu.memory_space<vmem>>, vector<1x16xf32>,
          %get3A_110 = vector.shape_cast %get3A_109 : vector<1x16xf32> to vector<16xf32>
          %get3A_111 = arith.index_cast %scan3A_94 : i32 to index
          %get3A_112 = arith.constant 16 : index
          %get3A_113 = tpu.vector_load %arg13[%get3A_111, %get3A_112] {strides = array<i32>} : memref<64x128xf32, #tpu.memory_space<vmem>>, vector<1x16xf32>,
          %get3A_114 = vector.shape_cast %get3A_113 : vector<1x16xf32> to vector<16xf32>
          %mul3A_115 = arith.mulf %get3A_110, %get3A_114 : vector<16xf32>
          %swap3A_116 = arith.index_cast %scan3A_94 : i32 to index
          %swap3A_117 = arith.constant 16 : index
          %swap3A_118 = tpu.vector_load %arg11[%swap3A_116, %swap3A_117] {strides = array<i32>} : memref<64x128xf32, #tpu.memory_space<vmem>>, vector<1x16xf32>,
          %swap3A_119 = vector.shape_cast %swap3A_118 : vector<1x16xf32> to vector<16xf32>
          %swap3A_120 = vector.shape_cast %mul3A_115 : vector<16xf32> to vector<1x16xf32>
          tpu.vector_store %arg11[%swap3A_116, %swap3A_117], %swap3A_120 {strides = array<i32>} : memref<64x128xf32, #tpu.memory_space<vmem>>, vector<1x16xf32>,
          %get3A_121 = arith.index_cast %scan3A_94 : i32 to index
          %get3A_122 = arith.constant 32 : index
          %get3A_123 = tpu.vector_load %arg11[%get3A_121, %get3A_122] {strides = array<i32>} : memref<64x128xf32, #tpu.memory_space<vmem>>, vector<1x16xf32>,
          %get3A_124 = vector.shape_cast %get3A_123 : vector<1x16xf32> to vector<16xf32>
          %get3A_125 = arith.index_cast %scan3A_94 : i32 to index
          %get3A_126 = arith.constant 32 : index
          %get3A_127 = tpu.vector_load %arg13[%get3A_125, %get3A_126] {strides = array<i32>} : memref<64x128xf32, #tpu.memory_space<vmem>>, vector<1x16xf32>,
          %get3A_128 = vector.shape_cast %get3A_127 : vector<1x16xf32> to vector<16xf32>
          %mul3A_129 = arith.mulf %get3A_124, %get3A_128 : vector<16xf32>
          %swap3A_130 = arith.index_cast %scan3A_94 : i32 to index
          %swap3A_131 = arith.constant 32 : index
          %swap3A_132 = tpu.vector_load %arg11[%swap3A_130, %swap3A_131] {strides = array<i32>} : memref<64x128xf32, #tpu.memory_space<vmem>>, vector<1x16xf32>,
          %swap3A_133 = vector.shape_cast %swap3A_132 : vector<1x16xf32> to vector<16xf32>
          %swap3A_134 = vector.shape_cast %mul3A_129 : vector<16xf32> to vector<1x16xf32>
          tpu.vector_store %arg11[%swap3A_130, %swap3A_131], %swap3A_134 {strides = array<i32>} : memref<64x128xf32, #tpu.memory_space<vmem>>, vector<1x16xf32>,
          %get3A_135 = arith.index_cast %scan3A_94 : i32 to index
          %get3A_136 = arith.constant 48 : index
          %get3A_137 = tpu.vector_load %arg11[%get3A_135, %get3A_136] {strides = array<i32>} : memref<64x128xf32, #tpu.memory_space<vmem>>, vector<1x16xf32>,
          %get3A_138 = vector.shape_cast %get3A_137 : vector<1x16xf32> to vector<16xf32>
          %get3A_139 = arith.index_cast %scan3A_94 : i32 to index
          %get3A_140 = arith.constant 48 : index
          %get3A_141 = tpu.vector_load %arg13[%get3A_139, %get3A_140] {strides = array<i32>} : memref<64x128xf32, #tpu.memory_space<vmem>>, vector<1x16xf32>,
          %get3A_142 = vector.shape_cast %get3A_141 : vector<1x16xf32> to vector<16xf32>
          %mul3A_143 = arith.mulf %get3A_138, %get3A_142 : vector<16xf32>
          %swap3A_144 = arith.index_cast %scan3A_94 : i32 to index
          %swap3A_145 = arith.constant 48 : index
          %swap3A_146 = tpu.vector_load %arg11[%swap3A_144, %swap3A_145] {strides = array<i32>} : memref<64x128xf32, #tpu.memory_space<vmem>>, vector<1x16xf32>,
          %swap3A_147 = vector.shape_cast %swap3A_146 : vector<1x16xf32> to vector<16xf32>
          %swap3A_148 = vector.shape_cast %mul3A_143 : vector<16xf32> to vector<1x16xf32>
          tpu.vector_store %arg11[%swap3A_144, %swap3A_145], %swap3A_148 {strides = array<i32>} : memref<64x128xf32, #tpu.memory_space<vmem>>, vector<1x16xf32>,
          %get3A_149 = arith.index_cast %scan3A_94 : i32 to index
          %get3A_150 = arith.constant 64 : index
          %get3A_151 = tpu.vector_load %arg11[%get3A_149, %get3A_150] {strides = array<i32>} : memref<64x128xf32, #tpu.memory_space<vmem>>, vector<1x16xf32>,
          %get3A_152 = vector.shape_cast %get3A_151 : vector<1x16xf32> to vector<16xf32>
          %get3A_153 = arith.index_cast %scan3A_94 : i32 to index
          %get3A_154 = arith.constant 64 : index
          %get3A_155 = tpu.vector_load %arg13[%get3A_153, %get3A_154] {strides = array<i32>} : memref<64x128xf32, #tpu.memory_space<vmem>>, vector<1x16xf32>,
          %get3A_156 = vector.shape_cast %get3A_155 : vector<1x16xf32> to vector<16xf32>
          %mul3A_157 = arith.mulf %get3A_152, %get3A_156 : vector<16xf32>
          %swap3A_158 = arith.index_cast %scan3A_94 : i32 to index
          %swap3A_159 = arith.constant 64 : index
          %swap3A_160 = tpu.vector_load %arg11[%swap3A_158, %swap3A_159] {strides = array<i32>} : memref<64x128xf32, #tpu.memory_space<vmem>>, vector<1x16xf32>,
          %swap3A_161 = vector.shape_cast %swap3A_160 : vector<1x16xf32> to vector<16xf32>
          %swap3A_162 = vector.shape_cast %mul3A_157 : vector<16xf32> to vector<1x16xf32>
          tpu.vector_store %arg11[%swap3A_158, %swap3A_159], %swap3A_162 {strides = array<i32>} : memref<64x128xf32, #tpu.memory_space<vmem>>, vector<1x16xf32>,
          %get3A_163 = arith.index_cast %scan3A_94 : i32 to index
          %get3A_164 = arith.constant 80 : index
          %get3A_165 = tpu.vector_load %arg11[%get3A_163, %get3A_164] {strides = array<i32>} : memref<64x128xf32, #tpu.memory_space<vmem>>, vector<1x16xf32>,
          %get3A_166 = vector.shape_cast %get3A_165 : vector<1x16xf32> to vector<16xf32>
          %get3A_167 = arith.index_cast %scan3A_94 : i32 to index
          %get3A_168 = arith.constant 80 : index
          %get3A_169 = tpu.vector_load %arg13[%get3A_167, %get3A_168] {strides = array<i32>} : memref<64x128xf32, #tpu.memory_space<vmem>>, vector<1x16xf32>,
          %get3A_170 = vector.shape_cast %get3A_169 : vector<1x16xf32> to vector<16xf32>
          %mul3A_171 = arith.mulf %get3A_166, %get3A_170 : vector<16xf32>
          %swap3A_172 = arith.index_cast %scan3A_94 : i32 to index
          %swap3A_173 = arith.constant 80 : index
          %swap3A_174 = tpu.vector_load %arg11[%swap3A_172, %swap3A_173] {strides = array<i32>} : memref<64x128xf32, #tpu.memory_space<vmem>>, vector<1x16xf32>,
          %swap3A_175 = vector.shape_cast %swap3A_174 : vector<1x16xf32> to vector<16xf32>
          %swap3A_176 = vector.shape_cast %mul3A_171 : vector<16xf32> to vector<1x16xf32>
          tpu.vector_store %arg11[%swap3A_172, %swap3A_173], %swap3A_176 {strides = array<i32>} : memref<64x128xf32, #tpu.memory_space<vmem>>, vector<1x16xf32>,
          %get3A_177 = arith.index_cast %scan3A_94 : i32 to index
          %get3A_178 = arith.constant 96 : index
          %get3A_179 = tpu.vector_load %arg11[%get3A_177, %get3A_178] {strides = array<i32>} : memref<64x128xf32, #tpu.memory_space<vmem>>, vector<1x16xf32>,
          %get3A_180 = vector.shape_cast %get3A_179 : vector<1x16xf32> to vector<16xf32>
          %get3A_181 = arith.index_cast %scan3A_94 : i32 to index
          %get3A_182 = arith.constant 96 : index
          %get3A_183 = tpu.vector_load %arg13[%get3A_181, %get3A_182] {strides = array<i32>} : memref<64x128xf32, #tpu.memory_space<vmem>>, vector<1x16xf32>,
          %get3A_184 = vector.shape_cast %get3A_183 : vector<1x16xf32> to vector<16xf32>
          %mul3A_185 = arith.mulf %get3A_180, %get3A_184 : vector<16xf32>
          %swap3A_186 = arith.index_cast %scan3A_94 : i32 to index
          %swap3A_187 = arith.constant 96 : index
          %swap3A_188 = tpu.vector_load %arg11[%swap3A_186, %swap3A_187] {strides = array<i32>} : memref<64x128xf32, #tpu.memory_space<vmem>>, vector<1x16xf32>,
          %swap3A_189 = vector.shape_cast %swap3A_188 : vector<1x16xf32> to vector<16xf32>
          %swap3A_190 = vector.shape_cast %mul3A_185 : vector<16xf32> to vector<1x16xf32>
          tpu.vector_store %arg11[%swap3A_186, %swap3A_187], %swap3A_190 {strides = array<i32>} : memref<64x128xf32, #tpu.memory_space<vmem>>, vector<1x16xf32>,
          %get3A_191 = arith.index_cast %scan3A_94 : i32 to index
          %get3A_192 = arith.constant 112 : index
          %get3A_193 = tpu.vector_load %arg11[%get3A_191, %get3A_192] {strides = array<i32>} : memref<64x128xf32, #tpu.memory_space<vmem>>, vector<1x16xf32>,
          %get3A_194 = vector.shape_cast %get3A_193 : vector<1x16xf32> to vector<16xf32>
          %get3A_195 = arith.index_cast %scan3A_94 : i32 to index
          %get3A_196 = arith.constant 112 : index
          %get3A_197 = tpu.vector_load %arg13[%get3A_195, %get3A_196] {strides = array<i32>} : memref<64x128xf32, #tpu.memory_space<vmem>>, vector<1x16xf32>,
          %get3A_198 = vector.shape_cast %get3A_197 : vector<1x16xf32> to vector<16xf32>
          %mul3A_199 = arith.mulf %get3A_194, %get3A_198 : vector<16xf32>
          %swap3A_200 = arith.index_cast %scan3A_94 : i32 to index
          %swap3A_201 = arith.constant 112 : index
          %swap3A_202 = tpu.vector_load %arg11[%swap3A_200, %swap3A_201] {strides = array<i32>} : memref<64x128xf32, #tpu.memory_space<vmem>>, vector<1x16xf32>,
          %swap3A_203 = vector.shape_cast %swap3A_202 : vector<1x16xf32> to vector<16xf32>
          %swap3A_204 = vector.shape_cast %mul3A_199 : vector<16xf32> to vector<1x16xf32>
          tpu.vector_store %arg11[%swap3A_200, %swap3A_201], %swap3A_204 {strides = array<i32>} : memref<64x128xf32, #tpu.memory_space<vmem>>, vector<1x16xf32>,
        }
        %scan3A_67 = arith.constant 64 : i32
        %dma_start3A_68 = arith.constant 0 : i32
        %dma_start3A_69 = arith.constant 0 : i32
        %dma_start3A_70 = tpu.memref_slice %arg15[%dma_start3A_68, %dma_start3A_69] : memref<10240x128xf32, #tpu.memory_space<vmem_shared>> -> memref<10240x128xf32, #tpu.memory_space<vmem_shared>>
        tpu.enqueue_indirect_dma source(%arg11 : memref<64x128xf32, #tpu.memory_space<vmem>>) target(%dma_start3A_70 : memref<10240x128xf32, #tpu.memory_space<vmem_shared>>) offsets(%arg9 : memref<64xi32, #tpu.memory_space<vmem>>) semaphore(%arg20 : memref<!tpu.dma_semaphore, #tpu.memory_space<semaphore_mem>>) {add = true}
        %dma_wait3A_71 = tpu.memref_slice %arg8[%mul3A_37] : memref<15872xi32, #tpu.memory_space<vmem>> -> memref<64xi32, #tpu.memory_space<vmem>>
        %dma_wait3A_72 = arith.constant 0 : i32
        %dma_wait3A_73 = arith.constant 0 : i32
        %dma_wait3A_74 = tpu.memref_slice %arg2[%dma_wait3A_72, %dma_wait3A_73] : memref<10240x128xf32, #tpu.memory_space<hbm>> -> memref<10240x128xf32, #tpu.memory_space<hbm>>
        tpu.wait_indirect_dma semaphore(%arg17 : memref<!tpu.dma_semaphore, #tpu.memory_space<semaphore_mem>>) src(%dma_wait3A_74 : memref<10240x128xf32, #tpu.memory_space<hbm>>) dst(%arg12 : memref<64x128xf32, #tpu.memory_space<vmem>>)
        %dma_wait3A_75 = arith.constant 0 : i32
        %dma_wait3A_76 = tpu.memref_slice %arg3[%add3A_44, %dma_wait3A_75] : memref<327680x128xf32, #tpu.memory_space<hbm>> -> memref<64x128xf32, #tpu.memory_space<hbm>>
        %dma_wait3A_77 = arith.constant 0 : i32
        %dma_wait3A_78 = tpu.memref_slice %arg3[%add3A_44, %dma_wait3A_77] : memref<327680x128xf32, #tpu.memory_space<hbm>> -> memref<64x128xf32, #tpu.memory_space<hbm>>
        tpu.wait_dma2 semaphore(%arg19 : memref<!tpu.dma_semaphore, #tpu.memory_space<semaphore_mem>>) src(%dma_wait3A_78 : memref<64x128xf32, #tpu.memory_space<hbm>>) dst(%arg14 : memref<64x128xf32, #tpu.memory_space<vmem>>)
        %scan3A_79 = arith.constant 0 : i32
        %scan3A_80 = arith.constant 0 : i32
        %scan3A_81 = arith.constant 64 : i32
        %scan3A_82 = arith.addi %scan3A_80, %scan3A_81 : i32
        %scan3A_83 = arith.constant 1 : i32
        scf.for %scan3A_94 = %scan3A_80 to %scan3A_82 step %scan3A_83  : i32 {
          %get3A = arith.index_cast %scan3A_94 : i32 to index
          %get3A_95 = arith.constant 0 : index
          %get3A_96 = tpu.vector_load %arg12[%get3A, %get3A_95] {strides = array<i32>} : memref<64x128xf32, #tpu.memory_space<vmem>>, vector<1x16xf32>,
          %get3A_97 = vector.shape_cast %get3A_96 : vector<1x16xf32> to vector<16xf32>
          %get3A_98 = arith.index_cast %scan3A_94 : i32 to index
          %get3A_99 = arith.constant 0 : index
          %get3A_100 = tpu.vector_load %arg14[%get3A_98, %get3A_99] {strides = array<i32>} : memref<64x128xf32, #tpu.memory_space<vmem>>, vector<1x16xf32>,
          %get3A_101 = vector.shape_cast %get3A_100 : vector<1x16xf32> to vector<16xf32>
          %mul3A_102 = arith.mulf %get3A_97, %get3A_101 : vector<16xf32>
          %swap3A = arith.index_cast %scan3A_94 : i32 to index
          %swap3A_103 = arith.constant 0 : index
          %swap3A_104 = tpu.vector_load %arg12[%swap3A, %swap3A_103] {strides = array<i32>} : memref<64x128xf32, #tpu.memory_space<vmem>>, vector<1x16xf32>,
          %swap3A_105 = vector.shape_cast %swap3A_104 : vector<1x16xf32> to vector<16xf32>
          %swap3A_106 = vector.shape_cast %mul3A_102 : vector<16xf32> to vector<1x16xf32>
          tpu.vector_store %arg12[%swap3A, %swap3A_103], %swap3A_106 {strides = array<i32>} : memref<64x128xf32, #tpu.memory_space<vmem>>, vector<1x16xf32>,
          %get3A_107 = arith.index_cast %scan3A_94 : i32 to index
          %get3A_108 = arith.constant 16 : index
          %get3A_109 = tpu.vector_load %arg12[%get3A_107, %get3A_108] {strides = array<i32>} : memref<64x128xf32, #tpu.memory_space<vmem>>, vector<1x16xf32>,
          %get3A_110 = vector.shape_cast %get3A_109 : vector<1x16xf32> to vector<16xf32>
          %get3A_111 = arith.index_cast %scan3A_94 : i32 to index
          %get3A_112 = arith.constant 16 : index
          %get3A_113 = tpu.vector_load %arg14[%get3A_111, %get3A_112] {strides = array<i32>} : memref<64x128xf32, #tpu.memory_space<vmem>>, vector<1x16xf32>,
          %get3A_114 = vector.shape_cast %get3A_113 : vector<1x16xf32> to vector<16xf32>
          %mul3A_115 = arith.mulf %get3A_110, %get3A_114 : vector<16xf32>
          %swap3A_116 = arith.index_cast %scan3A_94 : i32 to index
          %swap3A_117 = arith.constant 16 : index
          %swap3A_118 = tpu.vector_load %arg12[%swap3A_116, %swap3A_117] {strides = array<i32>} : memref<64x128xf32, #tpu.memory_space<vmem>>, vector<1x16xf32>,
          %swap3A_119 = vector.shape_cast %swap3A_118 : vector<1x16xf32> to vector<16xf32>
          %swap3A_120 = vector.shape_cast %mul3A_115 : vector<16xf32> to vector<1x16xf32>
          tpu.vector_store %arg12[%swap3A_116, %swap3A_117], %swap3A_120 {strides = array<i32>} : memref<64x128xf32, #tpu.memory_space<vmem>>, vector<1x16xf32>,
          %get3A_121 = arith.index_cast %scan3A_94 : i32 to index
          %get3A_122 = arith.constant 32 : index
          %get3A_123 = tpu.vector_load %arg12[%get3A_121, %get3A_122] {strides = array<i32>} : memref<64x128xf32, #tpu.memory_space<vmem>>, vector<1x16xf32>,
          %get3A_124 = vector.shape_cast %get3A_123 : vector<1x16xf32> to vector<16xf32>
          %get3A_125 = arith.index_cast %scan3A_94 : i32 to index
          %get3A_126 = arith.constant 32 : index
          %get3A_127 = tpu.vector_load %arg14[%get3A_125, %get3A_126] {strides = array<i32>} : memref<64x128xf32, #tpu.memory_space<vmem>>, vector<1x16xf32>,
          %get3A_128 = vector.shape_cast %get3A_127 : vector<1x16xf32> to vector<16xf32>
          %mul3A_129 = arith.mulf %get3A_124, %get3A_128 : vector<16xf32>
          %swap3A_130 = arith.index_cast %scan3A_94 : i32 to index
          %swap3A_131 = arith.constant 32 : index
          %swap3A_132 = tpu.vector_load %arg12[%swap3A_130, %swap3A_131] {strides = array<i32>} : memref<64x128xf32, #tpu.memory_space<vmem>>, vector<1x16xf32>,
          %swap3A_133 = vector.shape_cast %swap3A_132 : vector<1x16xf32> to vector<16xf32>
          %swap3A_134 = vector.shape_cast %mul3A_129 : vector<16xf32> to vector<1x16xf32>
          tpu.vector_store %arg12[%swap3A_130, %swap3A_131], %swap3A_134 {strides = array<i32>} : memref<64x128xf32, #tpu.memory_space<vmem>>, vector<1x16xf32>,
          %get3A_135 = arith.index_cast %scan3A_94 : i32 to index
          %get3A_136 = arith.constant 48 : index
          %get3A_137 = tpu.vector_load %arg12[%get3A_135, %get3A_136] {strides = array<i32>} : memref<64x128xf32, #tpu.memory_space<vmem>>, vector<1x16xf32>,
          %get3A_138 = vector.shape_cast %get3A_137 : vector<1x16xf32> to vector<16xf32>
          %get3A_139 = arith.index_cast %scan3A_94 : i32 to index
          %get3A_140 = arith.constant 48 : index
          %get3A_141 = tpu.vector_load %arg14[%get3A_139, %get3A_140] {strides = array<i32>} : memref<64x128xf32, #tpu.memory_space<vmem>>, vector<1x16xf32>,
          %get3A_142 = vector.shape_cast %get3A_141 : vector<1x16xf32> to vector<16xf32>
          %mul3A_143 = arith.mulf %get3A_138, %get3A_142 : vector<16xf32>
          %swap3A_144 = arith.index_cast %scan3A_94 : i32 to index
          %swap3A_145 = arith.constant 48 : index
          %swap3A_146 = tpu.vector_load %arg12[%swap3A_144, %swap3A_145] {strides = array<i32>} : memref<64x128xf32, #tpu.memory_space<vmem>>, vector<1x16xf32>,
          %swap3A_147 = vector.shape_cast %swap3A_146 : vector<1x16xf32> to vector<16xf32>
          %swap3A_148 = vector.shape_cast %mul3A_143 : vector<16xf32> to vector<1x16xf32>
          tpu.vector_store %arg12[%swap3A_144, %swap3A_145], %swap3A_148 {strides = array<i32>} : memref<64x128xf32, #tpu.memory_space<vmem>>, vector<1x16xf32>,
          %get3A_149 = arith.index_cast %scan3A_94 : i32 to index
          %get3A_150 = arith.constant 64 : index
          %get3A_151 = tpu.vector_load %arg12[%get3A_149, %get3A_150] {strides = array<i32>} : memref<64x128xf32, #tpu.memory_space<vmem>>, vector<1x16xf32>,
          %get3A_152 = vector.shape_cast %get3A_151 : vector<1x16xf32> to vector<16xf32>
          %get3A_153 = arith.index_cast %scan3A_94 : i32 to index
          %get3A_154 = arith.constant 64 : index
          %get3A_155 = tpu.vector_load %arg14[%get3A_153, %get3A_154] {strides = array<i32>} : memref<64x128xf32, #tpu.memory_space<vmem>>, vector<1x16xf32>,
          %get3A_156 = vector.shape_cast %get3A_155 : vector<1x16xf32> to vector<16xf32>
          %mul3A_157 = arith.mulf %get3A_152, %get3A_156 : vector<16xf32>
          %swap3A_158 = arith.index_cast %scan3A_94 : i32 to index
          %swap3A_159 = arith.constant 64 : index
          %swap3A_160 = tpu.vector_load %arg12[%swap3A_158, %swap3A_159] {strides = array<i32>} : memref<64x128xf32, #tpu.memory_space<vmem>>, vector<1x16xf32>,
          %swap3A_161 = vector.shape_cast %swap3A_160 : vector<1x16xf32> to vector<16xf32>
          %swap3A_162 = vector.shape_cast %mul3A_157 : vector<16xf32> to vector<1x16xf32>
          tpu.vector_store %arg12[%swap3A_158, %swap3A_159], %swap3A_162 {strides = array<i32>} : memref<64x128xf32, #tpu.memory_space<vmem>>, vector<1x16xf32>,
          %get3A_163 = arith.index_cast %scan3A_94 : i32 to index
          %get3A_164 = arith.constant 80 : index
          %get3A_165 = tpu.vector_load %arg12[%get3A_163, %get3A_164] {strides = array<i32>} : memref<64x128xf32, #tpu.memory_space<vmem>>, vector<1x16xf32>,
          %get3A_166 = vector.shape_cast %get3A_165 : vector<1x16xf32> to vector<16xf32>
          %get3A_167 = arith.index_cast %scan3A_94 : i32 to index
          %get3A_168 = arith.constant 80 : index
          %get3A_169 = tpu.vector_load %arg14[%get3A_167, %get3A_168] {strides = array<i32>} : memref<64x128xf32, #tpu.memory_space<vmem>>, vector<1x16xf32>,
          %get3A_170 = vector.shape_cast %get3A_169 : vector<1x16xf32> to vector<16xf32>
          %mul3A_171 = arith.mulf %get3A_166, %get3A_170 : vector<16xf32>
          %swap3A_172 = arith.index_cast %scan3A_94 : i32 to index
          %swap3A_173 = arith.constant 80 : index
          %swap3A_174 = tpu.vector_load %arg12[%swap3A_172, %swap3A_173] {strides = array<i32>} : memref<64x128xf32, #tpu.memory_space<vmem>>, vector<1x16xf32>,
          %swap3A_175 = vector.shape_cast %swap3A_174 : vector<1x16xf32> to vector<16xf32>
          %swap3A_176 = vector.shape_cast %mul3A_171 : vector<16xf32> to vector<1x16xf32>
          tpu.vector_store %arg12[%swap3A_172, %swap3A_173], %swap3A_176 {strides = array<i32>} : memref<64x128xf32, #tpu.memory_space<vmem>>, vector<1x16xf32>,
          %get3A_177 = arith.index_cast %scan3A_94 : i32 to index
          %get3A_178 = arith.constant 96 : index
          %get3A_179 = tpu.vector_load %arg12[%get3A_177, %get3A_178] {strides = array<i32>} : memref<64x128xf32, #tpu.memory_space<vmem>>, vector<1x16xf32>,
          %get3A_180 = vector.shape_cast %get3A_179 : vector<1x16xf32> to vector<16xf32>
          %get3A_181 = arith.index_cast %scan3A_94 : i32 to index
          %get3A_182 = arith.constant 96 : index
          %get3A_183 = tpu.vector_load %arg14[%get3A_181, %get3A_182] {strides = array<i32>} : memref<64x128xf32, #tpu.memory_space<vmem>>, vector<1x16xf32>,
          %get3A_184 = vector.shape_cast %get3A_183 : vector<1x16xf32> to vector<16xf32>
          %mul3A_185 = arith.mulf %get3A_180, %get3A_184 : vector<16xf32>
          %swap3A_186 = arith.index_cast %scan3A_94 : i32 to index
          %swap3A_187 = arith.constant 96 : index
          %swap3A_188 = tpu.vector_load %arg12[%swap3A_186, %swap3A_187] {strides = array<i32>} : memref<64x128xf32, #tpu.memory_space<vmem>>, vector<1x16xf32>,
          %swap3A_189 = vector.shape_cast %swap3A_188 : vector<1x16xf32> to vector<16xf32>
          %swap3A_190 = vector.shape_cast %mul3A_185 : vector<16xf32> to vector<1x16xf32>
          tpu.vector_store %arg12[%swap3A_186, %swap3A_187], %swap3A_190 {strides = array<i32>} : memref<64x128xf32, #tpu.memory_space<vmem>>, vector<1x16xf32>,
          %get3A_191 = arith.index_cast %scan3A_94 : i32 to index
          %get3A_192 = arith.constant 112 : index
          %get3A_193 = tpu.vector_load %arg12[%get3A_191, %get3A_192] {strides = array<i32>} : memref<64x128xf32, #tpu.memory_space<vmem>>, vector<1x16xf32>,
          %get3A_194 = vector.shape_cast %get3A_193 : vector<1x16xf32> to vector<16xf32>
          %get3A_195 = arith.index_cast %scan3A_94 : i32 to index
          %get3A_196 = arith.constant 112 : index
          %get3A_197 = tpu.vector_load %arg14[%get3A_195, %get3A_196] {strides = array<i32>} : memref<64x128xf32, #tpu.memory_space<vmem>>, vector<1x16xf32>,
          %get3A_198 = vector.shape_cast %get3A_197 : vector<1x16xf32> to vector<16xf32>
          %mul3A_199 = arith.mulf %get3A_194, %get3A_198 : vector<16xf32>
          %swap3A_200 = arith.index_cast %scan3A_94 : i32 to index
          %swap3A_201 = arith.constant 112 : index
          %swap3A_202 = tpu.vector_load %arg12[%swap3A_200, %swap3A_201] {strides = array<i32>} : memref<64x128xf32, #tpu.memory_space<vmem>>, vector<1x16xf32>,
          %swap3A_203 = vector.shape_cast %swap3A_202 : vector<1x16xf32> to vector<16xf32>
          %swap3A_204 = vector.shape_cast %mul3A_199 : vector<16xf32> to vector<1x16xf32>
          tpu.vector_store %arg12[%swap3A_200, %swap3A_201], %swap3A_204 {strides = array<i32>} : memref<64x128xf32, #tpu.memory_space<vmem>>, vector<1x16xf32>,
        }
        %scan3A_84 = arith.constant 64 : i32
        %dma_start3A_85 = arith.constant 0 : i32
        %dma_start3A_86 = arith.constant 0 : i32
        %dma_start3A_87 = tpu.memref_slice %arg15[%dma_start3A_85, %dma_start3A_86] : memref<10240x128xf32, #tpu.memory_space<vmem_shared>> -> memref<10240x128xf32, #tpu.memory_space<vmem_shared>>
        tpu.enqueue_indirect_dma source(%arg12 : memref<64x128xf32, #tpu.memory_space<vmem>>) target(%dma_start3A_87 : memref<10240x128xf32, #tpu.memory_space<vmem_shared>>) offsets(%arg10 : memref<64xi32, #tpu.memory_space<vmem>>) semaphore(%arg21 : memref<!tpu.dma_semaphore, #tpu.memory_space<semaphore_mem>>) {add = true}
        %dma_wait3A_88 = arith.constant 0 : i32
        %dma_wait3A_89 = arith.constant 0 : i32
        %dma_wait3A_90 = tpu.memref_slice %arg15[%dma_wait3A_88, %dma_wait3A_89] : memref<10240x128xf32, #tpu.memory_space<vmem_shared>> -> memref<10240x128xf32, #tpu.memory_space<vmem_shared>>
        tpu.wait_indirect_dma semaphore(%arg20 : memref<!tpu.dma_semaphore, #tpu.memory_space<semaphore_mem>>) src(%arg11 : memref<64x128xf32, #tpu.memory_space<vmem>>) dst(%dma_wait3A_90 : memref<10240x128xf32, #tpu.memory_space<vmem_shared>>)
        %dma_wait3A_91 = arith.constant 0 : i32
        %dma_wait3A_92 = arith.constant 0 : i32
        %dma_wait3A_93 = tpu.memref_slice %arg15[%dma_wait3A_91, %dma_wait3A_92] : memref<10240x128xf32, #tpu.memory_space<vmem_shared>> -> memref<10240x128xf32, #tpu.memory_space<vmem_shared>>
        tpu.wait_indirect_dma semaphore(%arg21 : memref<!tpu.dma_semaphore, #tpu.memory_space<semaphore_mem>>) src(%arg12 : memref<64x128xf32, #tpu.memory_space<vmem>>) dst(%dma_wait3A_93 : memref<10240x128xf32, #tpu.memory_space<vmem_shared>>)
      }
      %scan3A_16 = arith.constant 36 : i32
    } else {
    }
    %barrier3A = arith.constant 0 : index
    tpu.barrier barrier_id(%barrier3A)
    "tpu.region"() ({
      %run_scoped3A = tpu.sem_alloc : memref<!tpu.dma_semaphore, #tpu.memory_space<semaphore_mem>>
      %dma_start3A = arith.constant 0 : i32
      %dma_start3A_8 = arith.constant 0 : i32
      %dma_start3A_9 = tpu.memref_slice %arg7[%arg0, %dma_start3A, %dma_start3A_8] : memref<2x10240x128xf32, #tpu.memory_space<hbm>> -> memref<1x10240x128xf32, #tpu.memory_space<hbm>>
      %dma_start3A_10 = tpu.memref_squeeze %dma_start3A_9 : memref<1x10240x128xf32, #tpu.memory_space<hbm>> -> memref<10240x128xf32, #tpu.memory_space<hbm>>
      %dma_start3A_11 = arith.constant 0 : i32
      %dma_start3A_12 = tpu.memref_slice %dma_start3A_10[%mul3A_0, %dma_start3A_11] : memref<10240x128xf32, #tpu.memory_space<hbm>> -> memref<640x128xf32, #tpu.memory_space<hbm>>
      %dma_start3A_13 = arith.constant 0 : i32
      %dma_start3A_14 = tpu.memref_slice %arg15[%mul3A_0, %dma_start3A_13] : memref<10240x128xf32, #tpu.memory_space<vmem_shared>> -> memref<640x128xf32, #tpu.memory_space<vmem_shared>>
      tpu.enqueue_dma source(%dma_start3A_14 : memref<640x128xf32, #tpu.memory_space<vmem_shared>>) target(%dma_start3A_12 : memref<640x128xf32, #tpu.memory_space<hbm>>) target_semaphore(%run_scoped3A : memref<!tpu.dma_semaphore, #tpu.memory_space<semaphore_mem>>)
      %dma_wait3A = arith.constant 0 : i32
      %dma_wait3A_15 = arith.constant 0 : i32
      %dma_wait3A_16 = tpu.memref_slice %arg7[%arg0, %dma_wait3A, %dma_wait3A_15] : memref<2x10240x128xf32, #tpu.memory_space<hbm>> -> memref<1x10240x128xf32, #tpu.memory_space<hbm>>
      %dma_wait3A_17 = tpu.memref_squeeze %dma_wait3A_16 : memref<1x10240x128xf32, #tpu.memory_space<hbm>> -> memref<10240x128xf32, #tpu.memory_space<hbm>>
      %dma_wait3A_18 = arith.constant 0 : i32
      %dma_wait3A_19 = tpu.memref_slice %dma_wait3A_17[%mul3A_0, %dma_wait3A_18] : memref<10240x128xf32, #tpu.memory_space<hbm>> -> memref<640x128xf32, #tpu.memory_space<hbm>>
      %dma_wait3A_20 = arith.constant 0 : i32
      %dma_wait3A_21 = tpu.memref_slice %arg15[%mul3A_0, %dma_wait3A_20] : memref<10240x128xf32, #tpu.memory_space<vmem_shared>> -> memref<640x128xf32, #tpu.memory_space<vmem_shared>>
      tpu.wait_dma2 semaphore(%run_scoped3A : memref<!tpu.dma_semaphore, #tpu.memory_space<semaphore_mem>>) src(%dma_wait3A_21 : memref<640x128xf32, #tpu.memory_space<vmem_shared>>) dst(%dma_wait3A_19 : memref<640x128xf32, #tpu.memory_space<hbm>>)
      tpu.yield
    }) : () -> ()
    return
  }
}

#map = affine_map<(d0, d1) -> (0, 0)>
#map1 = affine_map<(d0, d1) -> (0)>
#map2 = affine_map<(d0, d1) -> (0, 0, 0)>
module attributes {stable_mosaic.version = 14 : i64} {
  func.func @_sc_msgpass_body(%arg0: i32, %arg1: i32, %arg2: memref<10240x128xf32, #tpu.memory_space<hbm>>, %arg3: memref<327680x128xf32, #tpu.memory_space<hbm>>, %arg4: memref<327680xi32, #tpu.memory_space<hbm>>, %arg5: memref<327680xi32, #tpu.memory_space<hbm>>, %arg6: memref<10240x128xf32, #tpu.memory_space<hbm>>, %arg7: memref<2x10240x128xf32, #tpu.memory_space<hbm>>, %arg8: memref<15872xi32, #tpu.memory_space<vmem>>, %arg9: memref<64xi32, #tpu.memory_space<vmem>>, %arg10: memref<64xi32, #tpu.memory_space<vmem>>, %arg11: memref<64x128xf32, #tpu.memory_space<vmem>>, %arg12: memref<64x128xf32, #tpu.memory_space<vmem>>, %arg13: memref<64x128xf32, #tpu.memory_space<vmem>>, %arg14: memref<64x128xf32, #tpu.memory_space<vmem>>, %arg15: memref<10240x128xf32, #tpu.memory_space<vmem_shared>>, %arg16: memref<!tpu.dma_semaphore, #tpu.memory_space<semaphore_mem>>, %arg17: memref<!tpu.dma_semaphore, #tpu.memory_space<semaphore_mem>>, %arg18: memref<!tpu.dma_semaphore, #tpu.memory_space<semaphore_mem>>, %arg19: memref<!tpu.dma_semaphore, #tpu.memory_space<semaphore_mem>>, %arg20: memref<!tpu.dma_semaphore, #tpu.memory_space<semaphore_mem>>, %arg21: memref<!tpu.dma_semaphore, #tpu.memory_space<semaphore_mem>>) attributes {dimension_semantics = [#tpu.dimension_semantics<core_parallel>, #tpu.dimension_semantics<subcore_parallel>], iteration_bounds = array<i64: 2, 16>, scalar_prefetch = 0 : i64, scratch_operands = 14 : i64, tpu.core_type = #tpu.core_type<sc_vector_subcore>, window_params = [{transform_indices = #map}, {transform_indices = #map}, {transform_indices = #map1}, {transform_indices = #map1}, {transform_indices = #map}, {transform_indices = #map2}]} {
    %mul3A = arith.constant 640 : i32
    %mul3A_0 = arith.muli %arg1, %mul3A : i32
    "tpu.region"() ({
      %run_scoped3A = tpu.sem_alloc : memref<!tpu.dma_semaphore, #tpu.memory_space<semaphore_mem>>
      %dma_start3A = arith.constant 0 : i32
      %dma_start3A_8 = tpu.memref_slice %arg15[%mul3A_0, %dma_start3A] : memref<10240x128xf32, #tpu.memory_space<vmem_shared>> -> memref<640x128xf32, #tpu.memory_space<vmem_shared>>
      %dma_start3A_9 = arith.constant 0 : i32
      %dma_start3A_10 = tpu.memref_slice %arg6[%mul3A_0, %dma_start3A_9] : memref<10240x128xf32, #tpu.memory_space<hbm>> -> memref<640x128xf32, #tpu.memory_space<hbm>>
      tpu.enqueue_dma source(%dma_start3A_10 : memref<640x128xf32, #tpu.memory_space<hbm>>) target(%dma_start3A_8 : memref<640x128xf32, #tpu.memory_space<vmem_shared>>) target_semaphore(%run_scoped3A : memref<!tpu.dma_semaphore, #tpu.memory_space<semaphore_mem>>)
      %dma_wait3A = arith.constant 0 : i32
      %dma_wait3A_11 = tpu.memref_slice %arg15[%mul3A_0, %dma_wait3A] : memref<10240x128xf32, #tpu.memory_space<vmem_shared>> -> memref<640x128xf32, #tpu.memory_space<vmem_shared>>
      %dma_wait3A_12 = arith.constant 0 : i32
      %dma_wait3A_13 = tpu.memref_slice %arg6[%mul3A_0, %dma_wait3A_12] : memref<10240x128xf32, #tpu.memory_space<hbm>> -> memref<640x128xf32, #tpu.memory_space<hbm>>
      tpu.wait_dma2 semaphore(%run_scoped3A : memref<!tpu.dma_semaphore, #tpu.memory_space<semaphore_mem>>) src(%dma_wait3A_13 : memref<640x128xf32, #tpu.memory_space<hbm>>) dst(%dma_wait3A_11 : memref<640x128xf32, #tpu.memory_space<vmem_shared>>)
      tpu.yield
    }) : () -> ()
    %eq3A = arith.constant 0 : i32
    %eq3A_1 = arith.cmpi eq, %arg0, %eq3A : i32
    %convert_element_type3A = arith.extui %eq3A_1 : i1 to i32
    %cond3A = arith.constant 0 : i32
    %cond3A_2 = arith.cmpi ne, %convert_element_type3A, %cond3A : i32
    scf.if %cond3A_2 {
      %mul3A_8 = arith.constant 15872 : i32
      %mul3A_9 = arith.muli %arg1, %mul3A_8 : i32
      "tpu.region"() ({
        %run_scoped3A = tpu.sem_alloc : memref<!tpu.dma_semaphore, #tpu.memory_space<semaphore_mem>>
        %dma_start3A = arith.constant 0 : i32
        %dma_start3A_16 = tpu.memref_slice %arg8[%dma_start3A] : memref<15872xi32, #tpu.memory_space<vmem>> -> memref<15872xi32, #tpu.memory_space<vmem>>
        %dma_start3A_17 = tpu.memref_slice %arg4[%mul3A_9] : memref<327680xi32, #tpu.memory_space<hbm>> -> memref<15872xi32, #tpu.memory_space<hbm>>
        %dma_start3A_18 = arith.constant 0 : i32
        %dma_start3A_19 = tpu.memref_slice %arg8[%dma_start3A_18] : memref<15872xi32, #tpu.memory_space<vmem>> -> memref<15872xi32, #tpu.memory_space<vmem>>
        %dma_start3A_20 = tpu.memref_slice %arg4[%mul3A_9] : memref<327680xi32, #tpu.memory_space<hbm>> -> memref<15872xi32, #tpu.memory_space<hbm>>
        tpu.enqueue_dma source(%dma_start3A_20 : memref<15872xi32, #tpu.memory_space<hbm>>) target(%dma_start3A_19 : memref<15872xi32, #tpu.memory_space<vmem>>) target_semaphore(%run_scoped3A : memref<!tpu.dma_semaphore, #tpu.memory_space<semaphore_mem>>)
        %dma_wait3A = arith.constant 0 : i32
        %dma_wait3A_21 = tpu.memref_slice %arg8[%dma_wait3A] : memref<15872xi32, #tpu.memory_space<vmem>> -> memref<15872xi32, #tpu.memory_space<vmem>>
        %dma_wait3A_22 = tpu.memref_slice %arg4[%mul3A_9] : memref<327680xi32, #tpu.memory_space<hbm>> -> memref<15872xi32, #tpu.memory_space<hbm>>
        %dma_wait3A_23 = arith.constant 0 : i32
        %dma_wait3A_24 = tpu.memref_slice %arg8[%dma_wait3A_23] : memref<15872xi32, #tpu.memory_space<vmem>> -> memref<15872xi32, #tpu.memory_space<vmem>>
        %dma_wait3A_25 = tpu.memref_slice %arg4[%mul3A_9] : memref<327680xi32, #tpu.memory_space<hbm>> -> memref<15872xi32, #tpu.memory_space<hbm>>
        tpu.wait_dma2 semaphore(%run_scoped3A : memref<!tpu.dma_semaphore, #tpu.memory_space<semaphore_mem>>) src(%dma_wait3A_25 : memref<15872xi32, #tpu.memory_space<hbm>>) dst(%dma_wait3A_24 : memref<15872xi32, #tpu.memory_space<vmem>>)
        tpu.yield
      }) : () -> ()
      %barrier3A_10 = arith.constant 0 : index
      tpu.barrier barrier_id(%barrier3A_10)
      %scan3A = arith.constant 0 : i32
      %scan3A_11 = arith.constant 0 : i32
      %scan3A_12 = arith.constant 124 : i32
      %scan3A_13 = arith.addi %scan3A_11, %scan3A_12 : i32
      %scan3A_14 = arith.constant 1 : i32
      scf.for %scan3A_16 = %scan3A_11 to %scan3A_13 step %scan3A_14  : i32 {
        %mul3A_17 = arith.constant 2 : i32
        %mul3A_18 = arith.muli %mul3A_17, %scan3A_16 : i32
        %mul3A_19 = arith.constant 2 : i32
        %mul3A_20 = arith.muli %mul3A_19, %scan3A_16 : i32
        %add3A = arith.constant 1 : i32
        %add3A_21 = arith.addi %mul3A_20, %add3A : i32
        %mul3A_22 = arith.constant 64 : i32
        %mul3A_23 = arith.muli %mul3A_18, %mul3A_22 : i32
        %dma_start3A = tpu.memref_slice %arg8[%mul3A_23] : memref<15872xi32, #tpu.memory_space<vmem>> -> memref<64xi32, #tpu.memory_space<vmem>>
        %dma_start3A_24 = arith.constant 0 : i32
        %dma_start3A_25 = arith.constant 0 : i32
        %dma_start3A_26 = tpu.memref_slice %arg2[%dma_start3A_24, %dma_start3A_25] : memref<10240x128xf32, #tpu.memory_space<hbm>> -> memref<10240x128xf32, #tpu.memory_space<hbm>>
        tpu.enqueue_indirect_dma source(%dma_start3A_26 : memref<10240x128xf32, #tpu.memory_space<hbm>>) target(%arg11 : memref<64x128xf32, #tpu.memory_space<vmem>>) offsets(%dma_start3A : memref<64xi32, #tpu.memory_space<vmem>>) semaphore(%arg16 : memref<!tpu.dma_semaphore, #tpu.memory_space<semaphore_mem>>)
        %mul3A_27 = arith.constant 64 : i32
        %mul3A_28 = arith.muli %mul3A_18, %mul3A_27 : i32
        %add3A_29 = arith.addi %mul3A_9, %mul3A_28 : i32
        %dma_start3A_30 = arith.constant 0 : i32
        %dma_start3A_31 = tpu.memref_slice %arg3[%add3A_29, %dma_start3A_30] : memref<327680x128xf32, #tpu.memory_space<hbm>> -> memref<64x128xf32, #tpu.memory_space<hbm>>
        %dma_start3A_32 = arith.constant 0 : i32
        %dma_start3A_33 = tpu.memref_slice %arg3[%add3A_29, %dma_start3A_32] : memref<327680x128xf32, #tpu.memory_space<hbm>> -> memref<64x128xf32, #tpu.memory_space<hbm>>
        tpu.enqueue_dma source(%dma_start3A_33 : memref<64x128xf32, #tpu.memory_space<hbm>>) target(%arg13 : memref<64x128xf32, #tpu.memory_space<vmem>>) target_semaphore(%arg18 : memref<!tpu.dma_semaphore, #tpu.memory_space<semaphore_mem>>)
        %mul3A_34 = arith.constant 64 : i32
        %mul3A_35 = arith.muli %add3A_21, %mul3A_34 : i32
        %dma_start3A_36 = tpu.memref_slice %arg8[%mul3A_35] : memref<15872xi32, #tpu.memory_space<vmem>> -> memref<64xi32, #tpu.memory_space<vmem>>
        %dma_start3A_37 = arith.constant 0 : i32
        %dma_start3A_38 = arith.constant 0 : i32
        %dma_start3A_39 = tpu.memref_slice %arg2[%dma_start3A_37, %dma_start3A_38] : memref<10240x128xf32, #tpu.memory_space<hbm>> -> memref<10240x128xf32, #tpu.memory_space<hbm>>
        tpu.enqueue_indirect_dma source(%dma_start3A_39 : memref<10240x128xf32, #tpu.memory_space<hbm>>) target(%arg12 : memref<64x128xf32, #tpu.memory_space<vmem>>) offsets(%dma_start3A_36 : memref<64xi32, #tpu.memory_space<vmem>>) semaphore(%arg17 : memref<!tpu.dma_semaphore, #tpu.memory_space<semaphore_mem>>)
        %mul3A_40 = arith.constant 64 : i32
        %mul3A_41 = arith.muli %add3A_21, %mul3A_40 : i32
        %add3A_42 = arith.addi %mul3A_41, %mul3A_9 : i32
        %dma_start3A_43 = arith.constant 0 : i32
        %dma_start3A_44 = tpu.memref_slice %arg3[%add3A_42, %dma_start3A_43] : memref<327680x128xf32, #tpu.memory_space<hbm>> -> memref<64x128xf32, #tpu.memory_space<hbm>>
        %dma_start3A_45 = arith.constant 0 : i32
        %dma_start3A_46 = tpu.memref_slice %arg3[%add3A_42, %dma_start3A_45] : memref<327680x128xf32, #tpu.memory_space<hbm>> -> memref<64x128xf32, #tpu.memory_space<hbm>>
        tpu.enqueue_dma source(%dma_start3A_46 : memref<64x128xf32, #tpu.memory_space<hbm>>) target(%arg14 : memref<64x128xf32, #tpu.memory_space<vmem>>) target_semaphore(%arg19 : memref<!tpu.dma_semaphore, #tpu.memory_space<semaphore_mem>>)
        %mul3A_47 = arith.constant 64 : i32
        %mul3A_48 = arith.muli %mul3A_18, %mul3A_47 : i32
        %add3A_49 = arith.addi %mul3A_9, %mul3A_48 : i32
        "tpu.region"() ({
          %run_scoped3A = tpu.sem_alloc : memref<!tpu.dma_semaphore, #tpu.memory_space<semaphore_mem>>
          %dma_start3A_92 = tpu.memref_slice %arg5[%add3A_49] : memref<327680xi32, #tpu.memory_space<hbm>> -> memref<64xi32, #tpu.memory_space<hbm>>
          %dma_start3A_93 = tpu.memref_slice %arg5[%add3A_49] : memref<327680xi32, #tpu.memory_space<hbm>> -> memref<64xi32, #tpu.memory_space<hbm>>
          tpu.enqueue_dma source(%dma_start3A_93 : memref<64xi32, #tpu.memory_space<hbm>>) target(%arg9 : memref<64xi32, #tpu.memory_space<vmem>>) target_semaphore(%run_scoped3A : memref<!tpu.dma_semaphore, #tpu.memory_space<semaphore_mem>>)
          %dma_wait3A_94 = tpu.memref_slice %arg5[%add3A_49] : memref<327680xi32, #tpu.memory_space<hbm>> -> memref<64xi32, #tpu.memory_space<hbm>>
          %dma_wait3A_95 = tpu.memref_slice %arg5[%add3A_49] : memref<327680xi32, #tpu.memory_space<hbm>> -> memref<64xi32, #tpu.memory_space<hbm>>
          tpu.wait_dma2 semaphore(%run_scoped3A : memref<!tpu.dma_semaphore, #tpu.memory_space<semaphore_mem>>) src(%dma_wait3A_95 : memref<64xi32, #tpu.memory_space<hbm>>) dst(%arg9 : memref<64xi32, #tpu.memory_space<vmem>>)
          tpu.yield
        }) : () -> ()
        %mul3A_50 = arith.constant 64 : i32
        %mul3A_51 = arith.muli %add3A_21, %mul3A_50 : i32
        %add3A_52 = arith.addi %mul3A_9, %mul3A_51 : i32
        "tpu.region"() ({
          %run_scoped3A = tpu.sem_alloc : memref<!tpu.dma_semaphore, #tpu.memory_space<semaphore_mem>>
          %dma_start3A_92 = tpu.memref_slice %arg5[%add3A_52] : memref<327680xi32, #tpu.memory_space<hbm>> -> memref<64xi32, #tpu.memory_space<hbm>>
          %dma_start3A_93 = tpu.memref_slice %arg5[%add3A_52] : memref<327680xi32, #tpu.memory_space<hbm>> -> memref<64xi32, #tpu.memory_space<hbm>>
          tpu.enqueue_dma source(%dma_start3A_93 : memref<64xi32, #tpu.memory_space<hbm>>) target(%arg10 : memref<64xi32, #tpu.memory_space<vmem>>) target_semaphore(%run_scoped3A : memref<!tpu.dma_semaphore, #tpu.memory_space<semaphore_mem>>)
          %dma_wait3A_94 = tpu.memref_slice %arg5[%add3A_52] : memref<327680xi32, #tpu.memory_space<hbm>> -> memref<64xi32, #tpu.memory_space<hbm>>
          %dma_wait3A_95 = tpu.memref_slice %arg5[%add3A_52] : memref<327680xi32, #tpu.memory_space<hbm>> -> memref<64xi32, #tpu.memory_space<hbm>>
          tpu.wait_dma2 semaphore(%run_scoped3A : memref<!tpu.dma_semaphore, #tpu.memory_space<semaphore_mem>>) src(%dma_wait3A_95 : memref<64xi32, #tpu.memory_space<hbm>>) dst(%arg10 : memref<64xi32, #tpu.memory_space<vmem>>)
          tpu.yield
        }) : () -> ()
        %dma_wait3A = tpu.memref_slice %arg8[%mul3A_23] : memref<15872xi32, #tpu.memory_space<vmem>> -> memref<64xi32, #tpu.memory_space<vmem>>
        %dma_wait3A_53 = arith.constant 0 : i32
        %dma_wait3A_54 = arith.constant 0 : i32
        %dma_wait3A_55 = tpu.memref_slice %arg2[%dma_wait3A_53, %dma_wait3A_54] : memref<10240x128xf32, #tpu.memory_space<hbm>> -> memref<10240x128xf32, #tpu.memory_space<hbm>>
        tpu.wait_indirect_dma semaphore(%arg16 : memref<!tpu.dma_semaphore, #tpu.memory_space<semaphore_mem>>) src(%dma_wait3A_55 : memref<10240x128xf32, #tpu.memory_space<hbm>>) dst(%arg11 : memref<64x128xf32, #tpu.memory_space<vmem>>)
        %dma_wait3A_56 = arith.constant 0 : i32
        %dma_wait3A_57 = tpu.memref_slice %arg3[%add3A_29, %dma_wait3A_56] : memref<327680x128xf32, #tpu.memory_space<hbm>> -> memref<64x128xf32, #tpu.memory_space<hbm>>
        %dma_wait3A_58 = arith.constant 0 : i32
        %dma_wait3A_59 = tpu.memref_slice %arg3[%add3A_29, %dma_wait3A_58] : memref<327680x128xf32, #tpu.memory_space<hbm>> -> memref<64x128xf32, #tpu.memory_space<hbm>>
        tpu.wait_dma2 semaphore(%arg18 : memref<!tpu.dma_semaphore, #tpu.memory_space<semaphore_mem>>) src(%dma_wait3A_59 : memref<64x128xf32, #tpu.memory_space<hbm>>) dst(%arg13 : memref<64x128xf32, #tpu.memory_space<vmem>>)
        %scan3A_60 = arith.constant 0 : i32
        %scan3A_61 = arith.constant 0 : i32
        %scan3A_62 = arith.constant 64 : i32
        %scan3A_63 = arith.addi %scan3A_61, %scan3A_62 : i32
        %scan3A_64 = arith.constant 1 : i32
        scf.for %scan3A_92 = %scan3A_61 to %scan3A_63 step %scan3A_64  : i32 {
          %get3A = arith.index_cast %scan3A_92 : i32 to index
          %get3A_93 = arith.constant 0 : index
          %get3A_94 = tpu.vector_load %arg11[%get3A, %get3A_93] {strides = array<i32>} : memref<64x128xf32, #tpu.memory_space<vmem>>, vector<1x16xf32>,
          %get3A_95 = vector.shape_cast %get3A_94 : vector<1x16xf32> to vector<16xf32>
          %get3A_96 = arith.index_cast %scan3A_92 : i32 to index
          %get3A_97 = arith.constant 0 : index
          %get3A_98 = tpu.vector_load %arg13[%get3A_96, %get3A_97] {strides = array<i32>} : memref<64x128xf32, #tpu.memory_space<vmem>>, vector<1x16xf32>,
          %get3A_99 = vector.shape_cast %get3A_98 : vector<1x16xf32> to vector<16xf32>
          %mul3A_100 = arith.mulf %get3A_95, %get3A_99 : vector<16xf32>
          %swap3A = arith.index_cast %scan3A_92 : i32 to index
          %swap3A_101 = arith.constant 0 : index
          %swap3A_102 = tpu.vector_load %arg11[%swap3A, %swap3A_101] {strides = array<i32>} : memref<64x128xf32, #tpu.memory_space<vmem>>, vector<1x16xf32>,
          %swap3A_103 = vector.shape_cast %swap3A_102 : vector<1x16xf32> to vector<16xf32>
          %swap3A_104 = vector.shape_cast %mul3A_100 : vector<16xf32> to vector<1x16xf32>
          tpu.vector_store %arg11[%swap3A, %swap3A_101], %swap3A_104 {strides = array<i32>} : memref<64x128xf32, #tpu.memory_space<vmem>>, vector<1x16xf32>,
          %get3A_105 = arith.index_cast %scan3A_92 : i32 to index
          %get3A_106 = arith.constant 16 : index
          %get3A_107 = tpu.vector_load %arg11[%get3A_105, %get3A_106] {strides = array<i32>} : memref<64x128xf32, #tpu.memory_space<vmem>>, vector<1x16xf32>,
          %get3A_108 = vector.shape_cast %get3A_107 : vector<1x16xf32> to vector<16xf32>
          %get3A_109 = arith.index_cast %scan3A_92 : i32 to index
          %get3A_110 = arith.constant 16 : index
          %get3A_111 = tpu.vector_load %arg13[%get3A_109, %get3A_110] {strides = array<i32>} : memref<64x128xf32, #tpu.memory_space<vmem>>, vector<1x16xf32>,
          %get3A_112 = vector.shape_cast %get3A_111 : vector<1x16xf32> to vector<16xf32>
          %mul3A_113 = arith.mulf %get3A_108, %get3A_112 : vector<16xf32>
          %swap3A_114 = arith.index_cast %scan3A_92 : i32 to index
          %swap3A_115 = arith.constant 16 : index
          %swap3A_116 = tpu.vector_load %arg11[%swap3A_114, %swap3A_115] {strides = array<i32>} : memref<64x128xf32, #tpu.memory_space<vmem>>, vector<1x16xf32>,
          %swap3A_117 = vector.shape_cast %swap3A_116 : vector<1x16xf32> to vector<16xf32>
          %swap3A_118 = vector.shape_cast %mul3A_113 : vector<16xf32> to vector<1x16xf32>
          tpu.vector_store %arg11[%swap3A_114, %swap3A_115], %swap3A_118 {strides = array<i32>} : memref<64x128xf32, #tpu.memory_space<vmem>>, vector<1x16xf32>,
          %get3A_119 = arith.index_cast %scan3A_92 : i32 to index
          %get3A_120 = arith.constant 32 : index
          %get3A_121 = tpu.vector_load %arg11[%get3A_119, %get3A_120] {strides = array<i32>} : memref<64x128xf32, #tpu.memory_space<vmem>>, vector<1x16xf32>,
          %get3A_122 = vector.shape_cast %get3A_121 : vector<1x16xf32> to vector<16xf32>
          %get3A_123 = arith.index_cast %scan3A_92 : i32 to index
          %get3A_124 = arith.constant 32 : index
          %get3A_125 = tpu.vector_load %arg13[%get3A_123, %get3A_124] {strides = array<i32>} : memref<64x128xf32, #tpu.memory_space<vmem>>, vector<1x16xf32>,
          %get3A_126 = vector.shape_cast %get3A_125 : vector<1x16xf32> to vector<16xf32>
          %mul3A_127 = arith.mulf %get3A_122, %get3A_126 : vector<16xf32>
          %swap3A_128 = arith.index_cast %scan3A_92 : i32 to index
          %swap3A_129 = arith.constant 32 : index
          %swap3A_130 = tpu.vector_load %arg11[%swap3A_128, %swap3A_129] {strides = array<i32>} : memref<64x128xf32, #tpu.memory_space<vmem>>, vector<1x16xf32>,
          %swap3A_131 = vector.shape_cast %swap3A_130 : vector<1x16xf32> to vector<16xf32>
          %swap3A_132 = vector.shape_cast %mul3A_127 : vector<16xf32> to vector<1x16xf32>
          tpu.vector_store %arg11[%swap3A_128, %swap3A_129], %swap3A_132 {strides = array<i32>} : memref<64x128xf32, #tpu.memory_space<vmem>>, vector<1x16xf32>,
          %get3A_133 = arith.index_cast %scan3A_92 : i32 to index
          %get3A_134 = arith.constant 48 : index
          %get3A_135 = tpu.vector_load %arg11[%get3A_133, %get3A_134] {strides = array<i32>} : memref<64x128xf32, #tpu.memory_space<vmem>>, vector<1x16xf32>,
          %get3A_136 = vector.shape_cast %get3A_135 : vector<1x16xf32> to vector<16xf32>
          %get3A_137 = arith.index_cast %scan3A_92 : i32 to index
          %get3A_138 = arith.constant 48 : index
          %get3A_139 = tpu.vector_load %arg13[%get3A_137, %get3A_138] {strides = array<i32>} : memref<64x128xf32, #tpu.memory_space<vmem>>, vector<1x16xf32>,
          %get3A_140 = vector.shape_cast %get3A_139 : vector<1x16xf32> to vector<16xf32>
          %mul3A_141 = arith.mulf %get3A_136, %get3A_140 : vector<16xf32>
          %swap3A_142 = arith.index_cast %scan3A_92 : i32 to index
          %swap3A_143 = arith.constant 48 : index
          %swap3A_144 = tpu.vector_load %arg11[%swap3A_142, %swap3A_143] {strides = array<i32>} : memref<64x128xf32, #tpu.memory_space<vmem>>, vector<1x16xf32>,
          %swap3A_145 = vector.shape_cast %swap3A_144 : vector<1x16xf32> to vector<16xf32>
          %swap3A_146 = vector.shape_cast %mul3A_141 : vector<16xf32> to vector<1x16xf32>
          tpu.vector_store %arg11[%swap3A_142, %swap3A_143], %swap3A_146 {strides = array<i32>} : memref<64x128xf32, #tpu.memory_space<vmem>>, vector<1x16xf32>,
          %get3A_147 = arith.index_cast %scan3A_92 : i32 to index
          %get3A_148 = arith.constant 64 : index
          %get3A_149 = tpu.vector_load %arg11[%get3A_147, %get3A_148] {strides = array<i32>} : memref<64x128xf32, #tpu.memory_space<vmem>>, vector<1x16xf32>,
          %get3A_150 = vector.shape_cast %get3A_149 : vector<1x16xf32> to vector<16xf32>
          %get3A_151 = arith.index_cast %scan3A_92 : i32 to index
          %get3A_152 = arith.constant 64 : index
          %get3A_153 = tpu.vector_load %arg13[%get3A_151, %get3A_152] {strides = array<i32>} : memref<64x128xf32, #tpu.memory_space<vmem>>, vector<1x16xf32>,
          %get3A_154 = vector.shape_cast %get3A_153 : vector<1x16xf32> to vector<16xf32>
          %mul3A_155 = arith.mulf %get3A_150, %get3A_154 : vector<16xf32>
          %swap3A_156 = arith.index_cast %scan3A_92 : i32 to index
          %swap3A_157 = arith.constant 64 : index
          %swap3A_158 = tpu.vector_load %arg11[%swap3A_156, %swap3A_157] {strides = array<i32>} : memref<64x128xf32, #tpu.memory_space<vmem>>, vector<1x16xf32>,
          %swap3A_159 = vector.shape_cast %swap3A_158 : vector<1x16xf32> to vector<16xf32>
          %swap3A_160 = vector.shape_cast %mul3A_155 : vector<16xf32> to vector<1x16xf32>
          tpu.vector_store %arg11[%swap3A_156, %swap3A_157], %swap3A_160 {strides = array<i32>} : memref<64x128xf32, #tpu.memory_space<vmem>>, vector<1x16xf32>,
          %get3A_161 = arith.index_cast %scan3A_92 : i32 to index
          %get3A_162 = arith.constant 80 : index
          %get3A_163 = tpu.vector_load %arg11[%get3A_161, %get3A_162] {strides = array<i32>} : memref<64x128xf32, #tpu.memory_space<vmem>>, vector<1x16xf32>,
          %get3A_164 = vector.shape_cast %get3A_163 : vector<1x16xf32> to vector<16xf32>
          %get3A_165 = arith.index_cast %scan3A_92 : i32 to index
          %get3A_166 = arith.constant 80 : index
          %get3A_167 = tpu.vector_load %arg13[%get3A_165, %get3A_166] {strides = array<i32>} : memref<64x128xf32, #tpu.memory_space<vmem>>, vector<1x16xf32>,
          %get3A_168 = vector.shape_cast %get3A_167 : vector<1x16xf32> to vector<16xf32>
          %mul3A_169 = arith.mulf %get3A_164, %get3A_168 : vector<16xf32>
          %swap3A_170 = arith.index_cast %scan3A_92 : i32 to index
          %swap3A_171 = arith.constant 80 : index
          %swap3A_172 = tpu.vector_load %arg11[%swap3A_170, %swap3A_171] {strides = array<i32>} : memref<64x128xf32, #tpu.memory_space<vmem>>, vector<1x16xf32>,
          %swap3A_173 = vector.shape_cast %swap3A_172 : vector<1x16xf32> to vector<16xf32>
          %swap3A_174 = vector.shape_cast %mul3A_169 : vector<16xf32> to vector<1x16xf32>
          tpu.vector_store %arg11[%swap3A_170, %swap3A_171], %swap3A_174 {strides = array<i32>} : memref<64x128xf32, #tpu.memory_space<vmem>>, vector<1x16xf32>,
          %get3A_175 = arith.index_cast %scan3A_92 : i32 to index
          %get3A_176 = arith.constant 96 : index
          %get3A_177 = tpu.vector_load %arg11[%get3A_175, %get3A_176] {strides = array<i32>} : memref<64x128xf32, #tpu.memory_space<vmem>>, vector<1x16xf32>,
          %get3A_178 = vector.shape_cast %get3A_177 : vector<1x16xf32> to vector<16xf32>
          %get3A_179 = arith.index_cast %scan3A_92 : i32 to index
          %get3A_180 = arith.constant 96 : index
          %get3A_181 = tpu.vector_load %arg13[%get3A_179, %get3A_180] {strides = array<i32>} : memref<64x128xf32, #tpu.memory_space<vmem>>, vector<1x16xf32>,
          %get3A_182 = vector.shape_cast %get3A_181 : vector<1x16xf32> to vector<16xf32>
          %mul3A_183 = arith.mulf %get3A_178, %get3A_182 : vector<16xf32>
          %swap3A_184 = arith.index_cast %scan3A_92 : i32 to index
          %swap3A_185 = arith.constant 96 : index
          %swap3A_186 = tpu.vector_load %arg11[%swap3A_184, %swap3A_185] {strides = array<i32>} : memref<64x128xf32, #tpu.memory_space<vmem>>, vector<1x16xf32>,
          %swap3A_187 = vector.shape_cast %swap3A_186 : vector<1x16xf32> to vector<16xf32>
          %swap3A_188 = vector.shape_cast %mul3A_183 : vector<16xf32> to vector<1x16xf32>
          tpu.vector_store %arg11[%swap3A_184, %swap3A_185], %swap3A_188 {strides = array<i32>} : memref<64x128xf32, #tpu.memory_space<vmem>>, vector<1x16xf32>,
          %get3A_189 = arith.index_cast %scan3A_92 : i32 to index
          %get3A_190 = arith.constant 112 : index
          %get3A_191 = tpu.vector_load %arg11[%get3A_189, %get3A_190] {strides = array<i32>} : memref<64x128xf32, #tpu.memory_space<vmem>>, vector<1x16xf32>,
          %get3A_192 = vector.shape_cast %get3A_191 : vector<1x16xf32> to vector<16xf32>
          %get3A_193 = arith.index_cast %scan3A_92 : i32 to index
          %get3A_194 = arith.constant 112 : index
          %get3A_195 = tpu.vector_load %arg13[%get3A_193, %get3A_194] {strides = array<i32>} : memref<64x128xf32, #tpu.memory_space<vmem>>, vector<1x16xf32>,
          %get3A_196 = vector.shape_cast %get3A_195 : vector<1x16xf32> to vector<16xf32>
          %mul3A_197 = arith.mulf %get3A_192, %get3A_196 : vector<16xf32>
          %swap3A_198 = arith.index_cast %scan3A_92 : i32 to index
          %swap3A_199 = arith.constant 112 : index
          %swap3A_200 = tpu.vector_load %arg11[%swap3A_198, %swap3A_199] {strides = array<i32>} : memref<64x128xf32, #tpu.memory_space<vmem>>, vector<1x16xf32>,
          %swap3A_201 = vector.shape_cast %swap3A_200 : vector<1x16xf32> to vector<16xf32>
          %swap3A_202 = vector.shape_cast %mul3A_197 : vector<16xf32> to vector<1x16xf32>
          tpu.vector_store %arg11[%swap3A_198, %swap3A_199], %swap3A_202 {strides = array<i32>} : memref<64x128xf32, #tpu.memory_space<vmem>>, vector<1x16xf32>,
        }
        %scan3A_65 = arith.constant 64 : i32
        %dma_start3A_66 = arith.constant 0 : i32
        %dma_start3A_67 = arith.constant 0 : i32
        %dma_start3A_68 = tpu.memref_slice %arg15[%dma_start3A_66, %dma_start3A_67] : memref<10240x128xf32, #tpu.memory_space<vmem_shared>> -> memref<10240x128xf32, #tpu.memory_space<vmem_shared>>
        tpu.enqueue_indirect_dma source(%arg11 : memref<64x128xf32, #tpu.memory_space<vmem>>) target(%dma_start3A_68 : memref<10240x128xf32, #tpu.memory_space<vmem_shared>>) offsets(%arg9 : memref<64xi32, #tpu.memory_space<vmem>>) semaphore(%arg20 : memref<!tpu.dma_semaphore, #tpu.memory_space<semaphore_mem>>) {add = true}
        %dma_wait3A_69 = tpu.memref_slice %arg8[%mul3A_35] : memref<15872xi32, #tpu.memory_space<vmem>> -> memref<64xi32, #tpu.memory_space<vmem>>
        %dma_wait3A_70 = arith.constant 0 : i32
        %dma_wait3A_71 = arith.constant 0 : i32
        %dma_wait3A_72 = tpu.memref_slice %arg2[%dma_wait3A_70, %dma_wait3A_71] : memref<10240x128xf32, #tpu.memory_space<hbm>> -> memref<10240x128xf32, #tpu.memory_space<hbm>>
        tpu.wait_indirect_dma semaphore(%arg17 : memref<!tpu.dma_semaphore, #tpu.memory_space<semaphore_mem>>) src(%dma_wait3A_72 : memref<10240x128xf32, #tpu.memory_space<hbm>>) dst(%arg12 : memref<64x128xf32, #tpu.memory_space<vmem>>)
        %dma_wait3A_73 = arith.constant 0 : i32
        %dma_wait3A_74 = tpu.memref_slice %arg3[%add3A_42, %dma_wait3A_73] : memref<327680x128xf32, #tpu.memory_space<hbm>> -> memref<64x128xf32, #tpu.memory_space<hbm>>
        %dma_wait3A_75 = arith.constant 0 : i32
        %dma_wait3A_76 = tpu.memref_slice %arg3[%add3A_42, %dma_wait3A_75] : memref<327680x128xf32, #tpu.memory_space<hbm>> -> memref<64x128xf32, #tpu.memory_space<hbm>>
        tpu.wait_dma2 semaphore(%arg19 : memref<!tpu.dma_semaphore, #tpu.memory_space<semaphore_mem>>) src(%dma_wait3A_76 : memref<64x128xf32, #tpu.memory_space<hbm>>) dst(%arg14 : memref<64x128xf32, #tpu.memory_space<vmem>>)
        %scan3A_77 = arith.constant 0 : i32
        %scan3A_78 = arith.constant 0 : i32
        %scan3A_79 = arith.constant 64 : i32
        %scan3A_80 = arith.addi %scan3A_78, %scan3A_79 : i32
        %scan3A_81 = arith.constant 1 : i32
        scf.for %scan3A_92 = %scan3A_78 to %scan3A_80 step %scan3A_81  : i32 {
          %get3A = arith.index_cast %scan3A_92 : i32 to index
          %get3A_93 = arith.constant 0 : index
          %get3A_94 = tpu.vector_load %arg12[%get3A, %get3A_93] {strides = array<i32>} : memref<64x128xf32, #tpu.memory_space<vmem>>, vector<1x16xf32>,
          %get3A_95 = vector.shape_cast %get3A_94 : vector<1x16xf32> to vector<16xf32>
          %get3A_96 = arith.index_cast %scan3A_92 : i32 to index
          %get3A_97 = arith.constant 0 : index
          %get3A_98 = tpu.vector_load %arg14[%get3A_96, %get3A_97] {strides = array<i32>} : memref<64x128xf32, #tpu.memory_space<vmem>>, vector<1x16xf32>,
          %get3A_99 = vector.shape_cast %get3A_98 : vector<1x16xf32> to vector<16xf32>
          %mul3A_100 = arith.mulf %get3A_95, %get3A_99 : vector<16xf32>
          %swap3A = arith.index_cast %scan3A_92 : i32 to index
          %swap3A_101 = arith.constant 0 : index
          %swap3A_102 = tpu.vector_load %arg12[%swap3A, %swap3A_101] {strides = array<i32>} : memref<64x128xf32, #tpu.memory_space<vmem>>, vector<1x16xf32>,
          %swap3A_103 = vector.shape_cast %swap3A_102 : vector<1x16xf32> to vector<16xf32>
          %swap3A_104 = vector.shape_cast %mul3A_100 : vector<16xf32> to vector<1x16xf32>
          tpu.vector_store %arg12[%swap3A, %swap3A_101], %swap3A_104 {strides = array<i32>} : memref<64x128xf32, #tpu.memory_space<vmem>>, vector<1x16xf32>,
          %get3A_105 = arith.index_cast %scan3A_92 : i32 to index
          %get3A_106 = arith.constant 16 : index
          %get3A_107 = tpu.vector_load %arg12[%get3A_105, %get3A_106] {strides = array<i32>} : memref<64x128xf32, #tpu.memory_space<vmem>>, vector<1x16xf32>,
          %get3A_108 = vector.shape_cast %get3A_107 : vector<1x16xf32> to vector<16xf32>
          %get3A_109 = arith.index_cast %scan3A_92 : i32 to index
          %get3A_110 = arith.constant 16 : index
          %get3A_111 = tpu.vector_load %arg14[%get3A_109, %get3A_110] {strides = array<i32>} : memref<64x128xf32, #tpu.memory_space<vmem>>, vector<1x16xf32>,
          %get3A_112 = vector.shape_cast %get3A_111 : vector<1x16xf32> to vector<16xf32>
          %mul3A_113 = arith.mulf %get3A_108, %get3A_112 : vector<16xf32>
          %swap3A_114 = arith.index_cast %scan3A_92 : i32 to index
          %swap3A_115 = arith.constant 16 : index
          %swap3A_116 = tpu.vector_load %arg12[%swap3A_114, %swap3A_115] {strides = array<i32>} : memref<64x128xf32, #tpu.memory_space<vmem>>, vector<1x16xf32>,
          %swap3A_117 = vector.shape_cast %swap3A_116 : vector<1x16xf32> to vector<16xf32>
          %swap3A_118 = vector.shape_cast %mul3A_113 : vector<16xf32> to vector<1x16xf32>
          tpu.vector_store %arg12[%swap3A_114, %swap3A_115], %swap3A_118 {strides = array<i32>} : memref<64x128xf32, #tpu.memory_space<vmem>>, vector<1x16xf32>,
          %get3A_119 = arith.index_cast %scan3A_92 : i32 to index
          %get3A_120 = arith.constant 32 : index
          %get3A_121 = tpu.vector_load %arg12[%get3A_119, %get3A_120] {strides = array<i32>} : memref<64x128xf32, #tpu.memory_space<vmem>>, vector<1x16xf32>,
          %get3A_122 = vector.shape_cast %get3A_121 : vector<1x16xf32> to vector<16xf32>
          %get3A_123 = arith.index_cast %scan3A_92 : i32 to index
          %get3A_124 = arith.constant 32 : index
          %get3A_125 = tpu.vector_load %arg14[%get3A_123, %get3A_124] {strides = array<i32>} : memref<64x128xf32, #tpu.memory_space<vmem>>, vector<1x16xf32>,
          %get3A_126 = vector.shape_cast %get3A_125 : vector<1x16xf32> to vector<16xf32>
          %mul3A_127 = arith.mulf %get3A_122, %get3A_126 : vector<16xf32>
          %swap3A_128 = arith.index_cast %scan3A_92 : i32 to index
          %swap3A_129 = arith.constant 32 : index
          %swap3A_130 = tpu.vector_load %arg12[%swap3A_128, %swap3A_129] {strides = array<i32>} : memref<64x128xf32, #tpu.memory_space<vmem>>, vector<1x16xf32>,
          %swap3A_131 = vector.shape_cast %swap3A_130 : vector<1x16xf32> to vector<16xf32>
          %swap3A_132 = vector.shape_cast %mul3A_127 : vector<16xf32> to vector<1x16xf32>
          tpu.vector_store %arg12[%swap3A_128, %swap3A_129], %swap3A_132 {strides = array<i32>} : memref<64x128xf32, #tpu.memory_space<vmem>>, vector<1x16xf32>,
          %get3A_133 = arith.index_cast %scan3A_92 : i32 to index
          %get3A_134 = arith.constant 48 : index
          %get3A_135 = tpu.vector_load %arg12[%get3A_133, %get3A_134] {strides = array<i32>} : memref<64x128xf32, #tpu.memory_space<vmem>>, vector<1x16xf32>,
          %get3A_136 = vector.shape_cast %get3A_135 : vector<1x16xf32> to vector<16xf32>
          %get3A_137 = arith.index_cast %scan3A_92 : i32 to index
          %get3A_138 = arith.constant 48 : index
          %get3A_139 = tpu.vector_load %arg14[%get3A_137, %get3A_138] {strides = array<i32>} : memref<64x128xf32, #tpu.memory_space<vmem>>, vector<1x16xf32>,
          %get3A_140 = vector.shape_cast %get3A_139 : vector<1x16xf32> to vector<16xf32>
          %mul3A_141 = arith.mulf %get3A_136, %get3A_140 : vector<16xf32>
          %swap3A_142 = arith.index_cast %scan3A_92 : i32 to index
          %swap3A_143 = arith.constant 48 : index
          %swap3A_144 = tpu.vector_load %arg12[%swap3A_142, %swap3A_143] {strides = array<i32>} : memref<64x128xf32, #tpu.memory_space<vmem>>, vector<1x16xf32>,
          %swap3A_145 = vector.shape_cast %swap3A_144 : vector<1x16xf32> to vector<16xf32>
          %swap3A_146 = vector.shape_cast %mul3A_141 : vector<16xf32> to vector<1x16xf32>
          tpu.vector_store %arg12[%swap3A_142, %swap3A_143], %swap3A_146 {strides = array<i32>} : memref<64x128xf32, #tpu.memory_space<vmem>>, vector<1x16xf32>,
          %get3A_147 = arith.index_cast %scan3A_92 : i32 to index
          %get3A_148 = arith.constant 64 : index
          %get3A_149 = tpu.vector_load %arg12[%get3A_147, %get3A_148] {strides = array<i32>} : memref<64x128xf32, #tpu.memory_space<vmem>>, vector<1x16xf32>,
          %get3A_150 = vector.shape_cast %get3A_149 : vector<1x16xf32> to vector<16xf32>
          %get3A_151 = arith.index_cast %scan3A_92 : i32 to index
          %get3A_152 = arith.constant 64 : index
          %get3A_153 = tpu.vector_load %arg14[%get3A_151, %get3A_152] {strides = array<i32>} : memref<64x128xf32, #tpu.memory_space<vmem>>, vector<1x16xf32>,
          %get3A_154 = vector.shape_cast %get3A_153 : vector<1x16xf32> to vector<16xf32>
          %mul3A_155 = arith.mulf %get3A_150, %get3A_154 : vector<16xf32>
          %swap3A_156 = arith.index_cast %scan3A_92 : i32 to index
          %swap3A_157 = arith.constant 64 : index
          %swap3A_158 = tpu.vector_load %arg12[%swap3A_156, %swap3A_157] {strides = array<i32>} : memref<64x128xf32, #tpu.memory_space<vmem>>, vector<1x16xf32>,
          %swap3A_159 = vector.shape_cast %swap3A_158 : vector<1x16xf32> to vector<16xf32>
          %swap3A_160 = vector.shape_cast %mul3A_155 : vector<16xf32> to vector<1x16xf32>
          tpu.vector_store %arg12[%swap3A_156, %swap3A_157], %swap3A_160 {strides = array<i32>} : memref<64x128xf32, #tpu.memory_space<vmem>>, vector<1x16xf32>,
          %get3A_161 = arith.index_cast %scan3A_92 : i32 to index
          %get3A_162 = arith.constant 80 : index
          %get3A_163 = tpu.vector_load %arg12[%get3A_161, %get3A_162] {strides = array<i32>} : memref<64x128xf32, #tpu.memory_space<vmem>>, vector<1x16xf32>,
          %get3A_164 = vector.shape_cast %get3A_163 : vector<1x16xf32> to vector<16xf32>
          %get3A_165 = arith.index_cast %scan3A_92 : i32 to index
          %get3A_166 = arith.constant 80 : index
          %get3A_167 = tpu.vector_load %arg14[%get3A_165, %get3A_166] {strides = array<i32>} : memref<64x128xf32, #tpu.memory_space<vmem>>, vector<1x16xf32>,
          %get3A_168 = vector.shape_cast %get3A_167 : vector<1x16xf32> to vector<16xf32>
          %mul3A_169 = arith.mulf %get3A_164, %get3A_168 : vector<16xf32>
          %swap3A_170 = arith.index_cast %scan3A_92 : i32 to index
          %swap3A_171 = arith.constant 80 : index
          %swap3A_172 = tpu.vector_load %arg12[%swap3A_170, %swap3A_171] {strides = array<i32>} : memref<64x128xf32, #tpu.memory_space<vmem>>, vector<1x16xf32>,
          %swap3A_173 = vector.shape_cast %swap3A_172 : vector<1x16xf32> to vector<16xf32>
          %swap3A_174 = vector.shape_cast %mul3A_169 : vector<16xf32> to vector<1x16xf32>
          tpu.vector_store %arg12[%swap3A_170, %swap3A_171], %swap3A_174 {strides = array<i32>} : memref<64x128xf32, #tpu.memory_space<vmem>>, vector<1x16xf32>,
          %get3A_175 = arith.index_cast %scan3A_92 : i32 to index
          %get3A_176 = arith.constant 96 : index
          %get3A_177 = tpu.vector_load %arg12[%get3A_175, %get3A_176] {strides = array<i32>} : memref<64x128xf32, #tpu.memory_space<vmem>>, vector<1x16xf32>,
          %get3A_178 = vector.shape_cast %get3A_177 : vector<1x16xf32> to vector<16xf32>
          %get3A_179 = arith.index_cast %scan3A_92 : i32 to index
          %get3A_180 = arith.constant 96 : index
          %get3A_181 = tpu.vector_load %arg14[%get3A_179, %get3A_180] {strides = array<i32>} : memref<64x128xf32, #tpu.memory_space<vmem>>, vector<1x16xf32>,
          %get3A_182 = vector.shape_cast %get3A_181 : vector<1x16xf32> to vector<16xf32>
          %mul3A_183 = arith.mulf %get3A_178, %get3A_182 : vector<16xf32>
          %swap3A_184 = arith.index_cast %scan3A_92 : i32 to index
          %swap3A_185 = arith.constant 96 : index
          %swap3A_186 = tpu.vector_load %arg12[%swap3A_184, %swap3A_185] {strides = array<i32>} : memref<64x128xf32, #tpu.memory_space<vmem>>, vector<1x16xf32>,
          %swap3A_187 = vector.shape_cast %swap3A_186 : vector<1x16xf32> to vector<16xf32>
          %swap3A_188 = vector.shape_cast %mul3A_183 : vector<16xf32> to vector<1x16xf32>
          tpu.vector_store %arg12[%swap3A_184, %swap3A_185], %swap3A_188 {strides = array<i32>} : memref<64x128xf32, #tpu.memory_space<vmem>>, vector<1x16xf32>,
          %get3A_189 = arith.index_cast %scan3A_92 : i32 to index
          %get3A_190 = arith.constant 112 : index
          %get3A_191 = tpu.vector_load %arg12[%get3A_189, %get3A_190] {strides = array<i32>} : memref<64x128xf32, #tpu.memory_space<vmem>>, vector<1x16xf32>,
          %get3A_192 = vector.shape_cast %get3A_191 : vector<1x16xf32> to vector<16xf32>
          %get3A_193 = arith.index_cast %scan3A_92 : i32 to index
          %get3A_194 = arith.constant 112 : index
          %get3A_195 = tpu.vector_load %arg14[%get3A_193, %get3A_194] {strides = array<i32>} : memref<64x128xf32, #tpu.memory_space<vmem>>, vector<1x16xf32>,
          %get3A_196 = vector.shape_cast %get3A_195 : vector<1x16xf32> to vector<16xf32>
          %mul3A_197 = arith.mulf %get3A_192, %get3A_196 : vector<16xf32>
          %swap3A_198 = arith.index_cast %scan3A_92 : i32 to index
          %swap3A_199 = arith.constant 112 : index
          %swap3A_200 = tpu.vector_load %arg12[%swap3A_198, %swap3A_199] {strides = array<i32>} : memref<64x128xf32, #tpu.memory_space<vmem>>, vector<1x16xf32>,
          %swap3A_201 = vector.shape_cast %swap3A_200 : vector<1x16xf32> to vector<16xf32>
          %swap3A_202 = vector.shape_cast %mul3A_197 : vector<16xf32> to vector<1x16xf32>
          tpu.vector_store %arg12[%swap3A_198, %swap3A_199], %swap3A_202 {strides = array<i32>} : memref<64x128xf32, #tpu.memory_space<vmem>>, vector<1x16xf32>,
        }
        %scan3A_82 = arith.constant 64 : i32
        %dma_start3A_83 = arith.constant 0 : i32
        %dma_start3A_84 = arith.constant 0 : i32
        %dma_start3A_85 = tpu.memref_slice %arg15[%dma_start3A_83, %dma_start3A_84] : memref<10240x128xf32, #tpu.memory_space<vmem_shared>> -> memref<10240x128xf32, #tpu.memory_space<vmem_shared>>
        tpu.enqueue_indirect_dma source(%arg12 : memref<64x128xf32, #tpu.memory_space<vmem>>) target(%dma_start3A_85 : memref<10240x128xf32, #tpu.memory_space<vmem_shared>>) offsets(%arg10 : memref<64xi32, #tpu.memory_space<vmem>>) semaphore(%arg21 : memref<!tpu.dma_semaphore, #tpu.memory_space<semaphore_mem>>) {add = true}
        %dma_wait3A_86 = arith.constant 0 : i32
        %dma_wait3A_87 = arith.constant 0 : i32
        %dma_wait3A_88 = tpu.memref_slice %arg15[%dma_wait3A_86, %dma_wait3A_87] : memref<10240x128xf32, #tpu.memory_space<vmem_shared>> -> memref<10240x128xf32, #tpu.memory_space<vmem_shared>>
        tpu.wait_indirect_dma semaphore(%arg20 : memref<!tpu.dma_semaphore, #tpu.memory_space<semaphore_mem>>) src(%arg11 : memref<64x128xf32, #tpu.memory_space<vmem>>) dst(%dma_wait3A_88 : memref<10240x128xf32, #tpu.memory_space<vmem_shared>>)
        %dma_wait3A_89 = arith.constant 0 : i32
        %dma_wait3A_90 = arith.constant 0 : i32
        %dma_wait3A_91 = tpu.memref_slice %arg15[%dma_wait3A_89, %dma_wait3A_90] : memref<10240x128xf32, #tpu.memory_space<vmem_shared>> -> memref<10240x128xf32, #tpu.memory_space<vmem_shared>>
        tpu.wait_indirect_dma semaphore(%arg21 : memref<!tpu.dma_semaphore, #tpu.memory_space<semaphore_mem>>) src(%arg12 : memref<64x128xf32, #tpu.memory_space<vmem>>) dst(%dma_wait3A_91 : memref<10240x128xf32, #tpu.memory_space<vmem_shared>>)
      }
      %scan3A_15 = arith.constant 124 : i32
    } else {
    }
    %eq3A_3 = arith.constant 1 : i32
    %eq3A_4 = arith.cmpi eq, %arg0, %eq3A_3 : i32
    %convert_element_type3A_5 = arith.extui %eq3A_4 : i1 to i32
    %cond3A_6 = arith.constant 0 : i32
    %cond3A_7 = arith.cmpi ne, %convert_element_type3A_5, %cond3A_6 : i32
    scf.if %cond3A_7 {
      %mul3A_8 = arith.constant 4608 : i32
      %mul3A_9 = arith.muli %arg1, %mul3A_8 : i32
      %add3A = arith.constant 253952 : i32
      %add3A_10 = arith.addi %add3A, %mul3A_9 : i32
      "tpu.region"() ({
        %run_scoped3A = tpu.sem_alloc : memref<!tpu.dma_semaphore, #tpu.memory_space<semaphore_mem>>
        %dma_start3A = arith.constant 0 : i32
        %dma_start3A_17 = tpu.memref_slice %arg8[%dma_start3A] : memref<15872xi32, #tpu.memory_space<vmem>> -> memref<4608xi32, #tpu.memory_space<vmem>>
        %dma_start3A_18 = tpu.memref_slice %arg4[%add3A_10] : memref<327680xi32, #tpu.memory_space<hbm>> -> memref<4608xi32, #tpu.memory_space<hbm>>
        %dma_start3A_19 = arith.constant 0 : i32
        %dma_start3A_20 = tpu.memref_slice %arg8[%dma_start3A_19] : memref<15872xi32, #tpu.memory_space<vmem>> -> memref<4608xi32, #tpu.memory_space<vmem>>
        %dma_start3A_21 = tpu.memref_slice %arg4[%add3A_10] : memref<327680xi32, #tpu.memory_space<hbm>> -> memref<4608xi32, #tpu.memory_space<hbm>>
        tpu.enqueue_dma source(%dma_start3A_21 : memref<4608xi32, #tpu.memory_space<hbm>>) target(%dma_start3A_20 : memref<4608xi32, #tpu.memory_space<vmem>>) target_semaphore(%run_scoped3A : memref<!tpu.dma_semaphore, #tpu.memory_space<semaphore_mem>>)
        %dma_wait3A = arith.constant 0 : i32
        %dma_wait3A_22 = tpu.memref_slice %arg8[%dma_wait3A] : memref<15872xi32, #tpu.memory_space<vmem>> -> memref<4608xi32, #tpu.memory_space<vmem>>
        %dma_wait3A_23 = tpu.memref_slice %arg4[%add3A_10] : memref<327680xi32, #tpu.memory_space<hbm>> -> memref<4608xi32, #tpu.memory_space<hbm>>
        %dma_wait3A_24 = arith.constant 0 : i32
        %dma_wait3A_25 = tpu.memref_slice %arg8[%dma_wait3A_24] : memref<15872xi32, #tpu.memory_space<vmem>> -> memref<4608xi32, #tpu.memory_space<vmem>>
        %dma_wait3A_26 = tpu.memref_slice %arg4[%add3A_10] : memref<327680xi32, #tpu.memory_space<hbm>> -> memref<4608xi32, #tpu.memory_space<hbm>>
        tpu.wait_dma2 semaphore(%run_scoped3A : memref<!tpu.dma_semaphore, #tpu.memory_space<semaphore_mem>>) src(%dma_wait3A_26 : memref<4608xi32, #tpu.memory_space<hbm>>) dst(%dma_wait3A_25 : memref<4608xi32, #tpu.memory_space<vmem>>)
        tpu.yield
      }) : () -> ()
      %barrier3A_11 = arith.constant 0 : index
      tpu.barrier barrier_id(%barrier3A_11)
      %scan3A = arith.constant 0 : i32
      %scan3A_12 = arith.constant 0 : i32
      %scan3A_13 = arith.constant 36 : i32
      %scan3A_14 = arith.addi %scan3A_12, %scan3A_13 : i32
      %scan3A_15 = arith.constant 1 : i32
      scf.for %scan3A_17 = %scan3A_12 to %scan3A_14 step %scan3A_15  : i32 {
        %mul3A_18 = arith.constant 2 : i32
        %mul3A_19 = arith.muli %mul3A_18, %scan3A_17 : i32
        %mul3A_20 = arith.constant 2 : i32
        %mul3A_21 = arith.muli %mul3A_20, %scan3A_17 : i32
        %add3A_22 = arith.constant 1 : i32
        %add3A_23 = arith.addi %mul3A_21, %add3A_22 : i32
        %mul3A_24 = arith.constant 64 : i32
        %mul3A_25 = arith.muli %mul3A_19, %mul3A_24 : i32
        %dma_start3A = tpu.memref_slice %arg8[%mul3A_25] : memref<15872xi32, #tpu.memory_space<vmem>> -> memref<64xi32, #tpu.memory_space<vmem>>
        %dma_start3A_26 = arith.constant 0 : i32
        %dma_start3A_27 = arith.constant 0 : i32
        %dma_start3A_28 = tpu.memref_slice %arg2[%dma_start3A_26, %dma_start3A_27] : memref<10240x128xf32, #tpu.memory_space<hbm>> -> memref<10240x128xf32, #tpu.memory_space<hbm>>
        tpu.enqueue_indirect_dma source(%dma_start3A_28 : memref<10240x128xf32, #tpu.memory_space<hbm>>) target(%arg11 : memref<64x128xf32, #tpu.memory_space<vmem>>) offsets(%dma_start3A : memref<64xi32, #tpu.memory_space<vmem>>) semaphore(%arg16 : memref<!tpu.dma_semaphore, #tpu.memory_space<semaphore_mem>>)
        %mul3A_29 = arith.constant 64 : i32
        %mul3A_30 = arith.muli %mul3A_19, %mul3A_29 : i32
        %add3A_31 = arith.addi %add3A_10, %mul3A_30 : i32
        %dma_start3A_32 = arith.constant 0 : i32
        %dma_start3A_33 = tpu.memref_slice %arg3[%add3A_31, %dma_start3A_32] : memref<327680x128xf32, #tpu.memory_space<hbm>> -> memref<64x128xf32, #tpu.memory_space<hbm>>
        %dma_start3A_34 = arith.constant 0 : i32
        %dma_start3A_35 = tpu.memref_slice %arg3[%add3A_31, %dma_start3A_34] : memref<327680x128xf32, #tpu.memory_space<hbm>> -> memref<64x128xf32, #tpu.memory_space<hbm>>
        tpu.enqueue_dma source(%dma_start3A_35 : memref<64x128xf32, #tpu.memory_space<hbm>>) target(%arg13 : memref<64x128xf32, #tpu.memory_space<vmem>>) target_semaphore(%arg18 : memref<!tpu.dma_semaphore, #tpu.memory_space<semaphore_mem>>)
        %mul3A_36 = arith.constant 64 : i32
        %mul3A_37 = arith.muli %add3A_23, %mul3A_36 : i32
        %dma_start3A_38 = tpu.memref_slice %arg8[%mul3A_37] : memref<15872xi32, #tpu.memory_space<vmem>> -> memref<64xi32, #tpu.memory_space<vmem>>
        %dma_start3A_39 = arith.constant 0 : i32
        %dma_start3A_40 = arith.constant 0 : i32
        %dma_start3A_41 = tpu.memref_slice %arg2[%dma_start3A_39, %dma_start3A_40] : memref<10240x128xf32, #tpu.memory_space<hbm>> -> memref<10240x128xf32, #tpu.memory_space<hbm>>
        tpu.enqueue_indirect_dma source(%dma_start3A_41 : memref<10240x128xf32, #tpu.memory_space<hbm>>) target(%arg12 : memref<64x128xf32, #tpu.memory_space<vmem>>) offsets(%dma_start3A_38 : memref<64xi32, #tpu.memory_space<vmem>>) semaphore(%arg17 : memref<!tpu.dma_semaphore, #tpu.memory_space<semaphore_mem>>)
        %mul3A_42 = arith.constant 64 : i32
        %mul3A_43 = arith.muli %add3A_23, %mul3A_42 : i32
        %add3A_44 = arith.addi %mul3A_43, %add3A_10 : i32
        %dma_start3A_45 = arith.constant 0 : i32
        %dma_start3A_46 = tpu.memref_slice %arg3[%add3A_44, %dma_start3A_45] : memref<327680x128xf32, #tpu.memory_space<hbm>> -> memref<64x128xf32, #tpu.memory_space<hbm>>
        %dma_start3A_47 = arith.constant 0 : i32
        %dma_start3A_48 = tpu.memref_slice %arg3[%add3A_44, %dma_start3A_47] : memref<327680x128xf32, #tpu.memory_space<hbm>> -> memref<64x128xf32, #tpu.memory_space<hbm>>
        tpu.enqueue_dma source(%dma_start3A_48 : memref<64x128xf32, #tpu.memory_space<hbm>>) target(%arg14 : memref<64x128xf32, #tpu.memory_space<vmem>>) target_semaphore(%arg19 : memref<!tpu.dma_semaphore, #tpu.memory_space<semaphore_mem>>)
        %mul3A_49 = arith.constant 64 : i32
        %mul3A_50 = arith.muli %mul3A_19, %mul3A_49 : i32
        %add3A_51 = arith.addi %add3A_10, %mul3A_50 : i32
        "tpu.region"() ({
          %run_scoped3A = tpu.sem_alloc : memref<!tpu.dma_semaphore, #tpu.memory_space<semaphore_mem>>
          %dma_start3A_94 = tpu.memref_slice %arg5[%add3A_51] : memref<327680xi32, #tpu.memory_space<hbm>> -> memref<64xi32, #tpu.memory_space<hbm>>
          %dma_start3A_95 = tpu.memref_slice %arg5[%add3A_51] : memref<327680xi32, #tpu.memory_space<hbm>> -> memref<64xi32, #tpu.memory_space<hbm>>
          tpu.enqueue_dma source(%dma_start3A_95 : memref<64xi32, #tpu.memory_space<hbm>>) target(%arg9 : memref<64xi32, #tpu.memory_space<vmem>>) target_semaphore(%run_scoped3A : memref<!tpu.dma_semaphore, #tpu.memory_space<semaphore_mem>>)
          %dma_wait3A_96 = tpu.memref_slice %arg5[%add3A_51] : memref<327680xi32, #tpu.memory_space<hbm>> -> memref<64xi32, #tpu.memory_space<hbm>>
          %dma_wait3A_97 = tpu.memref_slice %arg5[%add3A_51] : memref<327680xi32, #tpu.memory_space<hbm>> -> memref<64xi32, #tpu.memory_space<hbm>>
          tpu.wait_dma2 semaphore(%run_scoped3A : memref<!tpu.dma_semaphore, #tpu.memory_space<semaphore_mem>>) src(%dma_wait3A_97 : memref<64xi32, #tpu.memory_space<hbm>>) dst(%arg9 : memref<64xi32, #tpu.memory_space<vmem>>)
          tpu.yield
        }) : () -> ()
        %mul3A_52 = arith.constant 64 : i32
        %mul3A_53 = arith.muli %add3A_23, %mul3A_52 : i32
        %add3A_54 = arith.addi %add3A_10, %mul3A_53 : i32
        "tpu.region"() ({
          %run_scoped3A = tpu.sem_alloc : memref<!tpu.dma_semaphore, #tpu.memory_space<semaphore_mem>>
          %dma_start3A_94 = tpu.memref_slice %arg5[%add3A_54] : memref<327680xi32, #tpu.memory_space<hbm>> -> memref<64xi32, #tpu.memory_space<hbm>>
          %dma_start3A_95 = tpu.memref_slice %arg5[%add3A_54] : memref<327680xi32, #tpu.memory_space<hbm>> -> memref<64xi32, #tpu.memory_space<hbm>>
          tpu.enqueue_dma source(%dma_start3A_95 : memref<64xi32, #tpu.memory_space<hbm>>) target(%arg10 : memref<64xi32, #tpu.memory_space<vmem>>) target_semaphore(%run_scoped3A : memref<!tpu.dma_semaphore, #tpu.memory_space<semaphore_mem>>)
          %dma_wait3A_96 = tpu.memref_slice %arg5[%add3A_54] : memref<327680xi32, #tpu.memory_space<hbm>> -> memref<64xi32, #tpu.memory_space<hbm>>
          %dma_wait3A_97 = tpu.memref_slice %arg5[%add3A_54] : memref<327680xi32, #tpu.memory_space<hbm>> -> memref<64xi32, #tpu.memory_space<hbm>>
          tpu.wait_dma2 semaphore(%run_scoped3A : memref<!tpu.dma_semaphore, #tpu.memory_space<semaphore_mem>>) src(%dma_wait3A_97 : memref<64xi32, #tpu.memory_space<hbm>>) dst(%arg10 : memref<64xi32, #tpu.memory_space<vmem>>)
          tpu.yield
        }) : () -> ()
        %dma_wait3A = tpu.memref_slice %arg8[%mul3A_25] : memref<15872xi32, #tpu.memory_space<vmem>> -> memref<64xi32, #tpu.memory_space<vmem>>
        %dma_wait3A_55 = arith.constant 0 : i32
        %dma_wait3A_56 = arith.constant 0 : i32
        %dma_wait3A_57 = tpu.memref_slice %arg2[%dma_wait3A_55, %dma_wait3A_56] : memref<10240x128xf32, #tpu.memory_space<hbm>> -> memref<10240x128xf32, #tpu.memory_space<hbm>>
        tpu.wait_indirect_dma semaphore(%arg16 : memref<!tpu.dma_semaphore, #tpu.memory_space<semaphore_mem>>) src(%dma_wait3A_57 : memref<10240x128xf32, #tpu.memory_space<hbm>>) dst(%arg11 : memref<64x128xf32, #tpu.memory_space<vmem>>)
        %dma_wait3A_58 = arith.constant 0 : i32
        %dma_wait3A_59 = tpu.memref_slice %arg3[%add3A_31, %dma_wait3A_58] : memref<327680x128xf32, #tpu.memory_space<hbm>> -> memref<64x128xf32, #tpu.memory_space<hbm>>
        %dma_wait3A_60 = arith.constant 0 : i32
        %dma_wait3A_61 = tpu.memref_slice %arg3[%add3A_31, %dma_wait3A_60] : memref<327680x128xf32, #tpu.memory_space<hbm>> -> memref<64x128xf32, #tpu.memory_space<hbm>>
        tpu.wait_dma2 semaphore(%arg18 : memref<!tpu.dma_semaphore, #tpu.memory_space<semaphore_mem>>) src(%dma_wait3A_61 : memref<64x128xf32, #tpu.memory_space<hbm>>) dst(%arg13 : memref<64x128xf32, #tpu.memory_space<vmem>>)
        %scan3A_62 = arith.constant 0 : i32
        %scan3A_63 = arith.constant 0 : i32
        %scan3A_64 = arith.constant 64 : i32
        %scan3A_65 = arith.addi %scan3A_63, %scan3A_64 : i32
        %scan3A_66 = arith.constant 1 : i32
        scf.for %scan3A_94 = %scan3A_63 to %scan3A_65 step %scan3A_66  : i32 {
          %get3A = arith.index_cast %scan3A_94 : i32 to index
          %get3A_95 = arith.constant 0 : index
          %get3A_96 = tpu.vector_load %arg11[%get3A, %get3A_95] {strides = array<i32>} : memref<64x128xf32, #tpu.memory_space<vmem>>, vector<1x16xf32>,
          %get3A_97 = vector.shape_cast %get3A_96 : vector<1x16xf32> to vector<16xf32>
          %get3A_98 = arith.index_cast %scan3A_94 : i32 to index
          %get3A_99 = arith.constant 0 : index
          %get3A_100 = tpu.vector_load %arg13[%get3A_98, %get3A_99] {strides = array<i32>} : memref<64x128xf32, #tpu.memory_space<vmem>>, vector<1x16xf32>,
          %get3A_101 = vector.shape_cast %get3A_100 : vector<1x16xf32> to vector<16xf32>
          %mul3A_102 = arith.mulf %get3A_97, %get3A_101 : vector<16xf32>
          %swap3A = arith.index_cast %scan3A_94 : i32 to index
          %swap3A_103 = arith.constant 0 : index
          %swap3A_104 = tpu.vector_load %arg11[%swap3A, %swap3A_103] {strides = array<i32>} : memref<64x128xf32, #tpu.memory_space<vmem>>, vector<1x16xf32>,
          %swap3A_105 = vector.shape_cast %swap3A_104 : vector<1x16xf32> to vector<16xf32>
          %swap3A_106 = vector.shape_cast %mul3A_102 : vector<16xf32> to vector<1x16xf32>
          tpu.vector_store %arg11[%swap3A, %swap3A_103], %swap3A_106 {strides = array<i32>} : memref<64x128xf32, #tpu.memory_space<vmem>>, vector<1x16xf32>,
          %get3A_107 = arith.index_cast %scan3A_94 : i32 to index
          %get3A_108 = arith.constant 16 : index
          %get3A_109 = tpu.vector_load %arg11[%get3A_107, %get3A_108] {strides = array<i32>} : memref<64x128xf32, #tpu.memory_space<vmem>>, vector<1x16xf32>,
          %get3A_110 = vector.shape_cast %get3A_109 : vector<1x16xf32> to vector<16xf32>
          %get3A_111 = arith.index_cast %scan3A_94 : i32 to index
          %get3A_112 = arith.constant 16 : index
          %get3A_113 = tpu.vector_load %arg13[%get3A_111, %get3A_112] {strides = array<i32>} : memref<64x128xf32, #tpu.memory_space<vmem>>, vector<1x16xf32>,
          %get3A_114 = vector.shape_cast %get3A_113 : vector<1x16xf32> to vector<16xf32>
          %mul3A_115 = arith.mulf %get3A_110, %get3A_114 : vector<16xf32>
          %swap3A_116 = arith.index_cast %scan3A_94 : i32 to index
          %swap3A_117 = arith.constant 16 : index
          %swap3A_118 = tpu.vector_load %arg11[%swap3A_116, %swap3A_117] {strides = array<i32>} : memref<64x128xf32, #tpu.memory_space<vmem>>, vector<1x16xf32>,
          %swap3A_119 = vector.shape_cast %swap3A_118 : vector<1x16xf32> to vector<16xf32>
          %swap3A_120 = vector.shape_cast %mul3A_115 : vector<16xf32> to vector<1x16xf32>
          tpu.vector_store %arg11[%swap3A_116, %swap3A_117], %swap3A_120 {strides = array<i32>} : memref<64x128xf32, #tpu.memory_space<vmem>>, vector<1x16xf32>,
          %get3A_121 = arith.index_cast %scan3A_94 : i32 to index
          %get3A_122 = arith.constant 32 : index
          %get3A_123 = tpu.vector_load %arg11[%get3A_121, %get3A_122] {strides = array<i32>} : memref<64x128xf32, #tpu.memory_space<vmem>>, vector<1x16xf32>,
          %get3A_124 = vector.shape_cast %get3A_123 : vector<1x16xf32> to vector<16xf32>
          %get3A_125 = arith.index_cast %scan3A_94 : i32 to index
          %get3A_126 = arith.constant 32 : index
          %get3A_127 = tpu.vector_load %arg13[%get3A_125, %get3A_126] {strides = array<i32>} : memref<64x128xf32, #tpu.memory_space<vmem>>, vector<1x16xf32>,
          %get3A_128 = vector.shape_cast %get3A_127 : vector<1x16xf32> to vector<16xf32>
          %mul3A_129 = arith.mulf %get3A_124, %get3A_128 : vector<16xf32>
          %swap3A_130 = arith.index_cast %scan3A_94 : i32 to index
          %swap3A_131 = arith.constant 32 : index
          %swap3A_132 = tpu.vector_load %arg11[%swap3A_130, %swap3A_131] {strides = array<i32>} : memref<64x128xf32, #tpu.memory_space<vmem>>, vector<1x16xf32>,
          %swap3A_133 = vector.shape_cast %swap3A_132 : vector<1x16xf32> to vector<16xf32>
          %swap3A_134 = vector.shape_cast %mul3A_129 : vector<16xf32> to vector<1x16xf32>
          tpu.vector_store %arg11[%swap3A_130, %swap3A_131], %swap3A_134 {strides = array<i32>} : memref<64x128xf32, #tpu.memory_space<vmem>>, vector<1x16xf32>,
          %get3A_135 = arith.index_cast %scan3A_94 : i32 to index
          %get3A_136 = arith.constant 48 : index
          %get3A_137 = tpu.vector_load %arg11[%get3A_135, %get3A_136] {strides = array<i32>} : memref<64x128xf32, #tpu.memory_space<vmem>>, vector<1x16xf32>,
          %get3A_138 = vector.shape_cast %get3A_137 : vector<1x16xf32> to vector<16xf32>
          %get3A_139 = arith.index_cast %scan3A_94 : i32 to index
          %get3A_140 = arith.constant 48 : index
          %get3A_141 = tpu.vector_load %arg13[%get3A_139, %get3A_140] {strides = array<i32>} : memref<64x128xf32, #tpu.memory_space<vmem>>, vector<1x16xf32>,
          %get3A_142 = vector.shape_cast %get3A_141 : vector<1x16xf32> to vector<16xf32>
          %mul3A_143 = arith.mulf %get3A_138, %get3A_142 : vector<16xf32>
          %swap3A_144 = arith.index_cast %scan3A_94 : i32 to index
          %swap3A_145 = arith.constant 48 : index
          %swap3A_146 = tpu.vector_load %arg11[%swap3A_144, %swap3A_145] {strides = array<i32>} : memref<64x128xf32, #tpu.memory_space<vmem>>, vector<1x16xf32>,
          %swap3A_147 = vector.shape_cast %swap3A_146 : vector<1x16xf32> to vector<16xf32>
          %swap3A_148 = vector.shape_cast %mul3A_143 : vector<16xf32> to vector<1x16xf32>
          tpu.vector_store %arg11[%swap3A_144, %swap3A_145], %swap3A_148 {strides = array<i32>} : memref<64x128xf32, #tpu.memory_space<vmem>>, vector<1x16xf32>,
          %get3A_149 = arith.index_cast %scan3A_94 : i32 to index
          %get3A_150 = arith.constant 64 : index
          %get3A_151 = tpu.vector_load %arg11[%get3A_149, %get3A_150] {strides = array<i32>} : memref<64x128xf32, #tpu.memory_space<vmem>>, vector<1x16xf32>,
          %get3A_152 = vector.shape_cast %get3A_151 : vector<1x16xf32> to vector<16xf32>
          %get3A_153 = arith.index_cast %scan3A_94 : i32 to index
          %get3A_154 = arith.constant 64 : index
          %get3A_155 = tpu.vector_load %arg13[%get3A_153, %get3A_154] {strides = array<i32>} : memref<64x128xf32, #tpu.memory_space<vmem>>, vector<1x16xf32>,
          %get3A_156 = vector.shape_cast %get3A_155 : vector<1x16xf32> to vector<16xf32>
          %mul3A_157 = arith.mulf %get3A_152, %get3A_156 : vector<16xf32>
          %swap3A_158 = arith.index_cast %scan3A_94 : i32 to index
          %swap3A_159 = arith.constant 64 : index
          %swap3A_160 = tpu.vector_load %arg11[%swap3A_158, %swap3A_159] {strides = array<i32>} : memref<64x128xf32, #tpu.memory_space<vmem>>, vector<1x16xf32>,
          %swap3A_161 = vector.shape_cast %swap3A_160 : vector<1x16xf32> to vector<16xf32>
          %swap3A_162 = vector.shape_cast %mul3A_157 : vector<16xf32> to vector<1x16xf32>
          tpu.vector_store %arg11[%swap3A_158, %swap3A_159], %swap3A_162 {strides = array<i32>} : memref<64x128xf32, #tpu.memory_space<vmem>>, vector<1x16xf32>,
          %get3A_163 = arith.index_cast %scan3A_94 : i32 to index
          %get3A_164 = arith.constant 80 : index
          %get3A_165 = tpu.vector_load %arg11[%get3A_163, %get3A_164] {strides = array<i32>} : memref<64x128xf32, #tpu.memory_space<vmem>>, vector<1x16xf32>,
          %get3A_166 = vector.shape_cast %get3A_165 : vector<1x16xf32> to vector<16xf32>
          %get3A_167 = arith.index_cast %scan3A_94 : i32 to index
          %get3A_168 = arith.constant 80 : index
          %get3A_169 = tpu.vector_load %arg13[%get3A_167, %get3A_168] {strides = array<i32>} : memref<64x128xf32, #tpu.memory_space<vmem>>, vector<1x16xf32>,
          %get3A_170 = vector.shape_cast %get3A_169 : vector<1x16xf32> to vector<16xf32>
          %mul3A_171 = arith.mulf %get3A_166, %get3A_170 : vector<16xf32>
          %swap3A_172 = arith.index_cast %scan3A_94 : i32 to index
          %swap3A_173 = arith.constant 80 : index
          %swap3A_174 = tpu.vector_load %arg11[%swap3A_172, %swap3A_173] {strides = array<i32>} : memref<64x128xf32, #tpu.memory_space<vmem>>, vector<1x16xf32>,
          %swap3A_175 = vector.shape_cast %swap3A_174 : vector<1x16xf32> to vector<16xf32>
          %swap3A_176 = vector.shape_cast %mul3A_171 : vector<16xf32> to vector<1x16xf32>
          tpu.vector_store %arg11[%swap3A_172, %swap3A_173], %swap3A_176 {strides = array<i32>} : memref<64x128xf32, #tpu.memory_space<vmem>>, vector<1x16xf32>,
          %get3A_177 = arith.index_cast %scan3A_94 : i32 to index
          %get3A_178 = arith.constant 96 : index
          %get3A_179 = tpu.vector_load %arg11[%get3A_177, %get3A_178] {strides = array<i32>} : memref<64x128xf32, #tpu.memory_space<vmem>>, vector<1x16xf32>,
          %get3A_180 = vector.shape_cast %get3A_179 : vector<1x16xf32> to vector<16xf32>
          %get3A_181 = arith.index_cast %scan3A_94 : i32 to index
          %get3A_182 = arith.constant 96 : index
          %get3A_183 = tpu.vector_load %arg13[%get3A_181, %get3A_182] {strides = array<i32>} : memref<64x128xf32, #tpu.memory_space<vmem>>, vector<1x16xf32>,
          %get3A_184 = vector.shape_cast %get3A_183 : vector<1x16xf32> to vector<16xf32>
          %mul3A_185 = arith.mulf %get3A_180, %get3A_184 : vector<16xf32>
          %swap3A_186 = arith.index_cast %scan3A_94 : i32 to index
          %swap3A_187 = arith.constant 96 : index
          %swap3A_188 = tpu.vector_load %arg11[%swap3A_186, %swap3A_187] {strides = array<i32>} : memref<64x128xf32, #tpu.memory_space<vmem>>, vector<1x16xf32>,
          %swap3A_189 = vector.shape_cast %swap3A_188 : vector<1x16xf32> to vector<16xf32>
          %swap3A_190 = vector.shape_cast %mul3A_185 : vector<16xf32> to vector<1x16xf32>
          tpu.vector_store %arg11[%swap3A_186, %swap3A_187], %swap3A_190 {strides = array<i32>} : memref<64x128xf32, #tpu.memory_space<vmem>>, vector<1x16xf32>,
          %get3A_191 = arith.index_cast %scan3A_94 : i32 to index
          %get3A_192 = arith.constant 112 : index
          %get3A_193 = tpu.vector_load %arg11[%get3A_191, %get3A_192] {strides = array<i32>} : memref<64x128xf32, #tpu.memory_space<vmem>>, vector<1x16xf32>,
          %get3A_194 = vector.shape_cast %get3A_193 : vector<1x16xf32> to vector<16xf32>
          %get3A_195 = arith.index_cast %scan3A_94 : i32 to index
          %get3A_196 = arith.constant 112 : index
          %get3A_197 = tpu.vector_load %arg13[%get3A_195, %get3A_196] {strides = array<i32>} : memref<64x128xf32, #tpu.memory_space<vmem>>, vector<1x16xf32>,
          %get3A_198 = vector.shape_cast %get3A_197 : vector<1x16xf32> to vector<16xf32>
          %mul3A_199 = arith.mulf %get3A_194, %get3A_198 : vector<16xf32>
          %swap3A_200 = arith.index_cast %scan3A_94 : i32 to index
          %swap3A_201 = arith.constant 112 : index
          %swap3A_202 = tpu.vector_load %arg11[%swap3A_200, %swap3A_201] {strides = array<i32>} : memref<64x128xf32, #tpu.memory_space<vmem>>, vector<1x16xf32>,
          %swap3A_203 = vector.shape_cast %swap3A_202 : vector<1x16xf32> to vector<16xf32>
          %swap3A_204 = vector.shape_cast %mul3A_199 : vector<16xf32> to vector<1x16xf32>
          tpu.vector_store %arg11[%swap3A_200, %swap3A_201], %swap3A_204 {strides = array<i32>} : memref<64x128xf32, #tpu.memory_space<vmem>>, vector<1x16xf32>,
        }
        %scan3A_67 = arith.constant 64 : i32
        %dma_start3A_68 = arith.constant 0 : i32
        %dma_start3A_69 = arith.constant 0 : i32
        %dma_start3A_70 = tpu.memref_slice %arg15[%dma_start3A_68, %dma_start3A_69] : memref<10240x128xf32, #tpu.memory_space<vmem_shared>> -> memref<10240x128xf32, #tpu.memory_space<vmem_shared>>
        tpu.enqueue_indirect_dma source(%arg11 : memref<64x128xf32, #tpu.memory_space<vmem>>) target(%dma_start3A_70 : memref<10240x128xf32, #tpu.memory_space<vmem_shared>>) offsets(%arg9 : memref<64xi32, #tpu.memory_space<vmem>>) semaphore(%arg20 : memref<!tpu.dma_semaphore, #tpu.memory_space<semaphore_mem>>) {add = true}
        %dma_wait3A_71 = tpu.memref_slice %arg8[%mul3A_37] : memref<15872xi32, #tpu.memory_space<vmem>> -> memref<64xi32, #tpu.memory_space<vmem>>
        %dma_wait3A_72 = arith.constant 0 : i32
        %dma_wait3A_73 = arith.constant 0 : i32
        %dma_wait3A_74 = tpu.memref_slice %arg2[%dma_wait3A_72, %dma_wait3A_73] : memref<10240x128xf32, #tpu.memory_space<hbm>> -> memref<10240x128xf32, #tpu.memory_space<hbm>>
        tpu.wait_indirect_dma semaphore(%arg17 : memref<!tpu.dma_semaphore, #tpu.memory_space<semaphore_mem>>) src(%dma_wait3A_74 : memref<10240x128xf32, #tpu.memory_space<hbm>>) dst(%arg12 : memref<64x128xf32, #tpu.memory_space<vmem>>)
        %dma_wait3A_75 = arith.constant 0 : i32
        %dma_wait3A_76 = tpu.memref_slice %arg3[%add3A_44, %dma_wait3A_75] : memref<327680x128xf32, #tpu.memory_space<hbm>> -> memref<64x128xf32, #tpu.memory_space<hbm>>
        %dma_wait3A_77 = arith.constant 0 : i32
        %dma_wait3A_78 = tpu.memref_slice %arg3[%add3A_44, %dma_wait3A_77] : memref<327680x128xf32, #tpu.memory_space<hbm>> -> memref<64x128xf32, #tpu.memory_space<hbm>>
        tpu.wait_dma2 semaphore(%arg19 : memref<!tpu.dma_semaphore, #tpu.memory_space<semaphore_mem>>) src(%dma_wait3A_78 : memref<64x128xf32, #tpu.memory_space<hbm>>) dst(%arg14 : memref<64x128xf32, #tpu.memory_space<vmem>>)
        %scan3A_79 = arith.constant 0 : i32
        %scan3A_80 = arith.constant 0 : i32
        %scan3A_81 = arith.constant 64 : i32
        %scan3A_82 = arith.addi %scan3A_80, %scan3A_81 : i32
        %scan3A_83 = arith.constant 1 : i32
        scf.for %scan3A_94 = %scan3A_80 to %scan3A_82 step %scan3A_83  : i32 {
          %get3A = arith.index_cast %scan3A_94 : i32 to index
          %get3A_95 = arith.constant 0 : index
          %get3A_96 = tpu.vector_load %arg12[%get3A, %get3A_95] {strides = array<i32>} : memref<64x128xf32, #tpu.memory_space<vmem>>, vector<1x16xf32>,
          %get3A_97 = vector.shape_cast %get3A_96 : vector<1x16xf32> to vector<16xf32>
          %get3A_98 = arith.index_cast %scan3A_94 : i32 to index
          %get3A_99 = arith.constant 0 : index
          %get3A_100 = tpu.vector_load %arg14[%get3A_98, %get3A_99] {strides = array<i32>} : memref<64x128xf32, #tpu.memory_space<vmem>>, vector<1x16xf32>,
          %get3A_101 = vector.shape_cast %get3A_100 : vector<1x16xf32> to vector<16xf32>
          %mul3A_102 = arith.mulf %get3A_97, %get3A_101 : vector<16xf32>
          %swap3A = arith.index_cast %scan3A_94 : i32 to index
          %swap3A_103 = arith.constant 0 : index
          %swap3A_104 = tpu.vector_load %arg12[%swap3A, %swap3A_103] {strides = array<i32>} : memref<64x128xf32, #tpu.memory_space<vmem>>, vector<1x16xf32>,
          %swap3A_105 = vector.shape_cast %swap3A_104 : vector<1x16xf32> to vector<16xf32>
          %swap3A_106 = vector.shape_cast %mul3A_102 : vector<16xf32> to vector<1x16xf32>
          tpu.vector_store %arg12[%swap3A, %swap3A_103], %swap3A_106 {strides = array<i32>} : memref<64x128xf32, #tpu.memory_space<vmem>>, vector<1x16xf32>,
          %get3A_107 = arith.index_cast %scan3A_94 : i32 to index
          %get3A_108 = arith.constant 16 : index
          %get3A_109 = tpu.vector_load %arg12[%get3A_107, %get3A_108] {strides = array<i32>} : memref<64x128xf32, #tpu.memory_space<vmem>>, vector<1x16xf32>,
          %get3A_110 = vector.shape_cast %get3A_109 : vector<1x16xf32> to vector<16xf32>
          %get3A_111 = arith.index_cast %scan3A_94 : i32 to index
          %get3A_112 = arith.constant 16 : index
          %get3A_113 = tpu.vector_load %arg14[%get3A_111, %get3A_112] {strides = array<i32>} : memref<64x128xf32, #tpu.memory_space<vmem>>, vector<1x16xf32>,
          %get3A_114 = vector.shape_cast %get3A_113 : vector<1x16xf32> to vector<16xf32>
          %mul3A_115 = arith.mulf %get3A_110, %get3A_114 : vector<16xf32>
          %swap3A_116 = arith.index_cast %scan3A_94 : i32 to index
          %swap3A_117 = arith.constant 16 : index
          %swap3A_118 = tpu.vector_load %arg12[%swap3A_116, %swap3A_117] {strides = array<i32>} : memref<64x128xf32, #tpu.memory_space<vmem>>, vector<1x16xf32>,
          %swap3A_119 = vector.shape_cast %swap3A_118 : vector<1x16xf32> to vector<16xf32>
          %swap3A_120 = vector.shape_cast %mul3A_115 : vector<16xf32> to vector<1x16xf32>
          tpu.vector_store %arg12[%swap3A_116, %swap3A_117], %swap3A_120 {strides = array<i32>} : memref<64x128xf32, #tpu.memory_space<vmem>>, vector<1x16xf32>,
          %get3A_121 = arith.index_cast %scan3A_94 : i32 to index
          %get3A_122 = arith.constant 32 : index
          %get3A_123 = tpu.vector_load %arg12[%get3A_121, %get3A_122] {strides = array<i32>} : memref<64x128xf32, #tpu.memory_space<vmem>>, vector<1x16xf32>,
          %get3A_124 = vector.shape_cast %get3A_123 : vector<1x16xf32> to vector<16xf32>
          %get3A_125 = arith.index_cast %scan3A_94 : i32 to index
          %get3A_126 = arith.constant 32 : index
          %get3A_127 = tpu.vector_load %arg14[%get3A_125, %get3A_126] {strides = array<i32>} : memref<64x128xf32, #tpu.memory_space<vmem>>, vector<1x16xf32>,
          %get3A_128 = vector.shape_cast %get3A_127 : vector<1x16xf32> to vector<16xf32>
          %mul3A_129 = arith.mulf %get3A_124, %get3A_128 : vector<16xf32>
          %swap3A_130 = arith.index_cast %scan3A_94 : i32 to index
          %swap3A_131 = arith.constant 32 : index
          %swap3A_132 = tpu.vector_load %arg12[%swap3A_130, %swap3A_131] {strides = array<i32>} : memref<64x128xf32, #tpu.memory_space<vmem>>, vector<1x16xf32>,
          %swap3A_133 = vector.shape_cast %swap3A_132 : vector<1x16xf32> to vector<16xf32>
          %swap3A_134 = vector.shape_cast %mul3A_129 : vector<16xf32> to vector<1x16xf32>
          tpu.vector_store %arg12[%swap3A_130, %swap3A_131], %swap3A_134 {strides = array<i32>} : memref<64x128xf32, #tpu.memory_space<vmem>>, vector<1x16xf32>,
          %get3A_135 = arith.index_cast %scan3A_94 : i32 to index
          %get3A_136 = arith.constant 48 : index
          %get3A_137 = tpu.vector_load %arg12[%get3A_135, %get3A_136] {strides = array<i32>} : memref<64x128xf32, #tpu.memory_space<vmem>>, vector<1x16xf32>,
          %get3A_138 = vector.shape_cast %get3A_137 : vector<1x16xf32> to vector<16xf32>
          %get3A_139 = arith.index_cast %scan3A_94 : i32 to index
          %get3A_140 = arith.constant 48 : index
          %get3A_141 = tpu.vector_load %arg14[%get3A_139, %get3A_140] {strides = array<i32>} : memref<64x128xf32, #tpu.memory_space<vmem>>, vector<1x16xf32>,
          %get3A_142 = vector.shape_cast %get3A_141 : vector<1x16xf32> to vector<16xf32>
          %mul3A_143 = arith.mulf %get3A_138, %get3A_142 : vector<16xf32>
          %swap3A_144 = arith.index_cast %scan3A_94 : i32 to index
          %swap3A_145 = arith.constant 48 : index
          %swap3A_146 = tpu.vector_load %arg12[%swap3A_144, %swap3A_145] {strides = array<i32>} : memref<64x128xf32, #tpu.memory_space<vmem>>, vector<1x16xf32>,
          %swap3A_147 = vector.shape_cast %swap3A_146 : vector<1x16xf32> to vector<16xf32>
          %swap3A_148 = vector.shape_cast %mul3A_143 : vector<16xf32> to vector<1x16xf32>
          tpu.vector_store %arg12[%swap3A_144, %swap3A_145], %swap3A_148 {strides = array<i32>} : memref<64x128xf32, #tpu.memory_space<vmem>>, vector<1x16xf32>,
          %get3A_149 = arith.index_cast %scan3A_94 : i32 to index
          %get3A_150 = arith.constant 64 : index
          %get3A_151 = tpu.vector_load %arg12[%get3A_149, %get3A_150] {strides = array<i32>} : memref<64x128xf32, #tpu.memory_space<vmem>>, vector<1x16xf32>,
          %get3A_152 = vector.shape_cast %get3A_151 : vector<1x16xf32> to vector<16xf32>
          %get3A_153 = arith.index_cast %scan3A_94 : i32 to index
          %get3A_154 = arith.constant 64 : index
          %get3A_155 = tpu.vector_load %arg14[%get3A_153, %get3A_154] {strides = array<i32>} : memref<64x128xf32, #tpu.memory_space<vmem>>, vector<1x16xf32>,
          %get3A_156 = vector.shape_cast %get3A_155 : vector<1x16xf32> to vector<16xf32>
          %mul3A_157 = arith.mulf %get3A_152, %get3A_156 : vector<16xf32>
          %swap3A_158 = arith.index_cast %scan3A_94 : i32 to index
          %swap3A_159 = arith.constant 64 : index
          %swap3A_160 = tpu.vector_load %arg12[%swap3A_158, %swap3A_159] {strides = array<i32>} : memref<64x128xf32, #tpu.memory_space<vmem>>, vector<1x16xf32>,
          %swap3A_161 = vector.shape_cast %swap3A_160 : vector<1x16xf32> to vector<16xf32>
          %swap3A_162 = vector.shape_cast %mul3A_157 : vector<16xf32> to vector<1x16xf32>
          tpu.vector_store %arg12[%swap3A_158, %swap3A_159], %swap3A_162 {strides = array<i32>} : memref<64x128xf32, #tpu.memory_space<vmem>>, vector<1x16xf32>,
          %get3A_163 = arith.index_cast %scan3A_94 : i32 to index
          %get3A_164 = arith.constant 80 : index
          %get3A_165 = tpu.vector_load %arg12[%get3A_163, %get3A_164] {strides = array<i32>} : memref<64x128xf32, #tpu.memory_space<vmem>>, vector<1x16xf32>,
          %get3A_166 = vector.shape_cast %get3A_165 : vector<1x16xf32> to vector<16xf32>
          %get3A_167 = arith.index_cast %scan3A_94 : i32 to index
          %get3A_168 = arith.constant 80 : index
          %get3A_169 = tpu.vector_load %arg14[%get3A_167, %get3A_168] {strides = array<i32>} : memref<64x128xf32, #tpu.memory_space<vmem>>, vector<1x16xf32>,
          %get3A_170 = vector.shape_cast %get3A_169 : vector<1x16xf32> to vector<16xf32>
          %mul3A_171 = arith.mulf %get3A_166, %get3A_170 : vector<16xf32>
          %swap3A_172 = arith.index_cast %scan3A_94 : i32 to index
          %swap3A_173 = arith.constant 80 : index
          %swap3A_174 = tpu.vector_load %arg12[%swap3A_172, %swap3A_173] {strides = array<i32>} : memref<64x128xf32, #tpu.memory_space<vmem>>, vector<1x16xf32>,
          %swap3A_175 = vector.shape_cast %swap3A_174 : vector<1x16xf32> to vector<16xf32>
          %swap3A_176 = vector.shape_cast %mul3A_171 : vector<16xf32> to vector<1x16xf32>
          tpu.vector_store %arg12[%swap3A_172, %swap3A_173], %swap3A_176 {strides = array<i32>} : memref<64x128xf32, #tpu.memory_space<vmem>>, vector<1x16xf32>,
          %get3A_177 = arith.index_cast %scan3A_94 : i32 to index
          %get3A_178 = arith.constant 96 : index
          %get3A_179 = tpu.vector_load %arg12[%get3A_177, %get3A_178] {strides = array<i32>} : memref<64x128xf32, #tpu.memory_space<vmem>>, vector<1x16xf32>,
          %get3A_180 = vector.shape_cast %get3A_179 : vector<1x16xf32> to vector<16xf32>
          %get3A_181 = arith.index_cast %scan3A_94 : i32 to index
          %get3A_182 = arith.constant 96 : index
          %get3A_183 = tpu.vector_load %arg14[%get3A_181, %get3A_182] {strides = array<i32>} : memref<64x128xf32, #tpu.memory_space<vmem>>, vector<1x16xf32>,
          %get3A_184 = vector.shape_cast %get3A_183 : vector<1x16xf32> to vector<16xf32>
          %mul3A_185 = arith.mulf %get3A_180, %get3A_184 : vector<16xf32>
          %swap3A_186 = arith.index_cast %scan3A_94 : i32 to index
          %swap3A_187 = arith.constant 96 : index
          %swap3A_188 = tpu.vector_load %arg12[%swap3A_186, %swap3A_187] {strides = array<i32>} : memref<64x128xf32, #tpu.memory_space<vmem>>, vector<1x16xf32>,
          %swap3A_189 = vector.shape_cast %swap3A_188 : vector<1x16xf32> to vector<16xf32>
          %swap3A_190 = vector.shape_cast %mul3A_185 : vector<16xf32> to vector<1x16xf32>
          tpu.vector_store %arg12[%swap3A_186, %swap3A_187], %swap3A_190 {strides = array<i32>} : memref<64x128xf32, #tpu.memory_space<vmem>>, vector<1x16xf32>,
          %get3A_191 = arith.index_cast %scan3A_94 : i32 to index
          %get3A_192 = arith.constant 112 : index
          %get3A_193 = tpu.vector_load %arg12[%get3A_191, %get3A_192] {strides = array<i32>} : memref<64x128xf32, #tpu.memory_space<vmem>>, vector<1x16xf32>,
          %get3A_194 = vector.shape_cast %get3A_193 : vector<1x16xf32> to vector<16xf32>
          %get3A_195 = arith.index_cast %scan3A_94 : i32 to index
          %get3A_196 = arith.constant 112 : index
          %get3A_197 = tpu.vector_load %arg14[%get3A_195, %get3A_196] {strides = array<i32>} : memref<64x128xf32, #tpu.memory_space<vmem>>, vector<1x16xf32>,
          %get3A_198 = vector.shape_cast %get3A_197 : vector<1x16xf32> to vector<16xf32>
          %mul3A_199 = arith.mulf %get3A_194, %get3A_198 : vector<16xf32>
          %swap3A_200 = arith.index_cast %scan3A_94 : i32 to index
          %swap3A_201 = arith.constant 112 : index
          %swap3A_202 = tpu.vector_load %arg12[%swap3A_200, %swap3A_201] {strides = array<i32>} : memref<64x128xf32, #tpu.memory_space<vmem>>, vector<1x16xf32>,
          %swap3A_203 = vector.shape_cast %swap3A_202 : vector<1x16xf32> to vector<16xf32>
          %swap3A_204 = vector.shape_cast %mul3A_199 : vector<16xf32> to vector<1x16xf32>
          tpu.vector_store %arg12[%swap3A_200, %swap3A_201], %swap3A_204 {strides = array<i32>} : memref<64x128xf32, #tpu.memory_space<vmem>>, vector<1x16xf32>,
        }
        %scan3A_84 = arith.constant 64 : i32
        %dma_start3A_85 = arith.constant 0 : i32
        %dma_start3A_86 = arith.constant 0 : i32
        %dma_start3A_87 = tpu.memref_slice %arg15[%dma_start3A_85, %dma_start3A_86] : memref<10240x128xf32, #tpu.memory_space<vmem_shared>> -> memref<10240x128xf32, #tpu.memory_space<vmem_shared>>
        tpu.enqueue_indirect_dma source(%arg12 : memref<64x128xf32, #tpu.memory_space<vmem>>) target(%dma_start3A_87 : memref<10240x128xf32, #tpu.memory_space<vmem_shared>>) offsets(%arg10 : memref<64xi32, #tpu.memory_space<vmem>>) semaphore(%arg21 : memref<!tpu.dma_semaphore, #tpu.memory_space<semaphore_mem>>) {add = true}
        %dma_wait3A_88 = arith.constant 0 : i32
        %dma_wait3A_89 = arith.constant 0 : i32
        %dma_wait3A_90 = tpu.memref_slice %arg15[%dma_wait3A_88, %dma_wait3A_89] : memref<10240x128xf32, #tpu.memory_space<vmem_shared>> -> memref<10240x128xf32, #tpu.memory_space<vmem_shared>>
        tpu.wait_indirect_dma semaphore(%arg20 : memref<!tpu.dma_semaphore, #tpu.memory_space<semaphore_mem>>) src(%arg11 : memref<64x128xf32, #tpu.memory_space<vmem>>) dst(%dma_wait3A_90 : memref<10240x128xf32, #tpu.memory_space<vmem_shared>>)
        %dma_wait3A_91 = arith.constant 0 : i32
        %dma_wait3A_92 = arith.constant 0 : i32
        %dma_wait3A_93 = tpu.memref_slice %arg15[%dma_wait3A_91, %dma_wait3A_92] : memref<10240x128xf32, #tpu.memory_space<vmem_shared>> -> memref<10240x128xf32, #tpu.memory_space<vmem_shared>>
        tpu.wait_indirect_dma semaphore(%arg21 : memref<!tpu.dma_semaphore, #tpu.memory_space<semaphore_mem>>) src(%arg12 : memref<64x128xf32, #tpu.memory_space<vmem>>) dst(%dma_wait3A_93 : memref<10240x128xf32, #tpu.memory_space<vmem_shared>>)
      }
      %scan3A_16 = arith.constant 36 : i32
    } else {
    }
    %barrier3A = arith.constant 0 : index
    tpu.barrier barrier_id(%barrier3A)
    "tpu.region"() ({
      %run_scoped3A = tpu.sem_alloc : memref<!tpu.dma_semaphore, #tpu.memory_space<semaphore_mem>>
      %dma_start3A = arith.constant 0 : i32
      %dma_start3A_8 = arith.constant 0 : i32
      %dma_start3A_9 = tpu.memref_slice %arg7[%arg0, %dma_start3A, %dma_start3A_8] : memref<2x10240x128xf32, #tpu.memory_space<hbm>> -> memref<1x10240x128xf32, #tpu.memory_space<hbm>>
      %dma_start3A_10 = tpu.memref_squeeze %dma_start3A_9 : memref<1x10240x128xf32, #tpu.memory_space<hbm>> -> memref<10240x128xf32, #tpu.memory_space<hbm>>
      %dma_start3A_11 = arith.constant 0 : i32
      %dma_start3A_12 = tpu.memref_slice %dma_start3A_10[%mul3A_0, %dma_start3A_11] : memref<10240x128xf32, #tpu.memory_space<hbm>> -> memref<640x128xf32, #tpu.memory_space<hbm>>
      %dma_start3A_13 = arith.constant 0 : i32
      %dma_start3A_14 = tpu.memref_slice %arg15[%mul3A_0, %dma_start3A_13] : memref<10240x128xf32, #tpu.memory_space<vmem_shared>> -> memref<640x128xf32, #tpu.memory_space<vmem_shared>>
      tpu.enqueue_dma source(%dma_start3A_14 : memref<640x128xf32, #tpu.memory_space<vmem_shared>>) target(%dma_start3A_12 : memref<640x128xf32, #tpu.memory_space<hbm>>) target_semaphore(%run_scoped3A : memref<!tpu.dma_semaphore, #tpu.memory_space<semaphore_mem>>)
      %dma_wait3A = arith.constant 0 : i32
      %dma_wait3A_15 = arith.constant 0 : i32
      %dma_wait3A_16 = tpu.memref_slice %arg7[%arg0, %dma_wait3A, %dma_wait3A_15] : memref<2x10240x128xf32, #tpu.memory_space<hbm>> -> memref<1x10240x128xf32, #tpu.memory_space<hbm>>
      %dma_wait3A_17 = tpu.memref_squeeze %dma_wait3A_16 : memref<1x10240x128xf32, #tpu.memory_space<hbm>> -> memref<10240x128xf32, #tpu.memory_space<hbm>>
      %dma_wait3A_18 = arith.constant 0 : i32
      %dma_wait3A_19 = tpu.memref_slice %dma_wait3A_17[%mul3A_0, %dma_wait3A_18] : memref<10240x128xf32, #tpu.memory_space<hbm>> -> memref<640x128xf32, #tpu.memory_space<hbm>>
      %dma_wait3A_20 = arith.constant 0 : i32
      %dma_wait3A_21 = tpu.memref_slice %arg15[%mul3A_0, %dma_wait3A_20] : memref<10240x128xf32, #tpu.memory_space<vmem_shared>> -> memref<640x128xf32, #tpu.memory_space<vmem_shared>>
      tpu.wait_dma2 semaphore(%run_scoped3A : memref<!tpu.dma_semaphore, #tpu.memory_space<semaphore_mem>>) src(%dma_wait3A_21 : memref<640x128xf32, #tpu.memory_space<vmem_shared>>) dst(%dma_wait3A_19 : memref<640x128xf32, #tpu.memory_space<hbm>>)
      tpu.yield
    }) : () -> ()
    return
  }
}

module attributes {stable_mosaic.version = 14 : i64} {
  func.func @_tc_cdist_body(%arg0: i32, %arg1: memref<256x128xf32, #tpu.memory_space<vmem>>, %arg2: memref<256x128xf32, #tpu.memory_space<vmem>>, %arg3: memref<256x128xf32, #tpu.memory_space<vmem>>) attributes {dimension_semantics = [#tpu.dimension_semantics<arbitrary>], iteration_bounds = array<i64: 10>, scalar_prefetch = 0 : i64, scratch_operands = 0 : i64, tpu.core_type = #tpu.core_type<tc>, window_params = [{transform_indices = @transform_0, window_bounds = array<i64: 256, 128>}, {transform_indices = @transform_1, window_bounds = array<i64: 256, 128>}, {transform_indices = @transform_2, window_bounds = array<i64: 256, 128>}]} {
    %get3A = arith.constant 0 : index
    %get3A_0 = arith.constant 0 : index
    %get3A_1 = vector.load %arg1[%get3A, %get3A_0] : memref<256x128xf32, #tpu.memory_space<vmem>>, vector<256x128xf32>
    %add3A = arith.constant 9.99999996E-13 : f32
    %add3A_2 = vector.broadcast %add3A : f32 to vector<256x128xf32>
    %add3A_3 = arith.addf %get3A_1, %add3A_2 : vector<256x128xf32>
    %sqrt3A = math.sqrt %add3A_3 : vector<256x128xf32>
    %mul3A = arith.constant 0.314159274 : f32
    %mul3A_4 = vector.broadcast %mul3A : f32 to vector<256x128xf32>
    %mul3A_5 = arith.mulf %sqrt3A, %mul3A_4 : vector<256x128xf32>
    %cos3A = math.cos %mul3A_5 : vector<256x128xf32>
    %add3A_6 = arith.constant 1.000000e+00 : f32
    %add3A_7 = vector.broadcast %add3A_6 : f32 to vector<256x128xf32>
    %add3A_8 = arith.addf %cos3A, %add3A_7 : vector<256x128xf32>
    %mul3A_9 = arith.constant 5.000000e-01 : f32
    %mul3A_10 = vector.broadcast %mul3A_9 : f32 to vector<256x128xf32>
    %mul3A_11 = arith.mulf %mul3A_10, %add3A_8 : vector<256x128xf32>
    %mul3A_12 = arith.constant 256 : i32
    %mul3A_13 = arith.muli %arg0, %mul3A_12 : i32
    %iota3A = tpu.iota {dimensions = array<i32: 0>} : vector<256x1xi32>
    %add3A_14 = vector.broadcast %mul3A_13 : i32 to vector<256x1xi32>
    %add3A_15 = arith.addi %add3A_14, %iota3A : vector<256x1xi32>
    %lt3A = arith.constant 2500 : i32
    %lt3A_16 = vector.broadcast %lt3A : i32 to vector<256x1xi32>
    %lt3A_17 = arith.cmpi slt, %add3A_15, %lt3A_16 : vector<256x1xi32>
    %jit3A = arith.constant 0.000000e+00 : f32
    %broadcast_in_dim3A = vector.shape_cast %lt3A_17 : vector<256x1xi1> to vector<256x1xi1>
    %broadcast_in_dim3A_18 = vector.broadcast %broadcast_in_dim3A : vector<256x1xi1> to vector<256x128xi1>
    %broadcast_in_dim3A_19 = vector.broadcast %jit3A : f32 to vector<256x128xf32>
    %select_n3A = arith.select %broadcast_in_dim3A_18, %mul3A_11, %broadcast_in_dim3A_19 : vector<256x128xi1>, vector<256x128xf32>
    %swap3A = arith.constant 0 : index
    %swap3A_20 = arith.constant 0 : index
    %swap3A_21 = vector.load %arg2[%swap3A, %swap3A_20] : memref<256x128xf32, #tpu.memory_space<vmem>>, vector<256x128xf32>
    tpu.vector_store %arg2[%swap3A, %swap3A_20], %sqrt3A {strides = array<i32>} : memref<256x128xf32, #tpu.memory_space<vmem>>, vector<256x128xf32>,
    %swap3A_22 = arith.constant 0 : index
    %swap3A_23 = arith.constant 0 : index
    %swap3A_24 = vector.load %arg3[%swap3A_22, %swap3A_23] : memref<256x128xf32, #tpu.memory_space<vmem>>, vector<256x128xf32>
    tpu.vector_store %arg3[%swap3A_22, %swap3A_23], %select_n3A {strides = array<i32>} : memref<256x128xf32, #tpu.memory_space<vmem>>, vector<256x128xf32>,
    return
  }
  func.func @transform_0(%arg0: i32) -> (i32, i32) {
    %c0_i32 = arith.constant 0 : i32
    %c0_i32_0 = arith.constant 0 : i32
    return %arg0, %c0_i32 : i32, i32
  }
  func.func @transform_1(%arg0: i32) -> (i32, i32) {
    %c0_i32 = arith.constant 0 : i32
    %c0_i32_0 = arith.constant 0 : i32
    return %arg0, %c0_i32 : i32, i32
  }
  func.func @transform_2(%arg0: i32) -> (i32, i32) {
    %c0_i32 = arith.constant 0 : i32
    %c0_i32_0 = arith.constant 0 : i32
    return %arg0, %c0_i32 : i32, i32
  }
}

module attributes {stable_mosaic.version = 14 : i64} {
  func.func @_tc_xl_body(%arg0: i32, %arg1: memref<1024x128xf32, #tpu.memory_space<vmem>>, %arg2: memref<128x128xf32, #tpu.memory_space<vmem>>, %arg3: memref<1024x128xf32, #tpu.memory_space<vmem>>) attributes {dimension_semantics = [#tpu.dimension_semantics<arbitrary>], iteration_bounds = array<i64: 10>, scalar_prefetch = 0 : i64, scratch_operands = 0 : i64, tpu.core_type = #tpu.core_type<tc>, window_params = [{transform_indices = @transform_0, window_bounds = array<i64: 1024, 128>}, {pipeline_mode = #tpu.pipeline_mode<synchronous>, transform_indices = @transform_1, window_bounds = array<i64: 128, 128>}, {transform_indices = @transform_2, window_bounds = array<i64: 1024, 128>}]} {
    %get3A = arith.constant 0 : index
    %get3A_0 = arith.constant 0 : index
    %get3A_1 = vector.load %arg1[%get3A, %get3A_0] : memref<1024x128xf32, #tpu.memory_space<vmem>>, vector<1024x128xf32>
    %get3A_2 = arith.constant 0 : index
    %get3A_3 = arith.constant 0 : index
    %get3A_4 = vector.load %arg2[%get3A_2, %get3A_3] : memref<128x128xf32, #tpu.memory_space<vmem>>, vector<128x128xf32>
    %dot_general3A = arith.constant dense<0.000000e+00> : vector<1024x128xf32>
    %dot_general3A_5 = tpu.matmul %get3A_1, %get3A_4, %dot_general3A {dimension_numbers = #tpu.dot_dimension_numbers<[1], [0], [0], [1], [0, 0, 1, 1], [], []>, transpose_lhs_hint = false} : vector<1024x128xf32>, vector<128x128xf32>, vector<1024x128xf32> -> vector<1024x128xf32>
    %swap3A = arith.constant 0 : index
    %swap3A_6 = arith.constant 0 : index
    %swap3A_7 = vector.load %arg3[%swap3A, %swap3A_6] : memref<1024x128xf32, #tpu.memory_space<vmem>>, vector<1024x128xf32>
    tpu.vector_store %arg3[%swap3A, %swap3A_6], %dot_general3A_5 {strides = array<i32>} : memref<1024x128xf32, #tpu.memory_space<vmem>>, vector<1024x128xf32>,
    return
  }
  func.func @transform_0(%arg0: i32) -> (i32, i32) {
    %c0_i32 = arith.constant 0 : i32
    %c0_i32_0 = arith.constant 0 : i32
    return %arg0, %c0_i32 : i32, i32
  }
  func.func @transform_1(%arg0: i32) -> (i32, i32) {
    %c0_i32 = arith.constant 0 : i32
    %c0_i32_0 = arith.constant 0 : i32
    %c0_i32_1 = arith.constant 0 : i32
    return %c0_i32, %c0_i32_0 : i32, i32
  }
  func.func @transform_2(%arg0: i32) -> (i32, i32) {
    %c0_i32 = arith.constant 0 : i32
    %c0_i32_0 = arith.constant 0 : i32
    return %arg0, %c0_i32 : i32, i32
  }
}

module attributes {stable_mosaic.version = 14 : i64} {
  func.func @_tc_wf_body(%arg0: i32, %arg1: memref<8x128xf32, #tpu.memory_space<vmem>>, %arg2: memref<8x128xf32, #tpu.memory_space<vmem>>, %arg3: memref<16x128xf32, #tpu.memory_space<vmem>>, %arg4: memref<1x128xf32, #tpu.memory_space<vmem>>, %arg5: memref<128x128xf32, #tpu.memory_space<vmem>>, %arg6: memref<1x128xf32, #tpu.memory_space<vmem>>, %arg7: memref<1024x128xf32, #tpu.memory_space<vmem>>) attributes {dimension_semantics = [#tpu.dimension_semantics<arbitrary>], iteration_bounds = array<i64: 320>, scalar_prefetch = 0 : i64, scratch_operands = 0 : i64, tpu.core_type = #tpu.core_type<tc>, window_params = [{transform_indices = @transform_0, window_bounds = array<i64: 8, 128>}, {transform_indices = @transform_1, window_bounds = array<i64: 8, 128>}, {pipeline_mode = #tpu.pipeline_mode<synchronous>, transform_indices = @transform_2, window_bounds = array<i64: 16, 128>}, {pipeline_mode = #tpu.pipeline_mode<synchronous>, transform_indices = @transform_3, window_bounds = array<i64: 1, 128>}, {pipeline_mode = #tpu.pipeline_mode<synchronous>, transform_indices = @transform_4, window_bounds = array<i64: 128, 128>}, {pipeline_mode = #tpu.pipeline_mode<synchronous>, transform_indices = @transform_5, window_bounds = array<i64: 1, 128>}, {transform_indices = @transform_6, window_bounds = array<i64: 1024, 128>}]} {
    %iota3A = tpu.iota {dimensions = array<i32: 0>} : vector<128x128xi32>
    %iota3A_0 = tpu.iota {dimensions = array<i32: 1>} : vector<128x128xi32>
    %eq3A = arith.cmpi eq, %iota3A, %iota3A_0 : vector<128x128xi32>
    %convert_element_type3A = arith.extui %eq3A : vector<128x128xi1> to vector<128x128xi32>
    %convert_element_type3A_1 = arith.sitofp %convert_element_type3A : vector<128x128xi32> to vector<128x128xf32>
    %iota3A_2 = tpu.iota {dimensions = array<i32: 0>} : vector<16x1xi32>
    %lt3A = arith.constant 10 : i32
    %lt3A_3 = vector.broadcast %lt3A : i32 to vector<16x1xi32>
    %lt3A_4 = arith.cmpi slt, %iota3A_2, %lt3A_3 : vector<16x1xi32>
    %convert_element_type3A_5 = arith.sitofp %iota3A_2 : vector<16x1xi32> to vector<16x1xf32>
    %mul3A = arith.constant 1.11111116 : f32
    %mul3A_6 = vector.broadcast %mul3A : f32 to vector<16x1xf32>
    %mul3A_7 = arith.mulf %convert_element_type3A_5, %mul3A_6 : vector<16x1xf32>
    %jit3A = arith.constant 1.000000e+04 : f32
    %broadcast_in_dim3A = vector.broadcast %jit3A : f32 to vector<16x1xf32>
    %select_n3A = arith.select %lt3A_4, %mul3A_7, %broadcast_in_dim3A : vector<16x1xi1>, vector<16x1xf32>
    %get3A = arith.constant 0 : index
    %get3A_8 = arith.constant 0 : index
    %get3A_9 = vector.load %arg1[%get3A, %get3A_8] : memref<8x128xf32, #tpu.memory_space<vmem>>, vector<1x128xf32>
    %broadcast_in_dim3A_10 = vector.shape_cast %get3A_9 : vector<1x128xf32> to vector<1x128xf32>
    %broadcast_in_dim3A_11 = vector.broadcast %broadcast_in_dim3A_10 : vector<1x128xf32> to vector<16x128xf32>
    %sub3A = vector.broadcast %select_n3A : vector<16x1xf32> to vector<16x128xf32>
    %sub3A_12 = arith.subf %broadcast_in_dim3A_11, %sub3A : vector<16x128xf32>
    %mul3A_13 = arith.mulf %sub3A_12, %sub3A_12 : vector<16x128xf32>
    %mul3A_14 = arith.constant -4.050000e-01 : f32
    %mul3A_15 = vector.broadcast %mul3A_14 : f32 to vector<16x128xf32>
    %mul3A_16 = arith.mulf %mul3A_15, %mul3A_13 : vector<16x128xf32>
    %exp3A = math.exp %mul3A_16 : vector<16x128xf32>
    %get3A_17 = arith.constant 0 : index
    %get3A_18 = arith.constant 0 : index
    %get3A_19 = vector.load %arg3[%get3A_17, %get3A_18] : memref<16x128xf32, #tpu.memory_space<vmem>>, vector<16x128xf32>
    %dot_general3A = arith.constant dense<0.000000e+00> : vector<128x128xf32>
    %dot_general3A_20 = tpu.matmul %exp3A, %get3A_19, %dot_general3A {dimension_numbers = #tpu.dot_dimension_numbers<[0], [0], [1], [1], [0, 1, 1, 1], [], []>, transpose_lhs_hint = false} : vector<16x128xf32>, vector<16x128xf32>, vector<128x128xf32> -> vector<128x128xf32>
    %get3A_21 = arith.constant 0 : index
    %get3A_22 = arith.constant 0 : index
    %get3A_23 = vector.load %arg4[%get3A_21, %get3A_22] : memref<1x128xf32, #tpu.memory_space<vmem>>, vector<1x128xf32>
    %add3A = vector.broadcast %get3A_23 : vector<1x128xf32> to vector<128x128xf32>
    %add3A_24 = arith.addf %dot_general3A_20, %add3A : vector<128x128xf32>
    %max3A = arith.constant 0.000000e+00 : f32
    %max3A_25 = vector.broadcast %max3A : f32 to vector<128x128xf32>
    %max3A_26 = arith.maximumf %add3A_24, %max3A_25 : vector<128x128xf32>
    %abs3A = math.absf %add3A_24 : vector<128x128xf32>
    %neg3A = arith.constant 0.000000e+00 : f32
    %neg3A_27 = vector.broadcast %neg3A : f32 to vector<128x128xf32>
    %neg3A_28 = arith.subf %neg3A_27, %abs3A : vector<128x128xf32>
    %exp3A_29 = math.exp %neg3A_28 : vector<128x128xf32>
    %log1p3A = math.log1p %exp3A_29 : vector<128x128xf32>
    %add3A_30 = arith.addf %max3A_26, %log1p3A : vector<128x128xf32>
    %sub3A_31 = arith.constant 0.693147182 : f32
    %sub3A_32 = vector.broadcast %sub3A_31 : f32 to vector<128x128xf32>
    %sub3A_33 = arith.subf %add3A_30, %sub3A_32 : vector<128x128xf32>
    %get3A_34 = arith.constant 0 : index
    %get3A_35 = arith.constant 0 : index
    %get3A_36 = vector.load %arg5[%get3A_34, %get3A_35] : memref<128x128xf32, #tpu.memory_space<vmem>>, vector<128x128xf32>
    %dot_general3A_37 = arith.constant dense<0.000000e+00> : vector<128x128xf32>
    %dot_general3A_38 = tpu.matmul %sub3A_33, %get3A_36, %dot_general3A_37 {dimension_numbers = #tpu.dot_dimension_numbers<[1], [0], [0], [1], [0, 0, 1, 1], [], []>, transpose_lhs_hint = false} : vector<128x128xf32>, vector<128x128xf32>, vector<128x128xf32> -> vector<128x128xf32>
    %get3A_39 = arith.constant 0 : index
    %get3A_40 = arith.constant 0 : index
    %get3A_41 = vector.load %arg6[%get3A_39, %get3A_40] : memref<1x128xf32, #tpu.memory_space<vmem>>, vector<1x128xf32>
    %add3A_42 = vector.broadcast %get3A_41 : vector<1x128xf32> to vector<128x128xf32>
    %add3A_43 = arith.addf %dot_general3A_38, %add3A_42 : vector<128x128xf32>
    %get3A_44 = arith.constant 0 : index
    %get3A_45 = arith.constant 0 : index
    %get3A_46 = vector.load %arg2[%get3A_44, %get3A_45] : memref<8x128xf32, #tpu.memory_space<vmem>>, vector<1x128xf32>
    %dot_general3A_47 = arith.constant dense<0.000000e+00> : vector<128x1xf32>
    %dot_general3A_48 = tpu.matmul %convert_element_type3A_1, %get3A_46, %dot_general3A_47 {dimension_numbers = #tpu.dot_dimension_numbers<[1], [1], [0], [0], [0, 0, 1, 0], [], []>, transpose_lhs_hint = false} : vector<128x128xf32>, vector<1x128xf32>, vector<128x1xf32> -> vector<128x1xf32>
    %mul3A_49 = vector.broadcast %dot_general3A_48 : vector<128x1xf32> to vector<128x128xf32>
    %mul3A_50 = arith.mulf %add3A_43, %mul3A_49 : vector<128x128xf32>
    %swap3A = arith.constant 0 : index
    %swap3A_51 = arith.constant 0 : index
    %swap3A_52 = vector.load %arg7[%swap3A, %swap3A_51] : memref<1024x128xf32, #tpu.memory_space<vmem>>, vector<128x128xf32>
    tpu.vector_store %arg7[%swap3A, %swap3A_51], %mul3A_50 {strides = array<i32>} : memref<1024x128xf32, #tpu.memory_space<vmem>>, vector<128x128xf32>,
    %get3A_53 = arith.constant 1 : index
    %get3A_54 = arith.constant 0 : index
    %get3A_55 = vector.load %arg1[%get3A_53, %get3A_54] : memref<8x128xf32, #tpu.memory_space<vmem>>, vector<1x128xf32>
    %broadcast_in_dim3A_56 = vector.shape_cast %get3A_55 : vector<1x128xf32> to vector<1x128xf32>
    %broadcast_in_dim3A_57 = vector.broadcast %broadcast_in_dim3A_56 : vector<1x128xf32> to vector<16x128xf32>
    %sub3A_58 = vector.broadcast %select_n3A : vector<16x1xf32> to vector<16x128xf32>
    %sub3A_59 = arith.subf %broadcast_in_dim3A_57, %sub3A_58 : vector<16x128xf32>
    %mul3A_60 = arith.mulf %sub3A_59, %sub3A_59 : vector<16x128xf32>
    %mul3A_61 = arith.constant -4.050000e-01 : f32
    %mul3A_62 = vector.broadcast %mul3A_61 : f32 to vector<16x128xf32>
    %mul3A_63 = arith.mulf %mul3A_62, %mul3A_60 : vector<16x128xf32>
    %exp3A_64 = math.exp %mul3A_63 : vector<16x128xf32>
    %get3A_65 = arith.constant 0 : index
    %get3A_66 = arith.constant 0 : index
    %get3A_67 = vector.load %arg3[%get3A_65, %get3A_66] : memref<16x128xf32, #tpu.memory_space<vmem>>, vector<16x128xf32>
    %dot_general3A_68 = arith.constant dense<0.000000e+00> : vector<128x128xf32>
    %dot_general3A_69 = tpu.matmul %exp3A_64, %get3A_67, %dot_general3A_68 {dimension_numbers = #tpu.dot_dimension_numbers<[0], [0], [1], [1], [0, 1, 1, 1], [], []>, transpose_lhs_hint = false} : vector<16x128xf32>, vector<16x128xf32>, vector<128x128xf32> -> vector<128x128xf32>
    %get3A_70 = arith.constant 0 : index
    %get3A_71 = arith.constant 0 : index
    %get3A_72 = vector.load %arg4[%get3A_70, %get3A_71] : memref<1x128xf32, #tpu.memory_space<vmem>>, vector<1x128xf32>
    %add3A_73 = vector.broadcast %get3A_72 : vector<1x128xf32> to vector<128x128xf32>
    %add3A_74 = arith.addf %dot_general3A_69, %add3A_73 : vector<128x128xf32>
    %max3A_75 = arith.constant 0.000000e+00 : f32
    %max3A_76 = vector.broadcast %max3A_75 : f32 to vector<128x128xf32>
    %max3A_77 = arith.maximumf %add3A_74, %max3A_76 : vector<128x128xf32>
    %abs3A_78 = math.absf %add3A_74 : vector<128x128xf32>
    %neg3A_79 = arith.constant 0.000000e+00 : f32
    %neg3A_80 = vector.broadcast %neg3A_79 : f32 to vector<128x128xf32>
    %neg3A_81 = arith.subf %neg3A_80, %abs3A_78 : vector<128x128xf32>
    %exp3A_82 = math.exp %neg3A_81 : vector<128x128xf32>
    %log1p3A_83 = math.log1p %exp3A_82 : vector<128x128xf32>
    %add3A_84 = arith.addf %max3A_77, %log1p3A_83 : vector<128x128xf32>
    %sub3A_85 = arith.constant 0.693147182 : f32
    %sub3A_86 = vector.broadcast %sub3A_85 : f32 to vector<128x128xf32>
    %sub3A_87 = arith.subf %add3A_84, %sub3A_86 : vector<128x128xf32>
    %get3A_88 = arith.constant 0 : index
    %get3A_89 = arith.constant 0 : index
    %get3A_90 = vector.load %arg5[%get3A_88, %get3A_89] : memref<128x128xf32, #tpu.memory_space<vmem>>, vector<128x128xf32>
    %dot_general3A_91 = arith.constant dense<0.000000e+00> : vector<128x128xf32>
    %dot_general3A_92 = tpu.matmul %sub3A_87, %get3A_90, %dot_general3A_91 {dimension_numbers = #tpu.dot_dimension_numbers<[1], [0], [0], [1], [0, 0, 1, 1], [], []>, transpose_lhs_hint = false} : vector<128x128xf32>, vector<128x128xf32>, vector<128x128xf32> -> vector<128x128xf32>
    %get3A_93 = arith.constant 0 : index
    %get3A_94 = arith.constant 0 : index
    %get3A_95 = vector.load %arg6[%get3A_93, %get3A_94] : memref<1x128xf32, #tpu.memory_space<vmem>>, vector<1x128xf32>
    %add3A_96 = vector.broadcast %get3A_95 : vector<1x128xf32> to vector<128x128xf32>
    %add3A_97 = arith.addf %dot_general3A_92, %add3A_96 : vector<128x128xf32>
    %get3A_98 = arith.constant 1 : index
    %get3A_99 = arith.constant 0 : index
    %get3A_100 = vector.load %arg2[%get3A_98, %get3A_99] : memref<8x128xf32, #tpu.memory_space<vmem>>, vector<1x128xf32>
    %dot_general3A_101 = arith.constant dense<0.000000e+00> : vector<128x1xf32>
    %dot_general3A_102 = tpu.matmul %convert_element_type3A_1, %get3A_100, %dot_general3A_101 {dimension_numbers = #tpu.dot_dimension_numbers<[1], [1], [0], [0], [0, 0, 1, 0], [], []>, transpose_lhs_hint = false} : vector<128x128xf32>, vector<1x128xf32>, vector<128x1xf32> -> vector<128x1xf32>
    %mul3A_103 = vector.broadcast %dot_general3A_102 : vector<128x1xf32> to vector<128x128xf32>
    %mul3A_104 = arith.mulf %add3A_97, %mul3A_103 : vector<128x128xf32>
    %swap3A_105 = arith.constant 128 : index
    %swap3A_106 = arith.constant 0 : index
    %swap3A_107 = vector.load %arg7[%swap3A_105, %swap3A_106] : memref<1024x128xf32, #tpu.memory_space<vmem>>, vector<128x128xf32>
    tpu.vector_store %arg7[%swap3A_105, %swap3A_106], %mul3A_104 {strides = array<i32>} : memref<1024x128xf32, #tpu.memory_space<vmem>>, vector<128x128xf32>,
    %get3A_108 = arith.constant 2 : index
    %get3A_109 = arith.constant 0 : index
    %get3A_110 = vector.load %arg1[%get3A_108, %get3A_109] : memref<8x128xf32, #tpu.memory_space<vmem>>, vector<1x128xf32>
    %broadcast_in_dim3A_111 = vector.shape_cast %get3A_110 : vector<1x128xf32> to vector<1x128xf32>
    %broadcast_in_dim3A_112 = vector.broadcast %broadcast_in_dim3A_111 : vector<1x128xf32> to vector<16x128xf32>
    %sub3A_113 = vector.broadcast %select_n3A : vector<16x1xf32> to vector<16x128xf32>
    %sub3A_114 = arith.subf %broadcast_in_dim3A_112, %sub3A_113 : vector<16x128xf32>
    %mul3A_115 = arith.mulf %sub3A_114, %sub3A_114 : vector<16x128xf32>
    %mul3A_116 = arith.constant -4.050000e-01 : f32
    %mul3A_117 = vector.broadcast %mul3A_116 : f32 to vector<16x128xf32>
    %mul3A_118 = arith.mulf %mul3A_117, %mul3A_115 : vector<16x128xf32>
    %exp3A_119 = math.exp %mul3A_118 : vector<16x128xf32>
    %get3A_120 = arith.constant 0 : index
    %get3A_121 = arith.constant 0 : index
    %get3A_122 = vector.load %arg3[%get3A_120, %get3A_121] : memref<16x128xf32, #tpu.memory_space<vmem>>, vector<16x128xf32>
    %dot_general3A_123 = arith.constant dense<0.000000e+00> : vector<128x128xf32>
    %dot_general3A_124 = tpu.matmul %exp3A_119, %get3A_122, %dot_general3A_123 {dimension_numbers = #tpu.dot_dimension_numbers<[0], [0], [1], [1], [0, 1, 1, 1], [], []>, transpose_lhs_hint = false} : vector<16x128xf32>, vector<16x128xf32>, vector<128x128xf32> -> vector<128x128xf32>
    %get3A_125 = arith.constant 0 : index
    %get3A_126 = arith.constant 0 : index
    %get3A_127 = vector.load %arg4[%get3A_125, %get3A_126] : memref<1x128xf32, #tpu.memory_space<vmem>>, vector<1x128xf32>
    %add3A_128 = vector.broadcast %get3A_127 : vector<1x128xf32> to vector<128x128xf32>
    %add3A_129 = arith.addf %dot_general3A_124, %add3A_128 : vector<128x128xf32>
    %max3A_130 = arith.constant 0.000000e+00 : f32
    %max3A_131 = vector.broadcast %max3A_130 : f32 to vector<128x128xf32>
    %max3A_132 = arith.maximumf %add3A_129, %max3A_131 : vector<128x128xf32>
    %abs3A_133 = math.absf %add3A_129 : vector<128x128xf32>
    %neg3A_134 = arith.constant 0.000000e+00 : f32
    %neg3A_135 = vector.broadcast %neg3A_134 : f32 to vector<128x128xf32>
    %neg3A_136 = arith.subf %neg3A_135, %abs3A_133 : vector<128x128xf32>
    %exp3A_137 = math.exp %neg3A_136 : vector<128x128xf32>
    %log1p3A_138 = math.log1p %exp3A_137 : vector<128x128xf32>
    %add3A_139 = arith.addf %max3A_132, %log1p3A_138 : vector<128x128xf32>
    %sub3A_140 = arith.constant 0.693147182 : f32
    %sub3A_141 = vector.broadcast %sub3A_140 : f32 to vector<128x128xf32>
    %sub3A_142 = arith.subf %add3A_139, %sub3A_141 : vector<128x128xf32>
    %get3A_143 = arith.constant 0 : index
    %get3A_144 = arith.constant 0 : index
    %get3A_145 = vector.load %arg5[%get3A_143, %get3A_144] : memref<128x128xf32, #tpu.memory_space<vmem>>, vector<128x128xf32>
    %dot_general3A_146 = arith.constant dense<0.000000e+00> : vector<128x128xf32>
    %dot_general3A_147 = tpu.matmul %sub3A_142, %get3A_145, %dot_general3A_146 {dimension_numbers = #tpu.dot_dimension_numbers<[1], [0], [0], [1], [0, 0, 1, 1], [], []>, transpose_lhs_hint = false} : vector<128x128xf32>, vector<128x128xf32>, vector<128x128xf32> -> vector<128x128xf32>
    %get3A_148 = arith.constant 0 : index
    %get3A_149 = arith.constant 0 : index
    %get3A_150 = vector.load %arg6[%get3A_148, %get3A_149] : memref<1x128xf32, #tpu.memory_space<vmem>>, vector<1x128xf32>
    %add3A_151 = vector.broadcast %get3A_150 : vector<1x128xf32> to vector<128x128xf32>
    %add3A_152 = arith.addf %dot_general3A_147, %add3A_151 : vector<128x128xf32>
    %get3A_153 = arith.constant 2 : index
    %get3A_154 = arith.constant 0 : index
    %get3A_155 = vector.load %arg2[%get3A_153, %get3A_154] : memref<8x128xf32, #tpu.memory_space<vmem>>, vector<1x128xf32>
    %dot_general3A_156 = arith.constant dense<0.000000e+00> : vector<128x1xf32>
    %dot_general3A_157 = tpu.matmul %convert_element_type3A_1, %get3A_155, %dot_general3A_156 {dimension_numbers = #tpu.dot_dimension_numbers<[1], [1], [0], [0], [0, 0, 1, 0], [], []>, transpose_lhs_hint = false} : vector<128x128xf32>, vector<1x128xf32>, vector<128x1xf32> -> vector<128x1xf32>
    %mul3A_158 = vector.broadcast %dot_general3A_157 : vector<128x1xf32> to vector<128x128xf32>
    %mul3A_159 = arith.mulf %add3A_152, %mul3A_158 : vector<128x128xf32>
    %swap3A_160 = arith.constant 256 : index
    %swap3A_161 = arith.constant 0 : index
    %swap3A_162 = vector.load %arg7[%swap3A_160, %swap3A_161] : memref<1024x128xf32, #tpu.memory_space<vmem>>, vector<128x128xf32>
    tpu.vector_store %arg7[%swap3A_160, %swap3A_161], %mul3A_159 {strides = array<i32>} : memref<1024x128xf32, #tpu.memory_space<vmem>>, vector<128x128xf32>,
    %get3A_163 = arith.constant 3 : index
    %get3A_164 = arith.constant 0 : index
    %get3A_165 = vector.load %arg1[%get3A_163, %get3A_164] : memref<8x128xf32, #tpu.memory_space<vmem>>, vector<1x128xf32>
    %broadcast_in_dim3A_166 = vector.shape_cast %get3A_165 : vector<1x128xf32> to vector<1x128xf32>
    %broadcast_in_dim3A_167 = vector.broadcast %broadcast_in_dim3A_166 : vector<1x128xf32> to vector<16x128xf32>
    %sub3A_168 = vector.broadcast %select_n3A : vector<16x1xf32> to vector<16x128xf32>
    %sub3A_169 = arith.subf %broadcast_in_dim3A_167, %sub3A_168 : vector<16x128xf32>
    %mul3A_170 = arith.mulf %sub3A_169, %sub3A_169 : vector<16x128xf32>
    %mul3A_171 = arith.constant -4.050000e-01 : f32
    %mul3A_172 = vector.broadcast %mul3A_171 : f32 to vector<16x128xf32>
    %mul3A_173 = arith.mulf %mul3A_172, %mul3A_170 : vector<16x128xf32>
    %exp3A_174 = math.exp %mul3A_173 : vector<16x128xf32>
    %get3A_175 = arith.constant 0 : index
    %get3A_176 = arith.constant 0 : index
    %get3A_177 = vector.load %arg3[%get3A_175, %get3A_176] : memref<16x128xf32, #tpu.memory_space<vmem>>, vector<16x128xf32>
    %dot_general3A_178 = arith.constant dense<0.000000e+00> : vector<128x128xf32>
    %dot_general3A_179 = tpu.matmul %exp3A_174, %get3A_177, %dot_general3A_178 {dimension_numbers = #tpu.dot_dimension_numbers<[0], [0], [1], [1], [0, 1, 1, 1], [], []>, transpose_lhs_hint = false} : vector<16x128xf32>, vector<16x128xf32>, vector<128x128xf32> -> vector<128x128xf32>
    %get3A_180 = arith.constant 0 : index
    %get3A_181 = arith.constant 0 : index
    %get3A_182 = vector.load %arg4[%get3A_180, %get3A_181] : memref<1x128xf32, #tpu.memory_space<vmem>>, vector<1x128xf32>
    %add3A_183 = vector.broadcast %get3A_182 : vector<1x128xf32> to vector<128x128xf32>
    %add3A_184 = arith.addf %dot_general3A_179, %add3A_183 : vector<128x128xf32>
    %max3A_185 = arith.constant 0.000000e+00 : f32
    %max3A_186 = vector.broadcast %max3A_185 : f32 to vector<128x128xf32>
    %max3A_187 = arith.maximumf %add3A_184, %max3A_186 : vector<128x128xf32>
    %abs3A_188 = math.absf %add3A_184 : vector<128x128xf32>
    %neg3A_189 = arith.constant 0.000000e+00 : f32
    %neg3A_190 = vector.broadcast %neg3A_189 : f32 to vector<128x128xf32>
    %neg3A_191 = arith.subf %neg3A_190, %abs3A_188 : vector<128x128xf32>
    %exp3A_192 = math.exp %neg3A_191 : vector<128x128xf32>
    %log1p3A_193 = math.log1p %exp3A_192 : vector<128x128xf32>
    %add3A_194 = arith.addf %max3A_187, %log1p3A_193 : vector<128x128xf32>
    %sub3A_195 = arith.constant 0.693147182 : f32
    %sub3A_196 = vector.broadcast %sub3A_195 : f32 to vector<128x128xf32>
    %sub3A_197 = arith.subf %add3A_194, %sub3A_196 : vector<128x128xf32>
    %get3A_198 = arith.constant 0 : index
    %get3A_199 = arith.constant 0 : index
    %get3A_200 = vector.load %arg5[%get3A_198, %get3A_199] : memref<128x128xf32, #tpu.memory_space<vmem>>, vector<128x128xf32>
    %dot_general3A_201 = arith.constant dense<0.000000e+00> : vector<128x128xf32>
    %dot_general3A_202 = tpu.matmul %sub3A_197, %get3A_200, %dot_general3A_201 {dimension_numbers = #tpu.dot_dimension_numbers<[1], [0], [0], [1], [0, 0, 1, 1], [], []>, transpose_lhs_hint = false} : vector<128x128xf32>, vector<128x128xf32>, vector<128x128xf32> -> vector<128x128xf32>
    %get3A_203 = arith.constant 0 : index
    %get3A_204 = arith.constant 0 : index
    %get3A_205 = vector.load %arg6[%get3A_203, %get3A_204] : memref<1x128xf32, #tpu.memory_space<vmem>>, vector<1x128xf32>
    %add3A_206 = vector.broadcast %get3A_205 : vector<1x128xf32> to vector<128x128xf32>
    %add3A_207 = arith.addf %dot_general3A_202, %add3A_206 : vector<128x128xf32>
    %get3A_208 = arith.constant 3 : index
    %get3A_209 = arith.constant 0 : index
    %get3A_210 = vector.load %arg2[%get3A_208, %get3A_209] : memref<8x128xf32, #tpu.memory_space<vmem>>, vector<1x128xf32>
    %dot_general3A_211 = arith.constant dense<0.000000e+00> : vector<128x1xf32>
    %dot_general3A_212 = tpu.matmul %convert_element_type3A_1, %get3A_210, %dot_general3A_211 {dimension_numbers = #tpu.dot_dimension_numbers<[1], [1], [0], [0], [0, 0, 1, 0], [], []>, transpose_lhs_hint = false} : vector<128x128xf32>, vector<1x128xf32>, vector<128x1xf32> -> vector<128x1xf32>
    %mul3A_213 = vector.broadcast %dot_general3A_212 : vector<128x1xf32> to vector<128x128xf32>
    %mul3A_214 = arith.mulf %add3A_207, %mul3A_213 : vector<128x128xf32>
    %swap3A_215 = arith.constant 384 : index
    %swap3A_216 = arith.constant 0 : index
    %swap3A_217 = vector.load %arg7[%swap3A_215, %swap3A_216] : memref<1024x128xf32, #tpu.memory_space<vmem>>, vector<128x128xf32>
    tpu.vector_store %arg7[%swap3A_215, %swap3A_216], %mul3A_214 {strides = array<i32>} : memref<1024x128xf32, #tpu.memory_space<vmem>>, vector<128x128xf32>,
    %get3A_218 = arith.constant 4 : index
    %get3A_219 = arith.constant 0 : index
    %get3A_220 = vector.load %arg1[%get3A_218, %get3A_219] : memref<8x128xf32, #tpu.memory_space<vmem>>, vector<1x128xf32>
    %broadcast_in_dim3A_221 = vector.shape_cast %get3A_220 : vector<1x128xf32> to vector<1x128xf32>
    %broadcast_in_dim3A_222 = vector.broadcast %broadcast_in_dim3A_221 : vector<1x128xf32> to vector<16x128xf32>
    %sub3A_223 = vector.broadcast %select_n3A : vector<16x1xf32> to vector<16x128xf32>
    %sub3A_224 = arith.subf %broadcast_in_dim3A_222, %sub3A_223 : vector<16x128xf32>
    %mul3A_225 = arith.mulf %sub3A_224, %sub3A_224 : vector<16x128xf32>
    %mul3A_226 = arith.constant -4.050000e-01 : f32
    %mul3A_227 = vector.broadcast %mul3A_226 : f32 to vector<16x128xf32>
    %mul3A_228 = arith.mulf %mul3A_227, %mul3A_225 : vector<16x128xf32>
    %exp3A_229 = math.exp %mul3A_228 : vector<16x128xf32>
    %get3A_230 = arith.constant 0 : index
    %get3A_231 = arith.constant 0 : index
    %get3A_232 = vector.load %arg3[%get3A_230, %get3A_231] : memref<16x128xf32, #tpu.memory_space<vmem>>, vector<16x128xf32>
    %dot_general3A_233 = arith.constant dense<0.000000e+00> : vector<128x128xf32>
    %dot_general3A_234 = tpu.matmul %exp3A_229, %get3A_232, %dot_general3A_233 {dimension_numbers = #tpu.dot_dimension_numbers<[0], [0], [1], [1], [0, 1, 1, 1], [], []>, transpose_lhs_hint = false} : vector<16x128xf32>, vector<16x128xf32>, vector<128x128xf32> -> vector<128x128xf32>
    %get3A_235 = arith.constant 0 : index
    %get3A_236 = arith.constant 0 : index
    %get3A_237 = vector.load %arg4[%get3A_235, %get3A_236] : memref<1x128xf32, #tpu.memory_space<vmem>>, vector<1x128xf32>
    %add3A_238 = vector.broadcast %get3A_237 : vector<1x128xf32> to vector<128x128xf32>
    %add3A_239 = arith.addf %dot_general3A_234, %add3A_238 : vector<128x128xf32>
    %max3A_240 = arith.constant 0.000000e+00 : f32
    %max3A_241 = vector.broadcast %max3A_240 : f32 to vector<128x128xf32>
    %max3A_242 = arith.maximumf %add3A_239, %max3A_241 : vector<128x128xf32>
    %abs3A_243 = math.absf %add3A_239 : vector<128x128xf32>
    %neg3A_244 = arith.constant 0.000000e+00 : f32
    %neg3A_245 = vector.broadcast %neg3A_244 : f32 to vector<128x128xf32>
    %neg3A_246 = arith.subf %neg3A_245, %abs3A_243 : vector<128x128xf32>
    %exp3A_247 = math.exp %neg3A_246 : vector<128x128xf32>
    %log1p3A_248 = math.log1p %exp3A_247 : vector<128x128xf32>
    %add3A_249 = arith.addf %max3A_242, %log1p3A_248 : vector<128x128xf32>
    %sub3A_250 = arith.constant 0.693147182 : f32
    %sub3A_251 = vector.broadcast %sub3A_250 : f32 to vector<128x128xf32>
    %sub3A_252 = arith.subf %add3A_249, %sub3A_251 : vector<128x128xf32>
    %get3A_253 = arith.constant 0 : index
    %get3A_254 = arith.constant 0 : index
    %get3A_255 = vector.load %arg5[%get3A_253, %get3A_254] : memref<128x128xf32, #tpu.memory_space<vmem>>, vector<128x128xf32>
    %dot_general3A_256 = arith.constant dense<0.000000e+00> : vector<128x128xf32>
    %dot_general3A_257 = tpu.matmul %sub3A_252, %get3A_255, %dot_general3A_256 {dimension_numbers = #tpu.dot_dimension_numbers<[1], [0], [0], [1], [0, 0, 1, 1], [], []>, transpose_lhs_hint = false} : vector<128x128xf32>, vector<128x128xf32>, vector<128x128xf32> -> vector<128x128xf32>
    %get3A_258 = arith.constant 0 : index
    %get3A_259 = arith.constant 0 : index
    %get3A_260 = vector.load %arg6[%get3A_258, %get3A_259] : memref<1x128xf32, #tpu.memory_space<vmem>>, vector<1x128xf32>
    %add3A_261 = vector.broadcast %get3A_260 : vector<1x128xf32> to vector<128x128xf32>
    %add3A_262 = arith.addf %dot_general3A_257, %add3A_261 : vector<128x128xf32>
    %get3A_263 = arith.constant 4 : index
    %get3A_264 = arith.constant 0 : index
    %get3A_265 = vector.load %arg2[%get3A_263, %get3A_264] : memref<8x128xf32, #tpu.memory_space<vmem>>, vector<1x128xf32>
    %dot_general3A_266 = arith.constant dense<0.000000e+00> : vector<128x1xf32>
    %dot_general3A_267 = tpu.matmul %convert_element_type3A_1, %get3A_265, %dot_general3A_266 {dimension_numbers = #tpu.dot_dimension_numbers<[1], [1], [0], [0], [0, 0, 1, 0], [], []>, transpose_lhs_hint = false} : vector<128x128xf32>, vector<1x128xf32>, vector<128x1xf32> -> vector<128x1xf32>
    %mul3A_268 = vector.broadcast %dot_general3A_267 : vector<128x1xf32> to vector<128x128xf32>
    %mul3A_269 = arith.mulf %add3A_262, %mul3A_268 : vector<128x128xf32>
    %swap3A_270 = arith.constant 512 : index
    %swap3A_271 = arith.constant 0 : index
    %swap3A_272 = vector.load %arg7[%swap3A_270, %swap3A_271] : memref<1024x128xf32, #tpu.memory_space<vmem>>, vector<128x128xf32>
    tpu.vector_store %arg7[%swap3A_270, %swap3A_271], %mul3A_269 {strides = array<i32>} : memref<1024x128xf32, #tpu.memory_space<vmem>>, vector<128x128xf32>,
    %get3A_273 = arith.constant 5 : index
    %get3A_274 = arith.constant 0 : index
    %get3A_275 = vector.load %arg1[%get3A_273, %get3A_274] : memref<8x128xf32, #tpu.memory_space<vmem>>, vector<1x128xf32>
    %broadcast_in_dim3A_276 = vector.shape_cast %get3A_275 : vector<1x128xf32> to vector<1x128xf32>
    %broadcast_in_dim3A_277 = vector.broadcast %broadcast_in_dim3A_276 : vector<1x128xf32> to vector<16x128xf32>
    %sub3A_278 = vector.broadcast %select_n3A : vector<16x1xf32> to vector<16x128xf32>
    %sub3A_279 = arith.subf %broadcast_in_dim3A_277, %sub3A_278 : vector<16x128xf32>
    %mul3A_280 = arith.mulf %sub3A_279, %sub3A_279 : vector<16x128xf32>
    %mul3A_281 = arith.constant -4.050000e-01 : f32
    %mul3A_282 = vector.broadcast %mul3A_281 : f32 to vector<16x128xf32>
    %mul3A_283 = arith.mulf %mul3A_282, %mul3A_280 : vector<16x128xf32>
    %exp3A_284 = math.exp %mul3A_283 : vector<16x128xf32>
    %get3A_285 = arith.constant 0 : index
    %get3A_286 = arith.constant 0 : index
    %get3A_287 = vector.load %arg3[%get3A_285, %get3A_286] : memref<16x128xf32, #tpu.memory_space<vmem>>, vector<16x128xf32>
    %dot_general3A_288 = arith.constant dense<0.000000e+00> : vector<128x128xf32>
    %dot_general3A_289 = tpu.matmul %exp3A_284, %get3A_287, %dot_general3A_288 {dimension_numbers = #tpu.dot_dimension_numbers<[0], [0], [1], [1], [0, 1, 1, 1], [], []>, transpose_lhs_hint = false} : vector<16x128xf32>, vector<16x128xf32>, vector<128x128xf32> -> vector<128x128xf32>
    %get3A_290 = arith.constant 0 : index
    %get3A_291 = arith.constant 0 : index
    %get3A_292 = vector.load %arg4[%get3A_290, %get3A_291] : memref<1x128xf32, #tpu.memory_space<vmem>>, vector<1x128xf32>
    %add3A_293 = vector.broadcast %get3A_292 : vector<1x128xf32> to vector<128x128xf32>
    %add3A_294 = arith.addf %dot_general3A_289, %add3A_293 : vector<128x128xf32>
    %max3A_295 = arith.constant 0.000000e+00 : f32
    %max3A_296 = vector.broadcast %max3A_295 : f32 to vector<128x128xf32>
    %max3A_297 = arith.maximumf %add3A_294, %max3A_296 : vector<128x128xf32>
    %abs3A_298 = math.absf %add3A_294 : vector<128x128xf32>
    %neg3A_299 = arith.constant 0.000000e+00 : f32
    %neg3A_300 = vector.broadcast %neg3A_299 : f32 to vector<128x128xf32>
    %neg3A_301 = arith.subf %neg3A_300, %abs3A_298 : vector<128x128xf32>
    %exp3A_302 = math.exp %neg3A_301 : vector<128x128xf32>
    %log1p3A_303 = math.log1p %exp3A_302 : vector<128x128xf32>
    %add3A_304 = arith.addf %max3A_297, %log1p3A_303 : vector<128x128xf32>
    %sub3A_305 = arith.constant 0.693147182 : f32
    %sub3A_306 = vector.broadcast %sub3A_305 : f32 to vector<128x128xf32>
    %sub3A_307 = arith.subf %add3A_304, %sub3A_306 : vector<128x128xf32>
    %get3A_308 = arith.constant 0 : index
    %get3A_309 = arith.constant 0 : index
    %get3A_310 = vector.load %arg5[%get3A_308, %get3A_309] : memref<128x128xf32, #tpu.memory_space<vmem>>, vector<128x128xf32>
    %dot_general3A_311 = arith.constant dense<0.000000e+00> : vector<128x128xf32>
    %dot_general3A_312 = tpu.matmul %sub3A_307, %get3A_310, %dot_general3A_311 {dimension_numbers = #tpu.dot_dimension_numbers<[1], [0], [0], [1], [0, 0, 1, 1], [], []>, transpose_lhs_hint = false} : vector<128x128xf32>, vector<128x128xf32>, vector<128x128xf32> -> vector<128x128xf32>
    %get3A_313 = arith.constant 0 : index
    %get3A_314 = arith.constant 0 : index
    %get3A_315 = vector.load %arg6[%get3A_313, %get3A_314] : memref<1x128xf32, #tpu.memory_space<vmem>>, vector<1x128xf32>
    %add3A_316 = vector.broadcast %get3A_315 : vector<1x128xf32> to vector<128x128xf32>
    %add3A_317 = arith.addf %dot_general3A_312, %add3A_316 : vector<128x128xf32>
    %get3A_318 = arith.constant 5 : index
    %get3A_319 = arith.constant 0 : index
    %get3A_320 = vector.load %arg2[%get3A_318, %get3A_319] : memref<8x128xf32, #tpu.memory_space<vmem>>, vector<1x128xf32>
    %dot_general3A_321 = arith.constant dense<0.000000e+00> : vector<128x1xf32>
    %dot_general3A_322 = tpu.matmul %convert_element_type3A_1, %get3A_320, %dot_general3A_321 {dimension_numbers = #tpu.dot_dimension_numbers<[1], [1], [0], [0], [0, 0, 1, 0], [], []>, transpose_lhs_hint = false} : vector<128x128xf32>, vector<1x128xf32>, vector<128x1xf32> -> vector<128x1xf32>
    %mul3A_323 = vector.broadcast %dot_general3A_322 : vector<128x1xf32> to vector<128x128xf32>
    %mul3A_324 = arith.mulf %add3A_317, %mul3A_323 : vector<128x128xf32>
    %swap3A_325 = arith.constant 640 : index
    %swap3A_326 = arith.constant 0 : index
    %swap3A_327 = vector.load %arg7[%swap3A_325, %swap3A_326] : memref<1024x128xf32, #tpu.memory_space<vmem>>, vector<128x128xf32>
    tpu.vector_store %arg7[%swap3A_325, %swap3A_326], %mul3A_324 {strides = array<i32>} : memref<1024x128xf32, #tpu.memory_space<vmem>>, vector<128x128xf32>,
    %get3A_328 = arith.constant 6 : index
    %get3A_329 = arith.constant 0 : index
    %get3A_330 = vector.load %arg1[%get3A_328, %get3A_329] : memref<8x128xf32, #tpu.memory_space<vmem>>, vector<1x128xf32>
    %broadcast_in_dim3A_331 = vector.shape_cast %get3A_330 : vector<1x128xf32> to vector<1x128xf32>
    %broadcast_in_dim3A_332 = vector.broadcast %broadcast_in_dim3A_331 : vector<1x128xf32> to vector<16x128xf32>
    %sub3A_333 = vector.broadcast %select_n3A : vector<16x1xf32> to vector<16x128xf32>
    %sub3A_334 = arith.subf %broadcast_in_dim3A_332, %sub3A_333 : vector<16x128xf32>
    %mul3A_335 = arith.mulf %sub3A_334, %sub3A_334 : vector<16x128xf32>
    %mul3A_336 = arith.constant -4.050000e-01 : f32
    %mul3A_337 = vector.broadcast %mul3A_336 : f32 to vector<16x128xf32>
    %mul3A_338 = arith.mulf %mul3A_337, %mul3A_335 : vector<16x128xf32>
    %exp3A_339 = math.exp %mul3A_338 : vector<16x128xf32>
    %get3A_340 = arith.constant 0 : index
    %get3A_341 = arith.constant 0 : index
    %get3A_342 = vector.load %arg3[%get3A_340, %get3A_341] : memref<16x128xf32, #tpu.memory_space<vmem>>, vector<16x128xf32>
    %dot_general3A_343 = arith.constant dense<0.000000e+00> : vector<128x128xf32>
    %dot_general3A_344 = tpu.matmul %exp3A_339, %get3A_342, %dot_general3A_343 {dimension_numbers = #tpu.dot_dimension_numbers<[0], [0], [1], [1], [0, 1, 1, 1], [], []>, transpose_lhs_hint = false} : vector<16x128xf32>, vector<16x128xf32>, vector<128x128xf32> -> vector<128x128xf32>
    %get3A_345 = arith.constant 0 : index
    %get3A_346 = arith.constant 0 : index
    %get3A_347 = vector.load %arg4[%get3A_345, %get3A_346] : memref<1x128xf32, #tpu.memory_space<vmem>>, vector<1x128xf32>
    %add3A_348 = vector.broadcast %get3A_347 : vector<1x128xf32> to vector<128x128xf32>
    %add3A_349 = arith.addf %dot_general3A_344, %add3A_348 : vector<128x128xf32>
    %max3A_350 = arith.constant 0.000000e+00 : f32
    %max3A_351 = vector.broadcast %max3A_350 : f32 to vector<128x128xf32>
    %max3A_352 = arith.maximumf %add3A_349, %max3A_351 : vector<128x128xf32>
    %abs3A_353 = math.absf %add3A_349 : vector<128x128xf32>
    %neg3A_354 = arith.constant 0.000000e+00 : f32
    %neg3A_355 = vector.broadcast %neg3A_354 : f32 to vector<128x128xf32>
    %neg3A_356 = arith.subf %neg3A_355, %abs3A_353 : vector<128x128xf32>
    %exp3A_357 = math.exp %neg3A_356 : vector<128x128xf32>
    %log1p3A_358 = math.log1p %exp3A_357 : vector<128x128xf32>
    %add3A_359 = arith.addf %max3A_352, %log1p3A_358 : vector<128x128xf32>
    %sub3A_360 = arith.constant 0.693147182 : f32
    %sub3A_361 = vector.broadcast %sub3A_360 : f32 to vector<128x128xf32>
    %sub3A_362 = arith.subf %add3A_359, %sub3A_361 : vector<128x128xf32>
    %get3A_363 = arith.constant 0 : index
    %get3A_364 = arith.constant 0 : index
    %get3A_365 = vector.load %arg5[%get3A_363, %get3A_364] : memref<128x128xf32, #tpu.memory_space<vmem>>, vector<128x128xf32>
    %dot_general3A_366 = arith.constant dense<0.000000e+00> : vector<128x128xf32>
    %dot_general3A_367 = tpu.matmul %sub3A_362, %get3A_365, %dot_general3A_366 {dimension_numbers = #tpu.dot_dimension_numbers<[1], [0], [0], [1], [0, 0, 1, 1], [], []>, transpose_lhs_hint = false} : vector<128x128xf32>, vector<128x128xf32>, vector<128x128xf32> -> vector<128x128xf32>
    %get3A_368 = arith.constant 0 : index
    %get3A_369 = arith.constant 0 : index
    %get3A_370 = vector.load %arg6[%get3A_368, %get3A_369] : memref<1x128xf32, #tpu.memory_space<vmem>>, vector<1x128xf32>
    %add3A_371 = vector.broadcast %get3A_370 : vector<1x128xf32> to vector<128x128xf32>
    %add3A_372 = arith.addf %dot_general3A_367, %add3A_371 : vector<128x128xf32>
    %get3A_373 = arith.constant 6 : index
    %get3A_374 = arith.constant 0 : index
    %get3A_375 = vector.load %arg2[%get3A_373, %get3A_374] : memref<8x128xf32, #tpu.memory_space<vmem>>, vector<1x128xf32>
    %dot_general3A_376 = arith.constant dense<0.000000e+00> : vector<128x1xf32>
    %dot_general3A_377 = tpu.matmul %convert_element_type3A_1, %get3A_375, %dot_general3A_376 {dimension_numbers = #tpu.dot_dimension_numbers<[1], [1], [0], [0], [0, 0, 1, 0], [], []>, transpose_lhs_hint = false} : vector<128x128xf32>, vector<1x128xf32>, vector<128x1xf32> -> vector<128x1xf32>
    %mul3A_378 = vector.broadcast %dot_general3A_377 : vector<128x1xf32> to vector<128x128xf32>
    %mul3A_379 = arith.mulf %add3A_372, %mul3A_378 : vector<128x128xf32>
    %swap3A_380 = arith.constant 768 : index
    %swap3A_381 = arith.constant 0 : index
    %swap3A_382 = vector.load %arg7[%swap3A_380, %swap3A_381] : memref<1024x128xf32, #tpu.memory_space<vmem>>, vector<128x128xf32>
    tpu.vector_store %arg7[%swap3A_380, %swap3A_381], %mul3A_379 {strides = array<i32>} : memref<1024x128xf32, #tpu.memory_space<vmem>>, vector<128x128xf32>,
    %get3A_383 = arith.constant 7 : index
    %get3A_384 = arith.constant 0 : index
    %get3A_385 = vector.load %arg1[%get3A_383, %get3A_384] : memref<8x128xf32, #tpu.memory_space<vmem>>, vector<1x128xf32>
    %broadcast_in_dim3A_386 = vector.shape_cast %get3A_385 : vector<1x128xf32> to vector<1x128xf32>
    %broadcast_in_dim3A_387 = vector.broadcast %broadcast_in_dim3A_386 : vector<1x128xf32> to vector<16x128xf32>
    %sub3A_388 = vector.broadcast %select_n3A : vector<16x1xf32> to vector<16x128xf32>
    %sub3A_389 = arith.subf %broadcast_in_dim3A_387, %sub3A_388 : vector<16x128xf32>
    %mul3A_390 = arith.mulf %sub3A_389, %sub3A_389 : vector<16x128xf32>
    %mul3A_391 = arith.constant -4.050000e-01 : f32
    %mul3A_392 = vector.broadcast %mul3A_391 : f32 to vector<16x128xf32>
    %mul3A_393 = arith.mulf %mul3A_392, %mul3A_390 : vector<16x128xf32>
    %exp3A_394 = math.exp %mul3A_393 : vector<16x128xf32>
    %get3A_395 = arith.constant 0 : index
    %get3A_396 = arith.constant 0 : index
    %get3A_397 = vector.load %arg3[%get3A_395, %get3A_396] : memref<16x128xf32, #tpu.memory_space<vmem>>, vector<16x128xf32>
    %dot_general3A_398 = arith.constant dense<0.000000e+00> : vector<128x128xf32>
    %dot_general3A_399 = tpu.matmul %exp3A_394, %get3A_397, %dot_general3A_398 {dimension_numbers = #tpu.dot_dimension_numbers<[0], [0], [1], [1], [0, 1, 1, 1], [], []>, transpose_lhs_hint = false} : vector<16x128xf32>, vector<16x128xf32>, vector<128x128xf32> -> vector<128x128xf32>
    %get3A_400 = arith.constant 0 : index
    %get3A_401 = arith.constant 0 : index
    %get3A_402 = vector.load %arg4[%get3A_400, %get3A_401] : memref<1x128xf32, #tpu.memory_space<vmem>>, vector<1x128xf32>
    %add3A_403 = vector.broadcast %get3A_402 : vector<1x128xf32> to vector<128x128xf32>
    %add3A_404 = arith.addf %dot_general3A_399, %add3A_403 : vector<128x128xf32>
    %max3A_405 = arith.constant 0.000000e+00 : f32
    %max3A_406 = vector.broadcast %max3A_405 : f32 to vector<128x128xf32>
    %max3A_407 = arith.maximumf %add3A_404, %max3A_406 : vector<128x128xf32>
    %abs3A_408 = math.absf %add3A_404 : vector<128x128xf32>
    %neg3A_409 = arith.constant 0.000000e+00 : f32
    %neg3A_410 = vector.broadcast %neg3A_409 : f32 to vector<128x128xf32>
    %neg3A_411 = arith.subf %neg3A_410, %abs3A_408 : vector<128x128xf32>
    %exp3A_412 = math.exp %neg3A_411 : vector<128x128xf32>
    %log1p3A_413 = math.log1p %exp3A_412 : vector<128x128xf32>
    %add3A_414 = arith.addf %max3A_407, %log1p3A_413 : vector<128x128xf32>
    %sub3A_415 = arith.constant 0.693147182 : f32
    %sub3A_416 = vector.broadcast %sub3A_415 : f32 to vector<128x128xf32>
    %sub3A_417 = arith.subf %add3A_414, %sub3A_416 : vector<128x128xf32>
    %get3A_418 = arith.constant 0 : index
    %get3A_419 = arith.constant 0 : index
    %get3A_420 = vector.load %arg5[%get3A_418, %get3A_419] : memref<128x128xf32, #tpu.memory_space<vmem>>, vector<128x128xf32>
    %dot_general3A_421 = arith.constant dense<0.000000e+00> : vector<128x128xf32>
    %dot_general3A_422 = tpu.matmul %sub3A_417, %get3A_420, %dot_general3A_421 {dimension_numbers = #tpu.dot_dimension_numbers<[1], [0], [0], [1], [0, 0, 1, 1], [], []>, transpose_lhs_hint = false} : vector<128x128xf32>, vector<128x128xf32>, vector<128x128xf32> -> vector<128x128xf32>
    %get3A_423 = arith.constant 0 : index
    %get3A_424 = arith.constant 0 : index
    %get3A_425 = vector.load %arg6[%get3A_423, %get3A_424] : memref<1x128xf32, #tpu.memory_space<vmem>>, vector<1x128xf32>
    %add3A_426 = vector.broadcast %get3A_425 : vector<1x128xf32> to vector<128x128xf32>
    %add3A_427 = arith.addf %dot_general3A_422, %add3A_426 : vector<128x128xf32>
    %get3A_428 = arith.constant 7 : index
    %get3A_429 = arith.constant 0 : index
    %get3A_430 = vector.load %arg2[%get3A_428, %get3A_429] : memref<8x128xf32, #tpu.memory_space<vmem>>, vector<1x128xf32>
    %dot_general3A_431 = arith.constant dense<0.000000e+00> : vector<128x1xf32>
    %dot_general3A_432 = tpu.matmul %convert_element_type3A_1, %get3A_430, %dot_general3A_431 {dimension_numbers = #tpu.dot_dimension_numbers<[1], [1], [0], [0], [0, 0, 1, 0], [], []>, transpose_lhs_hint = false} : vector<128x128xf32>, vector<1x128xf32>, vector<128x1xf32> -> vector<128x1xf32>
    %mul3A_433 = vector.broadcast %dot_general3A_432 : vector<128x1xf32> to vector<128x128xf32>
    %mul3A_434 = arith.mulf %add3A_427, %mul3A_433 : vector<128x128xf32>
    %swap3A_435 = arith.constant 896 : index
    %swap3A_436 = arith.constant 0 : index
    %swap3A_437 = vector.load %arg7[%swap3A_435, %swap3A_436] : memref<1024x128xf32, #tpu.memory_space<vmem>>, vector<128x128xf32>
    tpu.vector_store %arg7[%swap3A_435, %swap3A_436], %mul3A_434 {strides = array<i32>} : memref<1024x128xf32, #tpu.memory_space<vmem>>, vector<128x128xf32>,
    return
  }
  func.func @transform_0(%arg0: i32) -> (i32, i32) {
    %c0_i32 = arith.constant 0 : i32
    %c0_i32_0 = arith.constant 0 : i32
    return %arg0, %c0_i32 : i32, i32
  }
  func.func @transform_1(%arg0: i32) -> (i32, i32) {
    %c0_i32 = arith.constant 0 : i32
    %c0_i32_0 = arith.constant 0 : i32
    return %arg0, %c0_i32 : i32, i32
  }
  func.func @transform_2(%arg0: i32) -> (i32, i32) {
    %c0_i32 = arith.constant 0 : i32
    %c0_i32_0 = arith.constant 0 : i32
    %c0_i32_1 = arith.constant 0 : i32
    return %c0_i32, %c0_i32_0 : i32, i32
  }
  func.func @transform_3(%arg0: i32) -> (i32, i32) {
    %c0_i32 = arith.constant 0 : i32
    %c0_i32_0 = arith.constant 0 : i32
    %c0_i32_1 = arith.constant 0 : i32
    return %c0_i32, %c0_i32_0 : i32, i32
  }
  func.func @transform_4(%arg0: i32) -> (i32, i32) {
    %c0_i32 = arith.constant 0 : i32
    %c0_i32_0 = arith.constant 0 : i32
    %c0_i32_1 = arith.constant 0 : i32
    return %c0_i32, %c0_i32_0 : i32, i32
  }
  func.func @transform_5(%arg0: i32) -> (i32, i32) {
    %c0_i32 = arith.constant 0 : i32
    %c0_i32_0 = arith.constant 0 : i32
    %c0_i32_1 = arith.constant 0 : i32
    return %c0_i32, %c0_i32_0 : i32, i32
  }
  func.func @transform_6(%arg0: i32) -> (i32, i32) {
    %c0_i32 = arith.constant 0 : i32
    %c0_i32_0 = arith.constant 0 : i32
    return %arg0, %c0_i32 : i32, i32
  }
}

module attributes {stable_mosaic.version = 14 : i64} {
  func.func @_tc_update_body(%arg0: i32, %arg1: memref<1024x128xf32, #tpu.memory_space<vmem>>, %arg2: memref<1024x128xf32, #tpu.memory_space<vmem>>, %arg3: memref<1024x128xf32, #tpu.memory_space<vmem>>, %arg4: memref<128x128xf32, #tpu.memory_space<vmem>>, %arg5: memref<1x128xf32, #tpu.memory_space<vmem>>, %arg6: memref<128x128xf32, #tpu.memory_space<vmem>>, %arg7: memref<1x128xf32, #tpu.memory_space<vmem>>, %arg8: memref<128x128xf32, #tpu.memory_space<vmem>>, %arg9: memref<1024x128xf32, #tpu.memory_space<vmem>>, %arg10: memref<1024x128xf32, #tpu.memory_space<vmem>>) attributes {dimension_semantics = [#tpu.dimension_semantics<arbitrary>], iteration_bounds = array<i64: 10>, scalar_prefetch = 0 : i64, scratch_operands = 0 : i64, tpu.core_type = #tpu.core_type<tc>, window_params = [{transform_indices = @transform_0, window_bounds = array<i64: 1024, 128>}, {transform_indices = @transform_1, window_bounds = array<i64: 1024, 128>}, {transform_indices = @transform_2, window_bounds = array<i64: 1024, 128>}, {pipeline_mode = #tpu.pipeline_mode<synchronous>, transform_indices = @transform_3, window_bounds = array<i64: 128, 128>}, {pipeline_mode = #tpu.pipeline_mode<synchronous>, transform_indices = @transform_4, window_bounds = array<i64: 1, 128>}, {pipeline_mode = #tpu.pipeline_mode<synchronous>, transform_indices = @transform_5, window_bounds = array<i64: 128, 128>}, {pipeline_mode = #tpu.pipeline_mode<synchronous>, transform_indices = @transform_6, window_bounds = array<i64: 1, 128>}, {pipeline_mode = #tpu.pipeline_mode<synchronous>, transform_indices = @transform_7, window_bounds = array<i64: 128, 128>}, {transform_indices = @transform_8, window_bounds = array<i64: 1024, 128>}, {transform_indices = @transform_9, window_bounds = array<i64: 1024, 128>}]} {
    %get3A = arith.constant 0 : index
    %get3A_0 = arith.constant 0 : index
    %get3A_1 = vector.load %arg1[%get3A, %get3A_0] : memref<1024x128xf32, #tpu.memory_space<vmem>>, vector<1024x128xf32>
    %get3A_2 = arith.constant 0 : index
    %get3A_3 = arith.constant 0 : index
    %get3A_4 = vector.load %arg2[%get3A_2, %get3A_3] : memref<1024x128xf32, #tpu.memory_space<vmem>>, vector<1024x128xf32>
    %add3A = arith.addf %get3A_1, %get3A_4 : vector<1024x128xf32>
    %get3A_5 = arith.constant 0 : index
    %get3A_6 = arith.constant 0 : index
    %get3A_7 = vector.load %arg4[%get3A_5, %get3A_6] : memref<128x128xf32, #tpu.memory_space<vmem>>, vector<128x128xf32>
    %dot_general3A = arith.constant dense<0.000000e+00> : vector<1024x128xf32>
    %dot_general3A_8 = tpu.matmul %add3A, %get3A_7, %dot_general3A {dimension_numbers = #tpu.dot_dimension_numbers<[1], [0], [0], [1], [0, 0, 1, 1], [], []>, transpose_lhs_hint = false} : vector<1024x128xf32>, vector<128x128xf32>, vector<1024x128xf32> -> vector<1024x128xf32>
    %get3A_9 = arith.constant 0 : index
    %get3A_10 = arith.constant 0 : index
    %get3A_11 = vector.load %arg5[%get3A_9, %get3A_10] : memref<1x128xf32, #tpu.memory_space<vmem>>, vector<1x128xf32>
    %add3A_12 = vector.broadcast %get3A_11 : vector<1x128xf32> to vector<1024x128xf32>
    %add3A_13 = arith.addf %dot_general3A_8, %add3A_12 : vector<1024x128xf32>
    %max3A = arith.constant 0.000000e+00 : f32
    %max3A_14 = vector.broadcast %max3A : f32 to vector<1024x128xf32>
    %max3A_15 = arith.maximumf %add3A_13, %max3A_14 : vector<1024x128xf32>
    %abs3A = math.absf %add3A_13 : vector<1024x128xf32>
    %neg3A = arith.constant 0.000000e+00 : f32
    %neg3A_16 = vector.broadcast %neg3A : f32 to vector<1024x128xf32>
    %neg3A_17 = arith.subf %neg3A_16, %abs3A : vector<1024x128xf32>
    %exp3A = math.exp %neg3A_17 : vector<1024x128xf32>
    %log1p3A = math.log1p %exp3A : vector<1024x128xf32>
    %add3A_18 = arith.addf %max3A_15, %log1p3A : vector<1024x128xf32>
    %sub3A = arith.constant 0.693147182 : f32
    %sub3A_19 = vector.broadcast %sub3A : f32 to vector<1024x128xf32>
    %sub3A_20 = arith.subf %add3A_18, %sub3A_19 : vector<1024x128xf32>
    %get3A_21 = arith.constant 0 : index
    %get3A_22 = arith.constant 0 : index
    %get3A_23 = vector.load %arg6[%get3A_21, %get3A_22] : memref<128x128xf32, #tpu.memory_space<vmem>>, vector<128x128xf32>
    %dot_general3A_24 = arith.constant dense<0.000000e+00> : vector<1024x128xf32>
    %dot_general3A_25 = tpu.matmul %sub3A_20, %get3A_23, %dot_general3A_24 {dimension_numbers = #tpu.dot_dimension_numbers<[1], [0], [0], [1], [0, 0, 1, 1], [], []>, transpose_lhs_hint = false} : vector<1024x128xf32>, vector<128x128xf32>, vector<1024x128xf32> -> vector<1024x128xf32>
    %get3A_26 = arith.constant 0 : index
    %get3A_27 = arith.constant 0 : index
    %get3A_28 = vector.load %arg7[%get3A_26, %get3A_27] : memref<1x128xf32, #tpu.memory_space<vmem>>, vector<1x128xf32>
    %add3A_29 = vector.broadcast %get3A_28 : vector<1x128xf32> to vector<1024x128xf32>
    %add3A_30 = arith.addf %dot_general3A_25, %add3A_29 : vector<1024x128xf32>
    %get3A_31 = arith.constant 0 : index
    %get3A_32 = arith.constant 0 : index
    %get3A_33 = vector.load %arg3[%get3A_31, %get3A_32] : memref<1024x128xf32, #tpu.memory_space<vmem>>, vector<1024x128xf32>
    %add3A_34 = arith.addf %get3A_33, %add3A_30 : vector<1024x128xf32>
    %swap3A = arith.constant 0 : index
    %swap3A_35 = arith.constant 0 : index
    %swap3A_36 = vector.load %arg9[%swap3A, %swap3A_35] : memref<1024x128xf32, #tpu.memory_space<vmem>>, vector<1024x128xf32>
    tpu.vector_store %arg9[%swap3A, %swap3A_35], %add3A_34 {strides = array<i32>} : memref<1024x128xf32, #tpu.memory_space<vmem>>, vector<1024x128xf32>,
    %get3A_37 = arith.constant 0 : index
    %get3A_38 = arith.constant 0 : index
    %get3A_39 = vector.load %arg8[%get3A_37, %get3A_38] : memref<128x128xf32, #tpu.memory_space<vmem>>, vector<128x128xf32>
    %dot_general3A_40 = arith.constant dense<0.000000e+00> : vector<1024x128xf32>
    %dot_general3A_41 = tpu.matmul %add3A_34, %get3A_39, %dot_general3A_40 {dimension_numbers = #tpu.dot_dimension_numbers<[1], [0], [0], [1], [0, 0, 1, 1], [], []>, transpose_lhs_hint = false} : vector<1024x128xf32>, vector<128x128xf32>, vector<1024x128xf32> -> vector<1024x128xf32>
    %swap3A_42 = arith.constant 0 : index
    %swap3A_43 = arith.constant 0 : index
    %swap3A_44 = vector.load %arg10[%swap3A_42, %swap3A_43] : memref<1024x128xf32, #tpu.memory_space<vmem>>, vector<1024x128xf32>
    tpu.vector_store %arg10[%swap3A_42, %swap3A_43], %dot_general3A_41 {strides = array<i32>} : memref<1024x128xf32, #tpu.memory_space<vmem>>, vector<1024x128xf32>,
    return
  }
  func.func @transform_0(%arg0: i32) -> (i32, i32) {
    %c0_i32 = arith.constant 0 : i32
    %c0_i32_0 = arith.constant 0 : i32
    return %arg0, %c0_i32 : i32, i32
  }
  func.func @transform_1(%arg0: i32) -> (i32, i32) {
    %c0_i32 = arith.constant 0 : i32
    %c0_i32_0 = arith.constant 0 : i32
    return %arg0, %c0_i32 : i32, i32
  }
  func.func @transform_2(%arg0: i32) -> (i32, i32) {
    %c0_i32 = arith.constant 0 : i32
    %c0_i32_0 = arith.constant 0 : i32
    return %arg0, %c0_i32 : i32, i32
  }
  func.func @transform_3(%arg0: i32) -> (i32, i32) {
    %c0_i32 = arith.constant 0 : i32
    %c0_i32_0 = arith.constant 0 : i32
    %c0_i32_1 = arith.constant 0 : i32
    return %c0_i32, %c0_i32_0 : i32, i32
  }
  func.func @transform_4(%arg0: i32) -> (i32, i32) {
    %c0_i32 = arith.constant 0 : i32
    %c0_i32_0 = arith.constant 0 : i32
    %c0_i32_1 = arith.constant 0 : i32
    return %c0_i32, %c0_i32_0 : i32, i32
  }
  func.func @transform_5(%arg0: i32) -> (i32, i32) {
    %c0_i32 = arith.constant 0 : i32
    %c0_i32_0 = arith.constant 0 : i32
    %c0_i32_1 = arith.constant 0 : i32
    return %c0_i32, %c0_i32_0 : i32, i32
  }
  func.func @transform_6(%arg0: i32) -> (i32, i32) {
    %c0_i32 = arith.constant 0 : i32
    %c0_i32_0 = arith.constant 0 : i32
    %c0_i32_1 = arith.constant 0 : i32
    return %c0_i32, %c0_i32_0 : i32, i32
  }
  func.func @transform_7(%arg0: i32) -> (i32, i32) {
    %c0_i32 = arith.constant 0 : i32
    %c0_i32_0 = arith.constant 0 : i32
    %c0_i32_1 = arith.constant 0 : i32
    return %c0_i32, %c0_i32_0 : i32, i32
  }
  func.func @transform_8(%arg0: i32) -> (i32, i32) {
    %c0_i32 = arith.constant 0 : i32
    %c0_i32_0 = arith.constant 0 : i32
    return %arg0, %c0_i32 : i32, i32
  }
  func.func @transform_9(%arg0: i32) -> (i32, i32) {
    %c0_i32 = arith.constant 0 : i32
    %c0_i32_0 = arith.constant 0 : i32
    return %arg0, %c0_i32 : i32, i32
  }
}

module attributes {stable_mosaic.version = 14 : i64} {
  func.func @_tc_update_body(%arg0: i32, %arg1: memref<1024x128xf32, #tpu.memory_space<vmem>>, %arg2: memref<1024x128xf32, #tpu.memory_space<vmem>>, %arg3: memref<1024x128xf32, #tpu.memory_space<vmem>>, %arg4: memref<128x128xf32, #tpu.memory_space<vmem>>, %arg5: memref<1x128xf32, #tpu.memory_space<vmem>>, %arg6: memref<128x128xf32, #tpu.memory_space<vmem>>, %arg7: memref<1x128xf32, #tpu.memory_space<vmem>>, %arg8: memref<128x128xf32, #tpu.memory_space<vmem>>, %arg9: memref<1024x128xf32, #tpu.memory_space<vmem>>, %arg10: memref<1024x128xf32, #tpu.memory_space<vmem>>) attributes {dimension_semantics = [#tpu.dimension_semantics<arbitrary>], iteration_bounds = array<i64: 10>, scalar_prefetch = 0 : i64, scratch_operands = 0 : i64, tpu.core_type = #tpu.core_type<tc>, window_params = [{transform_indices = @transform_0, window_bounds = array<i64: 1024, 128>}, {transform_indices = @transform_1, window_bounds = array<i64: 1024, 128>}, {transform_indices = @transform_2, window_bounds = array<i64: 1024, 128>}, {pipeline_mode = #tpu.pipeline_mode<synchronous>, transform_indices = @transform_3, window_bounds = array<i64: 128, 128>}, {pipeline_mode = #tpu.pipeline_mode<synchronous>, transform_indices = @transform_4, window_bounds = array<i64: 1, 128>}, {pipeline_mode = #tpu.pipeline_mode<synchronous>, transform_indices = @transform_5, window_bounds = array<i64: 128, 128>}, {pipeline_mode = #tpu.pipeline_mode<synchronous>, transform_indices = @transform_6, window_bounds = array<i64: 1, 128>}, {pipeline_mode = #tpu.pipeline_mode<synchronous>, transform_indices = @transform_7, window_bounds = array<i64: 128, 128>}, {transform_indices = @transform_8, window_bounds = array<i64: 1024, 128>}, {transform_indices = @transform_9, window_bounds = array<i64: 1024, 128>}]} {
    %get3A = arith.constant 0 : index
    %get3A_0 = arith.constant 0 : index
    %get3A_1 = vector.load %arg1[%get3A, %get3A_0] : memref<1024x128xf32, #tpu.memory_space<vmem>>, vector<1024x128xf32>
    %get3A_2 = arith.constant 0 : index
    %get3A_3 = arith.constant 0 : index
    %get3A_4 = vector.load %arg2[%get3A_2, %get3A_3] : memref<1024x128xf32, #tpu.memory_space<vmem>>, vector<1024x128xf32>
    %add3A = arith.addf %get3A_1, %get3A_4 : vector<1024x128xf32>
    %get3A_5 = arith.constant 0 : index
    %get3A_6 = arith.constant 0 : index
    %get3A_7 = vector.load %arg4[%get3A_5, %get3A_6] : memref<128x128xf32, #tpu.memory_space<vmem>>, vector<128x128xf32>
    %dot_general3A = arith.constant dense<0.000000e+00> : vector<1024x128xf32>
    %dot_general3A_8 = tpu.matmul %add3A, %get3A_7, %dot_general3A {dimension_numbers = #tpu.dot_dimension_numbers<[1], [0], [0], [1], [0, 0, 1, 1], [], []>, transpose_lhs_hint = false} : vector<1024x128xf32>, vector<128x128xf32>, vector<1024x128xf32> -> vector<1024x128xf32>
    %get3A_9 = arith.constant 0 : index
    %get3A_10 = arith.constant 0 : index
    %get3A_11 = vector.load %arg5[%get3A_9, %get3A_10] : memref<1x128xf32, #tpu.memory_space<vmem>>, vector<1x128xf32>
    %add3A_12 = vector.broadcast %get3A_11 : vector<1x128xf32> to vector<1024x128xf32>
    %add3A_13 = arith.addf %dot_general3A_8, %add3A_12 : vector<1024x128xf32>
    %max3A = arith.constant 0.000000e+00 : f32
    %max3A_14 = vector.broadcast %max3A : f32 to vector<1024x128xf32>
    %max3A_15 = arith.maximumf %add3A_13, %max3A_14 : vector<1024x128xf32>
    %abs3A = math.absf %add3A_13 : vector<1024x128xf32>
    %neg3A = arith.constant 0.000000e+00 : f32
    %neg3A_16 = vector.broadcast %neg3A : f32 to vector<1024x128xf32>
    %neg3A_17 = arith.subf %neg3A_16, %abs3A : vector<1024x128xf32>
    %exp3A = math.exp %neg3A_17 : vector<1024x128xf32>
    %log1p3A = math.log1p %exp3A : vector<1024x128xf32>
    %add3A_18 = arith.addf %max3A_15, %log1p3A : vector<1024x128xf32>
    %sub3A = arith.constant 0.693147182 : f32
    %sub3A_19 = vector.broadcast %sub3A : f32 to vector<1024x128xf32>
    %sub3A_20 = arith.subf %add3A_18, %sub3A_19 : vector<1024x128xf32>
    %get3A_21 = arith.constant 0 : index
    %get3A_22 = arith.constant 0 : index
    %get3A_23 = vector.load %arg6[%get3A_21, %get3A_22] : memref<128x128xf32, #tpu.memory_space<vmem>>, vector<128x128xf32>
    %dot_general3A_24 = arith.constant dense<0.000000e+00> : vector<1024x128xf32>
    %dot_general3A_25 = tpu.matmul %sub3A_20, %get3A_23, %dot_general3A_24 {dimension_numbers = #tpu.dot_dimension_numbers<[1], [0], [0], [1], [0, 0, 1, 1], [], []>, transpose_lhs_hint = false} : vector<1024x128xf32>, vector<128x128xf32>, vector<1024x128xf32> -> vector<1024x128xf32>
    %get3A_26 = arith.constant 0 : index
    %get3A_27 = arith.constant 0 : index
    %get3A_28 = vector.load %arg7[%get3A_26, %get3A_27] : memref<1x128xf32, #tpu.memory_space<vmem>>, vector<1x128xf32>
    %add3A_29 = vector.broadcast %get3A_28 : vector<1x128xf32> to vector<1024x128xf32>
    %add3A_30 = arith.addf %dot_general3A_25, %add3A_29 : vector<1024x128xf32>
    %get3A_31 = arith.constant 0 : index
    %get3A_32 = arith.constant 0 : index
    %get3A_33 = vector.load %arg3[%get3A_31, %get3A_32] : memref<1024x128xf32, #tpu.memory_space<vmem>>, vector<1024x128xf32>
    %add3A_34 = arith.addf %get3A_33, %add3A_30 : vector<1024x128xf32>
    %swap3A = arith.constant 0 : index
    %swap3A_35 = arith.constant 0 : index
    %swap3A_36 = vector.load %arg9[%swap3A, %swap3A_35] : memref<1024x128xf32, #tpu.memory_space<vmem>>, vector<1024x128xf32>
    tpu.vector_store %arg9[%swap3A, %swap3A_35], %add3A_34 {strides = array<i32>} : memref<1024x128xf32, #tpu.memory_space<vmem>>, vector<1024x128xf32>,
    %get3A_37 = arith.constant 0 : index
    %get3A_38 = arith.constant 0 : index
    %get3A_39 = vector.load %arg8[%get3A_37, %get3A_38] : memref<128x128xf32, #tpu.memory_space<vmem>>, vector<128x128xf32>
    %dot_general3A_40 = arith.constant dense<0.000000e+00> : vector<1024x128xf32>
    %dot_general3A_41 = tpu.matmul %add3A_34, %get3A_39, %dot_general3A_40 {dimension_numbers = #tpu.dot_dimension_numbers<[1], [0], [0], [1], [0, 0, 1, 1], [], []>, transpose_lhs_hint = false} : vector<1024x128xf32>, vector<128x128xf32>, vector<1024x128xf32> -> vector<1024x128xf32>
    %swap3A_42 = arith.constant 0 : index
    %swap3A_43 = arith.constant 0 : index
    %swap3A_44 = vector.load %arg10[%swap3A_42, %swap3A_43] : memref<1024x128xf32, #tpu.memory_space<vmem>>, vector<1024x128xf32>
    tpu.vector_store %arg10[%swap3A_42, %swap3A_43], %dot_general3A_41 {strides = array<i32>} : memref<1024x128xf32, #tpu.memory_space<vmem>>, vector<1024x128xf32>,
    return
  }
  func.func @transform_0(%arg0: i32) -> (i32, i32) {
    %c0_i32 = arith.constant 0 : i32
    %c0_i32_0 = arith.constant 0 : i32
    return %arg0, %c0_i32 : i32, i32
  }
  func.func @transform_1(%arg0: i32) -> (i32, i32) {
    %c0_i32 = arith.constant 0 : i32
    %c0_i32_0 = arith.constant 0 : i32
    return %arg0, %c0_i32 : i32, i32
  }
  func.func @transform_2(%arg0: i32) -> (i32, i32) {
    %c0_i32 = arith.constant 0 : i32
    %c0_i32_0 = arith.constant 0 : i32
    return %arg0, %c0_i32 : i32, i32
  }
  func.func @transform_3(%arg0: i32) -> (i32, i32) {
    %c0_i32 = arith.constant 0 : i32
    %c0_i32_0 = arith.constant 0 : i32
    %c0_i32_1 = arith.constant 0 : i32
    return %c0_i32, %c0_i32_0 : i32, i32
  }
  func.func @transform_4(%arg0: i32) -> (i32, i32) {
    %c0_i32 = arith.constant 0 : i32
    %c0_i32_0 = arith.constant 0 : i32
    %c0_i32_1 = arith.constant 0 : i32
    return %c0_i32, %c0_i32_0 : i32, i32
  }
  func.func @transform_5(%arg0: i32) -> (i32, i32) {
    %c0_i32 = arith.constant 0 : i32
    %c0_i32_0 = arith.constant 0 : i32
    %c0_i32_1 = arith.constant 0 : i32
    return %c0_i32, %c0_i32_0 : i32, i32
  }
  func.func @transform_6(%arg0: i32) -> (i32, i32) {
    %c0_i32 = arith.constant 0 : i32
    %c0_i32_0 = arith.constant 0 : i32
    %c0_i32_1 = arith.constant 0 : i32
    return %c0_i32, %c0_i32_0 : i32, i32
  }
  func.func @transform_7(%arg0: i32) -> (i32, i32) {
    %c0_i32 = arith.constant 0 : i32
    %c0_i32_0 = arith.constant 0 : i32
    %c0_i32_1 = arith.constant 0 : i32
    return %c0_i32, %c0_i32_0 : i32, i32
  }
  func.func @transform_8(%arg0: i32) -> (i32, i32) {
    %c0_i32 = arith.constant 0 : i32
    %c0_i32_0 = arith.constant 0 : i32
    return %arg0, %c0_i32 : i32, i32
  }
  func.func @transform_9(%arg0: i32) -> (i32, i32) {
    %c0_i32 = arith.constant 0 : i32
    %c0_i32_0 = arith.constant 0 : i32
    return %arg0, %c0_i32 : i32, i32
  }
}

module attributes {stable_mosaic.version = 14 : i64} {
  func.func @_tc_readout_body(%arg0: i32, %arg1: memref<1024x128xf32, #tpu.memory_space<vmem>>, %arg2: memref<1x128xf32, #tpu.memory_space<vmem>>, %arg3: memref<128x128xf32, #tpu.memory_space<vmem>>, %arg4: memref<1x128xf32, #tpu.memory_space<vmem>>, %arg5: memref<1024x1xi32, #tpu.memory_space<vmem>>, %arg6: memref<128x1xf32, #tpu.memory_space<vmem>>, %arg7: memref<1x1xf32, #tpu.memory_space<vmem>>, %arg8: memref<64x1xf32, #tpu.memory_space<vmem>>, %arg9: memref<64x128xf32, #tpu.memory_space<vmem>>) attributes {dimension_semantics = [#tpu.dimension_semantics<arbitrary>], iteration_bounds = array<i64: 10>, scalar_prefetch = 0 : i64, scratch_operands = 1 : i64, tpu.core_type = #tpu.core_type<tc>, window_params = [{transform_indices = @transform_0, window_bounds = array<i64: 1024, 128>}, {pipeline_mode = #tpu.pipeline_mode<synchronous>, transform_indices = @transform_1, window_bounds = array<i64: 1, 128>}, {pipeline_mode = #tpu.pipeline_mode<synchronous>, transform_indices = @transform_2, window_bounds = array<i64: 128, 128>}, {pipeline_mode = #tpu.pipeline_mode<synchronous>, transform_indices = @transform_3, window_bounds = array<i64: 1, 128>}, {transform_indices = @transform_4, window_bounds = array<i64: 1024, 1>}, {pipeline_mode = #tpu.pipeline_mode<synchronous>, transform_indices = @transform_5, window_bounds = array<i64: 128, 1>}, {pipeline_mode = #tpu.pipeline_mode<synchronous>, transform_indices = @transform_6, window_bounds = array<i64: 1, 1>}, {pipeline_mode = #tpu.pipeline_mode<synchronous>, transform_indices = @transform_7, window_bounds = array<i64: 64, 1>}]} {
    %get3A = arith.constant 0 : index
    %get3A_0 = arith.constant 0 : index
    %get3A_1 = vector.load %arg1[%get3A, %get3A_0] : memref<1024x128xf32, #tpu.memory_space<vmem>>, vector<1024x128xf32>
    %get3A_2 = arith.constant 0 : index
    %get3A_3 = arith.constant 0 : index
    %get3A_4 = vector.load %arg2[%get3A_2, %get3A_3] : memref<1x128xf32, #tpu.memory_space<vmem>>, vector<1x128xf32>
    %add3A = vector.broadcast %get3A_4 : vector<1x128xf32> to vector<1024x128xf32>
    %add3A_5 = arith.addf %get3A_1, %add3A : vector<1024x128xf32>
    %max3A = arith.constant 0.000000e+00 : f32
    %max3A_6 = vector.broadcast %max3A : f32 to vector<1024x128xf32>
    %max3A_7 = arith.maximumf %add3A_5, %max3A_6 : vector<1024x128xf32>
    %abs3A = math.absf %add3A_5 : vector<1024x128xf32>
    %neg3A = arith.constant 0.000000e+00 : f32
    %neg3A_8 = vector.broadcast %neg3A : f32 to vector<1024x128xf32>
    %neg3A_9 = arith.subf %neg3A_8, %abs3A : vector<1024x128xf32>
    %exp3A = math.exp %neg3A_9 : vector<1024x128xf32>
    %log1p3A = math.log1p %exp3A : vector<1024x128xf32>
    %add3A_10 = arith.addf %max3A_7, %log1p3A : vector<1024x128xf32>
    %sub3A = arith.constant 0.693147182 : f32
    %sub3A_11 = vector.broadcast %sub3A : f32 to vector<1024x128xf32>
    %sub3A_12 = arith.subf %add3A_10, %sub3A_11 : vector<1024x128xf32>
    %get3A_13 = arith.constant 0 : index
    %get3A_14 = arith.constant 0 : index
    %get3A_15 = vector.load %arg3[%get3A_13, %get3A_14] : memref<128x128xf32, #tpu.memory_space<vmem>>, vector<128x128xf32>
    %dot_general3A = arith.constant dense<0.000000e+00> : vector<1024x128xf32>
    %dot_general3A_16 = tpu.matmul %sub3A_12, %get3A_15, %dot_general3A {dimension_numbers = #tpu.dot_dimension_numbers<[1], [0], [0], [1], [0, 0, 1, 1], [], []>, transpose_lhs_hint = false} : vector<1024x128xf32>, vector<128x128xf32>, vector<1024x128xf32> -> vector<1024x128xf32>
    %get3A_17 = arith.constant 0 : index
    %get3A_18 = arith.constant 0 : index
    %get3A_19 = vector.load %arg4[%get3A_17, %get3A_18] : memref<1x128xf32, #tpu.memory_space<vmem>>, vector<1x128xf32>
    %add3A_20 = vector.broadcast %get3A_19 : vector<1x128xf32> to vector<1024x128xf32>
    %add3A_21 = arith.addf %dot_general3A_16, %add3A_20 : vector<1024x128xf32>
    %get3A_22 = arith.constant 0 : index
    %get3A_23 = arith.constant 0 : index
    %get3A_24 = vector.load %arg5[%get3A_22, %get3A_23] : memref<1024x1xi32, #tpu.memory_space<vmem>>, vector<1024x1xi32>
    %iota3A = tpu.iota {dimensions = array<i32: 1>} : vector<1x64xi32>
    %eq3A = vector.broadcast %get3A_24 : vector<1024x1xi32> to vector<1024x64xi32>
    %eq3A_25 = vector.broadcast %iota3A : vector<1x64xi32> to vector<1024x64xi32>
    %eq3A_26 = arith.cmpi eq, %eq3A, %eq3A_25 : vector<1024x64xi32>
    %convert_element_type3A = arith.extui %eq3A_26 : vector<1024x64xi1> to vector<1024x64xi32>
    %convert_element_type3A_27 = arith.sitofp %convert_element_type3A : vector<1024x64xi32> to vector<1024x64xf32>
    %dot_general3A_28 = arith.constant dense<0.000000e+00> : vector<64x128xf32>
    %dot_general3A_29 = tpu.matmul %convert_element_type3A_27, %add3A_21, %dot_general3A_28 {dimension_numbers = #tpu.dot_dimension_numbers<[0], [0], [1], [1], [0, 1, 1, 1], [], []>, transpose_lhs_hint = false} : vector<1024x64xf32>, vector<1024x128xf32>, vector<64x128xf32> -> vector<64x128xf32>
    %eq3A_30 = arith.constant 0 : i32
    %eq3A_31 = arith.cmpi eq, %arg0, %eq3A_30 : i32
    %convert_element_type3A_32 = arith.extui %eq3A_31 : i1 to i32
    %cond3A = arith.constant 0 : i32
    %cond3A_33 = arith.cmpi ne, %convert_element_type3A_32, %cond3A : i32
    scf.if %cond3A_33 {
      %swap3A = arith.constant 0 : index
      %swap3A_43 = arith.constant 0 : index
      %swap3A_44 = vector.load %arg9[%swap3A, %swap3A_43] : memref<64x128xf32, #tpu.memory_space<vmem>>, vector<64x128xf32>
      tpu.vector_store %arg9[%swap3A, %swap3A_43], %dot_general3A_29 {strides = array<i32>} : memref<64x128xf32, #tpu.memory_space<vmem>>, vector<64x128xf32>,
    } else {
    }
    %gt3A = arith.constant 0 : i32
    %gt3A_34 = arith.cmpi sgt, %arg0, %gt3A : i32
    %convert_element_type3A_35 = arith.extui %gt3A_34 : i1 to i32
    %cond3A_36 = arith.constant 0 : i32
    %cond3A_37 = arith.cmpi ne, %convert_element_type3A_35, %cond3A_36 : i32
    scf.if %cond3A_37 {
      %get3A_43 = arith.constant 0 : index
      %get3A_44 = arith.constant 0 : index
      %get3A_45 = vector.load %arg9[%get3A_43, %get3A_44] : memref<64x128xf32, #tpu.memory_space<vmem>>, vector<64x128xf32>
      %add3A_46 = arith.addf %get3A_45, %dot_general3A_29 : vector<64x128xf32>
      %swap3A = arith.constant 0 : index
      %swap3A_47 = arith.constant 0 : index
      %swap3A_48 = vector.load %arg9[%swap3A, %swap3A_47] : memref<64x128xf32, #tpu.memory_space<vmem>>, vector<64x128xf32>
      tpu.vector_store %arg9[%swap3A, %swap3A_47], %add3A_46 {strides = array<i32>} : memref<64x128xf32, #tpu.memory_space<vmem>>, vector<64x128xf32>,
    } else {
    }
    %eq3A_38 = arith.constant 9 : i32
    %eq3A_39 = arith.cmpi eq, %arg0, %eq3A_38 : i32
    %convert_element_type3A_40 = arith.extui %eq3A_39 : i1 to i32
    %cond3A_41 = arith.constant 0 : i32
    %cond3A_42 = arith.cmpi ne, %convert_element_type3A_40, %cond3A_41 : i32
    scf.if %cond3A_42 {
      %get3A_43 = arith.constant 0 : index
      %get3A_44 = arith.constant 0 : index
      %get3A_45 = vector.load %arg9[%get3A_43, %get3A_44] : memref<64x128xf32, #tpu.memory_space<vmem>>, vector<64x128xf32>
      %get3A_46 = arith.constant 0 : index
      %get3A_47 = arith.constant 0 : index
      %get3A_48 = vector.load %arg6[%get3A_46, %get3A_47] : memref<128x1xf32, #tpu.memory_space<vmem>>, vector<128x1xf32>
      %dot_general3A_49 = arith.constant dense<0.000000e+00> : vector<64x1xf32>
      %dot_general3A_50 = tpu.matmul %get3A_45, %get3A_48, %dot_general3A_49 {dimension_numbers = #tpu.dot_dimension_numbers<[1], [0], [0], [1], [0, 0, 1, 1], [], []>, transpose_lhs_hint = false} : vector<64x128xf32>, vector<128x1xf32>, vector<64x1xf32> -> vector<64x1xf32>
      %get3A_51 = arith.constant 0 : index
      %get3A_52 = arith.constant 0 : index
      %get3A_53 = vector.load %arg7[%get3A_51, %get3A_52] : memref<1x1xf32, #tpu.memory_space<vmem>>, vector<1x1xf32>
      %add3A_54 = vector.broadcast %get3A_53 : vector<1x1xf32> to vector<64x1xf32>
      %add3A_55 = arith.addf %dot_general3A_50, %add3A_54 : vector<64x1xf32>
      %swap3A = arith.constant 0 : index
      %swap3A_56 = arith.constant 0 : index
      %swap3A_57 = vector.load %arg8[%swap3A, %swap3A_56] : memref<64x1xf32, #tpu.memory_space<vmem>>, vector<64x1xf32>
      tpu.vector_store %arg8[%swap3A, %swap3A_56], %add3A_55 {strides = array<i32>} : memref<64x1xf32, #tpu.memory_space<vmem>>, vector<64x1xf32>,
    } else {
    }
    return
  }
  func.func @transform_0(%arg0: i32) -> (i32, i32) {
    %c0_i32 = arith.constant 0 : i32
    %c0_i32_0 = arith.constant 0 : i32
    return %arg0, %c0_i32 : i32, i32
  }
  func.func @transform_1(%arg0: i32) -> (i32, i32) {
    %c0_i32 = arith.constant 0 : i32
    %c0_i32_0 = arith.constant 0 : i32
    %c0_i32_1 = arith.constant 0 : i32
    return %c0_i32, %c0_i32_0 : i32, i32
  }
  func.func @transform_2(%arg0: i32) -> (i32, i32) {
    %c0_i32 = arith.constant 0 : i32
    %c0_i32_0 = arith.constant 0 : i32
    %c0_i32_1 = arith.constant 0 : i32
    return %c0_i32, %c0_i32_0 : i32, i32
  }
  func.func @transform_3(%arg0: i32) -> (i32, i32) {
    %c0_i32 = arith.constant 0 : i32
    %c0_i32_0 = arith.constant 0 : i32
    %c0_i32_1 = arith.constant 0 : i32
    return %c0_i32, %c0_i32_0 : i32, i32
  }
  func.func @transform_4(%arg0: i32) -> (i32, i32) {
    %c0_i32 = arith.constant 0 : i32
    %c0_i32_0 = arith.constant 0 : i32
    return %arg0, %c0_i32 : i32, i32
  }
  func.func @transform_5(%arg0: i32) -> (i32, i32) {
    %c0_i32 = arith.constant 0 : i32
    %c0_i32_0 = arith.constant 0 : i32
    %c0_i32_1 = arith.constant 0 : i32
    return %c0_i32, %c0_i32_0 : i32, i32
  }
  func.func @transform_6(%arg0: i32) -> (i32, i32) {
    %c0_i32 = arith.constant 0 : i32
    %c0_i32_0 = arith.constant 0 : i32
    %c0_i32_1 = arith.constant 0 : i32
    return %c0_i32, %c0_i32_0 : i32, i32
  }
  func.func @transform_7(%arg0: i32) -> (i32, i32) {
    %c0_i32 = arith.constant 0 : i32
    %c0_i32_0 = arith.constant 0 : i32
    %c0_i32_1 = arith.constant 0 : i32
    return %c0_i32, %c0_i32_0 : i32, i32
  }
}

</mosaic_0001>

<sc_bundles>
// kernel: kernel.12.cloned.1.call-start
scs
__scs_entry_jumppad:
0x0: {  	(pc) =	sbr.rel $0x88, $3  }
0x1: {  	(tag) =	ssettag $0x0;
	lr =	simm.s32 $0x1  }
0x2: {  	[smem:$0x3F84] =	sst lr;
	_ =	strace $0xD0000000  }
0x3: {  	_ = 	snop  }
0x4: {  	_ = 	snop  }
0x5: {  	_ = 	snop  }
0x6: {  	_ = 	snop  }
0x7: {  	_ = 	snop  }
__scs_overlays_trampoline_lowered:
0x8: {  	[smem:$0x3F93] =	sst s0  }
0x9: {  	[smem:$0x3F94] =	sst s1  }
0xa: {  	[smem:$0x3F95] =	sst s2  }
0xb: {  	[smem:$0x3F96] =	sst s3  }
0xc: {  	[smem:$0x3F97] =	sst s4  }
0xd: {  	[smem:$0x3F98] =	sst s5  }
0xe: {  	[smem:$0x3F99] =	sst s6  }
0xf: {  	[smem:$0x3F9A] =	sst s7  }
0x10: {  	[smem:$0x3F9B] =	sst s8  }
0x11: {  	[smem:$0x3F9C] =	sst s9;
	s0 =	simm.s32 @!p0 $0x0  }
0x12: {  	s1 =	sld [smem:$0x3F82];
	s0 =	simm.s32 @p0 $0x1  }
0x13: {  	[smem:$0x3F9D] =	sst s0;
	s0 =	simm.s32 @!p1 $0x0  }
0x14: {  	s2 =	sld [smem:$0x3F81];
	s0 =	simm.s32 @p1 $0x1  }
0x15: {  	[smem:$0x3F9E] =	sst s0;
	s0 =	simm.s32 @!p2 $0x0  }
0x16: {  	s3 =	sld [smem:$0x3FDB];
	s0 =	simm.s32 @p2 $0x1  }
0x17: {  	s4 =	simm.s32 $0x1BF5;
	[smem:$0x3FA0] =	sst s0  }
0x18: {  	s0 =	sld [smem:$0x3F83];
	_ =	swait.ge [sflag:s4], $0x0  }
0x19: {  	s7 =	sld [smem:$0x3F84]  }
0x1a: {  	s8 =	sadd.s32 $0xFFFFE003, lr  }
0x1b: {  	s9 =	sadd.s32 $0xFFFFFEF7, lr;
	s5 =	simm.s32 $0xFFFFFFFF;
	p2 =	slt.u32 s8, $0xFFFFF086  }
0x1c: {  	p1 =	slt.u32 s9, $0xF7A;
	s5 =	simm.s32 @!p2 $0x0  }
0x1d: {  	s5 =	simm.s32 @p1 $0x1;
	p0 =	seq.s32 s7, s2  }
0x1e: {  	s7 =	smul.u32 @!p0 $0xF7A, s2;
	p2 =	seq.s32 @!p0 s5, $0x0  }
0x1f: {  	s9 =	smul.u32 $0xF7A, s1;
	s8 =	simm.s32 @!p0 $0x1BF5;
	p2 =	por !p2, p0  }
0x20: {  	[sflag:s8] =	ssyncset.s32 @!p0 $0xFFFFF086;
	s6 =	sadd.s32 @!p0 s3, s7;
	s7 =	simm.s32 @!p0 $0x108  }
0x21: {  	s3 =	sadd.s32 s3, s9;
	s6 =	sadd.s32 @!p0 $0x88, s6;
	s7 =	simm.s32 @p2 $0x1082  }
0x22: {  	[simem:s7], [sflag:s8] =	dma.local @!p0 [hbm:s6], $0xF7A  }
0x23: {  	s9 =	sor.u32 $0xD0000000, s2;
	s6 =	simm.s32 $0x108;
	_ =	swait.ge @!p0 [sflag:s8], $0x0  }
0x24: {  	s3 =	sadd.s32 $0x88, s3;
	s6 =	simm.s32 @!p1 $0x1082;
	[sflag:s4] =	ssyncset.s32 $0xFFFFF086  }
0x25: {  	[simem:s6], [sflag:s4] =	dma.local [hbm:s3], $0xF7A  }
0x26: {  	[smem:$0x3F84] =	sst s1;
	(tag) =	ssettag s2;
	_ =	strace s9  }
0x27: {  	s1 =	sld [smem:$0x3F94]  }
0x28: {  	s2 =	sld [smem:$0x3F95]  }
0x29: {  	s4 =	sld [smem:$0x3F97]  }
0x2a: {  	p0 =	seq.s32 s5, $0x0;
	s5 =	sld [smem:$0x3F98]  }
0x2b: {  	s6 =	sld [smem:$0x3F99]  }
0x2c: {  	s7 =	sld [smem:$0x3F9A]  }
0x2d: {  	s3 =	simm.s32 $0x108;
	s8 =	sld [smem:$0x3F9B]  }
0x2e: {  	s3 =	simm.s32 @!p0 $0x1082;
	s9 =	sld [smem:$0x3F9C]  }
0x2f: {  	lr =	sadd.s32 s0, s3;
	s0 =	sld [smem:$0x3F93]  }
0x30: {  	s3 =	sld [smem:$0x3F96]  }
0x31: {  	[smem:$0x3F9F] =	sst s10  }
0x32: {  	s10 =	sld [smem:$0x3F9D];
	_ =	sdelay $0x3  }
0x33: {  	p0 =	seq.s32 s10, $0x1;
	s10 =	sld [smem:$0x3F9F];
	_ =	sdelay $0x3  }
0x34: {  	[smem:$0x3F9F] =	sst s10  }
0x35: {  	s10 =	sld [smem:$0x3F9E];
	_ =	sdelay $0x3  }
0x36: {  	p1 =	seq.s32 s10, $0x1;
	s10 =	sld [smem:$0x3F9F];
	_ =	sdelay $0x3  }
0x37: {  	[smem:$0x3F9F] =	sst s10  }
0x38: {  	s10 =	sld [smem:$0x3FA0]  }
0x39: {  	_ = 	snop;
	(pc) =	sbr.ind lr, $3  }
0x3a: {  	_ = 	snop  }
0x3b: {  	_ = 	snop  }
0x3c: {  	p2 =	seq.s32 s10, $0x1;
	s10 =	sld [smem:$0x3F9F]  }
0x3d: {  	_ =	shalt  }
0x3e: {  	_ =	shalt  }
0x3f: {  	_ =	shalt  }
0x40: {  	_ =	shalt  }
0x41: {  	_ =	shalt  }
0x42: {  	_ =	shalt  }
0x43: {  	_ =	shalt  }
0x44: {  	_ =	shalt  }
0x45: {  	_ =	shalt  }
0x46: {  	_ =	shalt  }
0x47: {  	_ =	shalt  }
0x48: {  	_ =	shalt  }
0x49: {  	_ =	shalt  }
0x4a: {  	_ =	shalt  }
0x4b: {  	_ =	shalt  }
0x4c: {  	_ =	shalt  }
0x4d: {  	_ =	shalt  }
0x4e: {  	_ =	shalt  }
0x4f: {  	_ =	shalt  }
0x50: {  	_ =	shalt  }
0x51: {  	_ =	shalt  }
0x52: {  	_ =	shalt  }
0x53: {  	_ =	shalt  }
0x54: {  	_ =	shalt  }
0x55: {  	_ =	shalt  }
0x56: {  	_ =	shalt  }
0x57: {  	_ =	shalt  }
0x58: {  	_ =	shalt  }
0x59: {  	_ =	shalt  }
0x5a: {  	_ =	shalt  }
0x5b: {  	_ =	shalt  }
0x5c: {  	_ =	shalt  }
0x5d: {  	_ =	shalt  }
0x5e: {  	_ =	shalt  }
0x5f: {  	_ =	shalt  }
0x60: {  	_ =	shalt  }
0x61: {  	_ =	shalt  }
0x62: {  	_ =	shalt  }
0x63: {  	_ =	shalt  }
0x64: {  	_ =	shalt  }
0x65: {  	_ =	shalt  }
0x66: {  	_ =	shalt  }
0x67: {  	_ =	shalt  }
0x68: {  	_ =	shalt  }
0x69: {  	_ =	shalt  }
0x6a: {  	_ =	shalt  }
0x6b: {  	_ =	shalt  }
0x6c: {  	_ =	shalt  }
0x6d: {  	_ =	shalt  }
0x6e: {  	_ =	shalt  }
0x6f: {  	_ =	shalt  }
0x70: {  	_ =	shalt  }
0x71: {  	_ =	shalt  }
0x72: {  	_ =	shalt  }
0x73: {  	_ =	shalt  }
0x74: {  	_ =	shalt  }
0x75: {  	_ =	shalt  }
0x76: {  	_ =	shalt  }
0x77: {  	_ =	shalt  }
0x78: {  	_ =	shalt  }
0x79: {  	_ =	shalt  }
0x7a: {  	_ =	shalt  }
0x7b: {  	_ =	shalt  }
0x7c: {  	_ =	shalt  }
0x7d: {  	_ =	shalt  }
0x7e: {  	_ =	shalt  }
0x7f: {  	_ =	shalt  }
0x80: {  	_ =	shalt  }
0x81: {  	_ =	shalt  }
0x82: {  	_ =	shalt  }
0x83: {  	_ =	shalt  }
0x84: {  	_ =	shalt  }
0x85: {  	_ =	shalt  }
0x86: {  	_ =	shalt  }
0x87: {  	_ =	shalt  }
.Lfunc_end0:
.L_simem_size_0:
called_computation_lowered:
.L_overlay_start_0:
0x88: {  	s2 =	sld [smem:$0x3FD9]  }
0x89: {  	s3 =	sld [smem:$0x3FFE];
	_ =	sdelay $0x1  }
0x8a: {  	s1 =	srdreg.scid  }
0x8b: {  	s0 =	sand.u32 $0x1, s1  }
0x8c: {  	s17 =	sshll.u32 s0, $0xA;
	s2 =	sadd.s32 s3, s2  }
0x8d: {  	s2 =	sadd.s32 s2, s17  }
0x8e: {  	[smem:$0x3FAB] =	sst s2  }
0x8f: {  	_ = 	snop  }
0x90: {  	s2 =	sld [smem:$0x3FC5];
	(tm) =	ssettm $0x1  }
0x91: {  	s18 =	sld [smem:$0x3FFB];
	_ =	sdelay $0x3  }
0x92: {  	_ =	strace s18  }
0x93: {  	s3 =	sld [smem:$0x3FFC];
	_ =	sdelay $0x3  }
0x94: {  	_ =	strace s3  }
0x95: {  	s3 =	sld [smem:$0x3FFD];
	_ =	sdelay $0x3  }
0x96: {  	_ =	strace s3  }
0x97: {  	_ =	strace $0x8FFFFFFF  }
0x98: {  	s19 =	sld [smem:$0x3FDB];
	_ =	sdelay $0x1  }
0x99: {  	s4 =	simm.s32 $_scs_section_size  }
0x9a: {  	s5 =	simm.s32 $_size__tile_overlayer_lowered;
	s6 =	simm.s32 $_tile_overlayer_lowered  }
0x9b: {  	s22 =	simm.s32 $0x1BFF;
	s21 =	sshll.u32 s6, $0x1;
	s3 =	sadd.s32 s4, s19  }
0x9c: {  	s7 =	simm.s32 $0x0;
	s20 =	sshll.u32 s5, $0x1;
	s5 =	sadd.s32 s21, s3  }
0x9d: {  	[timem:s7], [sflag:s22] =	dma.local [hbm:s5], s20  }
0x9e: {  	_ =	swait.ge [sflag:s22], s20  }
0x9f: {  	s4 =	ssub.s32 $0x0, s20;
	[sflag:s22] =	ssyncset.done $0x0  }
0xa0: {  	[sflag:s22] =	ssyncadd.s32 s4;
	_ =	sdelay $0x1  }
0xa1: {  	s23 =	simm.s32 $0x1B8B  }
0xa2: {  	_ =	swait.ge [sflag:s23], $0x1  }
0xa3: {  	[sflag:s23] =	ssyncset.done $0x0  }
0xa4: {  	s25 =	simm.s32 $0x1B8E;
	s24 =	sld [smem:$0x3FFE];
	[sflag:s23] =	ssyncadd.s32 $0xFFFFFFFF  }
0xa5: {  	s26 =	simm.s32 $execute0_lowered;
	[smem:$0x3FD2] =	sst s25  }
0xa6: {  	s5 =	sshll.u32 s26, $0x1;
	_ =	strace $0x80000046;
	[dreg:$0x1] =	wrdreg $0xFFFFFFFF  }
0xa7: {  	s28 =	simm.s32 $_size_execute0_lowered;
	s3 =	sadd.s32 s3, s5;
	[dreg:$0x0] =	wrdreg $0x0  }
0xa8: {  	s5 =	sshll.u32 s28, $0x1;
	[dreg:$0x2] =	wrdreg s3  }
0xa9: {  	[dreg:$0x3] =	wrdreg s5  }
0xaa: {  	[dreg:$0x4] =	wrdreg $0xC0  }
0xab: {  	_ =	task [dreg:s7], $0x5FFFF  }
0xac: {  	[dreg:$0x1] =	wrdreg $0xFFFFFFFF  }
0xad: {  	[dreg:$0x0] =	wrdreg $0x60  }
0xae: {  	[dreg:$0x2] =	wrdreg s24  }
0xaf: {  	[dreg:$0x3] =	wrdreg s2  }
0xb0: {  	[dreg:$0x4] =	wrdreg $0x9  }
0xb1: {  	_ =	task.clear_ibuf [dreg:s7], $0x5FFFF;
	_ =	strace $0x90000046  }
0xb2: {  	s29 =	simm.s32 $0x9;
	_ =	strace $0x80000048  }
0xb3: {  	_ =	swait.ge [sflag:s29], $0x1  }
0xb4: {  	[sflag:s29] =	ssyncadd.s32 $0xFFFFFFFF  }
0xb5: {  	_ =	strace $0x90000048  }
0xb6: {  	_ =	sfence  }
0xb7: {  	s30 =	sld [smem:$0x0];
	_ =	sdelay $0x2  }
0xb8: {  	s31 =	sshll.u32 s1, $0xD;
	s1 =	sshrl.u32 s1, $0x2  }
0xb9: {  	s3 =	sand.u32 $0x4000, s31;
	s1 =	sadd.s32 s1, s30  }
0xba: {  	s0 =	sor.u32 s3, s0;
	s1 =	sshll.u32 s1, $0x11  }
0xbb: {  	s0 =	sor.u32 s1, s0  }
0xbc: {  	s0 =	sadd.s32 $0x8F2B, s0  }
0xbd: {  	[sflag:s0] =	ssyncadd.remote.s32 $0x1  }
0xbe: {  	_ =	sfence.sel $0xFFFF  }
0xbf: {  	[dreg:$0x0] =	wrdreg $0xFFFFFFFF;
	(pc) =	sbr.abs _section_cstart, $3  }
0xc0: {  	[dreg:$0x1] =	wrdreg $0xFFFFFFFF  }
0xc1: {  	_ =	task.clear_ibuf [dreg:s7], $0x2FFFF;
	_ =	strace $0x9FFFFFFF  }
0xc2: {  	(tm) =	ssettm $0x7FFFFFFF  }
0xc3: {  	_ =	shalt  }
tec
execute0_lowered:
.L_overlay_start_1:
0x0: {  	(tag) =	ssettag $0x1  }
0x1: {  	s0 =	rddreg [dreg:$0x0]  }
0x2: {  	s1 =	rddreg [dreg:$0x1];
	s2 =	srdreg.scid;
	s3 =	simm.s32 $0x0  }
0x3: {  	s15 =	stileid.u32;
	s16 =	simm.s32 $0x3;
	s18 =	simm.s32 $0x80  }
0x4: {  	s19 =	simm.s32 $0x6C00;
	s28 =	simm.s32 $0x7000;
	s29 =	simm.s32 $0x7080  }
0x5: {  	s30 =	simm.s32 $0x7100;
	s31 =	simm.s32 $0x7180;
	s2 =	sand.u32 $0x1, s2  }
0x6: {  	[smem:$0x7FF] =	sst s3;
	s4 =	sadd.s32 $0x18E00, s0;
	s6 =	sadd.s32 $0x18200, s0  }
0x7: {  	s9 =	sadd.s32 $0x4200, s0;
	s10 =	sadd.s32 $0xE200, s0;
	s12 =	smul.u32 $0x1A00, s15  }
0x8: {  	s13 =	sadd.s32 $0x19A00, s0;
	s5 =	sshll.u32 s2, $0x4;
	_ =	strace $0x80000047  }
0x9: {  	s11 =	ssub.s32 $0x2, s2;
	p0 =	seq.s32 s2, $0x1;
	s7 =	sor.u32 s15, s5  }
0xa: {  	s5 =	sadd.s32 $0x18800, s0;
	s14 =	sshrl.u32 s11, $0x1;
	s15 =	smul.u32 $0x6C0, s15  }
0xb: {  	s21 =	sshrl.u32 s12, $0x3;
	s12 =	simm.s32 $0x0;
	s8 =	smul.u32 $0x28, s7  }
0xc: {  	s7 =	smul.u32 $0x1400, s7;
	s20 =	ssub.s32 s11, s14;
	s23 =	sadd.s32 $0x6C00, s21  }
0xd: {  	s21 =	simm.s32 $0x6D00;
	s22 =	sadd.s32 s9, s15;
	s24 =	sadd.s32 s10, s15  }
0xe: {  	s25 =	sadd.s32 s13, s15;
	s9 =	sadd.s32 s9, s23;
	[dreg:$0x3] =	wrdreg s22  }
0xf: {  	s26 =	sadd.s32 s10, s23;
	s2 =	sadd.s32 s13, s23;
	[dreg:$0x4] =	wrdreg s24  }
0x10: {  	s15 =	smax.u32 s20, $0x1;
	s20 =	simm.s32 $0x6C80;
	[dreg:$0x5] =	wrdreg s25  }
0x11: {  	s23 =	simm.s32 $0x6E00;
	s8 =	sadd.s32 s8, s0;
	[dreg:$0x6] =	wrdreg s9  }
.Ltmp0:
0x12: {  	s0 =	sadd.s32 s7, s0;
	[dreg:$0x7] =	wrdreg s26;
	(pc) =	sbr.rel .LBB2_1-.Ltmp0, $4  }
0x13: {  	[dreg:$0x8] =	wrdreg s2;
	s22 =	simm.s32 $0x6D80;
	s24 =	simm.s32 $0x6E80  }
0x14: {  	s25 =	simm.s32 $0x6F00;
	s26 =	simm.s32 $0x6F80;
	s2 =	simm.s32 $0x2  }
0x15: {  	s7 =	simm.s32 $0xA800;
	s9 =	simm.s32 $0xA980;
	s13 =	sadd.s32 $0x19400, s8  }
0x16: {  	s14 =	sadd.s32 $0x23A00, s0;
	s0 =	simm.s32 $0x1;
	s8 =	simm.s32 $0x50  }
.LBB2_4:
0x17: {  	s10 =	rddreg [dreg:$0x5];
	s11 =	simm.s32 $0x7200  }
0x18: {  	[hbm4b:s10+s3] =	stream.linear.scatter [tilespmem:s11], [sflag:$0x3], $0x3600, $0x38;
	[tilespmem:$0x14980] =	vst v63  }
0x19: {  	_ =	swait.ge [sflag:s16], $0x3600  }
0x1a: {  	[sflag:s16] =	ssyncset.done $0x0  }
0x1b: {  	[sflag:s16] =	ssyncadd.s32 $0xFFFFCA00  }
.LBB2_8:
0x1c: {  	[tilespmem:s7], [sflag:$0x3] =	stream.linear.gather [hbm4b:s13+s3], $0x140, $0x38;
	[tilespmem:$0x14980] =	vst v63  }
0x1d: {  	_ =	swait.ge [sflag:s16], $0x140  }
0x1e: {  	[sflag:s16] =	ssyncset.done $0x0  }
0x1f: {  	[sflag:s16] =	ssyncadd.s32 $0xFFFFFEC0  }
0x20: {  	[tilespmem:s9], [sflag:$0x1] =	stream.indirect.gather [hbm4b:s1+s8], $0x80, s7, s8, $0xb8;
	[tilespmem:$0x14980] =	vst v63  }
0x21: {  	_ =	swait.ge [sflag:s0], $0x2800  }
0x22: {  	[sflag:s0] =	ssyncset.done $0x0  }
0x23: {  	s10 =	simm.s32 $0xA850;
	s11 =	simm.s32 $0xD180;
	[sflag:s0] =	ssyncadd.s32 $0xFFFFD800  }
0x24: {  	[tilespmem:s11], [sflag:$0x1] =	stream.indirect.gather [hbm4b:s1+s8], $0x80, s10, s8, $0xb8;
	[tilespmem:$0x14980] =	vst v63  }
0x25: {  	_ =	swait.ge [sflag:s0], $0x2800  }
0x26: {  	[sflag:s0] =	ssyncset.done $0x0  }
0x27: {  	s17 =	simm.s32 $0xF980;
	s11 =	simm.s32 $0xA8A0;
	[sflag:s0] =	ssyncadd.s32 $0xFFFFD800  }
0x28: {  	[tilespmem:s17], [sflag:$0x1] =	stream.indirect.gather [hbm4b:s1+s8], $0x80, s11, s8, $0xb8;
	[tilespmem:$0x14980] =	vst v63  }
0x29: {  	_ =	swait.ge [sflag:s0], $0x2800  }
0x2a: {  	[sflag:s0] =	ssyncset.done $0x0  }
0x2b: {  	s11 =	simm.s32 $0xA8F0;
	s17 =	simm.s32 $0x12180;
	[sflag:s0] =	ssyncadd.s32 $0xFFFFD800  }
0x2c: {  	[tilespmem:s17], [sflag:$0x1] =	stream.indirect.gather [hbm4b:s1+s8], $0x80, s11, s8, $0xb8;
	[tilespmem:$0x14980] =	vst v63  }
0x2d: {  	s12 =	sadd.s32 $0x1, s12;
	_ =	swait.ge [sflag:s0], $0x2800  }
0x2e: {  	p1 =	sne.s32 s12, s15;
	[sflag:s0] =	ssyncset.done $0x0  }
.Ltmp1:
0x2f: {  	[sflag:s0] =	ssyncadd.s32 $0xFFFFD800;
	(pc) =	sbr.rel @!p1 .LBB2_9-.Ltmp1, $4  }
0x30: {  	[hbm4b:s14+s3] =	stream.linear.scatter [tilespmem:s9], [sflag:$0x3], $0xA000, $0x38;
	[tilespmem:$0x14980] =	vst v63  }
0x31: {  	_ =	swait.ge [sflag:s16], $0xA000  }
0x32: {  	[sflag:s16] =	ssyncset.done $0x0  }
0x33: {  	[sflag:s16] =	ssyncadd.s32 $0xFFFF6000  }
.LBB2_1:
.Ltmp2:
0x34: {  	(pc) =	sbr.rel @!p0 .LBB2_2-.Ltmp2, $2  }
0x35: {  	_ =	sdelay $0x2  }
0x36: {  	s17 =	simm.s32 $0x0  }
0x37: {  	s10 =	rddreg [dreg:$0x6]  }
0x38: {  	[tilespmem:s17], [sflag:$0x3] =	stream.linear.gather [hbm4b:s10+s17], $0x1A00, $0x38;
	[tilespmem:$0x14980] =	vst v63  }
0x39: {  	_ =	swait.ge [sflag:s16], $0x1A00  }
0x3a: {  	[sflag:s16] =	ssyncset.done $0x0  }
0x3b: {  	s11 =	simm.s32 $0x3600;
	s10 =	rddreg [dreg:$0x7];
	[sflag:s16] =	ssyncadd.s32 $0xFFFFE600  }
0x3c: {  	[tilespmem:s11], [sflag:$0x3] =	stream.linear.gather [hbm4b:s10+s17], $0x1A00, $0x38;
	[tilespmem:$0x14980] =	vst v63  }
0x3d: {  	_ =	swait.ge [sflag:s16], $0x1A00  }
0x3e: {  	[sflag:s16] =	ssyncset.done $0x0  }
0x3f: {  	[sflag:s16] =	ssyncadd.s32 $0xFFFFE600  }
.LBB2_6:
0x40: {  	s10 =	sshra.s32 s17, $0x2  }
0x41: {  	[tilespmem:s19], [sflag:$0x1] =	stream.indirect.gather [hbm4b:s4+s18], $0x1, s10, s18, $0xb8;
	[tilespmem:$0x14980] =	vst v63  }
0x42: {  	_ = 	snop  }
0x43: {  	[tilespmem:s20], [sflag:$0x1] =	stream.indirect.gather [hbm4b:s5+s18], $0x1, s10, s18, $0xb8;
	[tilespmem:$0x14980] =	vst v63  }
0x44: {  	_ = 	snop  }
0x45: {  	[tilespmem:s21], [sflag:$0x1] =	stream.indirect.gather [hbm4b:s6+s18], $0x1, s10, s18, $0xb8;
	[tilespmem:$0x14980] =	vst v63  }
0x46: {  	s11 =	sadd.s32 $0x3600, s10  }
0x47: {  	[tilespmem:s22], [sflag:$0x1] =	stream.indirect.gather [hbm4b:s4+s18], $0x1, s11, s18, $0xb8;
	[tilespmem:$0x14980] =	vst v63  }
0x48: {  	_ = 	snop  }
0x49: {  	[tilespmem:s23], [sflag:$0x1] =	stream.indirect.gather [hbm4b:s5+s18], $0x1, s11, s18, $0xb8;
	[tilespmem:$0x14980] =	vst v63  }
0x4a: {  	_ = 	snop  }
0x4b: {  	[tilespmem:s24], [sflag:$0x1] =	stream.indirect.gather [hbm4b:s6+s18], $0x1, s11, s18, $0xb8;
	[tilespmem:$0x14980] =	vst v63  }
0x4c: {  	s11 =	sadd.s32 $0x80, s10  }
0x4d: {  	[tilespmem:s25], [sflag:$0x2] =	stream.indirect.gather [hbm4b:s4+s18], $0x1, s11, s18, $0xb8;
	[tilespmem:$0x14980] =	vst v63  }
0x4e: {  	_ = 	snop  }
0x4f: {  	[tilespmem:s26], [sflag:$0x2] =	stream.indirect.gather [hbm4b:s5+s18], $0x1, s11, s18, $0xb8;
	[tilespmem:$0x14980] =	vst v63  }
0x50: {  	_ = 	snop  }
0x51: {  	[tilespmem:s28], [sflag:$0x2] =	stream.indirect.gather [hbm4b:s6+s18], $0x1, s11, s18, $0xb8;
	[tilespmem:$0x14980] =	vst v63  }
0x52: {  	s11 =	sadd.s32 $0x3680, s10  }
0x53: {  	[tilespmem:s29], [sflag:$0x2] =	stream.indirect.gather [hbm4b:s4+s18], $0x1, s11, s18, $0xb8;
	[tilespmem:$0x14980] =	vst v63  }
0x54: {  	_ = 	snop  }
0x55: {  	[tilespmem:s30], [sflag:$0x2] =	stream.indirect.gather [hbm4b:s5+s18], $0x1, s11, s18, $0xb8;
	[tilespmem:$0x14980] =	vst v63  }
0x56: {  	_ = 	snop  }
0x57: {  	[tilespmem:s31], [sflag:$0x2] =	stream.indirect.gather [hbm4b:s6+s18], $0x1, s11, s18, $0xb8;
	[tilespmem:$0x14980] =	vst v63  }
0x58: {  	_ =	swait.ge [sflag:s0], $0x80  }
0x59: {  	[sflag:s0] =	ssyncset.done $0x0  }
0x5a: {  	[sflag:s0] =	ssyncadd.s32 $0xFFFFFF80  }
0x5b: {  	_ =	swait.ge [sflag:s0], $0x80  }
0x5c: {  	[sflag:s0] =	ssyncset.done $0x0  }
0x5d: {  	[sflag:s0] =	ssyncadd.s32 $0xFFFFFF80  }
0x5e: {  	_ =	swait.ge [sflag:s0], $0x80  }
0x5f: {  	[sflag:s0] =	ssyncset.done $0x0  }
0x60: {  	[sflag:s0] =	ssyncadd.s32 $0xFFFFFF80  }
0x61: {  	_ =	swait.ge [sflag:s0], $0x80  }
0x62: {  	[sflag:s0] =	ssyncset.done $0x0  }
0x63: {  	[sflag:s0] =	ssyncadd.s32 $0xFFFFFF80  }
0x64: {  	_ =	swait.ge [sflag:s0], $0x80  }
0x65: {  	[sflag:s0] =	ssyncset.done $0x0  }
0x66: {  	[sflag:s0] =	ssyncadd.s32 $0xFFFFFF80  }
0x67: {  	_ =	swait.ge [sflag:s0], $0x80  }
0x68: {  	[sflag:s0] =	ssyncset.done $0x0  }
0x69: {  	[sflag:s0] =	ssyncadd.s32 $0xFFFFFF80  }
0x6a: {  	v0 =	vld [tilespmem:$0x6C00]  }
0x6b: {  	v1 =	vld [tilespmem:$0x6D80]  }
0x6c: {  	v2 =	vld [tilespmem:$0x6C80]  }
0x6d: {  	v3 =	vld [tilespmem:$0x6E00]  }
0x6e: {  	v4 =	vld [tilespmem:$0x6D00]  }
0x6f: {  	v5 =	vld [tilespmem:$0x6E80];
	_ =	sdelay $0x2  }
0x70: {  	v0 =	vsub.f32 v0, v1;
	v56 =	vsub.f32 v2, v3;
	_ =	sdelay $0x1  }
0x71: {  	v57 =	vsub.f32 v4, v5;
	v0 =	vmul.f32 v0, v0;
	v1 =	vmul.f32 v56, v56;
	_ =	sdelay $0x1  }
0x72: {  	v58 =	vmul.f32 v57, v57;
	v0 =	vadd.f32 v1, v0;
	_ =	sdelay $0x1  }
0x73: {  	v0 =	vadd.f32 v58, v0;
	_ =	sdelay $0x1  }
0x74: {  	[tilespmem:s10+$0x7200] =	vst v0  }
0x75: {  	v0 =	vld [tilespmem:$0x6C10]  }
0x76: {  	v59 =	vld [tilespmem:$0x6D90]  }
0x77: {  	v60 =	vld [tilespmem:$0x6C90]  }
0x78: {  	v61 =	vld [tilespmem:$0x6E10]  }
0x79: {  	v62 =	vld [tilespmem:$0x6D10]  }
0x7a: {  	v63 =	vld [tilespmem:$0x6E90];
	_ =	sdelay $0x2  }
0x7b: {  	v0 =	vsub.f32 v0, v59;
	v6 =	vsub.f32 v60, v61;
	_ =	sdelay $0x1  }
0x7c: {  	v7 =	vsub.f32 v62, v63;
	v0 =	vmul.f32 v0, v0;
	v1 =	vmul.f32 v6, v6;
	_ =	sdelay $0x1  }
0x7d: {  	v8 =	vmul.f32 v7, v7;
	v0 =	vadd.f32 v1, v0;
	_ =	sdelay $0x1  }
0x7e: {  	v0 =	vadd.f32 v8, v0;
	_ =	sdelay $0x1  }
0x7f: {  	[tilespmem:s10+$0x7210] =	vst v0  }
0x80: {  	v0 =	vld [tilespmem:$0x6C20]  }
0x81: {  	v9 =	vld [tilespmem:$0x6DA0]  }
0x82: {  	v10 =	vld [tilespmem:$0x6CA0]  }
0x83: {  	v11 =	vld [tilespmem:$0x6E20]  }
0x84: {  	v12 =	vld [tilespmem:$0x6D20]  }
0x85: {  	v13 =	vld [tilespmem:$0x6EA0];
	_ =	sdelay $0x2  }
0x86: {  	v0 =	vsub.f32 v0, v9;
	v14 =	vsub.f32 v10, v11;
	_ =	sdelay $0x1  }
0x87: {  	v15 =	vsub.f32 v12, v13;
	v0 =	vmul.f32 v0, v0;
	v1 =	vmul.f32 v14, v14;
	_ =	sdelay $0x1  }
0x88: {  	v16 =	vmul.f32 v15, v15;
	v0 =	vadd.f32 v1, v0;
	_ =	sdelay $0x1  }
0x89: {  	v0 =	vadd.f32 v16, v0;
	_ =	sdelay $0x1  }
0x8a: {  	[tilespmem:s10+$0x7220] =	vst v0  }
0x8b: {  	v0 =	vld [tilespmem:$0x6C30]  }
0x8c: {  	v17 =	vld [tilespmem:$0x6DB0]  }
0x8d: {  	v18 =	vld [tilespmem:$0x6CB0]  }
0x8e: {  	v19 =	vld [tilespmem:$0x6E30]  }
0x8f: {  	v20 =	vld [tilespmem:$0x6D30]  }
0x90: {  	v21 =	vld [tilespmem:$0x6EB0];
	_ =	sdelay $0x2  }
0x91: {  	v0 =	vsub.f32 v0, v17;
	v22 =	vsub.f32 v18, v19;
	_ =	sdelay $0x1  }
0x92: {  	v23 =	vsub.f32 v20, v21;
	v0 =	vmul.f32 v0, v0;
	v1 =	vmul.f32 v22, v22;
	_ =	sdelay $0x1  }
0x93: {  	v24 =	vmul.f32 v23, v23;
	v0 =	vadd.f32 v1, v0;
	_ =	sdelay $0x1  }
0x94: {  	v0 =	vadd.f32 v24, v0;
	_ =	sdelay $0x1  }
0x95: {  	[tilespmem:s10+$0x7230] =	vst v0  }
0x96: {  	v0 =	vld [tilespmem:$0x6C40]  }
0x97: {  	v25 =	vld [tilespmem:$0x6DC0]  }
0x98: {  	v26 =	vld [tilespmem:$0x6CC0]  }
0x99: {  	v27 =	vld [tilespmem:$0x6E40]  }
0x9a: {  	v28 =	vld [tilespmem:$0x6D40]  }
0x9b: {  	v29 =	vld [tilespmem:$0x6EC0];
	_ =	sdelay $0x2  }
0x9c: {  	v0 =	vsub.f32 v0, v25;
	v30 =	vsub.f32 v26, v27;
	_ =	sdelay $0x1  }
0x9d: {  	v31 =	vsub.f32 v28, v29;
	v0 =	vmul.f32 v0, v0;
	v1 =	vmul.f32 v30, v30;
	_ =	sdelay $0x1  }
0x9e: {  	v32 =	vmul.f32 v31, v31;
	v0 =	vadd.f32 v1, v0;
	_ =	sdelay $0x1  }
0x9f: {  	v0 =	vadd.f32 v32, v0;
	_ =	sdelay $0x1  }
0xa0: {  	[tilespmem:s10+$0x7240] =	vst v0  }
0xa1: {  	v0 =	vld [tilespmem:$0x6C50]  }
0xa2: {  	v33 =	vld [tilespmem:$0x6DD0]  }
0xa3: {  	v34 =	vld [tilespmem:$0x6CD0]  }
0xa4: {  	v35 =	vld [tilespmem:$0x6E50]  }
0xa5: {  	v36 =	vld [tilespmem:$0x6D50]  }
0xa6: {  	v37 =	vld [tilespmem:$0x6ED0];
	_ =	sdelay $0x2  }
0xa7: {  	v0 =	vsub.f32 v0, v33;
	v38 =	vsub.f32 v34, v35;
	_ =	sdelay $0x1  }
0xa8: {  	v39 =	vsub.f32 v36, v37;
	v0 =	vmul.f32 v0, v0;
	v1 =	vmul.f32 v38, v38;
	_ =	sdelay $0x1  }
0xa9: {  	v40 =	vmul.f32 v39, v39;
	v0 =	vadd.f32 v1, v0;
	_ =	sdelay $0x1  }
0xaa: {  	v0 =	vadd.f32 v40, v0;
	_ =	sdelay $0x1  }
0xab: {  	[tilespmem:s10+$0x7250] =	vst v0  }
0xac: {  	v0 =	vld [tilespmem:$0x6C60]  }
0xad: {  	v41 =	vld [tilespmem:$0x6DE0]  }
0xae: {  	v42 =	vld [tilespmem:$0x6CE0]  }
0xaf: {  	v43 =	vld [tilespmem:$0x6E60]  }
0xb0: {  	v44 =	vld [tilespmem:$0x6D60]  }
0xb1: {  	v45 =	vld [tilespmem:$0x6EE0];
	_ =	sdelay $0x2  }
0xb2: {  	v0 =	vsub.f32 v0, v41;
	v46 =	vsub.f32 v42, v43;
	_ =	sdelay $0x1  }
0xb3: {  	v47 =	vsub.f32 v44, v45;
	v0 =	vmul.f32 v0, v0;
	v1 =	vmul.f32 v46, v46;
	_ =	sdelay $0x1  }
0xb4: {  	v48 =	vmul.f32 v47, v47;
	v0 =	vadd.f32 v1, v0;
	_ =	sdelay $0x1  }
0xb5: {  	v0 =	vadd.f32 v48, v0;
	_ =	sdelay $0x1  }
0xb6: {  	[tilespmem:s10+$0x7260] =	vst v0  }
0xb7: {  	v0 =	vld [tilespmem:$0x6C70]  }
0xb8: {  	v49 =	vld [tilespmem:$0x6DF0]  }
0xb9: {  	v50 =	vld [tilespmem:$0x6CF0]  }
0xba: {  	v51 =	vld [tilespmem:$0x6E70]  }
0xbb: {  	v52 =	vld [tilespmem:$0x6D70]  }
0xbc: {  	v53 =	vld [tilespmem:$0x6EF0];
	_ =	sdelay $0x2  }
0xbd: {  	v0 =	vsub.f32 v0, v49;
	v54 =	vsub.f32 v50, v51;
	_ =	sdelay $0x1  }
0xbe: {  	v55 =	vsub.f32 v52, v53;
	v0 =	vmul.f32 v0, v0;
	v1 =	vmul.f32 v54, v54;
	_ =	sdelay $0x1  }
0xbf: {  	v56 =	vmul.f32 v55, v55;
	v0 =	vadd.f32 v1, v0;
	_ =	sdelay $0x1  }
0xc0: {  	v0 =	vadd.f32 v56, v0;
	_ =	sdelay $0x1  }
0xc1: {  	[tilespmem:s10+$0x7270] =	vst v0  }
0xc2: {  	_ =	swait.ge [sflag:s2], $0x80  }
0xc3: {  	[sflag:s2] =	ssyncset.done $0x0  }
0xc4: {  	[sflag:s2] =	ssyncadd.s32 $0xFFFFFF80  }
0xc5: {  	_ =	swait.ge [sflag:s2], $0x80  }
0xc6: {  	[sflag:s2] =	ssyncset.done $0x0  }
0xc7: {  	[sflag:s2] =	ssyncadd.s32 $0xFFFFFF80  }
0xc8: {  	_ =	swait.ge [sflag:s2], $0x80  }
0xc9: {  	[sflag:s2] =	ssyncset.done $0x0  }
0xca: {  	[sflag:s2] =	ssyncadd.s32 $0xFFFFFF80  }
0xcb: {  	_ =	swait.ge [sflag:s2], $0x80  }
0xcc: {  	[sflag:s2] =	ssyncset.done $0x0  }
0xcd: {  	[sflag:s2] =	ssyncadd.s32 $0xFFFFFF80  }
0xce: {  	_ =	swait.ge [sflag:s2], $0x80  }
0xcf: {  	[sflag:s2] =	ssyncset.done $0x0  }
0xd0: {  	[sflag:s2] =	ssyncadd.s32 $0xFFFFFF80  }
0xd1: {  	_ =	swait.ge [sflag:s2], $0x80  }
0xd2: {  	[sflag:s2] =	ssyncset.done $0x0  }
0xd3: {  	[sflag:s2] =	ssyncadd.s32 $0xFFFFFF80  }
0xd4: {  	v57 =	vld [tilespmem:$0x6F00]  }
0xd5: {  	v58 =	vld [tilespmem:$0x7080]  }
0xd6: {  	v59 =	vld [tilespmem:$0x6F80]  }
0xd7: {  	v60 =	vld [tilespmem:$0x7100]  }
0xd8: {  	v61 =	vld [tilespmem:$0x7000]  }
0xd9: {  	v62 =	vld [tilespmem:$0x7180];
	_ =	sdelay $0x2  }
0xda: {  	v0 =	vsub.f32 v57, v58;
	v63 =	vsub.f32 v59, v60;
	_ =	sdelay $0x1  }
0xdb: {  	v6 =	vsub.f32 v61, v62;
	v0 =	vmul.f32 v0, v0;
	v1 =	vmul.f32 v63, v63;
	_ =	sdelay $0x1  }
0xdc: {  	v7 =	vmul.f32 v6, v6;
	v0 =	vadd.f32 v1, v0;
	_ =	sdelay $0x1  }
0xdd: {  	v0 =	vadd.f32 v7, v0;
	_ =	sdelay $0x1  }
0xde: {  	[tilespmem:s10+$0x7280] =	vst v0  }
0xdf: {  	v0 =	vld [tilespmem:$0x6F10]  }
0xe0: {  	v8 =	vld [tilespmem:$0x7090]  }
0xe1: {  	v9 =	vld [tilespmem:$0x6F90]  }
0xe2: {  	v10 =	vld [tilespmem:$0x7110]  }
0xe3: {  	v11 =	vld [tilespmem:$0x7010]  }
0xe4: {  	v12 =	vld [tilespmem:$0x7190];
	_ =	sdelay $0x2  }
0xe5: {  	v0 =	vsub.f32 v0, v8;
	v13 =	vsub.f32 v9, v10;
	_ =	sdelay $0x1  }
0xe6: {  	v14 =	vsub.f32 v11, v12;
	v0 =	vmul.f32 v0, v0;
	v1 =	vmul.f32 v13, v13;
	_ =	sdelay $0x1  }
0xe7: {  	v15 =	vmul.f32 v14, v14;
	v0 =	vadd.f32 v1, v0;
	_ =	sdelay $0x1  }
0xe8: {  	v0 =	vadd.f32 v15, v0;
	_ =	sdelay $0x1  }
0xe9: {  	[tilespmem:s10+$0x7290] =	vst v0  }
0xea: {  	v0 =	vld [tilespmem:$0x6F20]  }
0xeb: {  	v16 =	vld [tilespmem:$0x70A0]  }
0xec: {  	v17 =	vld [tilespmem:$0x6FA0]  }
0xed: {  	v18 =	vld [tilespmem:$0x7120]  }
0xee: {  	v19 =	vld [tilespmem:$0x7020]  }
0xef: {  	v20 =	vld [tilespmem:$0x71A0];
	_ =	sdelay $0x2  }
0xf0: {  	v0 =	vsub.f32 v0, v16;
	v21 =	vsub.f32 v17, v18;
	_ =	sdelay $0x1  }
0xf1: {  	v22 =	vsub.f32 v19, v20;
	v0 =	vmul.f32 v0, v0;
	v1 =	vmul.f32 v21, v21;
	_ =	sdelay $0x1  }
0xf2: {  	v23 =	vmul.f32 v22, v22;
	v0 =	vadd.f32 v1, v0;
	_ =	sdelay $0x1  }
0xf3: {  	v0 =	vadd.f32 v23, v0;
	_ =	sdelay $0x1  }
0xf4: {  	[tilespmem:s10+$0x72A0] =	vst v0  }
0xf5: {  	v0 =	vld [tilespmem:$0x6F30]  }
0xf6: {  	v24 =	vld [tilespmem:$0x70B0]  }
0xf7: {  	v25 =	vld [tilespmem:$0x6FB0]  }
0xf8: {  	v26 =	vld [tilespmem:$0x7130]  }
0xf9: {  	v27 =	vld [tilespmem:$0x7030]  }
0xfa: {  	v28 =	vld [tilespmem:$0x71B0];
	_ =	sdelay $0x2  }
0xfb: {  	v0 =	vsub.f32 v0, v24;
	v29 =	vsub.f32 v25, v26;
	_ =	sdelay $0x1  }
0xfc: {  	v30 =	vsub.f32 v27, v28;
	v0 =	vmul.f32 v0, v0;
	v1 =	vmul.f32 v29, v29;
	_ =	sdelay $0x1  }
0xfd: {  	v31 =	vmul.f32 v30, v30;
	v0 =	vadd.f32 v1, v0;
	_ =	sdelay $0x1  }
0xfe: {  	v0 =	vadd.f32 v31, v0;
	_ =	sdelay $0x1  }
0xff: {  	[tilespmem:s10+$0x72B0] =	vst v0  }
0x100: {  	v0 =	vld [tilespmem:$0x6F40]  }
0x101: {  	v32 =	vld [tilespmem:$0x70C0]  }
0x102: {  	v33 =	vld [tilespmem:$0x6FC0]  }
0x103: {  	v34 =	vld [tilespmem:$0x7140]  }
0x104: {  	v35 =	vld [tilespmem:$0x7040]  }
0x105: {  	v36 =	vld [tilespmem:$0x71C0];
	_ =	sdelay $0x2  }
0x106: {  	v0 =	vsub.f32 v0, v32;
	v37 =	vsub.f32 v33, v34;
	_ =	sdelay $0x1  }
0x107: {  	v38 =	vsub.f32 v35, v36;
	v0 =	vmul.f32 v0, v0;
	v1 =	vmul.f32 v37, v37;
	_ =	sdelay $0x1  }
0x108: {  	v39 =	vmul.f32 v38, v38;
	v0 =	vadd.f32 v1, v0;
	_ =	sdelay $0x1  }
0x109: {  	v0 =	vadd.f32 v39, v0;
	_ =	sdelay $0x1  }
0x10a: {  	[tilespmem:s10+$0x72C0] =	vst v0  }
0x10b: {  	v0 =	vld [tilespmem:$0x6F50]  }
0x10c: {  	v40 =	vld [tilespmem:$0x70D0]  }
0x10d: {  	v41 =	vld [tilespmem:$0x6FD0]  }
0x10e: {  	v42 =	vld [tilespmem:$0x7150]  }
0x10f: {  	v43 =	vld [tilespmem:$0x7050]  }
0x110: {  	v44 =	vld [tilespmem:$0x71D0];
	_ =	sdelay $0x2  }
0x111: {  	v0 =	vsub.f32 v0, v40;
	v45 =	vsub.f32 v41, v42;
	_ =	sdelay $0x1  }
0x112: {  	v46 =	vsub.f32 v43, v44;
	v0 =	vmul.f32 v0, v0;
	v1 =	vmul.f32 v45, v45;
	_ =	sdelay $0x1  }
0x113: {  	v47 =	vmul.f32 v46, v46;
	v0 =	vadd.f32 v1, v0;
	_ =	sdelay $0x1  }
0x114: {  	v0 =	vadd.f32 v47, v0;
	_ =	sdelay $0x1  }
0x115: {  	[tilespmem:s10+$0x72D0] =	vst v0  }
0x116: {  	v0 =	vld [tilespmem:$0x6F60]  }
0x117: {  	v48 =	vld [tilespmem:$0x70E0]  }
0x118: {  	v49 =	vld [tilespmem:$0x6FE0]  }
0x119: {  	v50 =	vld [tilespmem:$0x7160]  }
0x11a: {  	v51 =	vld [tilespmem:$0x7060]  }
0x11b: {  	v52 =	vld [tilespmem:$0x71E0];
	_ =	sdelay $0x2  }
0x11c: {  	v0 =	vsub.f32 v0, v48;
	v53 =	vsub.f32 v49, v50;
	_ =	sdelay $0x1  }
0x11d: {  	v54 =	vsub.f32 v51, v52;
	v0 =	vmul.f32 v0, v0;
	v1 =	vmul.f32 v53, v53;
	_ =	sdelay $0x1  }
0x11e: {  	v55 =	vmul.f32 v54, v54;
	v0 =	vadd.f32 v1, v0;
	_ =	sdelay $0x1  }
0x11f: {  	v0 =	vadd.f32 v55, v0;
	_ =	sdelay $0x1  }
0x120: {  	[tilespmem:s10+$0x72E0] =	vst v0  }
0x121: {  	v0 =	vld [tilespmem:$0x6F70]  }
0x122: {  	v56 =	vld [tilespmem:$0x70F0]  }
0x123: {  	v57 =	vld [tilespmem:$0x6FF0]  }
0x124: {  	v58 =	vld [tilespmem:$0x7170]  }
0x125: {  	v59 =	vld [tilespmem:$0x7070]  }
0x126: {  	v60 =	vld [tilespmem:$0x71F0];
	_ =	sdelay $0x2  }
0x127: {  	v0 =	vsub.f32 v0, v56;
	v61 =	vsub.f32 v57, v58;
	_ =	sdelay $0x1  }
0x128: {  	v62 =	vsub.f32 v59, v60;
	v0 =	vmul.f32 v0, v0;
	v1 =	vmul.f32 v61, v61  }
0x129: {  	p1 =	sne.s32 s17, $0x6400  }
.Ltmp3:
0x12a: {  	v63 =	vmul.f32 v62, v62;
	v0 =	vadd.f32 v1, v0;
	(pc) =	sbr.rel @p1 .LBB2_6-.Ltmp3, $3  }
0x12b: {  	_ = 	snop  }
0x12c: {  	v0 =	vadd.f32 v63, v0;
	_ =	sdelay $0x1  }
0x12d: {  	s17 =	sadd.s32 $0x400, s17;
	[tilespmem:s10+$0x72F0] =	vst v0  }
.Ltmp4:
0x12e: {  	s10 =	rddreg [dreg:$0x8];
	s11 =	simm.s32 $0x7200;
	(pc) =	sbr.rel .LBB2_8-.Ltmp4, $4  }
0x12f: {  	[hbm4b:s10+s3] =	stream.linear.scatter [tilespmem:s11], [sflag:$0x3], $0x1A00, $0x38;
	[tilespmem:$0x14980] =	vst v63  }
0x130: {  	_ =	swait.ge [sflag:s16], $0x1A00  }
0x131: {  	[sflag:s16] =	ssyncset.done $0x0  }
0x132: {  	[sflag:s16] =	ssyncadd.s32 $0xFFFFE600  }
.LBB2_2:
0x133: {  	s10 =	rddreg [dreg:$0x3]  }
0x134: {  	[tilespmem:s17], [sflag:$0x3] =	stream.linear.gather [hbm4b:s10+s17], $0x3600, $0x38;
	[tilespmem:$0x14980] =	vst v63  }
0x135: {  	_ =	swait.ge [sflag:s16], $0x3600  }
0x136: {  	[sflag:s16] =	ssyncset.done $0x0  }
0x137: {  	s11 =	simm.s32 $0x3600;
	s10 =	rddreg [dreg:$0x4];
	[sflag:s16] =	ssyncadd.s32 $0xFFFFCA00  }
0x138: {  	[tilespmem:s11], [sflag:$0x3] =	stream.linear.gather [hbm4b:s10+s17], $0x3600, $0x38;
	[tilespmem:$0x14980] =	vst v63  }
0x139: {  	_ =	swait.ge [sflag:s16], $0x3600  }
0x13a: {  	[sflag:s16] =	ssyncset.done $0x0  }
0x13b: {  	[sflag:s16] =	ssyncadd.s32 $0xFFFFCA00  }
.LBB2_3:
0x13c: {  	s10 =	sshra.s32 s17, $0x2  }
0x13d: {  	[tilespmem:s19], [sflag:$0x1] =	stream.indirect.gather [hbm4b:s4+s18], $0x1, s10, s18, $0xb8;
	[tilespmem:$0x14980] =	vst v63  }
0x13e: {  	_ = 	snop  }
0x13f: {  	[tilespmem:s20], [sflag:$0x1] =	stream.indirect.gather [hbm4b:s5+s18], $0x1, s10, s18, $0xb8;
	[tilespmem:$0x14980] =	vst v63  }
0x140: {  	_ = 	snop  }
0x141: {  	[tilespmem:s21], [sflag:$0x1] =	stream.indirect.gather [hbm4b:s6+s18], $0x1, s10, s18, $0xb8;
	[tilespmem:$0x14980] =	vst v63  }
0x142: {  	s11 =	sadd.s32 $0x3600, s10  }
0x143: {  	[tilespmem:s22], [sflag:$0x1] =	stream.indirect.gather [hbm4b:s4+s18], $0x1, s11, s18, $0xb8;
	[tilespmem:$0x14980] =	vst v63  }
0x144: {  	_ = 	snop  }
0x145: {  	[tilespmem:s23], [sflag:$0x1] =	stream.indirect.gather [hbm4b:s5+s18], $0x1, s11, s18, $0xb8;
	[tilespmem:$0x14980] =	vst v63  }
0x146: {  	_ = 	snop  }
0x147: {  	[tilespmem:s24], [sflag:$0x1] =	stream.indirect.gather [hbm4b:s6+s18], $0x1, s11, s18, $0xb8;
	[tilespmem:$0x14980] =	vst v63  }
0x148: {  	s11 =	sadd.s32 $0x80, s10  }
0x149: {  	[tilespmem:s25], [sflag:$0x2] =	stream.indirect.gather [hbm4b:s4+s18], $0x1, s11, s18, $0xb8;
	[tilespmem:$0x14980] =	vst v63  }
0x14a: {  	_ = 	snop  }
0x14b: {  	[tilespmem:s26], [sflag:$0x2] =	stream.indirect.gather [hbm4b:s5+s18], $0x1, s11, s18, $0xb8;
	[tilespmem:$0x14980] =	vst v63  }
0x14c: {  	_ = 	snop  }
0x14d: {  	[tilespmem:s28], [sflag:$0x2] =	stream.indirect.gather [hbm4b:s6+s18], $0x1, s11, s18, $0xb8;
	[tilespmem:$0x14980] =	vst v63  }
0x14e: {  	s11 =	sadd.s32 $0x3680, s10  }
0x14f: {  	[tilespmem:s29], [sflag:$0x2] =	stream.indirect.gather [hbm4b:s4+s18], $0x1, s11, s18, $0xb8;
	[tilespmem:$0x14980] =	vst v63  }
0x150: {  	_ = 	snop  }
0x151: {  	[tilespmem:s30], [sflag:$0x2] =	stream.indirect.gather [hbm4b:s5+s18], $0x1, s11, s18, $0xb8;
	[tilespmem:$0x14980] =	vst v63  }
0x152: {  	_ = 	snop  }
0x153: {  	[tilespmem:s31], [sflag:$0x2] =	stream.indirect.gather [hbm4b:s6+s18], $0x1, s11, s18, $0xb8;
	[tilespmem:$0x14980] =	vst v63  }
0x154: {  	_ =	swait.ge [sflag:s0], $0x80  }
0x155: {  	[sflag:s0] =	ssyncset.done $0x0  }
0x156: {  	[sflag:s0] =	ssyncadd.s32 $0xFFFFFF80  }
0x157: {  	_ =	swait.ge [sflag:s0], $0x80  }
0x158: {  	[sflag:s0] =	ssyncset.done $0x0  }
0x159: {  	[sflag:s0] =	ssyncadd.s32 $0xFFFFFF80  }
0x15a: {  	_ =	swait.ge [sflag:s0], $0x80  }
0x15b: {  	[sflag:s0] =	ssyncset.done $0x0  }
0x15c: {  	[sflag:s0] =	ssyncadd.s32 $0xFFFFFF80  }
0x15d: {  	_ =	swait.ge [sflag:s0], $0x80  }
0x15e: {  	[sflag:s0] =	ssyncset.done $0x0  }
0x15f: {  	[sflag:s0] =	ssyncadd.s32 $0xFFFFFF80  }
0x160: {  	_ =	swait.ge [sflag:s0], $0x80  }
0x161: {  	[sflag:s0] =	ssyncset.done $0x0  }
0x162: {  	[sflag:s0] =	ssyncadd.s32 $0xFFFFFF80  }
0x163: {  	_ =	swait.ge [sflag:s0], $0x80  }
0x164: {  	[sflag:s0] =	ssyncset.done $0x0  }
0x165: {  	[sflag:s0] =	ssyncadd.s32 $0xFFFFFF80  }
0x166: {  	v0 =	vld [tilespmem:$0x6C00]  }
0x167: {  	v1 =	vld [tilespmem:$0x6D80]  }
0x168: {  	v2 =	vld [tilespmem:$0x6C80]  }
0x169: {  	v3 =	vld [tilespmem:$0x6E00]  }
0x16a: {  	v4 =	vld [tilespmem:$0x6D00]  }
0x16b: {  	v5 =	vld [tilespmem:$0x6E80];
	_ =	sdelay $0x2  }
0x16c: {  	v0 =	vsub.f32 v0, v1;
	v56 =	vsub.f32 v2, v3;
	_ =	sdelay $0x1  }
0x16d: {  	v57 =	vsub.f32 v4, v5;
	v0 =	vmul.f32 v0, v0;
	v1 =	vmul.f32 v56, v56;
	_ =	sdelay $0x1  }
0x16e: {  	v58 =	vmul.f32 v57, v57;
	v0 =	vadd.f32 v1, v0;
	_ =	sdelay $0x1  }
0x16f: {  	v0 =	vadd.f32 v58, v0;
	_ =	sdelay $0x1  }
0x170: {  	[tilespmem:s10+$0x7200] =	vst v0  }
0x171: {  	v0 =	vld [tilespmem:$0x6C10]  }
0x172: {  	v59 =	vld [tilespmem:$0x6D90]  }
0x173: {  	v60 =	vld [tilespmem:$0x6C90]  }
0x174: {  	v61 =	vld [tilespmem:$0x6E10]  }
0x175: {  	v62 =	vld [tilespmem:$0x6D10]  }
0x176: {  	v63 =	vld [tilespmem:$0x6E90];
	_ =	sdelay $0x2  }
0x177: {  	v0 =	vsub.f32 v0, v59;
	v6 =	vsub.f32 v60, v61;
	_ =	sdelay $0x1  }
0x178: {  	v7 =	vsub.f32 v62, v63;
	v0 =	vmul.f32 v0, v0;
	v1 =	vmul.f32 v6, v6;
	_ =	sdelay $0x1  }
0x179: {  	v8 =	vmul.f32 v7, v7;
	v0 =	vadd.f32 v1, v0;
	_ =	sdelay $0x1  }
0x17a: {  	v0 =	vadd.f32 v8, v0;
	_ =	sdelay $0x1  }
0x17b: {  	[tilespmem:s10+$0x7210] =	vst v0  }
0x17c: {  	v0 =	vld [tilespmem:$0x6C20]  }
0x17d: {  	v9 =	vld [tilespmem:$0x6DA0]  }
0x17e: {  	v10 =	vld [tilespmem:$0x6CA0]  }
0x17f: {  	v11 =	vld [tilespmem:$0x6E20]  }
0x180: {  	v12 =	vld [tilespmem:$0x6D20]  }
0x181: {  	v13 =	vld [tilespmem:$0x6EA0];
	_ =	sdelay $0x2  }
0x182: {  	v0 =	vsub.f32 v0, v9;
	v14 =	vsub.f32 v10, v11;
	_ =	sdelay $0x1  }
0x183: {  	v15 =	vsub.f32 v12, v13;
	v0 =	vmul.f32 v0, v0;
	v1 =	vmul.f32 v14, v14;
	_ =	sdelay $0x1  }
0x184: {  	v16 =	vmul.f32 v15, v15;
	v0 =	vadd.f32 v1, v0;
	_ =	sdelay $0x1  }
0x185: {  	v0 =	vadd.f32 v16, v0;
	_ =	sdelay $0x1  }
0x186: {  	[tilespmem:s10+$0x7220] =	vst v0  }
0x187: {  	v0 =	vld [tilespmem:$0x6C30]  }
0x188: {  	v17 =	vld [tilespmem:$0x6DB0]  }
0x189: {  	v18 =	vld [tilespmem:$0x6CB0]  }
0x18a: {  	v19 =	vld [tilespmem:$0x6E30]  }
0x18b: {  	v20 =	vld [tilespmem:$0x6D30]  }
0x18c: {  	v21 =	vld [tilespmem:$0x6EB0];
	_ =	sdelay $0x2  }
0x18d: {  	v0 =	vsub.f32 v0, v17;
	v22 =	vsub.f32 v18, v19;
	_ =	sdelay $0x1  }
0x18e: {  	v23 =	vsub.f32 v20, v21;
	v0 =	vmul.f32 v0, v0;
	v1 =	vmul.f32 v22, v22;
	_ =	sdelay $0x1  }
0x18f: {  	v24 =	vmul.f32 v23, v23;
	v0 =	vadd.f32 v1, v0;
	_ =	sdelay $0x1  }
0x190: {  	v0 =	vadd.f32 v24, v0;
	_ =	sdelay $0x1  }
0x191: {  	[tilespmem:s10+$0x7230] =	vst v0  }
0x192: {  	v0 =	vld [tilespmem:$0x6C40]  }
0x193: {  	v25 =	vld [tilespmem:$0x6DC0]  }
0x194: {  	v26 =	vld [tilespmem:$0x6CC0]  }
0x195: {  	v27 =	vld [tilespmem:$0x6E40]  }
0x196: {  	v28 =	vld [tilespmem:$0x6D40]  }
0x197: {  	v29 =	vld [tilespmem:$0x6EC0];
	_ =	sdelay $0x2  }
0x198: {  	v0 =	vsub.f32 v0, v25;
	v30 =	vsub.f32 v26, v27;
	_ =	sdelay $0x1  }
0x199: {  	v31 =	vsub.f32 v28, v29;
	v0 =	vmul.f32 v0, v0;
	v1 =	vmul.f32 v30, v30;
	_ =	sdelay $0x1  }
0x19a: {  	v32 =	vmul.f32 v31, v31;
	v0 =	vadd.f32 v1, v0;
	_ =	sdelay $0x1  }
0x19b: {  	v0 =	vadd.f32 v32, v0;
	_ =	sdelay $0x1  }
0x19c: {  	[tilespmem:s10+$0x7240] =	vst v0  }
0x19d: {  	v0 =	vld [tilespmem:$0x6C50]  }
0x19e: {  	v33 =	vld [tilespmem:$0x6DD0]  }
0x19f: {  	v34 =	vld [tilespmem:$0x6CD0]  }
0x1a0: {  	v35 =	vld [tilespmem:$0x6E50]  }
0x1a1: {  	v36 =	vld [tilespmem:$0x6D50]  }
0x1a2: {  	v37 =	vld [tilespmem:$0x6ED0];
	_ =	sdelay $0x2  }
0x1a3: {  	v0 =	vsub.f32 v0, v33;
	v38 =	vsub.f32 v34, v35;
	_ =	sdelay $0x1  }
0x1a4: {  	v39 =	vsub.f32 v36, v37;
	v0 =	vmul.f32 v0, v0;
	v1 =	vmul.f32 v38, v38;
	_ =	sdelay $0x1  }
0x1a5: {  	v40 =	vmul.f32 v39, v39;
	v0 =	vadd.f32 v1, v0;
	_ =	sdelay $0x1  }
0x1a6: {  	v0 =	vadd.f32 v40, v0;
	_ =	sdelay $0x1  }
0x1a7: {  	[tilespmem:s10+$0x7250] =	vst v0  }
0x1a8: {  	v0 =	vld [tilespmem:$0x6C60]  }
0x1a9: {  	v41 =	vld [tilespmem:$0x6DE0]  }
0x1aa: {  	v42 =	vld [tilespmem:$0x6CE0]  }
0x1ab: {  	v43 =	vld [tilespmem:$0x6E60]  }
0x1ac: {  	v44 =	vld [tilespmem:$0x6D60]  }
0x1ad: {  	v45 =	vld [tilespmem:$0x6EE0];
	_ =	sdelay $0x2  }
0x1ae: {  	v0 =	vsub.f32 v0, v41;
	v46 =	vsub.f32 v42, v43;
	_ =	sdelay $0x1  }
0x1af: {  	v47 =	vsub.f32 v44, v45;
	v0 =	vmul.f32 v0, v0;
	v1 =	vmul.f32 v46, v46;
	_ =	sdelay $0x1  }
0x1b0: {  	v48 =	vmul.f32 v47, v47;
	v0 =	vadd.f32 v1, v0;
	_ =	sdelay $0x1  }
0x1b1: {  	v0 =	vadd.f32 v48, v0;
	_ =	sdelay $0x1  }
0x1b2: {  	[tilespmem:s10+$0x7260] =	vst v0  }
0x1b3: {  	v0 =	vld [tilespmem:$0x6C70]  }
0x1b4: {  	v49 =	vld [tilespmem:$0x6DF0]  }
0x1b5: {  	v50 =	vld [tilespmem:$0x6CF0]  }
0x1b6: {  	v51 =	vld [tilespmem:$0x6E70]  }
0x1b7: {  	v52 =	vld [tilespmem:$0x6D70]  }
0x1b8: {  	v53 =	vld [tilespmem:$0x6EF0];
	_ =	sdelay $0x2  }
0x1b9: {  	v0 =	vsub.f32 v0, v49;
	v54 =	vsub.f32 v50, v51;
	_ =	sdelay $0x1  }
0x1ba: {  	v55 =	vsub.f32 v52, v53;
	v0 =	vmul.f32 v0, v0;
	v1 =	vmul.f32 v54, v54;
	_ =	sdelay $0x1  }
0x1bb: {  	v56 =	vmul.f32 v55, v55;
	v0 =	vadd.f32 v1, v0;
	_ =	sdelay $0x1  }
0x1bc: {  	v0 =	vadd.f32 v56, v0;
	_ =	sdelay $0x1  }
0x1bd: {  	[tilespmem:s10+$0x7270] =	vst v0  }
0x1be: {  	_ =	swait.ge [sflag:s2], $0x80  }
0x1bf: {  	[sflag:s2] =	ssyncset.done $0x0  }
0x1c0: {  	[sflag:s2] =	ssyncadd.s32 $0xFFFFFF80  }
0x1c1: {  	_ =	swait.ge [sflag:s2], $0x80  }
0x1c2: {  	[sflag:s2] =	ssyncset.done $0x0  }
0x1c3: {  	[sflag:s2] =	ssyncadd.s32 $0xFFFFFF80  }
0x1c4: {  	_ =	swait.ge [sflag:s2], $0x80  }
0x1c5: {  	[sflag:s2] =	ssyncset.done $0x0  }
0x1c6: {  	[sflag:s2] =	ssyncadd.s32 $0xFFFFFF80  }
0x1c7: {  	_ =	swait.ge [sflag:s2], $0x80  }
0x1c8: {  	[sflag:s2] =	ssyncset.done $0x0  }
0x1c9: {  	[sflag:s2] =	ssyncadd.s32 $0xFFFFFF80  }
0x1ca: {  	_ =	swait.ge [sflag:s2], $0x80  }
0x1cb: {  	[sflag:s2] =	ssyncset.done $0x0  }
0x1cc: {  	[sflag:s2] =	ssyncadd.s32 $0xFFFFFF80  }
0x1cd: {  	_ =	swait.ge [sflag:s2], $0x80  }
0x1ce: {  	[sflag:s2] =	ssyncset.done $0x0  }
0x1cf: {  	[sflag:s2] =	ssyncadd.s32 $0xFFFFFF80  }
0x1d0: {  	v57 =	vld [tilespmem:$0x6F00]  }
0x1d1: {  	v58 =	vld [tilespmem:$0x7080]  }
0x1d2: {  	v59 =	vld [tilespmem:$0x6F80]  }
0x1d3: {  	v60 =	vld [tilespmem:$0x7100]  }
0x1d4: {  	v61 =	vld [tilespmem:$0x7000]  }
0x1d5: {  	v62 =	vld [tilespmem:$0x7180];
	_ =	sdelay $0x2  }
0x1d6: {  	v0 =	vsub.f32 v57, v58;
	v63 =	vsub.f32 v59, v60;
	_ =	sdelay $0x1  }
0x1d7: {  	v6 =	vsub.f32 v61, v62;
	v0 =	vmul.f32 v0, v0;
	v1 =	vmul.f32 v63, v63;
	_ =	sdelay $0x1  }
0x1d8: {  	v7 =	vmul.f32 v6, v6;
	v0 =	vadd.f32 v1, v0;
	_ =	sdelay $0x1  }
0x1d9: {  	v0 =	vadd.f32 v7, v0;
	_ =	sdelay $0x1  }
0x1da: {  	[tilespmem:s10+$0x7280] =	vst v0  }
0x1db: {  	v0 =	vld [tilespmem:$0x6F10]  }
0x1dc: {  	v8 =	vld [tilespmem:$0x7090]  }
0x1dd: {  	v9 =	vld [tilespmem:$0x6F90]  }
0x1de: {  	v10 =	vld [tilespmem:$0x7110]  }
0x1df: {  	v11 =	vld [tilespmem:$0x7010]  }
0x1e0: {  	v12 =	vld [tilespmem:$0x7190];
	_ =	sdelay $0x2  }
0x1e1: {  	v0 =	vsub.f32 v0, v8;
	v13 =	vsub.f32 v9, v10;
	_ =	sdelay $0x1  }
0x1e2: {  	v14 =	vsub.f32 v11, v12;
	v0 =	vmul.f32 v0, v0;
	v1 =	vmul.f32 v13, v13;
	_ =	sdelay $0x1  }
0x1e3: {  	v15 =	vmul.f32 v14, v14;
	v0 =	vadd.f32 v1, v0;
	_ =	sdelay $0x1  }
0x1e4: {  	v0 =	vadd.f32 v15, v0;
	_ =	sdelay $0x1  }
0x1e5: {  	[tilespmem:s10+$0x7290] =	vst v0  }
0x1e6: {  	v0 =	vld [tilespmem:$0x6F20]  }
0x1e7: {  	v16 =	vld [tilespmem:$0x70A0]  }
0x1e8: {  	v17 =	vld [tilespmem:$0x6FA0]  }
0x1e9: {  	v18 =	vld [tilespmem:$0x7120]  }
0x1ea: {  	v19 =	vld [tilespmem:$0x7020]  }
0x1eb: {  	v20 =	vld [tilespmem:$0x71A0];
	_ =	sdelay $0x2  }
0x1ec: {  	v0 =	vsub.f32 v0, v16;
	v21 =	vsub.f32 v17, v18;
	_ =	sdelay $0x1  }
0x1ed: {  	v22 =	vsub.f32 v19, v20;
	v0 =	vmul.f32 v0, v0;
	v1 =	vmul.f32 v21, v21;
	_ =	sdelay $0x1  }
0x1ee: {  	v23 =	vmul.f32 v22, v22;
	v0 =	vadd.f32 v1, v0;
	_ =	sdelay $0x1  }
0x1ef: {  	v0 =	vadd.f32 v23, v0;
	_ =	sdelay $0x1  }
0x1f0: {  	[tilespmem:s10+$0x72A0] =	vst v0  }
0x1f1: {  	v0 =	vld [tilespmem:$0x6F30]  }
0x1f2: {  	v24 =	vld [tilespmem:$0x70B0]  }
0x1f3: {  	v25 =	vld [tilespmem:$0x6FB0]  }
0x1f4: {  	v26 =	vld [tilespmem:$0x7130]  }
0x1f5: {  	v27 =	vld [tilespmem:$0x7030]  }
0x1f6: {  	v28 =	vld [tilespmem:$0x71B0];
	_ =	sdelay $0x2  }
0x1f7: {  	v0 =	vsub.f32 v0, v24;
	v29 =	vsub.f32 v25, v26;
	_ =	sdelay $0x1  }
0x1f8: {  	v30 =	vsub.f32 v27, v28;
	v0 =	vmul.f32 v0, v0;
	v1 =	vmul.f32 v29, v29;
	_ =	sdelay $0x1  }
0x1f9: {  	v31 =	vmul.f32 v30, v30;
	v0 =	vadd.f32 v1, v0;
	_ =	sdelay $0x1  }
0x1fa: {  	v0 =	vadd.f32 v31, v0;
	_ =	sdelay $0x1  }
0x1fb: {  	[tilespmem:s10+$0x72B0] =	vst v0  }
0x1fc: {  	v0 =	vld [tilespmem:$0x6F40]  }
0x1fd: {  	v32 =	vld [tilespmem:$0x70C0]  }
0x1fe: {  	v33 =	vld [tilespmem:$0x6FC0]  }
0x1ff: {  	v34 =	vld [tilespmem:$0x7140]  }
0x200: {  	v35 =	vld [tilespmem:$0x7040]  }
0x201: {  	v36 =	vld [tilespmem:$0x71C0];
	_ =	sdelay $0x2  }
0x202: {  	v0 =	vsub.f32 v0, v32;
	v37 =	vsub.f32 v33, v34;
	_ =	sdelay $0x1  }
0x203: {  	v38 =	vsub.f32 v35, v36;
	v0 =	vmul.f32 v0, v0;
	v1 =	vmul.f32 v37, v37;
	_ =	sdelay $0x1  }
0x204: {  	v39 =	vmul.f32 v38, v38;
	v0 =	vadd.f32 v1, v0;
	_ =	sdelay $0x1  }
0x205: {  	v0 =	vadd.f32 v39, v0;
	_ =	sdelay $0x1  }
0x206: {  	[tilespmem:s10+$0x72C0] =	vst v0  }
0x207: {  	v0 =	vld [tilespmem:$0x6F50]  }
0x208: {  	v40 =	vld [tilespmem:$0x70D0]  }
0x209: {  	v41 =	vld [tilespmem:$0x6FD0]  }
0x20a: {  	v42 =	vld [tilespmem:$0x7150]  }
0x20b: {  	v43 =	vld [tilespmem:$0x7050]  }
0x20c: {  	v44 =	vld [tilespmem:$0x71D0];
	_ =	sdelay $0x2  }
0x20d: {  	v0 =	vsub.f32 v0, v40;
	v45 =	vsub.f32 v41, v42;
	_ =	sdelay $0x1  }
0x20e: {  	v46 =	vsub.f32 v43, v44;
	v0 =	vmul.f32 v0, v0;
	v1 =	vmul.f32 v45, v45;
	_ =	sdelay $0x1  }
0x20f: {  	v47 =	vmul.f32 v46, v46;
	v0 =	vadd.f32 v1, v0;
	_ =	sdelay $0x1  }
0x210: {  	v0 =	vadd.f32 v47, v0;
	_ =	sdelay $0x1  }
0x211: {  	[tilespmem:s10+$0x72D0] =	vst v0  }
0x212: {  	v0 =	vld [tilespmem:$0x6F60]  }
0x213: {  	v48 =	vld [tilespmem:$0x70E0]  }
0x214: {  	v49 =	vld [tilespmem:$0x6FE0]  }
0x215: {  	v50 =	vld [tilespmem:$0x7160]  }
0x216: {  	v51 =	vld [tilespmem:$0x7060]  }
0x217: {  	v52 =	vld [tilespmem:$0x71E0];
	_ =	sdelay $0x2  }
0x218: {  	v0 =	vsub.f32 v0, v48;
	v53 =	vsub.f32 v49, v50;
	_ =	sdelay $0x1  }
0x219: {  	v54 =	vsub.f32 v51, v52;
	v0 =	vmul.f32 v0, v0;
	v1 =	vmul.f32 v53, v53;
	_ =	sdelay $0x1  }
0x21a: {  	v55 =	vmul.f32 v54, v54;
	v0 =	vadd.f32 v1, v0;
	_ =	sdelay $0x1  }
0x21b: {  	v0 =	vadd.f32 v55, v0;
	_ =	sdelay $0x1  }
0x21c: {  	[tilespmem:s10+$0x72E0] =	vst v0  }
0x21d: {  	v0 =	vld [tilespmem:$0x6F70]  }
0x21e: {  	v56 =	vld [tilespmem:$0x70F0]  }
0x21f: {  	v57 =	vld [tilespmem:$0x6FF0]  }
0x220: {  	v58 =	vld [tilespmem:$0x7170]  }
0x221: {  	v59 =	vld [tilespmem:$0x7070]  }
0x222: {  	v60 =	vld [tilespmem:$0x71F0];
	_ =	sdelay $0x2  }
0x223: {  	v0 =	vsub.f32 v0, v56;
	v61 =	vsub.f32 v57, v58;
	_ =	sdelay $0x1  }
0x224: {  	v62 =	vsub.f32 v59, v60;
	v0 =	vmul.f32 v0, v0;
	v1 =	vmul.f32 v61, v61  }
0x225: {  	p1 =	sne.s32 s17, $0xD400  }
.Ltmp5:
0x226: {  	v63 =	vmul.f32 v62, v62;
	v0 =	vadd.f32 v1, v0;
	(pc) =	sbr.rel @p1 .LBB2_3-.Ltmp5, $3  }
0x227: {  	_ = 	snop  }
0x228: {  	v0 =	vadd.f32 v63, v0;
	_ =	sdelay $0x1  }
0x229: {  	s17 =	sadd.s32 $0x400, s17;
	[tilespmem:s10+$0x72F0] =	vst v0  }
.Ltmp6:
0x22a: {  	_ = 	snop;
	(pc) =	sbr.rel .LBB2_4-.Ltmp6, $1  }
0x22b: {  	_ =	sdelay $0x3  }
.LBB2_9:
0x22c: {  	_ =	sfence.sel $0x180000  }
0x22d: {  	[bflag:$0x0] =	sbarrier.arrive $0xFFFF  }
0x22e: {  	_ =	strace $0x90000047  }
0x22f: {  	s0 =	stileid.u32;
	[bflag:$0x2] =	sbarrier.arrive $0xFFFF  }
0x230: {  	p0 =	sne.s32 s0, $0x0;
	s0 =	rddreg [dreg:$0x2]  }
0x231: {  	s0 =	sadd.s32 @!p0 $0x100000, s0  }
0x232: {  	[sflag:s0] =	ssyncadd.tile.s32 @!p0 $0x1;
	_ =	shalt  }
.Lfunc_end2:
_tile_overlayer_lowered:
.L_overlay_start_2:
0x233: {  	(tag) =	ssettag $0x2  }
0x234: {  	s0 =	rddreg [dreg:$0x0];
	s2 =	stileid.u32  }
0x235: {  	s1 =	rddreg [dreg:$0x1];
	p0 =	sne.s32 s2, $0x0  }
0x236: {  	s3 =	rddreg [dreg:$0x2];
	[bflag:$0x3] =	sbarrier.arrive $0xFFFF;
	s2 =	simm.s32 @!p0 $0x1C03  }
0x237: {  	[timem:s3], [sflag:s2] =	dma.local @!p0 [hbm:s0], s1  }
0x238: {  	s0 =	simm.s32 @!p0 $0x3  }
0x239: {  	_ =	swait.ge @!p0 [sflag:s0], s1  }
0x23a: {  	s1 =	ssub.s32 @!p0 $0x0, s1;
	[sflag:s0] =	ssyncset.done @!p0 $0x0  }
0x23b: {  	[sflag:s0] =	ssyncadd.s32 @!p0 s1  }
0x23c: {  	[bflag:$0x3] =	sbarrier.arrive $0xFFFF  }
0x23d: {  	_ =	shalt  }

// kernel: kernel.15.cloned.1.call-start
scs
__scs_entry_jumppad:
0x0: {  	(pc) =	sbr.rel $0x88, $3  }
0x1: {  	(tag) =	ssettag $0x0;
	lr =	simm.s32 $0x1  }
0x2: {  	[smem:$0x3F84] =	sst lr;
	_ =	strace $0xD0000000  }
0x3: {  	_ = 	snop  }
0x4: {  	_ = 	snop  }
0x5: {  	_ = 	snop  }
0x6: {  	_ = 	snop  }
0x7: {  	_ = 	snop  }
__scs_overlays_trampoline_lowered:
0x8: {  	[smem:$0x3F93] =	sst s0  }
0x9: {  	[smem:$0x3F94] =	sst s1  }
0xa: {  	[smem:$0x3F95] =	sst s2  }
0xb: {  	[smem:$0x3F96] =	sst s3  }
0xc: {  	[smem:$0x3F97] =	sst s4  }
0xd: {  	[smem:$0x3F98] =	sst s5  }
0xe: {  	[smem:$0x3F99] =	sst s6  }
0xf: {  	[smem:$0x3F9A] =	sst s7  }
0x10: {  	[smem:$0x3F9B] =	sst s8  }
0x11: {  	[smem:$0x3F9C] =	sst s9;
	s0 =	simm.s32 @!p0 $0x0  }
0x12: {  	s1 =	sld [smem:$0x3F82];
	s0 =	simm.s32 @p0 $0x1  }
0x13: {  	[smem:$0x3F9D] =	sst s0;
	s0 =	simm.s32 @!p1 $0x0  }
0x14: {  	s2 =	sld [smem:$0x3F81];
	s0 =	simm.s32 @p1 $0x1  }
0x15: {  	[smem:$0x3F9E] =	sst s0;
	s0 =	simm.s32 @!p2 $0x0  }
0x16: {  	s3 =	sld [smem:$0x3FDB];
	s0 =	simm.s32 @p2 $0x1  }
0x17: {  	s4 =	simm.s32 $0x1BF5;
	[smem:$0x3FA0] =	sst s0  }
0x18: {  	s0 =	sld [smem:$0x3F83];
	_ =	swait.ge [sflag:s4], $0x0  }
0x19: {  	s7 =	sld [smem:$0x3F84]  }
0x1a: {  	s8 =	sadd.s32 $0xFFFFE003, lr  }
0x1b: {  	s9 =	sadd.s32 $0xFFFFFEF7, lr;
	s5 =	simm.s32 $0xFFFFFFFF;
	p2 =	slt.u32 s8, $0xFFFFF086  }
0x1c: {  	p1 =	slt.u32 s9, $0xF7A;
	s5 =	simm.s32 @!p2 $0x0  }
0x1d: {  	s5 =	simm.s32 @p1 $0x1;
	p0 =	seq.s32 s7, s2  }
0x1e: {  	s7 =	smul.u32 @!p0 $0xF7A, s2;
	p2 =	seq.s32 @!p0 s5, $0x0  }
0x1f: {  	s9 =	smul.u32 $0xF7A, s1;
	s8 =	simm.s32 @!p0 $0x1BF5;
	p2 =	por !p2, p0  }
0x20: {  	[sflag:s8] =	ssyncset.s32 @!p0 $0xFFFFF086;
	s6 =	sadd.s32 @!p0 s3, s7;
	s7 =	simm.s32 @!p0 $0x108  }
0x21: {  	s3 =	sadd.s32 s3, s9;
	s6 =	sadd.s32 @!p0 $0x88, s6;
	s7 =	simm.s32 @p2 $0x1082  }
0x22: {  	[simem:s7], [sflag:s8] =	dma.local @!p0 [hbm:s6], $0xF7A  }
0x23: {  	s9 =	sor.u32 $0xD0000000, s2;
	s6 =	simm.s32 $0x108;
	_ =	swait.ge @!p0 [sflag:s8], $0x0  }
0x24: {  	s3 =	sadd.s32 $0x88, s3;
	s6 =	simm.s32 @!p1 $0x1082;
	[sflag:s4] =	ssyncset.s32 $0xFFFFF086  }
0x25: {  	[simem:s6], [sflag:s4] =	dma.local [hbm:s3], $0xF7A  }
0x26: {  	[smem:$0x3F84] =	sst s1;
	(tag) =	ssettag s2;
	_ =	strace s9  }
0x27: {  	s1 =	sld [smem:$0x3F94]  }
0x28: {  	s2 =	sld [smem:$0x3F95]  }
0x29: {  	s4 =	sld [smem:$0x3F97]  }
0x2a: {  	p0 =	seq.s32 s5, $0x0;
	s5 =	sld [smem:$0x3F98]  }
0x2b: {  	s6 =	sld [smem:$0x3F99]  }
0x2c: {  	s7 =	sld [smem:$0x3F9A]  }
0x2d: {  	s3 =	simm.s32 $0x108;
	s8 =	sld [smem:$0x3F9B]  }
0x2e: {  	s3 =	simm.s32 @!p0 $0x1082;
	s9 =	sld [smem:$0x3F9C]  }
0x2f: {  	lr =	sadd.s32 s0, s3;
	s0 =	sld [smem:$0x3F93]  }
0x30: {  	s3 =	sld [smem:$0x3F96]  }
0x31: {  	[smem:$0x3F9F] =	sst s10  }
0x32: {  	s10 =	sld [smem:$0x3F9D];
	_ =	sdelay $0x3  }
0x33: {  	p0 =	seq.s32 s10, $0x1;
	s10 =	sld [smem:$0x3F9F];
	_ =	sdelay $0x3  }
0x34: {  	[smem:$0x3F9F] =	sst s10  }
0x35: {  	s10 =	sld [smem:$0x3F9E];
	_ =	sdelay $0x3  }
0x36: {  	p1 =	seq.s32 s10, $0x1;
	s10 =	sld [smem:$0x3F9F];
	_ =	sdelay $0x3  }
0x37: {  	[smem:$0x3F9F] =	sst s10  }
0x38: {  	s10 =	sld [smem:$0x3FA0]  }
0x39: {  	_ = 	snop;
	(pc) =	sbr.ind lr, $3  }
0x3a: {  	_ = 	snop  }
0x3b: {  	_ = 	snop  }
0x3c: {  	p2 =	seq.s32 s10, $0x1;
	s10 =	sld [smem:$0x3F9F]  }
0x3d: {  	_ =	shalt  }
0x3e: {  	_ =	shalt  }
0x3f: {  	_ =	shalt  }
0x40: {  	_ =	shalt  }
0x41: {  	_ =	shalt  }
0x42: {  	_ =	shalt  }
0x43: {  	_ =	shalt  }
0x44: {  	_ =	shalt  }
0x45: {  	_ =	shalt  }
0x46: {  	_ =	shalt  }
0x47: {  	_ =	shalt  }
0x48: {  	_ =	shalt  }
0x49: {  	_ =	shalt  }
0x4a: {  	_ =	shalt  }
0x4b: {  	_ =	shalt  }
0x4c: {  	_ =	shalt  }
0x4d: {  	_ =	shalt  }
0x4e: {  	_ =	shalt  }
0x4f: {  	_ =	shalt  }
0x50: {  	_ =	shalt  }
0x51: {  	_ =	shalt  }
0x52: {  	_ =	shalt  }
0x53: {  	_ =	shalt  }
0x54: {  	_ =	shalt  }
0x55: {  	_ =	shalt  }
0x56: {  	_ =	shalt  }
0x57: {  	_ =	shalt  }
0x58: {  	_ =	shalt  }
0x59: {  	_ =	shalt  }
0x5a: {  	_ =	shalt  }
0x5b: {  	_ =	shalt  }
0x5c: {  	_ =	shalt  }
0x5d: {  	_ =	shalt  }
0x5e: {  	_ =	shalt  }
0x5f: {  	_ =	shalt  }
0x60: {  	_ =	shalt  }
0x61: {  	_ =	shalt  }
0x62: {  	_ =	shalt  }
0x63: {  	_ =	shalt  }
0x64: {  	_ =	shalt  }
0x65: {  	_ =	shalt  }
0x66: {  	_ =	shalt  }
0x67: {  	_ =	shalt  }
0x68: {  	_ =	shalt  }
0x69: {  	_ =	shalt  }
0x6a: {  	_ =	shalt  }
0x6b: {  	_ =	shalt  }
0x6c: {  	_ =	shalt  }
0x6d: {  	_ =	shalt  }
0x6e: {  	_ =	shalt  }
0x6f: {  	_ =	shalt  }
0x70: {  	_ =	shalt  }
0x71: {  	_ =	shalt  }
0x72: {  	_ =	shalt  }
0x73: {  	_ =	shalt  }
0x74: {  	_ =	shalt  }
0x75: {  	_ =	shalt  }
0x76: {  	_ =	shalt  }
0x77: {  	_ =	shalt  }
0x78: {  	_ =	shalt  }
0x79: {  	_ =	shalt  }
0x7a: {  	_ =	shalt  }
0x7b: {  	_ =	shalt  }
0x7c: {  	_ =	shalt  }
0x7d: {  	_ =	shalt  }
0x7e: {  	_ =	shalt  }
0x7f: {  	_ =	shalt  }
0x80: {  	_ =	shalt  }
0x81: {  	_ =	shalt  }
0x82: {  	_ =	shalt  }
0x83: {  	_ =	shalt  }
0x84: {  	_ =	shalt  }
0x85: {  	_ =	shalt  }
0x86: {  	_ =	shalt  }
0x87: {  	_ =	shalt  }
.Lfunc_end0:
.L_simem_size_0:
called_computation.1_lowered:
.L_overlay_start_0:
0x88: {  	s2 =	sld [smem:$0x3FD9]  }
0x89: {  	s3 =	sld [smem:$0x3FFE];
	_ =	sdelay $0x1  }
0x8a: {  	s1 =	srdreg.scid  }
0x8b: {  	s0 =	sand.u32 $0x1, s1  }
0x8c: {  	s16 =	sshll.u32 s0, $0xA;
	s2 =	sadd.s32 s3, s2  }
0x8d: {  	s2 =	sadd.s32 s2, s16  }
0x8e: {  	[smem:$0x3FAB] =	sst s2  }
0x8f: {  	_ = 	snop  }
0x90: {  	(tm) =	ssettm $0x1  }
0x91: {  	s17 =	sld [smem:$0x3FFB];
	_ =	sdelay $0x3  }
0x92: {  	_ =	strace s17  }
0x93: {  	s2 =	sld [smem:$0x3FFC];
	_ =	sdelay $0x3  }
0x94: {  	_ =	strace s2  }
0x95: {  	s2 =	sld [smem:$0x3FFD];
	_ =	sdelay $0x3  }
0x96: {  	_ =	strace s2  }
0x97: {  	_ =	strace $0x8FFFFFFF  }
0x98: {  	s18 =	sld [smem:$0x3FDB];
	_ =	sdelay $0x1  }
0x99: {  	s19 =	simm.s32 $_scs_section_size  }
0x9a: {  	s4 =	simm.s32 $_size__tile_overlayer_lowered;
	s5 =	simm.s32 $_tile_overlayer_lowered  }
0x9b: {  	s22 =	simm.s32 $0x1BFF;
	s21 =	sshll.u32 s5, $0x1;
	s2 =	sadd.s32 s19, s18  }
0x9c: {  	s6 =	simm.s32 $0x0;
	s20 =	sshll.u32 s4, $0x1;
	s4 =	sadd.s32 s21, s2  }
0x9d: {  	[timem:s6], [sflag:s22] =	dma.local [hbm:s4], s20  }
0x9e: {  	_ =	swait.ge [sflag:s22], s20  }
0x9f: {  	s3 =	ssub.s32 $0x0, s20;
	[sflag:s22] =	ssyncset.done $0x0  }
0xa0: {  	[sflag:s22] =	ssyncadd.s32 s3;
	_ =	sdelay $0x1  }
0xa1: {  	s23 =	simm.s32 $0x1B8B  }
0xa2: {  	_ =	swait.ge [sflag:s23], $0x1  }
0xa3: {  	[sflag:s23] =	ssyncset.done $0x0  }
0xa4: {  	s25 =	simm.s32 $0x1B8E;
	s24 =	sld [smem:$0x3FFE];
	[sflag:s23] =	ssyncadd.s32 $0xFFFFFFFF  }
0xa5: {  	s26 =	simm.s32 $execute0_lowered;
	[smem:$0x3FD2] =	sst s25  }
0xa6: {  	s4 =	sshll.u32 s26, $0x1;
	_ =	strace $0x80000049;
	[dreg:$0x1] =	wrdreg $0xFFFFFFFF  }
0xa7: {  	s28 =	simm.s32 $_size_execute0_lowered;
	s2 =	sadd.s32 s2, s4;
	[dreg:$0x0] =	wrdreg $0x0  }
0xa8: {  	s4 =	sshll.u32 s28, $0x1;
	[dreg:$0x2] =	wrdreg s2  }
0xa9: {  	[dreg:$0x3] =	wrdreg s4  }
0xaa: {  	[dreg:$0x4] =	wrdreg $0xC0  }
0xab: {  	_ =	task [dreg:s6], $0x5FFFF  }
0xac: {  	[dreg:$0x1] =	wrdreg $0xFFFFFFFF  }
0xad: {  	[dreg:$0x0] =	wrdreg $0x60  }
0xae: {  	[dreg:$0x2] =	wrdreg s24  }
0xaf: {  	[dreg:$0x3] =	wrdreg $0xBF000  }
0xb0: {  	[dreg:$0x4] =	wrdreg $0x9  }
0xb1: {  	_ =	task.clear_ibuf [dreg:s6], $0x5FFFF;
	_ =	strace $0x90000049  }
0xb2: {  	s29 =	simm.s32 $0x9;
	_ =	strace $0x8000004B  }
0xb3: {  	_ =	swait.ge [sflag:s29], $0x1  }
0xb4: {  	[sflag:s29] =	ssyncadd.s32 $0xFFFFFFFF  }
0xb5: {  	_ =	strace $0x9000004B  }
0xb6: {  	_ =	sfence  }
0xb7: {  	s30 =	sld [smem:$0x0];
	_ =	sdelay $0x2  }
0xb8: {  	s31 =	sshll.u32 s1, $0xD;
	s1 =	sshrl.u32 s1, $0x2  }
0xb9: {  	s3 =	sand.u32 $0x4000, s31;
	s1 =	sadd.s32 s1, s30  }
0xba: {  	s0 =	sor.u32 s3, s0;
	s1 =	sshll.u32 s1, $0x11  }
0xbb: {  	s0 =	sor.u32 s1, s0  }
0xbc: {  	s0 =	sadd.s32 $0x8F2B, s0  }
0xbd: {  	[sflag:s0] =	ssyncadd.remote.s32 $0x1  }
0xbe: {  	_ =	sfence.sel $0xFFFF  }
0xbf: {  	[dreg:$0x0] =	wrdreg $0xFFFFFFFF;
	(pc) =	sbr.abs _section_cstart, $3  }
0xc0: {  	[dreg:$0x1] =	wrdreg $0xFFFFFFFF  }
0xc1: {  	_ =	task.clear_ibuf [dreg:s6], $0x2FFFF;
	_ =	strace $0x9FFFFFFF  }
0xc2: {  	(tm) =	ssettm $0x7FFFFFFF  }
0xc3: {  	_ =	shalt  }
tec
execute0_lowered:
.L_overlay_start_1:
0x0: {  	(tag) =	ssettag $0x1  }
0x1: {  	s0 =	rddreg [dreg:$0x0]  }
0x2: {  	s2 =	rddreg [dreg:$0x1];
	s3 =	simm.s32 $0x0  }
0x3: {  	s16 =	stileid.u32;
	s1 =	srdreg.scid;
	s17 =	simm.s32 $0x3F00  }
0x4: {  	s18 =	simm.s32 $0x7F00;
	s19 =	simm.s32 $0x5F00;
	s20 =	simm.s32 $0x9F00  }
0x5: {  	s21 =	simm.s32 $0x3E00;
	s28 =	simm.s32 $0x4;
	s29 =	simm.s32 $0x5  }
0x6: {  	s30 =	simm.s32 $0x6;
	[smem:$0x7FF] =	sst s3;
	s11 =	smul.u32 $0x2800, s16  }
0x7: {  	s1 =	sand.u32 $0x1, s1;
	s4 =	sadd.s32 $0x55A00, s0;
	s5 =	sadd.s32 $0x7DA00, s0  }
0x8: {  	s12 =	sadd.s32 $0x4200, s0;
	s6 =	sadd.s32 $0xE200, s0;
	s8 =	smul.u32 $0x50000, s16  }
0x9: {  	s13 =	smul.u32 $0x1200, s16;
	s23 =	sshll.u32 s16, $0x6;
	_ =	strace $0x8000004A  }
0xa: {  	s7 =	smul.u32 $0x28000, s1;
	s22 =	ssub.s32 $0x2, s1;
	p0 =	seq.s32 s1, $0x1  }
0xb: {  	s9 =	sadd.s32 s11, s0;
	s10 =	sshrl.u32 s22, $0x1;
	s8 =	sshrl.u32 s8, $0x2  }
0xc: {  	s0 =	sadd.s32 s7, s0;
	s14 =	ssub.s32 s22, s10;
	s15 =	sadd.s32 s8, s2  }
0xd: {  	s7 =	smul.u32 $0x3E00, s16;
	s8 =	sadd.s32 $0x57DA00, s9;
	s9 =	sadd.s32 $0x3E000, s13  }
0xe: {  	s10 =	sor.u32 $0x1C07, s23;
	s16 =	simm.s32 $0x40;
	s22 =	simm.s32 $0x3E80  }
.Ltmp0:
0xf: {  	s23 =	simm.s32 $0x1;
	s25 =	sshrl.u32 s9, $0x3;
	(pc) =	sbr.rel .LBB2_1-.Ltmp0, $4  }
0x10: {  	s0 =	sadd.s32 $0x5A5A00, s0;
	s13 =	smax.u32 s14, $0x1;
	s14 =	sshrl.u32 s15, $0x3  }
0x11: {  	s15 =	simm.s32 $0x7;
	s24 =	sshrl.u32 s7, $0x3;
	s31 =	sadd.s32 s12, s25  }
0x12: {  	s25 =	simm.s32 $0x3;
	s26 =	sadd.s32 s12, s24;
	[dreg:$0x4] =	wrdreg s31  }
0x13: {  	s24 =	sadd.s32 s11, s0;
	[dreg:$0x3] =	wrdreg s26;
	s26 =	simm.s32 $0x2  }
.LBB2_14:
0x14: {  	s3 =	sadd.s32 $0x1, s3  }
0x15: {  	p1 =	sne.s32 s3, s13  }
.Ltmp1:
0x16: {  	[bflag:$0x0] =	sbarrier.arrive $0xFFFF;
	(pc) =	sbr.rel @!p1 .LBB2_15-.Ltmp1, $4  }
0x17: {  	[hbm:s24], [sflag:s10] =	dma.local [spmem:s14], $0x2800  }
0x18: {  	_ =	swait.ge [sflag:s15], $0x2800  }
0x19: {  	[sflag:s15] =	ssyncset.done $0x0  }
0x1a: {  	[sflag:s15] =	ssyncadd.s32 $0xFFFFD800  }
.LBB2_1:
.Ltmp2:
0x1b: {  	(pc) =	sbr.rel @!p0 .LBB2_2-.Ltmp2, $4  }
0x1c: {  	[spmem:s14], [sflag:s10] =	dma.local [hbm:s8], $0x2800  }
0x1d: {  	_ =	swait.ge [sflag:s15], $0x2800  }
0x1e: {  	[sflag:s15] =	ssyncset.done $0x0  }
0x1f: {  	s31 =	simm.s32 $0x0;
	[sflag:s15] =	ssyncadd.s32 $0xFFFFD800  }
0x20: {  	s0 =	rddreg [dreg:$0x4]  }
0x21: {  	[tilespmem:s31], [sflag:$0x7] =	stream.linear.gather [hbm4b:s0+s31], $0x1200, $0x38;
	[tilespmem:$0x1FF00] =	vst v63  }
0x22: {  	_ =	swait.ge [sflag:s15], $0x1200  }
0x23: {  	[sflag:s15] =	ssyncset.done $0x0  }
0x24: {  	[sflag:s15] =	ssyncadd.s32 $0xFFFFEE00  }
0x25: {  	s0 =	simm.s32 $0x0;
	[bflag:$0x0] =	sbarrier.arrive $0xFFFF  }
.LBB2_9:
0x26: {  	s1 =	sshll.u32 s0, $0x7  }
0x27: {  	[tilespmem:s17], [sflag:$0x1] =	stream.indirect.gather [hbm4b:s4+s16], $0x80, s1, s16, $0xb8;
	[tilespmem:$0x1FF00] =	vst v63  }
0x28: {  	s11 =	sadd.s32 s9, s1  }
0x29: {  	s12 =	sshll.u32 s11, $0x4  }
0x2a: {  	s12 =	sadd.s32 s5, s12  }
0x2b: {  	[tilespmem:s18], [sflag:$0x3] =	stream.linear.gather [hbm4b:s12+s31], $0x2000, $0x38;
	[tilespmem:$0x1FF00] =	vst v63  }
0x2c: {  	s1 =	sor.u32 $0x40, s1  }
0x2d: {  	[tilespmem:s19], [sflag:$0x2] =	stream.indirect.gather [hbm4b:s4+s16], $0x80, s1, s16, $0xb8;
	[tilespmem:$0x1FF00] =	vst v63  }
0x2e: {  	s1 =	sadd.s32 s9, s1  }
0x2f: {  	s12 =	sshll.u32 s1, $0x4  }
0x30: {  	s11 =	sshrl.u32 s11, $0x3;
	s12 =	sadd.s32 s5, s12  }
0x31: {  	[tilespmem:s20], [sflag:$0x4] =	stream.linear.gather [hbm4b:s12+s31], $0x2000, $0x38;
	[tilespmem:$0x1FF00] =	vst v63  }
0x32: {  	s11 =	sadd.s32 s6, s11  }
0x33: {  	[tilespmem:s21], [sflag:$0x7] =	stream.linear.gather [hbm4b:s11+s31], $0x40, $0x38;
	[tilespmem:$0x1FF00] =	vst v63  }
0x34: {  	_ =	swait.ge [sflag:s15], $0x40  }
0x35: {  	s1 =	sshrl.u32 s1, $0x3;
	[sflag:s15] =	ssyncset.done $0x0  }
0x36: {  	s1 =	sadd.s32 s6, s1;
	[sflag:s15] =	ssyncadd.s32 $0xFFFFFFC0  }
0x37: {  	[tilespmem:s22], [sflag:$0x7] =	stream.linear.gather [hbm4b:s1+s31], $0x40, $0x38;
	[tilespmem:$0x1FF00] =	vst v63  }
0x38: {  	_ =	swait.ge [sflag:s15], $0x40  }
0x39: {  	[sflag:s15] =	ssyncset.done $0x0  }
0x3a: {  	[sflag:s15] =	ssyncadd.s32 $0xFFFFFFC0  }
0x3b: {  	_ =	swait.ge [sflag:s23], $0x2000  }
0x3c: {  	[sflag:s23] =	ssyncset.done $0x0  }
0x3d: {  	[sflag:s23] =	ssyncadd.s32 $0xFFFFE000  }
0x3e: {  	_ =	swait.ge [sflag:s25], $0x2000  }
0x3f: {  	[sflag:s25] =	ssyncset.done $0x0  }
0x40: {  	s1 =	simm.s32 $0x0;
	[sflag:s25] =	ssyncadd.s32 $0xFFFFE000  }
0x41: {  	v7 =	vld [tilespmem:s1+$0x7F00]  }
0x42: {  	v11 =	vld [tilespmem:s1+$0x7F10]  }
0x43: {  	v5 =	vld [tilespmem:s1+$0x7F20]  }
0x44: {  	v4 =	vld [tilespmem:s1+$0x7F30]  }
0x45: {  	v3 =	vld [tilespmem:s1+$0x7F40]  }
0x46: {  	v2 =	vld [tilespmem:s1+$0x7F50]  }
0x47: {  	v1 =	vld [tilespmem:s1+$0x7F60]  }
0x48: {  	v0 =	vld [tilespmem:s1+$0x7F70]  }
0x49: {  	v12 =	vld [tilespmem:s1+$0x3F00]  }
0x4a: {  	v13 =	vld [tilespmem:s1+$0x3F10]  }
0x4b: {  	v10 =	vld [tilespmem:s1+$0x3F20]  }
0x4c: {  	v9 =	vld [tilespmem:s1+$0x3F30]  }
0x4d: {  	v8 =	vld [tilespmem:s1+$0x3F40]  }
0x4e: {  	v6 =	vld [tilespmem:s1+$0x3F50];
	v12 =	vmul.f32 v7, v12  }
0x4f: {  	s11 =	simm.s32 $0x200;
	v11 =	vmul.f32 v11, v13;
	v7 =	vld [tilespmem:s1+$0x3F60]  }
.LBB2_10:
0x50: {  	s12 =	sshra.s32 s11, $0x2;
	p1 =	sne.s32 s11, $0x7E00;
	[tilespmem:s1+$0x3F00] =	vst v12;
	v5 =	vmul.f32 v5, v10;
	v10 =	vld [tilespmem:s1+$0x3F70]  }
0x51: {  	v12 =	vld [tilespmem:s12+$0x7F00];
	[tilespmem:s1+$0x3F10] =	vst v11;
	v4 =	vmul.f32 v4, v9  }
0x52: {  	v11 =	vld [tilespmem:s12+$0x7F10];
	[tilespmem:s1+$0x3F20] =	vst v5;
	v3 =	vmul.f32 v3, v8  }
0x53: {  	v5 =	vld [tilespmem:s12+$0x7F20];
	[tilespmem:s1+$0x3F30] =	vst v4;
	v2 =	vmul.f32 v2, v6  }
0x54: {  	v4 =	vld [tilespmem:s12+$0x7F30];
	[tilespmem:s1+$0x3F40] =	vst v3;
	v1 =	vmul.f32 v1, v7  }
0x55: {  	v3 =	vld [tilespmem:s12+$0x7F40];
	[tilespmem:s1+$0x3F50] =	vst v2;
	v0 =	vmul.f32 v0, v10  }
0x56: {  	v2 =	vld [tilespmem:s12+$0x7F50];
	[tilespmem:s1+$0x3F60] =	vst v1  }
0x57: {  	v1 =	vld [tilespmem:s12+$0x7F60];
	[tilespmem:s1+$0x3F70] =	vst v0;
	s1 =	smov.u32 s12  }
0x58: {  	v0 =	vld [tilespmem:s1+$0x7F70]  }
0x59: {  	v6 =	vld [tilespmem:s1+$0x3F00]  }
0x5a: {  	v7 =	vld [tilespmem:s1+$0x3F10]  }
.Ltmp3:
0x5b: {  	v10 =	vld [tilespmem:s1+$0x3F20];
	(pc) =	sbr.rel @p1 .LBB2_10-.Ltmp3, $4  }
0x5c: {  	v9 =	vld [tilespmem:s1+$0x3F30]  }
0x5d: {  	v8 =	vld [tilespmem:s1+$0x3F40]  }
0x5e: {  	v12 =	vmul.f32 v12, v6;
	v6 =	vld [tilespmem:s1+$0x3F50]  }
0x5f: {  	s11 =	sadd.s32 $0x200, s11;
	v11 =	vmul.f32 v11, v7;
	v7 =	vld [tilespmem:s1+$0x3F60]  }
0x60: {  	[tilespmem:s1+$0x3F00] =	vst v12;
	v5 =	vmul.f32 v5, v10;
	v10 =	vld [tilespmem:s1+$0x3F70]  }
0x61: {  	[tilespmem:s1+$0x3F10] =	vst v11;
	v4 =	vmul.f32 v4, v9  }
0x62: {  	[tilespmem:s1+$0x3F20] =	vst v5;
	v3 =	vmul.f32 v3, v8  }
0x63: {  	[tilespmem:s1+$0x3F30] =	vst v4;
	v2 =	vmul.f32 v2, v6  }
0x64: {  	[tilespmem:s1+$0x3F40] =	vst v3;
	v1 =	vmul.f32 v1, v7  }
0x65: {  	[tilespmem:s1+$0x3F50] =	vst v2;
	v0 =	vmul.f32 v0, v10  }
0x66: {  	[tilespmem:s1+$0x3F60] =	vst v1  }
0x67: {  	[tilespmem:s1+$0x3F70] =	vst v0  }
0x68: {  	[spmem:s2] =	stream.indirect.scatter.add.f32 [tilespmem:s17], [sflag:$0x5], $0x80, s21, s16, $0xb8;
	[tilespmem:$0x1FF00] =	vst v63  }
0x69: {  	_ =	swait.ge [sflag:s26], $0x2000  }
0x6a: {  	[sflag:s26] =	ssyncset.done $0x0  }
0x6b: {  	[sflag:s26] =	ssyncadd.s32 $0xFFFFE000  }
0x6c: {  	_ =	swait.ge [sflag:s28], $0x2000  }
0x6d: {  	[sflag:s28] =	ssyncset.done $0x0  }
0x6e: {  	s1 =	simm.s32 $0x0;
	[sflag:s28] =	ssyncadd.s32 $0xFFFFE000  }
0x6f: {  	v7 =	vld [tilespmem:s1+$0x9F00]  }
0x70: {  	v11 =	vld [tilespmem:s1+$0x9F10]  }
0x71: {  	v5 =	vld [tilespmem:s1+$0x9F20]  }
0x72: {  	v4 =	vld [tilespmem:s1+$0x9F30]  }
0x73: {  	v3 =	vld [tilespmem:s1+$0x9F40]  }
0x74: {  	v2 =	vld [tilespmem:s1+$0x9F50]  }
0x75: {  	v1 =	vld [tilespmem:s1+$0x9F60]  }
0x76: {  	v0 =	vld [tilespmem:s1+$0x9F70]  }
0x77: {  	v12 =	vld [tilespmem:s1+$0x5F00]  }
0x78: {  	v13 =	vld [tilespmem:s1+$0x5F10]  }
0x79: {  	v10 =	vld [tilespmem:s1+$0x5F20]  }
0x7a: {  	v9 =	vld [tilespmem:s1+$0x5F30]  }
0x7b: {  	v8 =	vld [tilespmem:s1+$0x5F40]  }
0x7c: {  	v6 =	vld [tilespmem:s1+$0x5F50];
	v12 =	vmul.f32 v7, v12  }
0x7d: {  	s11 =	simm.s32 $0x200;
	v11 =	vmul.f32 v11, v13;
	v7 =	vld [tilespmem:s1+$0x5F60]  }
.LBB2_12:
0x7e: {  	s12 =	sshra.s32 s11, $0x2;
	p1 =	sne.s32 s11, $0x7E00;
	[tilespmem:s1+$0x5F00] =	vst v12;
	v5 =	vmul.f32 v5, v10;
	v10 =	vld [tilespmem:s1+$0x5F70]  }
0x7f: {  	v12 =	vld [tilespmem:s12+$0x9F00];
	[tilespmem:s1+$0x5F10] =	vst v11;
	v4 =	vmul.f32 v4, v9  }
0x80: {  	v11 =	vld [tilespmem:s12+$0x9F10];
	[tilespmem:s1+$0x5F20] =	vst v5;
	v3 =	vmul.f32 v3, v8  }
0x81: {  	v5 =	vld [tilespmem:s12+$0x9F20];
	[tilespmem:s1+$0x5F30] =	vst v4;
	v2 =	vmul.f32 v2, v6  }
0x82: {  	v4 =	vld [tilespmem:s12+$0x9F30];
	[tilespmem:s1+$0x5F40] =	vst v3;
	v1 =	vmul.f32 v1, v7  }
0x83: {  	v3 =	vld [tilespmem:s12+$0x9F40];
	[tilespmem:s1+$0x5F50] =	vst v2;
	v0 =	vmul.f32 v0, v10  }
0x84: {  	v2 =	vld [tilespmem:s12+$0x9F50];
	[tilespmem:s1+$0x5F60] =	vst v1  }
0x85: {  	v1 =	vld [tilespmem:s12+$0x9F60];
	[tilespmem:s1+$0x5F70] =	vst v0;
	s1 =	smov.u32 s12  }
0x86: {  	v0 =	vld [tilespmem:s1+$0x9F70]  }
0x87: {  	v6 =	vld [tilespmem:s1+$0x5F00]  }
0x88: {  	v7 =	vld [tilespmem:s1+$0x5F10]  }
.Ltmp4:
0x89: {  	v10 =	vld [tilespmem:s1+$0x5F20];
	(pc) =	sbr.rel @p1 .LBB2_12-.Ltmp4, $4  }
0x8a: {  	v9 =	vld [tilespmem:s1+$0x5F30]  }
0x8b: {  	v8 =	vld [tilespmem:s1+$0x5F40]  }
0x8c: {  	v12 =	vmul.f32 v12, v6;
	v6 =	vld [tilespmem:s1+$0x5F50]  }
0x8d: {  	s11 =	sadd.s32 $0x200, s11;
	v11 =	vmul.f32 v11, v7;
	v7 =	vld [tilespmem:s1+$0x5F60]  }
0x8e: {  	[tilespmem:s1+$0x5F00] =	vst v12;
	v5 =	vmul.f32 v5, v10;
	v63 =	vld [tilespmem:s1+$0x5F70]  }
0x8f: {  	[tilespmem:s1+$0x5F10] =	vst v11;
	v4 =	vmul.f32 v4, v9  }
0x90: {  	[tilespmem:s1+$0x5F20] =	vst v5;
	v3 =	vmul.f32 v3, v8  }
0x91: {  	[tilespmem:s1+$0x5F30] =	vst v4;
	v2 =	vmul.f32 v2, v6  }
0x92: {  	[tilespmem:s1+$0x5F40] =	vst v3;
	v1 =	vmul.f32 v1, v7  }
0x93: {  	[tilespmem:s1+$0x5F50] =	vst v2;
	v0 =	vmul.f32 v0, v63  }
0x94: {  	[tilespmem:s1+$0x5F60] =	vst v1  }
0x95: {  	s0 =	sadd.s32 $0x1, s0;
	[tilespmem:s1+$0x5F70] =	vst v0  }
0x96: {  	[spmem:s2] =	stream.indirect.scatter.add.f32 [tilespmem:s19], [sflag:$0x6], $0x80, s22, s16, $0xb8;
	[tilespmem:$0x1FF00] =	vst v63  }
0x97: {  	p1 =	sne.s32 s0, $0x24;
	_ =	swait.ge [sflag:s29], $0x2000  }
.Ltmp5:
0x98: {  	[sflag:s29] =	ssyncset.done $0x0;
	(pc) =	sbr.rel @p1 .LBB2_9-.Ltmp5, $4  }
.Ltmp6:
0x99: {  	[sflag:s29] =	ssyncadd.s32 $0xFFFFE000;
	(pc) =	sbr.rel @!p1 .LBB2_14-.Ltmp6, $4  }
0x9a: {  	_ =	swait.ge [sflag:s30], $0x2000  }
0x9b: {  	[sflag:s30] =	ssyncset.done $0x0  }
0x9c: {  	[sflag:s30] =	ssyncadd.s32 $0xFFFFE000  }
0x9d: {  	_ = 	snop  }
.LBB2_2:
0x9e: {  	s0 =	rddreg [dreg:$0x3]  }
0x9f: {  	[tilespmem:s31], [sflag:$0x7] =	stream.linear.gather [hbm4b:s0+s31], $0x3E00, $0x38;
	[tilespmem:$0x1FF00] =	vst v63  }
0xa0: {  	_ =	swait.ge [sflag:s15], $0x3E00  }
0xa1: {  	[sflag:s15] =	ssyncset.done $0x0  }
0xa2: {  	[sflag:s15] =	ssyncadd.s32 $0xFFFFC200  }
0xa3: {  	s0 =	simm.s32 $0x0;
	[bflag:$0x0] =	sbarrier.arrive $0xFFFF  }
.LBB2_3:
0xa4: {  	s1 =	sshll.u32 s0, $0x7  }
0xa5: {  	[tilespmem:s17], [sflag:$0x1] =	stream.indirect.gather [hbm4b:s4+s16], $0x80, s1, s16, $0xb8;
	[tilespmem:$0x1FF00] =	vst v63  }
0xa6: {  	s11 =	sadd.s32 s7, s1  }
0xa7: {  	s12 =	sshll.u32 s11, $0x4  }
0xa8: {  	s12 =	sadd.s32 s5, s12  }
0xa9: {  	[tilespmem:s18], [sflag:$0x3] =	stream.linear.gather [hbm4b:s12+s31], $0x2000, $0x38;
	[tilespmem:$0x1FF00] =	vst v63  }
0xaa: {  	s1 =	sor.u32 $0x40, s1  }
0xab: {  	[tilespmem:s19], [sflag:$0x2] =	stream.indirect.gather [hbm4b:s4+s16], $0x80, s1, s16, $0xb8;
	[tilespmem:$0x1FF00] =	vst v63  }
0xac: {  	s1 =	sadd.s32 s7, s1  }
0xad: {  	s12 =	sshll.u32 s1, $0x4  }
0xae: {  	s11 =	sshrl.u32 s11, $0x3;
	s12 =	sadd.s32 s5, s12  }
0xaf: {  	[tilespmem:s20], [sflag:$0x4] =	stream.linear.gather [hbm4b:s12+s31], $0x2000, $0x38;
	[tilespmem:$0x1FF00] =	vst v63  }
0xb0: {  	s11 =	sadd.s32 s6, s11  }
0xb1: {  	[tilespmem:s21], [sflag:$0x7] =	stream.linear.gather [hbm4b:s11+s31], $0x40, $0x38;
	[tilespmem:$0x1FF00] =	vst v63  }
0xb2: {  	_ =	swait.ge [sflag:s15], $0x40  }
0xb3: {  	s1 =	sshrl.u32 s1, $0x3;
	[sflag:s15] =	ssyncset.done $0x0  }
0xb4: {  	s1 =	sadd.s32 s6, s1;
	[sflag:s15] =	ssyncadd.s32 $0xFFFFFFC0  }
0xb5: {  	[tilespmem:s22], [sflag:$0x7] =	stream.linear.gather [hbm4b:s1+s31], $0x40, $0x38;
	[tilespmem:$0x1FF00] =	vst v63  }
0xb6: {  	_ =	swait.ge [sflag:s15], $0x40  }
0xb7: {  	[sflag:s15] =	ssyncset.done $0x0  }
0xb8: {  	[sflag:s15] =	ssyncadd.s32 $0xFFFFFFC0  }
0xb9: {  	_ =	swait.ge [sflag:s23], $0x2000  }
0xba: {  	[sflag:s23] =	ssyncset.done $0x0  }
0xbb: {  	[sflag:s23] =	ssyncadd.s32 $0xFFFFE000  }
0xbc: {  	_ =	swait.ge [sflag:s25], $0x2000  }
0xbd: {  	[sflag:s25] =	ssyncset.done $0x0  }
0xbe: {  	s1 =	simm.s32 $0x0;
	[sflag:s25] =	ssyncadd.s32 $0xFFFFE000  }
0xbf: {  	v7 =	vld [tilespmem:s1+$0x7F00]  }
0xc0: {  	v11 =	vld [tilespmem:s1+$0x7F10]  }
0xc1: {  	v5 =	vld [tilespmem:s1+$0x7F20]  }
0xc2: {  	v4 =	vld [tilespmem:s1+$0x7F30]  }
0xc3: {  	v3 =	vld [tilespmem:s1+$0x7F40]  }
0xc4: {  	v2 =	vld [tilespmem:s1+$0x7F50]  }
0xc5: {  	v1 =	vld [tilespmem:s1+$0x7F60]  }
0xc6: {  	v0 =	vld [tilespmem:s1+$0x7F70]  }
0xc7: {  	v12 =	vld [tilespmem:s1+$0x3F00]  }
0xc8: {  	v13 =	vld [tilespmem:s1+$0x3F10]  }
0xc9: {  	v10 =	vld [tilespmem:s1+$0x3F20]  }
0xca: {  	v9 =	vld [tilespmem:s1+$0x3F30]  }
0xcb: {  	v8 =	vld [tilespmem:s1+$0x3F40]  }
0xcc: {  	v6 =	vld [tilespmem:s1+$0x3F50];
	v12 =	vmul.f32 v7, v12  }
0xcd: {  	s11 =	simm.s32 $0x200;
	v11 =	vmul.f32 v11, v13;
	v7 =	vld [tilespmem:s1+$0x3F60]  }
.LBB2_4:
0xce: {  	s12 =	sshra.s32 s11, $0x2;
	p1 =	sne.s32 s11, $0x7E00;
	[tilespmem:s1+$0x3F00] =	vst v12;
	v5 =	vmul.f32 v5, v10;
	v10 =	vld [tilespmem:s1+$0x3F70]  }
0xcf: {  	v12 =	vld [tilespmem:s12+$0x7F00];
	[tilespmem:s1+$0x3F10] =	vst v11;
	v4 =	vmul.f32 v4, v9  }
0xd0: {  	v11 =	vld [tilespmem:s12+$0x7F10];
	[tilespmem:s1+$0x3F20] =	vst v5;
	v3 =	vmul.f32 v3, v8  }
0xd1: {  	v5 =	vld [tilespmem:s12+$0x7F20];
	[tilespmem:s1+$0x3F30] =	vst v4;
	v2 =	vmul.f32 v2, v6  }
0xd2: {  	v4 =	vld [tilespmem:s12+$0x7F30];
	[tilespmem:s1+$0x3F40] =	vst v3;
	v1 =	vmul.f32 v1, v7  }
0xd3: {  	v3 =	vld [tilespmem:s12+$0x7F40];
	[tilespmem:s1+$0x3F50] =	vst v2;
	v0 =	vmul.f32 v0, v10  }
0xd4: {  	v2 =	vld [tilespmem:s12+$0x7F50];
	[tilespmem:s1+$0x3F60] =	vst v1  }
0xd5: {  	v1 =	vld [tilespmem:s12+$0x7F60];
	[tilespmem:s1+$0x3F70] =	vst v0;
	s1 =	smov.u32 s12  }
0xd6: {  	v0 =	vld [tilespmem:s1+$0x7F70]  }
0xd7: {  	v6 =	vld [tilespmem:s1+$0x3F00]  }
0xd8: {  	v7 =	vld [tilespmem:s1+$0x3F10]  }
.Ltmp7:
0xd9: {  	v10 =	vld [tilespmem:s1+$0x3F20];
	(pc) =	sbr.rel @p1 .LBB2_4-.Ltmp7, $4  }
0xda: {  	v9 =	vld [tilespmem:s1+$0x3F30]  }
0xdb: {  	v8 =	vld [tilespmem:s1+$0x3F40]  }
0xdc: {  	v12 =	vmul.f32 v12, v6;
	v6 =	vld [tilespmem:s1+$0x3F50]  }
0xdd: {  	s11 =	sadd.s32 $0x200, s11;
	v11 =	vmul.f32 v11, v7;
	v7 =	vld [tilespmem:s1+$0x3F60]  }
0xde: {  	[tilespmem:s1+$0x3F00] =	vst v12;
	v5 =	vmul.f32 v5, v10;
	v10 =	vld [tilespmem:s1+$0x3F70]  }
0xdf: {  	[tilespmem:s1+$0x3F10] =	vst v11;
	v4 =	vmul.f32 v4, v9  }
0xe0: {  	[tilespmem:s1+$0x3F20] =	vst v5;
	v3 =	vmul.f32 v3, v8  }
0xe1: {  	[tilespmem:s1+$0x3F30] =	vst v4;
	v2 =	vmul.f32 v2, v6  }
0xe2: {  	[tilespmem:s1+$0x3F40] =	vst v3;
	v1 =	vmul.f32 v1, v7  }
0xe3: {  	[tilespmem:s1+$0x3F50] =	vst v2;
	v0 =	vmul.f32 v0, v10  }
0xe4: {  	[tilespmem:s1+$0x3F60] =	vst v1  }
0xe5: {  	[tilespmem:s1+$0x3F70] =	vst v0  }
0xe6: {  	[spmem:s2] =	stream.indirect.scatter.add.f32 [tilespmem:s17], [sflag:$0x5], $0x80, s21, s16, $0xb8;
	[tilespmem:$0x1FF00] =	vst v63  }
0xe7: {  	_ =	swait.ge [sflag:s26], $0x2000  }
0xe8: {  	[sflag:s26] =	ssyncset.done $0x0  }
0xe9: {  	[sflag:s26] =	ssyncadd.s32 $0xFFFFE000  }
0xea: {  	_ =	swait.ge [sflag:s28], $0x2000  }
0xeb: {  	[sflag:s28] =	ssyncset.done $0x0  }
0xec: {  	s1 =	simm.s32 $0x0;
	[sflag:s28] =	ssyncadd.s32 $0xFFFFE000  }
0xed: {  	v7 =	vld [tilespmem:s1+$0x9F00]  }
0xee: {  	v11 =	vld [tilespmem:s1+$0x9F10]  }
0xef: {  	v5 =	vld [tilespmem:s1+$0x9F20]  }
0xf0: {  	v4 =	vld [tilespmem:s1+$0x9F30]  }
0xf1: {  	v3 =	vld [tilespmem:s1+$0x9F40]  }
0xf2: {  	v2 =	vld [tilespmem:s1+$0x9F50]  }
0xf3: {  	v1 =	vld [tilespmem:s1+$0x9F60]  }
0xf4: {  	v0 =	vld [tilespmem:s1+$0x9F70]  }
0xf5: {  	v12 =	vld [tilespmem:s1+$0x5F00]  }
0xf6: {  	v13 =	vld [tilespmem:s1+$0x5F10]  }
0xf7: {  	v10 =	vld [tilespmem:s1+$0x5F20]  }
0xf8: {  	v9 =	vld [tilespmem:s1+$0x5F30]  }
0xf9: {  	v8 =	vld [tilespmem:s1+$0x5F40]  }
0xfa: {  	v6 =	vld [tilespmem:s1+$0x5F50];
	v12 =	vmul.f32 v7, v12  }
0xfb: {  	s11 =	simm.s32 $0x200;
	v11 =	vmul.f32 v11, v13;
	v7 =	vld [tilespmem:s1+$0x5F60]  }
.LBB2_6:
0xfc: {  	s12 =	sshra.s32 s11, $0x2;
	p1 =	sne.s32 s11, $0x7E00;
	[tilespmem:s1+$0x5F00] =	vst v12;
	v5 =	vmul.f32 v5, v10;
	v10 =	vld [tilespmem:s1+$0x5F70]  }
0xfd: {  	v12 =	vld [tilespmem:s12+$0x9F00];
	[tilespmem:s1+$0x5F10] =	vst v11;
	v4 =	vmul.f32 v4, v9  }
0xfe: {  	v11 =	vld [tilespmem:s12+$0x9F10];
	[tilespmem:s1+$0x5F20] =	vst v5;
	v3 =	vmul.f32 v3, v8  }
0xff: {  	v5 =	vld [tilespmem:s12+$0x9F20];
	[tilespmem:s1+$0x5F30] =	vst v4;
	v2 =	vmul.f32 v2, v6  }
0x100: {  	v4 =	vld [tilespmem:s12+$0x9F30];
	[tilespmem:s1+$0x5F40] =	vst v3;
	v1 =	vmul.f32 v1, v7  }
0x101: {  	v3 =	vld [tilespmem:s12+$0x9F40];
	[tilespmem:s1+$0x5F50] =	vst v2;
	v0 =	vmul.f32 v0, v10  }
0x102: {  	v2 =	vld [tilespmem:s12+$0x9F50];
	[tilespmem:s1+$0x5F60] =	vst v1  }
0x103: {  	v1 =	vld [tilespmem:s12+$0x9F60];
	[tilespmem:s1+$0x5F70] =	vst v0;
	s1 =	smov.u32 s12  }
0x104: {  	v0 =	vld [tilespmem:s1+$0x9F70]  }
0x105: {  	v6 =	vld [tilespmem:s1+$0x5F00]  }
0x106: {  	v7 =	vld [tilespmem:s1+$0x5F10]  }
.Ltmp8:
0x107: {  	v10 =	vld [tilespmem:s1+$0x5F20];
	(pc) =	sbr.rel @p1 .LBB2_6-.Ltmp8, $4  }
0x108: {  	v9 =	vld [tilespmem:s1+$0x5F30]  }
0x109: {  	v8 =	vld [tilespmem:s1+$0x5F40]  }
0x10a: {  	v12 =	vmul.f32 v12, v6;
	v6 =	vld [tilespmem:s1+$0x5F50]  }
0x10b: {  	s11 =	sadd.s32 $0x200, s11;
	v11 =	vmul.f32 v11, v7;
	v7 =	vld [tilespmem:s1+$0x5F60]  }
0x10c: {  	[tilespmem:s1+$0x5F00] =	vst v12;
	v5 =	vmul.f32 v5, v10;
	v63 =	vld [tilespmem:s1+$0x5F70]  }
0x10d: {  	[tilespmem:s1+$0x5F10] =	vst v11;
	v4 =	vmul.f32 v4, v9  }
0x10e: {  	[tilespmem:s1+$0x5F20] =	vst v5;
	v3 =	vmul.f32 v3, v8  }
0x10f: {  	[tilespmem:s1+$0x5F30] =	vst v4;
	v2 =	vmul.f32 v2, v6  }
0x110: {  	[tilespmem:s1+$0x5F40] =	vst v3;
	v1 =	vmul.f32 v1, v7  }
0x111: {  	[tilespmem:s1+$0x5F50] =	vst v2;
	v0 =	vmul.f32 v0, v63  }
0x112: {  	[tilespmem:s1+$0x5F60] =	vst v1  }
0x113: {  	s0 =	sadd.s32 $0x1, s0;
	[tilespmem:s1+$0x5F70] =	vst v0  }
0x114: {  	[spmem:s2] =	stream.indirect.scatter.add.f32 [tilespmem:s19], [sflag:$0x6], $0x80, s22, s16, $0xb8;
	[tilespmem:$0x1FF00] =	vst v63  }
0x115: {  	p1 =	seq.s32 s0, $0x7C;
	_ =	swait.ge [sflag:s29], $0x2000  }
.Ltmp9:
0x116: {  	[sflag:s29] =	ssyncset.done $0x0;
	(pc) =	sbr.rel @!p1 .LBB2_3-.Ltmp9, $4  }
.Ltmp10:
0x117: {  	[sflag:s29] =	ssyncadd.s32 $0xFFFFE000;
	(pc) =	sbr.rel @p1 .LBB2_14-.Ltmp10, $4  }
0x118: {  	_ =	swait.ge [sflag:s30], $0x2000  }
0x119: {  	[sflag:s30] =	ssyncset.done $0x0  }
0x11a: {  	[sflag:s30] =	ssyncadd.s32 $0xFFFFE000  }
0x11b: {  	_ = 	snop  }
.LBB2_15:
0x11c: {  	_ =	sfence.sel $0x180000  }
0x11d: {  	[bflag:$0x0] =	sbarrier.arrive $0xFFFF  }
0x11e: {  	_ =	strace $0x9000004A  }
0x11f: {  	s0 =	stileid.u32;
	[bflag:$0x2] =	sbarrier.arrive $0xFFFF  }
0x120: {  	p0 =	sne.s32 s0, $0x0;
	s0 =	rddreg [dreg:$0x2]  }
0x121: {  	s0 =	sadd.s32 @!p0 $0x100000, s0  }
0x122: {  	[sflag:s0] =	ssyncadd.tile.s32 @!p0 $0x1;
	_ =	shalt  }
.Lfunc_end2:
_tile_overlayer_lowered:
.L_overlay_start_2:
0x123: {  	(tag) =	ssettag $0x2  }
0x124: {  	s0 =	rddreg [dreg:$0x0];
	s2 =	stileid.u32  }
0x125: {  	s1 =	rddreg [dreg:$0x1];
	p0 =	sne.s32 s2, $0x0  }
0x126: {  	s3 =	rddreg [dreg:$0x2];
	[bflag:$0x3] =	sbarrier.arrive $0xFFFF;
	s2 =	simm.s32 @!p0 $0x1C07  }
0x127: {  	[timem:s3], [sflag:s2] =	dma.local @!p0 [hbm:s0], s1  }
0x128: {  	s0 =	simm.s32 @!p0 $0x7  }
0x129: {  	_ =	swait.ge @!p0 [sflag:s0], s1  }
0x12a: {  	s1 =	ssub.s32 @!p0 $0x0, s1;
	[sflag:s0] =	ssyncset.done @!p0 $0x0  }
0x12b: {  	[sflag:s0] =	ssyncadd.s32 @!p0 s1  }
0x12c: {  	[bflag:$0x3] =	sbarrier.arrive $0xFFFF  }
0x12d: {  	_ =	shalt  }

// kernel: kernel.18.cloned.1.call-start
scs
__scs_entry_jumppad:
0x0: {  	(pc) =	sbr.rel $0x88, $3  }
0x1: {  	(tag) =	ssettag $0x0;
	lr =	simm.s32 $0x1  }
0x2: {  	[smem:$0x3F84] =	sst lr;
	_ =	strace $0xD0000000  }
0x3: {  	_ = 	snop  }
0x4: {  	_ = 	snop  }
0x5: {  	_ = 	snop  }
0x6: {  	_ = 	snop  }
0x7: {  	_ = 	snop  }
__scs_overlays_trampoline_lowered:
0x8: {  	[smem:$0x3F93] =	sst s0  }
0x9: {  	[smem:$0x3F94] =	sst s1  }
0xa: {  	[smem:$0x3F95] =	sst s2  }
0xb: {  	[smem:$0x3F96] =	sst s3  }
0xc: {  	[smem:$0x3F97] =	sst s4  }
0xd: {  	[smem:$0x3F98] =	sst s5  }
0xe: {  	[smem:$0x3F99] =	sst s6  }
0xf: {  	[smem:$0x3F9A] =	sst s7  }
0x10: {  	[smem:$0x3F9B] =	sst s8  }
0x11: {  	[smem:$0x3F9C] =	sst s9;
	s0 =	simm.s32 @!p0 $0x0  }
0x12: {  	s1 =	sld [smem:$0x3F82];
	s0 =	simm.s32 @p0 $0x1  }
0x13: {  	[smem:$0x3F9D] =	sst s0;
	s0 =	simm.s32 @!p1 $0x0  }
0x14: {  	s2 =	sld [smem:$0x3F81];
	s0 =	simm.s32 @p1 $0x1  }
0x15: {  	[smem:$0x3F9E] =	sst s0;
	s0 =	simm.s32 @!p2 $0x0  }
0x16: {  	s3 =	sld [smem:$0x3FDB];
	s0 =	simm.s32 @p2 $0x1  }
0x17: {  	s4 =	simm.s32 $0x1BF5;
	[smem:$0x3FA0] =	sst s0  }
0x18: {  	s0 =	sld [smem:$0x3F83];
	_ =	swait.ge [sflag:s4], $0x0  }
0x19: {  	s7 =	sld [smem:$0x3F84]  }
0x1a: {  	s8 =	sadd.s32 $0xFFFFE003, lr  }
0x1b: {  	s9 =	sadd.s32 $0xFFFFFEF7, lr;
	s5 =	simm.s32 $0xFFFFFFFF;
	p2 =	slt.u32 s8, $0xFFFFF086  }
0x1c: {  	p1 =	slt.u32 s9, $0xF7A;
	s5 =	simm.s32 @!p2 $0x0  }
0x1d: {  	s5 =	simm.s32 @p1 $0x1;
	p0 =	seq.s32 s7, s2  }
0x1e: {  	s7 =	smul.u32 @!p0 $0xF7A, s2;
	p2 =	seq.s32 @!p0 s5, $0x0  }
0x1f: {  	s9 =	smul.u32 $0xF7A, s1;
	s8 =	simm.s32 @!p0 $0x1BF5;
	p2 =	por !p2, p0  }
0x20: {  	[sflag:s8] =	ssyncset.s32 @!p0 $0xFFFFF086;
	s6 =	sadd.s32 @!p0 s3, s7;
	s7 =	simm.s32 @!p0 $0x108  }
0x21: {  	s3 =	sadd.s32 s3, s9;
	s6 =	sadd.s32 @!p0 $0x88, s6;
	s7 =	simm.s32 @p2 $0x1082  }
0x22: {  	[simem:s7], [sflag:s8] =	dma.local @!p0 [hbm:s6], $0xF7A  }
0x23: {  	s9 =	sor.u32 $0xD0000000, s2;
	s6 =	simm.s32 $0x108;
	_ =	swait.ge @!p0 [sflag:s8], $0x0  }
0x24: {  	s3 =	sadd.s32 $0x88, s3;
	s6 =	simm.s32 @!p1 $0x1082;
	[sflag:s4] =	ssyncset.s32 $0xFFFFF086  }
0x25: {  	[simem:s6], [sflag:s4] =	dma.local [hbm:s3], $0xF7A  }
0x26: {  	[smem:$0x3F84] =	sst s1;
	(tag) =	ssettag s2;
	_ =	strace s9  }
0x27: {  	s1 =	sld [smem:$0x3F94]  }
0x28: {  	s2 =	sld [smem:$0x3F95]  }
0x29: {  	s4 =	sld [smem:$0x3F97]  }
0x2a: {  	p0 =	seq.s32 s5, $0x0;
	s5 =	sld [smem:$0x3F98]  }
0x2b: {  	s6 =	sld [smem:$0x3F99]  }
0x2c: {  	s7 =	sld [smem:$0x3F9A]  }
0x2d: {  	s3 =	simm.s32 $0x108;
	s8 =	sld [smem:$0x3F9B]  }
0x2e: {  	s3 =	simm.s32 @!p0 $0x1082;
	s9 =	sld [smem:$0x3F9C]  }
0x2f: {  	lr =	sadd.s32 s0, s3;
	s0 =	sld [smem:$0x3F93]  }
0x30: {  	s3 =	sld [smem:$0x3F96]  }
0x31: {  	[smem:$0x3F9F] =	sst s10  }
0x32: {  	s10 =	sld [smem:$0x3F9D];
	_ =	sdelay $0x3  }
0x33: {  	p0 =	seq.s32 s10, $0x1;
	s10 =	sld [smem:$0x3F9F];
	_ =	sdelay $0x3  }
0x34: {  	[smem:$0x3F9F] =	sst s10  }
0x35: {  	s10 =	sld [smem:$0x3F9E];
	_ =	sdelay $0x3  }
0x36: {  	p1 =	seq.s32 s10, $0x1;
	s10 =	sld [smem:$0x3F9F];
	_ =	sdelay $0x3  }
0x37: {  	[smem:$0x3F9F] =	sst s10  }
0x38: {  	s10 =	sld [smem:$0x3FA0]  }
0x39: {  	_ = 	snop;
	(pc) =	sbr.ind lr, $3  }
0x3a: {  	_ = 	snop  }
0x3b: {  	_ = 	snop  }
0x3c: {  	p2 =	seq.s32 s10, $0x1;
	s10 =	sld [smem:$0x3F9F]  }
0x3d: {  	_ =	shalt  }
0x3e: {  	_ =	shalt  }
0x3f: {  	_ =	shalt  }
0x40: {  	_ =	shalt  }
0x41: {  	_ =	shalt  }
0x42: {  	_ =	shalt  }
0x43: {  	_ =	shalt  }
0x44: {  	_ =	shalt  }
0x45: {  	_ =	shalt  }
0x46: {  	_ =	shalt  }
0x47: {  	_ =	shalt  }
0x48: {  	_ =	shalt  }
0x49: {  	_ =	shalt  }
0x4a: {  	_ =	shalt  }
0x4b: {  	_ =	shalt  }
0x4c: {  	_ =	shalt  }
0x4d: {  	_ =	shalt  }
0x4e: {  	_ =	shalt  }
0x4f: {  	_ =	shalt  }
0x50: {  	_ =	shalt  }
0x51: {  	_ =	shalt  }
0x52: {  	_ =	shalt  }
0x53: {  	_ =	shalt  }
0x54: {  	_ =	shalt  }
0x55: {  	_ =	shalt  }
0x56: {  	_ =	shalt  }
0x57: {  	_ =	shalt  }
0x58: {  	_ =	shalt  }
0x59: {  	_ =	shalt  }
0x5a: {  	_ =	shalt  }
0x5b: {  	_ =	shalt  }
0x5c: {  	_ =	shalt  }
0x5d: {  	_ =	shalt  }
0x5e: {  	_ =	shalt  }
0x5f: {  	_ =	shalt  }
0x60: {  	_ =	shalt  }
0x61: {  	_ =	shalt  }
0x62: {  	_ =	shalt  }
0x63: {  	_ =	shalt  }
0x64: {  	_ =	shalt  }
0x65: {  	_ =	shalt  }
0x66: {  	_ =	shalt  }
0x67: {  	_ =	shalt  }
0x68: {  	_ =	shalt  }
0x69: {  	_ =	shalt  }
0x6a: {  	_ =	shalt  }
0x6b: {  	_ =	shalt  }
0x6c: {  	_ =	shalt  }
0x6d: {  	_ =	shalt  }
0x6e: {  	_ =	shalt  }
0x6f: {  	_ =	shalt  }
0x70: {  	_ =	shalt  }
0x71: {  	_ =	shalt  }
0x72: {  	_ =	shalt  }
0x73: {  	_ =	shalt  }
0x74: {  	_ =	shalt  }
0x75: {  	_ =	shalt  }
0x76: {  	_ =	shalt  }
0x77: {  	_ =	shalt  }
0x78: {  	_ =	shalt  }
0x79: {  	_ =	shalt  }
0x7a: {  	_ =	shalt  }
0x7b: {  	_ =	shalt  }
0x7c: {  	_ =	shalt  }
0x7d: {  	_ =	shalt  }
0x7e: {  	_ =	shalt  }
0x7f: {  	_ =	shalt  }
0x80: {  	_ =	shalt  }
0x81: {  	_ =	shalt  }
0x82: {  	_ =	shalt  }
0x83: {  	_ =	shalt  }
0x84: {  	_ =	shalt  }
0x85: {  	_ =	shalt  }
0x86: {  	_ =	shalt  }
0x87: {  	_ =	shalt  }
.Lfunc_end0:
.L_simem_size_0:
called_computation.2_lowered:
.L_overlay_start_0:
0x88: {  	s2 =	sld [smem:$0x3FD9]  }
0x89: {  	s3 =	sld [smem:$0x3FFE];
	_ =	sdelay $0x1  }
0x8a: {  	s1 =	srdreg.scid  }
0x8b: {  	s0 =	sand.u32 $0x1, s1  }
0x8c: {  	s16 =	sshll.u32 s0, $0xA;
	s2 =	sadd.s32 s3, s2  }
0x8d: {  	s2 =	sadd.s32 s2, s16  }
0x8e: {  	[smem:$0x3FAB] =	sst s2  }
0x8f: {  	_ = 	snop  }
0x90: {  	(tm) =	ssettm $0x1  }
0x91: {  	s17 =	sld [smem:$0x3FFB];
	_ =	sdelay $0x3  }
0x92: {  	_ =	strace s17  }
0x93: {  	s2 =	sld [smem:$0x3FFC];
	_ =	sdelay $0x3  }
0x94: {  	_ =	strace s2  }
0x95: {  	s2 =	sld [smem:$0x3FFD];
	_ =	sdelay $0x3  }
0x96: {  	_ =	strace s2  }
0x97: {  	_ =	strace $0x8FFFFFFF  }
0x98: {  	s18 =	sld [smem:$0x3FDB];
	_ =	sdelay $0x1  }
0x99: {  	s19 =	simm.s32 $_scs_section_size  }
0x9a: {  	s4 =	simm.s32 $_size__tile_overlayer_lowered;
	s5 =	simm.s32 $_tile_overlayer_lowered  }
0x9b: {  	s22 =	simm.s32 $0x1BFF;
	s21 =	sshll.u32 s5, $0x1;
	s2 =	sadd.s32 s19, s18  }
0x9c: {  	s6 =	simm.s32 $0x0;
	s20 =	sshll.u32 s4, $0x1;
	s4 =	sadd.s32 s21, s2  }
0x9d: {  	[timem:s6], [sflag:s22] =	dma.local [hbm:s4], s20  }
0x9e: {  	_ =	swait.ge [sflag:s22], s20  }
0x9f: {  	s3 =	ssub.s32 $0x0, s20;
	[sflag:s22] =	ssyncset.done $0x0  }
0xa0: {  	[sflag:s22] =	ssyncadd.s32 s3;
	_ =	sdelay $0x1  }
0xa1: {  	s23 =	simm.s32 $0x1B8B  }
0xa2: {  	_ =	swait.ge [sflag:s23], $0x1  }
0xa3: {  	[sflag:s23] =	ssyncset.done $0x0  }
0xa4: {  	s25 =	simm.s32 $0x1B8E;
	s24 =	sld [smem:$0x3FFE];
	[sflag:s23] =	ssyncadd.s32 $0xFFFFFFFF  }
0xa5: {  	s26 =	simm.s32 $execute0_lowered;
	[smem:$0x3FD2] =	sst s25  }
0xa6: {  	s4 =	sshll.u32 s26, $0x1;
	_ =	strace $0x8000004C;
	[dreg:$0x1] =	wrdreg $0xFFFFFFFF  }
0xa7: {  	s28 =	simm.s32 $_size_execute0_lowered;
	s2 =	sadd.s32 s2, s4;
	[dreg:$0x0] =	wrdreg $0x0  }
0xa8: {  	s4 =	sshll.u32 s28, $0x1;
	[dreg:$0x2] =	wrdreg s2  }
0xa9: {  	[dreg:$0x3] =	wrdreg s4  }
0xaa: {  	[dreg:$0x4] =	wrdreg $0xC0  }
0xab: {  	_ =	task [dreg:s6], $0x5FFFF  }
0xac: {  	[dreg:$0x1] =	wrdreg $0xFFFFFFFF  }
0xad: {  	[dreg:$0x0] =	wrdreg $0x60  }
0xae: {  	[dreg:$0x2] =	wrdreg s24  }
0xaf: {  	[dreg:$0x3] =	wrdreg $0xBF000  }
0xb0: {  	[dreg:$0x4] =	wrdreg $0x9  }
0xb1: {  	_ =	task.clear_ibuf [dreg:s6], $0x5FFFF;
	_ =	strace $0x9000004C  }
0xb2: {  	s29 =	simm.s32 $0x9;
	_ =	strace $0x8000004E  }
0xb3: {  	_ =	swait.ge [sflag:s29], $0x1  }
0xb4: {  	[sflag:s29] =	ssyncadd.s32 $0xFFFFFFFF  }
0xb5: {  	_ =	strace $0x9000004E  }
0xb6: {  	_ =	sfence  }
0xb7: {  	s30 =	sld [smem:$0x0];
	_ =	sdelay $0x2  }
0xb8: {  	s31 =	sshll.u32 s1, $0xD;
	s1 =	sshrl.u32 s1, $0x2  }
0xb9: {  	s3 =	sand.u32 $0x4000, s31;
	s1 =	sadd.s32 s1, s30  }
0xba: {  	s0 =	sor.u32 s3, s0;
	s1 =	sshll.u32 s1, $0x11  }
0xbb: {  	s0 =	sor.u32 s1, s0  }
0xbc: {  	s0 =	sadd.s32 $0x8F2B, s0  }
0xbd: {  	[sflag:s0] =	ssyncadd.remote.s32 $0x1  }
0xbe: {  	_ =	sfence.sel $0xFFFF  }
0xbf: {  	[dreg:$0x0] =	wrdreg $0xFFFFFFFF;
	(pc) =	sbr.abs _section_cstart, $3  }
0xc0: {  	[dreg:$0x1] =	wrdreg $0xFFFFFFFF  }
0xc1: {  	_ =	task.clear_ibuf [dreg:s6], $0x2FFFF;
	_ =	strace $0x9FFFFFFF  }
0xc2: {  	(tm) =	ssettm $0x7FFFFFFF  }
0xc3: {  	_ =	shalt  }
tec
execute0_lowered:
.L_overlay_start_1:
0x0: {  	(tag) =	ssettag $0x1  }
0x1: {  	s0 =	rddreg [dreg:$0x0]  }
0x2: {  	s1 =	rddreg [dreg:$0x1];
	s3 =	simm.s32 $0x0  }
0x3: {  	s16 =	stileid.u32;
	s2 =	srdreg.scid;
	s17 =	simm.s32 $0x3F00  }
0x4: {  	s18 =	simm.s32 $0x7F00;
	s19 =	simm.s32 $0x5F00;
	s20 =	simm.s32 $0x9F00  }
0x5: {  	s21 =	simm.s32 $0x3E00;
	s28 =	simm.s32 $0x4;
	s29 =	simm.s32 $0x5  }
0x6: {  	s30 =	simm.s32 $0x6;
	[smem:$0x7FF] =	sst s3;
	s4 =	sadd.s32 $0x5A5A00, s0  }
0x7: {  	s11 =	smul.u32 $0x2800, s16;
	s2 =	sand.u32 $0x1, s2;
	s5 =	sadd.s32 $0x5F5A00, s0  }
0x8: {  	s12 =	sadd.s32 $0x4200, s0;
	s6 =	sadd.s32 $0xE200, s0;
	s8 =	smul.u32 $0x50000, s16  }
0x9: {  	s13 =	smul.u32 $0x1200, s16;
	s23 =	sshll.u32 s16, $0x6;
	_ =	strace $0x8000004D  }
0xa: {  	s7 =	smul.u32 $0x28000, s2;
	s22 =	ssub.s32 $0x2, s2;
	p0 =	seq.s32 s2, $0x1  }
0xb: {  	s9 =	sadd.s32 s11, s0;
	s10 =	sshrl.u32 s22, $0x1;
	s8 =	sshrl.u32 s8, $0x2  }
0xc: {  	s0 =	sadd.s32 s7, s0;
	s14 =	ssub.s32 s22, s10;
	s15 =	sadd.s32 s8, s1  }
0xd: {  	s7 =	smul.u32 $0x3E00, s16;
	s8 =	sadd.s32 $0x57DA00, s9;
	s9 =	sadd.s32 $0x3E000, s13  }
0xe: {  	s10 =	sor.u32 $0x1C07, s23;
	s16 =	simm.s32 $0x40;
	s22 =	simm.s32 $0x3E80  }
.Ltmp0:
0xf: {  	s23 =	simm.s32 $0x1;
	s25 =	sshrl.u32 s9, $0x3;
	(pc) =	sbr.rel .LBB2_1-.Ltmp0, $4  }
0x10: {  	s0 =	sadd.s32 $0x18200, s0;
	s13 =	smax.u32 s14, $0x1;
	s14 =	sshrl.u32 s15, $0x3  }
0x11: {  	s15 =	simm.s32 $0x7;
	s24 =	sshrl.u32 s7, $0x3;
	s31 =	sadd.s32 s12, s25  }
0x12: {  	s25 =	simm.s32 $0x3;
	s26 =	sadd.s32 s12, s24;
	[dreg:$0x4] =	wrdreg s31  }
0x13: {  	s24 =	sadd.s32 s11, s0;
	[dreg:$0x3] =	wrdreg s26;
	s26 =	simm.s32 $0x2  }
.LBB2_14:
0x14: {  	s3 =	sadd.s32 $0x1, s3  }
0x15: {  	p1 =	sne.s32 s3, s13  }
.Ltmp1:
0x16: {  	[bflag:$0x0] =	sbarrier.arrive $0xFFFF;
	(pc) =	sbr.rel @!p1 .LBB2_15-.Ltmp1, $4  }
0x17: {  	[hbm:s24], [sflag:s10] =	dma.local [spmem:s14], $0x2800  }
0x18: {  	_ =	swait.ge [sflag:s15], $0x2800  }
0x19: {  	[sflag:s15] =	ssyncset.done $0x0  }
0x1a: {  	[sflag:s15] =	ssyncadd.s32 $0xFFFFD800  }
.LBB2_1:
.Ltmp2:
0x1b: {  	(pc) =	sbr.rel @!p0 .LBB2_2-.Ltmp2, $4  }
0x1c: {  	[spmem:s14], [sflag:s10] =	dma.local [hbm:s8], $0x2800  }
0x1d: {  	_ =	swait.ge [sflag:s15], $0x2800  }
0x1e: {  	[sflag:s15] =	ssyncset.done $0x0  }
0x1f: {  	s31 =	simm.s32 $0x0;
	[sflag:s15] =	ssyncadd.s32 $0xFFFFD800  }
0x20: {  	s0 =	rddreg [dreg:$0x4]  }
0x21: {  	[tilespmem:s31], [sflag:$0x7] =	stream.linear.gather [hbm4b:s0+s31], $0x1200, $0x38;
	[tilespmem:$0x1FF00] =	vst v63  }
0x22: {  	_ =	swait.ge [sflag:s15], $0x1200  }
0x23: {  	[sflag:s15] =	ssyncset.done $0x0  }
0x24: {  	[sflag:s15] =	ssyncadd.s32 $0xFFFFEE00  }
0x25: {  	s0 =	simm.s32 $0x0;
	[bflag:$0x0] =	sbarrier.arrive $0xFFFF  }
.LBB2_9:
0x26: {  	s2 =	sshll.u32 s0, $0x7  }
0x27: {  	[tilespmem:s17], [sflag:$0x1] =	stream.indirect.gather [hbm4b:s4+s16], $0x80, s2, s16, $0xb8;
	[tilespmem:$0x1FF00] =	vst v63  }
0x28: {  	s11 =	sadd.s32 s9, s2  }
0x29: {  	s12 =	sshll.u32 s11, $0x4  }
0x2a: {  	s12 =	sadd.s32 s5, s12  }
0x2b: {  	[tilespmem:s18], [sflag:$0x3] =	stream.linear.gather [hbm4b:s12+s31], $0x2000, $0x38;
	[tilespmem:$0x1FF00] =	vst v63  }
0x2c: {  	s2 =	sor.u32 $0x40, s2  }
0x2d: {  	[tilespmem:s19], [sflag:$0x2] =	stream.indirect.gather [hbm4b:s4+s16], $0x80, s2, s16, $0xb8;
	[tilespmem:$0x1FF00] =	vst v63  }
0x2e: {  	s2 =	sadd.s32 s9, s2  }
0x2f: {  	s12 =	sshll.u32 s2, $0x4  }
0x30: {  	s11 =	sshrl.u32 s11, $0x3;
	s12 =	sadd.s32 s5, s12  }
0x31: {  	[tilespmem:s20], [sflag:$0x4] =	stream.linear.gather [hbm4b:s12+s31], $0x2000, $0x38;
	[tilespmem:$0x1FF00] =	vst v63  }
0x32: {  	s11 =	sadd.s32 s6, s11  }
0x33: {  	[tilespmem:s21], [sflag:$0x7] =	stream.linear.gather [hbm4b:s11+s31], $0x40, $0x38;
	[tilespmem:$0x1FF00] =	vst v63  }
0x34: {  	_ =	swait.ge [sflag:s15], $0x40  }
0x35: {  	s2 =	sshrl.u32 s2, $0x3;
	[sflag:s15] =	ssyncset.done $0x0  }
0x36: {  	s2 =	sadd.s32 s6, s2;
	[sflag:s15] =	ssyncadd.s32 $0xFFFFFFC0  }
0x37: {  	[tilespmem:s22], [sflag:$0x7] =	stream.linear.gather [hbm4b:s2+s31], $0x40, $0x38;
	[tilespmem:$0x1FF00] =	vst v63  }
0x38: {  	_ =	swait.ge [sflag:s15], $0x40  }
0x39: {  	[sflag:s15] =	ssyncset.done $0x0  }
0x3a: {  	[sflag:s15] =	ssyncadd.s32 $0xFFFFFFC0  }
0x3b: {  	_ =	swait.ge [sflag:s23], $0x2000  }
0x3c: {  	[sflag:s23] =	ssyncset.done $0x0  }
0x3d: {  	[sflag:s23] =	ssyncadd.s32 $0xFFFFE000  }
0x3e: {  	_ =	swait.ge [sflag:s25], $0x2000  }
0x3f: {  	[sflag:s25] =	ssyncset.done $0x0  }
0x40: {  	s2 =	simm.s32 $0x0;
	[sflag:s25] =	ssyncadd.s32 $0xFFFFE000  }
0x41: {  	v7 =	vld [tilespmem:s2+$0x7F00]  }
0x42: {  	v11 =	vld [tilespmem:s2+$0x7F10]  }
0x43: {  	v5 =	vld [tilespmem:s2+$0x7F20]  }
0x44: {  	v4 =	vld [tilespmem:s2+$0x7F30]  }
0x45: {  	v3 =	vld [tilespmem:s2+$0x7F40]  }
0x46: {  	v2 =	vld [tilespmem:s2+$0x7F50]  }
0x47: {  	v1 =	vld [tilespmem:s2+$0x7F60]  }
0x48: {  	v0 =	vld [tilespmem:s2+$0x7F70]  }
0x49: {  	v12 =	vld [tilespmem:s2+$0x3F00]  }
0x4a: {  	v13 =	vld [tilespmem:s2+$0x3F10]  }
0x4b: {  	v10 =	vld [tilespmem:s2+$0x3F20]  }
0x4c: {  	v9 =	vld [tilespmem:s2+$0x3F30]  }
0x4d: {  	v8 =	vld [tilespmem:s2+$0x3F40]  }
0x4e: {  	v6 =	vld [tilespmem:s2+$0x3F50];
	v12 =	vmul.f32 v7, v12  }
0x4f: {  	s11 =	simm.s32 $0x200;
	v11 =	vmul.f32 v11, v13;
	v7 =	vld [tilespmem:s2+$0x3F60]  }
.LBB2_10:
0x50: {  	s12 =	sshra.s32 s11, $0x2;
	p1 =	sne.s32 s11, $0x7E00;
	[tilespmem:s2+$0x3F00] =	vst v12;
	v5 =	vmul.f32 v5, v10;
	v10 =	vld [tilespmem:s2+$0x3F70]  }
0x51: {  	v12 =	vld [tilespmem:s12+$0x7F00];
	[tilespmem:s2+$0x3F10] =	vst v11;
	v4 =	vmul.f32 v4, v9  }
0x52: {  	v11 =	vld [tilespmem:s12+$0x7F10];
	[tilespmem:s2+$0x3F20] =	vst v5;
	v3 =	vmul.f32 v3, v8  }
0x53: {  	v5 =	vld [tilespmem:s12+$0x7F20];
	[tilespmem:s2+$0x3F30] =	vst v4;
	v2 =	vmul.f32 v2, v6  }
0x54: {  	v4 =	vld [tilespmem:s12+$0x7F30];
	[tilespmem:s2+$0x3F40] =	vst v3;
	v1 =	vmul.f32 v1, v7  }
0x55: {  	v3 =	vld [tilespmem:s12+$0x7F40];
	[tilespmem:s2+$0x3F50] =	vst v2;
	v0 =	vmul.f32 v0, v10  }
0x56: {  	v2 =	vld [tilespmem:s12+$0x7F50];
	[tilespmem:s2+$0x3F60] =	vst v1  }
0x57: {  	v1 =	vld [tilespmem:s12+$0x7F60];
	[tilespmem:s2+$0x3F70] =	vst v0;
	s2 =	smov.u32 s12  }
0x58: {  	v0 =	vld [tilespmem:s2+$0x7F70]  }
0x59: {  	v6 =	vld [tilespmem:s2+$0x3F00]  }
0x5a: {  	v7 =	vld [tilespmem:s2+$0x3F10]  }
.Ltmp3:
0x5b: {  	v10 =	vld [tilespmem:s2+$0x3F20];
	(pc) =	sbr.rel @p1 .LBB2_10-.Ltmp3, $4  }
0x5c: {  	v9 =	vld [tilespmem:s2+$0x3F30]  }
0x5d: {  	v8 =	vld [tilespmem:s2+$0x3F40]  }
0x5e: {  	v12 =	vmul.f32 v12, v6;
	v6 =	vld [tilespmem:s2+$0x3F50]  }
0x5f: {  	s11 =	sadd.s32 $0x200, s11;
	v11 =	vmul.f32 v11, v7;
	v7 =	vld [tilespmem:s2+$0x3F60]  }
0x60: {  	[tilespmem:s2+$0x3F00] =	vst v12;
	v5 =	vmul.f32 v5, v10;
	v10 =	vld [tilespmem:s2+$0x3F70]  }
0x61: {  	[tilespmem:s2+$0x3F10] =	vst v11;
	v4 =	vmul.f32 v4, v9  }
0x62: {  	[tilespmem:s2+$0x3F20] =	vst v5;
	v3 =	vmul.f32 v3, v8  }
0x63: {  	[tilespmem:s2+$0x3F30] =	vst v4;
	v2 =	vmul.f32 v2, v6  }
0x64: {  	[tilespmem:s2+$0x3F40] =	vst v3;
	v1 =	vmul.f32 v1, v7  }
0x65: {  	[tilespmem:s2+$0x3F50] =	vst v2;
	v0 =	vmul.f32 v0, v10  }
0x66: {  	[tilespmem:s2+$0x3F60] =	vst v1  }
0x67: {  	[tilespmem:s2+$0x3F70] =	vst v0  }
0x68: {  	[spmem:s1] =	stream.indirect.scatter.add.f32 [tilespmem:s17], [sflag:$0x5], $0x80, s21, s16, $0xb8;
	[tilespmem:$0x1FF00] =	vst v63  }
0x69: {  	_ =	swait.ge [sflag:s26], $0x2000  }
0x6a: {  	[sflag:s26] =	ssyncset.done $0x0  }
0x6b: {  	[sflag:s26] =	ssyncadd.s32 $0xFFFFE000  }
0x6c: {  	_ =	swait.ge [sflag:s28], $0x2000  }
0x6d: {  	[sflag:s28] =	ssyncset.done $0x0  }
0x6e: {  	s2 =	simm.s32 $0x0;
	[sflag:s28] =	ssyncadd.s32 $0xFFFFE000  }
0x6f: {  	v7 =	vld [tilespmem:s2+$0x9F00]  }
0x70: {  	v11 =	vld [tilespmem:s2+$0x9F10]  }
0x71: {  	v5 =	vld [tilespmem:s2+$0x9F20]  }
0x72: {  	v4 =	vld [tilespmem:s2+$0x9F30]  }
0x73: {  	v3 =	vld [tilespmem:s2+$0x9F40]  }
0x74: {  	v2 =	vld [tilespmem:s2+$0x9F50]  }
0x75: {  	v1 =	vld [tilespmem:s2+$0x9F60]  }
0x76: {  	v0 =	vld [tilespmem:s2+$0x9F70]  }
0x77: {  	v12 =	vld [tilespmem:s2+$0x5F00]  }
0x78: {  	v13 =	vld [tilespmem:s2+$0x5F10]  }
0x79: {  	v10 =	vld [tilespmem:s2+$0x5F20]  }
0x7a: {  	v9 =	vld [tilespmem:s2+$0x5F30]  }
0x7b: {  	v8 =	vld [tilespmem:s2+$0x5F40]  }
0x7c: {  	v6 =	vld [tilespmem:s2+$0x5F50];
	v12 =	vmul.f32 v7, v12  }
0x7d: {  	s11 =	simm.s32 $0x200;
	v11 =	vmul.f32 v11, v13;
	v7 =	vld [tilespmem:s2+$0x5F60]  }
.LBB2_12:
0x7e: {  	s12 =	sshra.s32 s11, $0x2;
	p1 =	sne.s32 s11, $0x7E00;
	[tilespmem:s2+$0x5F00] =	vst v12;
	v5 =	vmul.f32 v5, v10;
	v10 =	vld [tilespmem:s2+$0x5F70]  }
0x7f: {  	v12 =	vld [tilespmem:s12+$0x9F00];
	[tilespmem:s2+$0x5F10] =	vst v11;
	v4 =	vmul.f32 v4, v9  }
0x80: {  	v11 =	vld [tilespmem:s12+$0x9F10];
	[tilespmem:s2+$0x5F20] =	vst v5;
	v3 =	vmul.f32 v3, v8  }
0x81: {  	v5 =	vld [tilespmem:s12+$0x9F20];
	[tilespmem:s2+$0x5F30] =	vst v4;
	v2 =	vmul.f32 v2, v6  }
0x82: {  	v4 =	vld [tilespmem:s12+$0x9F30];
	[tilespmem:s2+$0x5F40] =	vst v3;
	v1 =	vmul.f32 v1, v7  }
0x83: {  	v3 =	vld [tilespmem:s12+$0x9F40];
	[tilespmem:s2+$0x5F50] =	vst v2;
	v0 =	vmul.f32 v0, v10  }
0x84: {  	v2 =	vld [tilespmem:s12+$0x9F50];
	[tilespmem:s2+$0x5F60] =	vst v1  }
0x85: {  	v1 =	vld [tilespmem:s12+$0x9F60];
	[tilespmem:s2+$0x5F70] =	vst v0;
	s2 =	smov.u32 s12  }
0x86: {  	v0 =	vld [tilespmem:s2+$0x9F70]  }
0x87: {  	v6 =	vld [tilespmem:s2+$0x5F00]  }
0x88: {  	v7 =	vld [tilespmem:s2+$0x5F10]  }
.Ltmp4:
0x89: {  	v10 =	vld [tilespmem:s2+$0x5F20];
	(pc) =	sbr.rel @p1 .LBB2_12-.Ltmp4, $4  }
0x8a: {  	v9 =	vld [tilespmem:s2+$0x5F30]  }
0x8b: {  	v8 =	vld [tilespmem:s2+$0x5F40]  }
0x8c: {  	v12 =	vmul.f32 v12, v6;
	v6 =	vld [tilespmem:s2+$0x5F50]  }
0x8d: {  	s11 =	sadd.s32 $0x200, s11;
	v11 =	vmul.f32 v11, v7;
	v7 =	vld [tilespmem:s2+$0x5F60]  }
0x8e: {  	[tilespmem:s2+$0x5F00] =	vst v12;
	v5 =	vmul.f32 v5, v10;
	v63 =	vld [tilespmem:s2+$0x5F70]  }
0x8f: {  	[tilespmem:s2+$0x5F10] =	vst v11;
	v4 =	vmul.f32 v4, v9  }
0x90: {  	[tilespmem:s2+$0x5F20] =	vst v5;
	v3 =	vmul.f32 v3, v8  }
0x91: {  	[tilespmem:s2+$0x5F30] =	vst v4;
	v2 =	vmul.f32 v2, v6  }
0x92: {  	[tilespmem:s2+$0x5F40] =	vst v3;
	v1 =	vmul.f32 v1, v7  }
0x93: {  	[tilespmem:s2+$0x5F50] =	vst v2;
	v0 =	vmul.f32 v0, v63  }
0x94: {  	[tilespmem:s2+$0x5F60] =	vst v1  }
0x95: {  	s0 =	sadd.s32 $0x1, s0;
	[tilespmem:s2+$0x5F70] =	vst v0  }
0x96: {  	[spmem:s1] =	stream.indirect.scatter.add.f32 [tilespmem:s19], [sflag:$0x6], $0x80, s22, s16, $0xb8;
	[tilespmem:$0x1FF00] =	vst v63  }
0x97: {  	p1 =	sne.s32 s0, $0x24;
	_ =	swait.ge [sflag:s29], $0x2000  }
.Ltmp5:
0x98: {  	[sflag:s29] =	ssyncset.done $0x0;
	(pc) =	sbr.rel @p1 .LBB2_9-.Ltmp5, $4  }
.Ltmp6:
0x99: {  	[sflag:s29] =	ssyncadd.s32 $0xFFFFE000;
	(pc) =	sbr.rel @!p1 .LBB2_14-.Ltmp6, $4  }
0x9a: {  	_ =	swait.ge [sflag:s30], $0x2000  }
0x9b: {  	[sflag:s30] =	ssyncset.done $0x0  }
0x9c: {  	[sflag:s30] =	ssyncadd.s32 $0xFFFFE000  }
0x9d: {  	_ = 	snop  }
.LBB2_2:
0x9e: {  	s0 =	rddreg [dreg:$0x3]  }
0x9f: {  	[tilespmem:s31], [sflag:$0x7] =	stream.linear.gather [hbm4b:s0+s31], $0x3E00, $0x38;
	[tilespmem:$0x1FF00] =	vst v63  }
0xa0: {  	_ =	swait.ge [sflag:s15], $0x3E00  }
0xa1: {  	[sflag:s15] =	ssyncset.done $0x0  }
0xa2: {  	[sflag:s15] =	ssyncadd.s32 $0xFFFFC200  }
0xa3: {  	s0 =	simm.s32 $0x0;
	[bflag:$0x0] =	sbarrier.arrive $0xFFFF  }
.LBB2_3:
0xa4: {  	s2 =	sshll.u32 s0, $0x7  }
0xa5: {  	[tilespmem:s17], [sflag:$0x1] =	stream.indirect.gather [hbm4b:s4+s16], $0x80, s2, s16, $0xb8;
	[tilespmem:$0x1FF00] =	vst v63  }
0xa6: {  	s11 =	sadd.s32 s7, s2  }
0xa7: {  	s12 =	sshll.u32 s11, $0x4  }
0xa8: {  	s12 =	sadd.s32 s5, s12  }
0xa9: {  	[tilespmem:s18], [sflag:$0x3] =	stream.linear.gather [hbm4b:s12+s31], $0x2000, $0x38;
	[tilespmem:$0x1FF00] =	vst v63  }
0xaa: {  	s2 =	sor.u32 $0x40, s2  }
0xab: {  	[tilespmem:s19], [sflag:$0x2] =	stream.indirect.gather [hbm4b:s4+s16], $0x80, s2, s16, $0xb8;
	[tilespmem:$0x1FF00] =	vst v63  }
0xac: {  	s2 =	sadd.s32 s7, s2  }
0xad: {  	s12 =	sshll.u32 s2, $0x4  }
0xae: {  	s11 =	sshrl.u32 s11, $0x3;
	s12 =	sadd.s32 s5, s12  }
0xaf: {  	[tilespmem:s20], [sflag:$0x4] =	stream.linear.gather [hbm4b:s12+s31], $0x2000, $0x38;
	[tilespmem:$0x1FF00] =	vst v63  }
0xb0: {  	s11 =	sadd.s32 s6, s11  }
0xb1: {  	[tilespmem:s21], [sflag:$0x7] =	stream.linear.gather [hbm4b:s11+s31], $0x40, $0x38;
	[tilespmem:$0x1FF00] =	vst v63  }
0xb2: {  	_ =	swait.ge [sflag:s15], $0x40  }
0xb3: {  	s2 =	sshrl.u32 s2, $0x3;
	[sflag:s15] =	ssyncset.done $0x0  }
0xb4: {  	s2 =	sadd.s32 s6, s2;
	[sflag:s15] =	ssyncadd.s32 $0xFFFFFFC0  }
0xb5: {  	[tilespmem:s22], [sflag:$0x7] =	stream.linear.gather [hbm4b:s2+s31], $0x40, $0x38;
	[tilespmem:$0x1FF00] =	vst v63  }
0xb6: {  	_ =	swait.ge [sflag:s15], $0x40  }
0xb7: {  	[sflag:s15] =	ssyncset.done $0x0  }
0xb8: {  	[sflag:s15] =	ssyncadd.s32 $0xFFFFFFC0  }
0xb9: {  	_ =	swait.ge [sflag:s23], $0x2000  }
0xba: {  	[sflag:s23] =	ssyncset.done $0x0  }
0xbb: {  	[sflag:s23] =	ssyncadd.s32 $0xFFFFE000  }
0xbc: {  	_ =	swait.ge [sflag:s25], $0x2000  }
0xbd: {  	[sflag:s25] =	ssyncset.done $0x0  }
0xbe: {  	s2 =	simm.s32 $0x0;
	[sflag:s25] =	ssyncadd.s32 $0xFFFFE000  }
0xbf: {  	v7 =	vld [tilespmem:s2+$0x7F00]  }
0xc0: {  	v11 =	vld [tilespmem:s2+$0x7F10]  }
0xc1: {  	v5 =	vld [tilespmem:s2+$0x7F20]  }
0xc2: {  	v4 =	vld [tilespmem:s2+$0x7F30]  }
0xc3: {  	v3 =	vld [tilespmem:s2+$0x7F40]  }
0xc4: {  	v2 =	vld [tilespmem:s2+$0x7F50]  }
0xc5: {  	v1 =	vld [tilespmem:s2+$0x7F60]  }
0xc6: {  	v0 =	vld [tilespmem:s2+$0x7F70]  }
0xc7: {  	v12 =	vld [tilespmem:s2+$0x3F00]  }
0xc8: {  	v13 =	vld [tilespmem:s2+$0x3F10]  }
0xc9: {  	v10 =	vld [tilespmem:s2+$0x3F20]  }
0xca: {  	v9 =	vld [tilespmem:s2+$0x3F30]  }
0xcb: {  	v8 =	vld [tilespmem:s2+$0x3F40]  }
0xcc: {  	v6 =	vld [tilespmem:s2+$0x3F50];
	v12 =	vmul.f32 v7, v12  }
0xcd: {  	s11 =	simm.s32 $0x200;
	v11 =	vmul.f32 v11, v13;
	v7 =	vld [tilespmem:s2+$0x3F60]  }
.LBB2_4:
0xce: {  	s12 =	sshra.s32 s11, $0x2;
	p1 =	sne.s32 s11, $0x7E00;
	[tilespmem:s2+$0x3F00] =	vst v12;
	v5 =	vmul.f32 v5, v10;
	v10 =	vld [tilespmem:s2+$0x3F70]  }
0xcf: {  	v12 =	vld [tilespmem:s12+$0x7F00];
	[tilespmem:s2+$0x3F10] =	vst v11;
	v4 =	vmul.f32 v4, v9  }
0xd0: {  	v11 =	vld [tilespmem:s12+$0x7F10];
	[tilespmem:s2+$0x3F20] =	vst v5;
	v3 =	vmul.f32 v3, v8  }
0xd1: {  	v5 =	vld [tilespmem:s12+$0x7F20];
	[tilespmem:s2+$0x3F30] =	vst v4;
	v2 =	vmul.f32 v2, v6  }
0xd2: {  	v4 =	vld [tilespmem:s12+$0x7F30];
	[tilespmem:s2+$0x3F40] =	vst v3;
	v1 =	vmul.f32 v1, v7  }
0xd3: {  	v3 =	vld [tilespmem:s12+$0x7F40];
	[tilespmem:s2+$0x3F50] =	vst v2;
	v0 =	vmul.f32 v0, v10  }
0xd4: {  	v2 =	vld [tilespmem:s12+$0x7F50];
	[tilespmem:s2+$0x3F60] =	vst v1  }
0xd5: {  	v1 =	vld [tilespmem:s12+$0x7F60];
	[tilespmem:s2+$0x3F70] =	vst v0;
	s2 =	smov.u32 s12  }
0xd6: {  	v0 =	vld [tilespmem:s2+$0x7F70]  }
0xd7: {  	v6 =	vld [tilespmem:s2+$0x3F00]  }
0xd8: {  	v7 =	vld [tilespmem:s2+$0x3F10]  }
.Ltmp7:
0xd9: {  	v10 =	vld [tilespmem:s2+$0x3F20];
	(pc) =	sbr.rel @p1 .LBB2_4-.Ltmp7, $4  }
0xda: {  	v9 =	vld [tilespmem:s2+$0x3F30]  }
0xdb: {  	v8 =	vld [tilespmem:s2+$0x3F40]  }
0xdc: {  	v12 =	vmul.f32 v12, v6;
	v6 =	vld [tilespmem:s2+$0x3F50]  }
0xdd: {  	s11 =	sadd.s32 $0x200, s11;
	v11 =	vmul.f32 v11, v7;
	v7 =	vld [tilespmem:s2+$0x3F60]  }
0xde: {  	[tilespmem:s2+$0x3F00] =	vst v12;
	v5 =	vmul.f32 v5, v10;
	v10 =	vld [tilespmem:s2+$0x3F70]  }
0xdf: {  	[tilespmem:s2+$0x3F10] =	vst v11;
	v4 =	vmul.f32 v4, v9  }
0xe0: {  	[tilespmem:s2+$0x3F20] =	vst v5;
	v3 =	vmul.f32 v3, v8  }
0xe1: {  	[tilespmem:s2+$0x3F30] =	vst v4;
	v2 =	vmul.f32 v2, v6  }
0xe2: {  	[tilespmem:s2+$0x3F40] =	vst v3;
	v1 =	vmul.f32 v1, v7  }
0xe3: {  	[tilespmem:s2+$0x3F50] =	vst v2;
	v0 =	vmul.f32 v0, v10  }
0xe4: {  	[tilespmem:s2+$0x3F60] =	vst v1  }
0xe5: {  	[tilespmem:s2+$0x3F70] =	vst v0  }
0xe6: {  	[spmem:s1] =	stream.indirect.scatter.add.f32 [tilespmem:s17], [sflag:$0x5], $0x80, s21, s16, $0xb8;
	[tilespmem:$0x1FF00] =	vst v63  }
0xe7: {  	_ =	swait.ge [sflag:s26], $0x2000  }
0xe8: {  	[sflag:s26] =	ssyncset.done $0x0  }
0xe9: {  	[sflag:s26] =	ssyncadd.s32 $0xFFFFE000  }
0xea: {  	_ =	swait.ge [sflag:s28], $0x2000  }
0xeb: {  	[sflag:s28] =	ssyncset.done $0x0  }
0xec: {  	s2 =	simm.s32 $0x0;
	[sflag:s28] =	ssyncadd.s32 $0xFFFFE000  }
0xed: {  	v7 =	vld [tilespmem:s2+$0x9F00]  }
0xee: {  	v11 =	vld [tilespmem:s2+$0x9F10]  }
0xef: {  	v5 =	vld [tilespmem:s2+$0x9F20]  }
0xf0: {  	v4 =	vld [tilespmem:s2+$0x9F30]  }
0xf1: {  	v3 =	vld [tilespmem:s2+$0x9F40]  }
0xf2: {  	v2 =	vld [tilespmem:s2+$0x9F50]  }
0xf3: {  	v1 =	vld [tilespmem:s2+$0x9F60]  }
0xf4: {  	v0 =	vld [tilespmem:s2+$0x9F70]  }
0xf5: {  	v12 =	vld [tilespmem:s2+$0x5F00]  }
0xf6: {  	v13 =	vld [tilespmem:s2+$0x5F10]  }
0xf7: {  	v10 =	vld [tilespmem:s2+$0x5F20]  }
0xf8: {  	v9 =	vld [tilespmem:s2+$0x5F30]  }
0xf9: {  	v8 =	vld [tilespmem:s2+$0x5F40]  }
0xfa: {  	v6 =	vld [tilespmem:s2+$0x5F50];
	v12 =	vmul.f32 v7, v12  }
0xfb: {  	s11 =	simm.s32 $0x200;
	v11 =	vmul.f32 v11, v13;
	v7 =	vld [tilespmem:s2+$0x5F60]  }
.LBB2_6:
0xfc: {  	s12 =	sshra.s32 s11, $0x2;
	p1 =	sne.s32 s11, $0x7E00;
	[tilespmem:s2+$0x5F00] =	vst v12;
	v5 =	vmul.f32 v5, v10;
	v10 =	vld [tilespmem:s2+$0x5F70]  }
0xfd: {  	v12 =	vld [tilespmem:s12+$0x9F00];
	[tilespmem:s2+$0x5F10] =	vst v11;
	v4 =	vmul.f32 v4, v9  }
0xfe: {  	v11 =	vld [tilespmem:s12+$0x9F10];
	[tilespmem:s2+$0x5F20] =	vst v5;
	v3 =	vmul.f32 v3, v8  }
0xff: {  	v5 =	vld [tilespmem:s12+$0x9F20];
	[tilespmem:s2+$0x5F30] =	vst v4;
	v2 =	vmul.f32 v2, v6  }
0x100: {  	v4 =	vld [tilespmem:s12+$0x9F30];
	[tilespmem:s2+$0x5F40] =	vst v3;
	v1 =	vmul.f32 v1, v7  }
0x101: {  	v3 =	vld [tilespmem:s12+$0x9F40];
	[tilespmem:s2+$0x5F50] =	vst v2;
	v0 =	vmul.f32 v0, v10  }
0x102: {  	v2 =	vld [tilespmem:s12+$0x9F50];
	[tilespmem:s2+$0x5F60] =	vst v1  }
0x103: {  	v1 =	vld [tilespmem:s12+$0x9F60];
	[tilespmem:s2+$0x5F70] =	vst v0;
	s2 =	smov.u32 s12  }
0x104: {  	v0 =	vld [tilespmem:s2+$0x9F70]  }
0x105: {  	v6 =	vld [tilespmem:s2+$0x5F00]  }
0x106: {  	v7 =	vld [tilespmem:s2+$0x5F10]  }
.Ltmp8:
0x107: {  	v10 =	vld [tilespmem:s2+$0x5F20];
	(pc) =	sbr.rel @p1 .LBB2_6-.Ltmp8, $4  }
0x108: {  	v9 =	vld [tilespmem:s2+$0x5F30]  }
0x109: {  	v8 =	vld [tilespmem:s2+$0x5F40]  }
0x10a: {  	v12 =	vmul.f32 v12, v6;
	v6 =	vld [tilespmem:s2+$0x5F50]  }
0x10b: {  	s11 =	sadd.s32 $0x200, s11;
	v11 =	vmul.f32 v11, v7;
	v7 =	vld [tilespmem:s2+$0x5F60]  }
0x10c: {  	[tilespmem:s2+$0x5F00] =	vst v12;
	v5 =	vmul.f32 v5, v10;
	v63 =	vld [tilespmem:s2+$0x5F70]  }
0x10d: {  	[tilespmem:s2+$0x5F10] =	vst v11;
	v4 =	vmul.f32 v4, v9  }
0x10e: {  	[tilespmem:s2+$0x5F20] =	vst v5;
	v3 =	vmul.f32 v3, v8  }
0x10f: {  	[tilespmem:s2+$0x5F30] =	vst v4;
	v2 =	vmul.f32 v2, v6  }
0x110: {  	[tilespmem:s2+$0x5F40] =	vst v3;
	v1 =	vmul.f32 v1, v7  }
0x111: {  	[tilespmem:s2+$0x5F50] =	vst v2;
	v0 =	vmul.f32 v0, v63  }
0x112: {  	[tilespmem:s2+$0x5F60] =	vst v1  }
0x113: {  	s0 =	sadd.s32 $0x1, s0;
	[tilespmem:s2+$0x5F70] =	vst v0  }
0x114: {  	[spmem:s1] =	stream.indirect.scatter.add.f32 [tilespmem:s19], [sflag:$0x6], $0x80, s22, s16, $0xb8;
	[tilespmem:$0x1FF00] =	vst v63  }
0x115: {  	p1 =	seq.s32 s0, $0x7C;
	_ =	swait.ge [sflag:s29], $0x2000  }
.Ltmp9:
0x116: {  	[sflag:s29] =	ssyncset.done $0x0;
	(pc) =	sbr.rel @!p1 .LBB2_3-.Ltmp9, $4  }
.Ltmp10:
0x117: {  	[sflag:s29] =	ssyncadd.s32 $0xFFFFE000;
	(pc) =	sbr.rel @p1 .LBB2_14-.Ltmp10, $4  }
0x118: {  	_ =	swait.ge [sflag:s30], $0x2000  }
0x119: {  	[sflag:s30] =	ssyncset.done $0x0  }
0x11a: {  	[sflag:s30] =	ssyncadd.s32 $0xFFFFE000  }
0x11b: {  	_ = 	snop  }
.LBB2_15:
0x11c: {  	_ =	sfence.sel $0x180000  }
0x11d: {  	[bflag:$0x0] =	sbarrier.arrive $0xFFFF  }
0x11e: {  	_ =	strace $0x9000004D  }
0x11f: {  	s0 =	stileid.u32;
	[bflag:$0x2] =	sbarrier.arrive $0xFFFF  }
0x120: {  	p0 =	sne.s32 s0, $0x0;
	s0 =	rddreg [dreg:$0x2]  }
0x121: {  	s0 =	sadd.s32 @!p0 $0x100000, s0  }
0x122: {  	[sflag:s0] =	ssyncadd.tile.s32 @!p0 $0x1;
	_ =	shalt  }
.Lfunc_end2:
_tile_overlayer_lowered:
.L_overlay_start_2:
0x123: {  	(tag) =	ssettag $0x2  }
0x124: {  	s0 =	rddreg [dreg:$0x0];
	s2 =	stileid.u32  }
0x125: {  	s1 =	rddreg [dreg:$0x1];
	p0 =	sne.s32 s2, $0x0  }
0x126: {  	s3 =	rddreg [dreg:$0x2];
	[bflag:$0x3] =	sbarrier.arrive $0xFFFF;
	s2 =	simm.s32 @!p0 $0x1C07  }
0x127: {  	[timem:s3], [sflag:s2] =	dma.local @!p0 [hbm:s0], s1  }
0x128: {  	s0 =	simm.s32 @!p0 $0x7  }
0x129: {  	_ =	swait.ge @!p0 [sflag:s0], s1  }
0x12a: {  	s1 =	ssub.s32 @!p0 $0x0, s1;
	[sflag:s0] =	ssyncset.done @!p0 $0x0  }
0x12b: {  	[sflag:s0] =	ssyncadd.s32 @!p0 s1  }
0x12c: {  	[bflag:$0x3] =	sbarrier.arrive $0xFFFF  }
0x12d: {  	_ =	shalt  }

</sc_bundles>
